<compile_context>
chip_gen: v7x
topology: tpu7x:2x2x1
jax: 0.10.2.dev20260603
libtpu: 0.0.44.dev20260713+nightly
codegen_flags: <defaults>
</compile_context>

<pallas_src>
import functools

import jax
import jax.numpy as jnp
import numpy as np
from jax import lax
from jax.experimental import pallas as pl
from jax.experimental.pallas import tpu as pltpu
from jax.experimental.pallas import tpu_sc as plsc

C = 128
T = 512
L = 3
K = 32
NUM_RBF = 16
REL_MAX = 32
N_TOKENS = 21

_KNN_BLK = 512
_BLK = 128
_PRE_BLK = 512
_GCH = 256


def _dot(x, w):
    return jnp.dot(x, w, preferred_element_type=jnp.float32)


def _noise_body(cnl_ref, nw1_ref, nb1_ref, nw2_ref, nb2_ref, cw_ref, cb_ref,
                w1ab0_ref, c00_ref, out_ref, cc0_ref):
    t = 0.25 * jnp.log(cnl_ref[:, 0:1])
    half = C // 2
    io = lax.broadcasted_iota(jnp.int32, (1, half), 1).astype(jnp.float32)
    freqs = jnp.exp((-np.log(10000.0) / half) * io)
    ang = t * freqs
    emb = jnp.concatenate([jnp.sin(ang), jnp.cos(ang)], axis=1)
    nc = _dot(jax.nn.silu(_dot(emb, nw1_ref[...]) + nb1_ref[...]),
              nw2_ref[...]) + nb2_ref[...]
    scn = jax.nn.silu(nc)
    for l in range(L):
        ss = _dot(scn, cw_ref[l]) + cb_ref[l]
        out_ref[l] = ss
        if l == 0:
            cc0_ref[...] = _dot(ss[:, C:], w1ab0_ref[...]) + c00_ref[...]


def _noise_cond(cnl, nW1, nb1, nW2, nb2, cond_W, cond_b, W1ab0, c00):
    b = cnl.shape[0]
    cnl_pad = jnp.ones((8, 128), jnp.float32)
    cnl_pad = cnl_pad.at[:b, 0].set(cnl)
    ss, cc0 = pl.pallas_call(
        _noise_body,
        out_shape=[jax.ShapeDtypeStruct((L, 8, 2 * C), jnp.float32),
                   jax.ShapeDtypeStruct((8, C), jnp.float32)],
    )(cnl_pad, nW1, nb1.reshape(1, T), nW2, nb2.reshape(1, T),
      cond_W, cond_b.reshape(L, 1, 2 * C), W1ab0, c00.reshape(1, C))
    scale = ss[:, :b, :C]
    shift = ss[:, :b, C:]
    return scale, shift, cc0[:b]


def _knn_body(n, xi_ref, xj_ref, idxl_ref, idxg_ref, rel_ref, dnbr_ref):
    bi = pl.program_id(0)
    ni = pl.program_id(1)
    xi = xi_ref[0]
    xj = xj_ref[0]
    d2 = jnp.zeros((_KNN_BLK, n), jnp.float32)
    for c in range(3):
        d = xi[:, c:c + 1] - xj[c:c + 1, :]
        d2 = d2 + d * d
    col = lax.broadcasted_iota(jnp.int32, (_KNN_BLK, n), 1)
    lane = lax.broadcasted_iota(jnp.int32, (_KNN_BLK, K), 1)
    keys = (lax.bitcast_convert_type(d2, jnp.int32) & jnp.int32(~2047)) | col

    def step(k, carry):
        prev, dacc, iacc = carry
        cand = jnp.where(keys > prev, keys, jnp.int32(0x7FFFFFFF))
        mk = jnp.min(cand, axis=1, keepdims=True)
        ik = mk & jnp.int32(2047)
        d2t = lax.bitcast_convert_type(mk & jnp.int32(~2047), jnp.float32)
        dacc = jnp.where(lane == k, d2t, dacc)
        iacc = jnp.where(lane == k, ik, iacc)
        return mk, dacc, iacc

    carry = (jnp.full((_KNN_BLK, 1), -1, jnp.int32),
             jnp.zeros((_KNN_BLK, K), jnp.float32),
             jnp.zeros((_KNN_BLK, K), jnp.int32))
    for k in range(K):
        carry = step(k, carry)
    _, dacc, iacc = carry
    row = (ni * _KNN_BLK
           + lax.broadcasted_iota(jnp.int32, (_KNN_BLK, K), 0))
    rel = jnp.clip(iacc - row, -REL_MAX, REL_MAX) + REL_MAX
    idxl_ref[0] = iacc
    idxg_ref[0] = iacc + bi * n
    rel_ref[0] = rel
    dnbr_ref[0] = jnp.sqrt(dacc + 1e-8)


def _knn(ca_rows, ca_cols):
    b, n, _ = ca_rows.shape
    grid = (b, n // _KNN_BLK)
    o3 = jax.ShapeDtypeStruct((b, n, K), jnp.int32)
    idxl, idxg, rel, dnbr = pl.pallas_call(
        functools.partial(_knn_body, n),
        grid=grid,
        in_specs=[
            pl.BlockSpec((1, _KNN_BLK, 8), lambda bi, ni: (bi, ni, 0)),
            pl.BlockSpec((1, 8, n), lambda bi, ni: (bi, 0, 0)),
        ],
        out_specs=[
            pl.BlockSpec((1, _KNN_BLK, K), lambda bi, ni: (bi, ni, 0)),
            pl.BlockSpec((1, _KNN_BLK, K), lambda bi, ni: (bi, ni, 0)),
            pl.BlockSpec((1, _KNN_BLK, K), lambda bi, ni: (bi, ni, 0)),
            pl.BlockSpec((1, _KNN_BLK, K), lambda bi, ni: (bi, ni, 0)),
        ],
        out_shape=[o3, o3, o3,
                   jax.ShapeDtypeStruct((b, n, K), jnp.float32)],
    )(ca_rows, ca_cols)
    return idxl, idxg, rel, dnbr


def _make_gather(rows_total, d):
    mesh = plsc.VectorSubcoreMesh(core_axis_name="c", subcore_axis_name="s")
    info = plsc.get_sparse_core_info()
    nw = info.num_cores * info.num_subcores
    per_w = rows_total // nw
    n_ch = per_w // _GCH

    @functools.partial(
        pl.kernel,
        out_type=jax.ShapeDtypeStruct((rows_total, d), jnp.float32),
        mesh=mesh,
        scratch_types=[
            pltpu.VMEM((_GCH,), jnp.int32),
            pltpu.VMEM((_GCH,), jnp.int32),
            pltpu.VMEM((2, _GCH, d), jnp.float32),
            pltpu.SemaphoreType.DMA,
            pltpu.SemaphoreType.DMA,
            pltpu.SemaphoreType.DMA,
            pltpu.SemaphoreType.DMA,
        ],
    )
    def gk(idx_hbm, table_hbm, out_hbm, idx_v0, idx_v1, rows_v,
           sg0, sg1, sw0, sw1):
        wid = lax.axis_index("s") * info.num_cores + lax.axis_index("c")
        idx_b = (idx_v0, idx_v1)
        sg = (sg0, sg1)
        sw = (sw0, sw1)
        gops = [None, None]
        wops = [None, None]
        for ci in range(n_ch):
            b = ci % 2
            base = wid * per_w + ci * _GCH
            if ci >= 2:
                wops[b].wait()
            pltpu.sync_copy(idx_hbm.at[pl.ds(base, _GCH)], idx_b[b])
            gops[b] = pltpu.async_copy(table_hbm.at[idx_b[b]],
                                       rows_v.at[b], sg[b])
            if ci >= 1:
                p = (ci - 1) % 2
                pbase = wid * per_w + (ci - 1) * _GCH
                gops[p].wait()
                wops[p] = pltpu.async_copy(rows_v.at[p],
                                           out_hbm.at[pl.ds(pbase, _GCH)],
                                           sw[p])
        b = (n_ch - 1) % 2
        base = wid * per_w + (n_ch - 1) * _GCH
        gops[b].wait()
        wops[b] = pltpu.async_copy(rows_v.at[b],
                                   out_hbm.at[pl.ds(base, _GCH)], sw[b])
        wops[1 - b].wait()
        wops[b].wait()

    return gk


def _pre_body(h_ref, sc_ref, sh_ref, w1a_ref, w1b_ref, c0_ref,
              hp_ref, a_ref, g_ref):
    h = h_ref[0]
    hp = h * (1.0 + sc_ref[0]) + sh_ref[0]
    hp_ref[0] = hp
    a_ref[0] = _dot(hp, w1a_ref[...]) + c0_ref[...]
    g_ref[0] = _dot(hp, w1b_ref[...])


def _pre(h, scale_l, shift_l, W1a, W1b, c0):
    b, n, _ = h.shape
    grid = (b, n // _PRE_BLK)
    ospec = pl.BlockSpec((1, _PRE_BLK, C), lambda bi, ni: (bi, ni, 0))
    oshape = jax.ShapeDtypeStruct((b, n, C), jnp.float32)
    oshape_bf = jax.ShapeDtypeStruct((b, n, C), jnp.bfloat16)
    return pl.pallas_call(
        _pre_body,
        grid=grid,
        in_specs=[
            ospec,
            pl.BlockSpec((1, 1, C), lambda bi, ni: (bi, 0, 0)),
            pl.BlockSpec((1, 1, C), lambda bi, ni: (bi, 0, 0)),
            pl.BlockSpec((C, C), lambda bi, ni: (0, 0)),
            pl.BlockSpec((C, C), lambda bi, ni: (0, 0)),
            pl.BlockSpec((1, C), lambda bi, ni: (0, 0)),
        ],
        out_specs=[ospec, ospec, ospec],
        out_shape=[oshape, oshape, oshape],
    )(h, scale_l.reshape(b, 1, C), shift_l.reshape(b, 1, C), W1a, W1b,
      c0.reshape(1, C))


def _main_body(hp_ref, a_ref, gj_ref, de_ref, rel_ref, we1_ref, w2_ref,
               b2_ref, w3_ref, b3_ref, f1_ref, fb1_ref, f2_ref, fb2_ref,
               out_ref):
    blk = _BLK
    m = blk * K
    d = de_ref[0]
    io16 = lax.broadcasted_iota(jnp.int32, (1, NUM_RBF), 1).astype(jnp.float32)
    mu = 2.0 + io16 * ((22.0 - 2.0) / (NUM_RBF - 1))
    sigma = (22.0 - 2.0) / NUM_RBF
    z = (d - mu) / sigma
    rbf = jnp.exp(-(z * z))
    io65 = lax.broadcasted_iota(jnp.int32, (1, 2 * REL_MAX + 1), 1)
    oh = (rel_ref[0] == io65).astype(jnp.float32)
    x = jnp.concatenate([rbf, oh], axis=1)
    e1 = _dot(x, we1_ref[...])
    a = a_ref[0]
    a_b = jnp.broadcast_to(a[:, None, :], (blk, K, C)).reshape(m, C)
    m1 = jax.nn.gelu(a_b + gj_ref[0] + e1)
    m2 = jax.nn.gelu(_dot(m1, w2_ref[...]) + b2_ref[...])
    s = m2.reshape(blk, K, C).sum(axis=1) * (1.0 / K)
    dh = _dot(s, w3_ref[...]) + b3_ref[...]

    def _ln(v):
        mu_ = jnp.mean(v, axis=-1, keepdims=True)
        vc = v - mu_
        var = jnp.mean(vc * vc, axis=-1, keepdims=True)
        return vc / jnp.sqrt(var + 1e-5)

    h1 = _ln(hp_ref[0] + dh)
    ff = _dot(jax.nn.gelu(_dot(h1, f1_ref[...]) + fb1_ref[...]),
              f2_ref[...]) + fb2_ref[...]
    out_ref[0] = _ln(h1 + ff)


def _main(hp, a, gj_e, d_e, rel_e, We1, W2, b2, W3, b3, F1, fb1, F2, fb2):
    b, n, _ = hp.shape
    grid = (b, n // _BLK)
    nspec = pl.BlockSpec((1, _BLK, C), lambda bi, ni: (bi, ni, 0))
    espec1 = pl.BlockSpec((1, _BLK * K, 1), lambda bi, ni: (bi, ni, 0))
    wfull = lambda shape: pl.BlockSpec(shape, lambda bi, ni: (0,) * len(shape))
    return pl.pallas_call(
        _main_body,
        grid=grid,
        in_specs=[
            nspec, nspec,
            pl.BlockSpec((1, _BLK * K, C), lambda bi, ni: (bi, ni, 0)),
            espec1, espec1,
            wfull((NUM_RBF + 2 * REL_MAX + 1, C)),
            wfull((C, C)), wfull((1, C)),
            wfull((C, C)), wfull((1, C)),
            wfull((C, 4 * C)), wfull((1, 4 * C)),
            wfull((4 * C, C)), wfull((1, C)),
        ],
        out_specs=[nspec],
        out_shape=[jax.ShapeDtypeStruct((b, n, C), jnp.float32)],
    )(hp, a, gj_e, d_e, rel_e, We1, W2, b2.reshape(1, C), W3,
      b3.reshape(1, C), F1, fb1.reshape(1, 4 * C), F2, fb2.reshape(1, C))[0]


def _main0_body(hrow_ref, cc_ref, de_ref, rel_ref, we1_ref, w2_ref,
                b2_ref, w3_ref, b3_ref, f1_ref, fb1_ref, f2_ref, fb2_ref,
                out_ref):
    blk = _BLK
    m = blk * K
    d = de_ref[0]
    io16 = lax.broadcasted_iota(jnp.int32, (1, NUM_RBF), 1).astype(jnp.float32)
    mu = 2.0 + io16 * ((22.0 - 2.0) / (NUM_RBF - 1))
    sigma = (22.0 - 2.0) / NUM_RBF
    z = (d - mu) / sigma
    rbf = jnp.exp(-(z * z))
    io65 = lax.broadcasted_iota(jnp.int32, (1, 2 * REL_MAX + 1), 1)
    oh = (rel_ref[0] == io65).astype(jnp.float32)
    x = jnp.concatenate([rbf, oh], axis=1)
    e1 = _dot(x, we1_ref[...])
    m1 = jax.nn.gelu(cc_ref[0] + e1)
    m2 = jax.nn.gelu(_dot(m1, w2_ref[...]) + b2_ref[...])
    s = m2.reshape(blk, K, C).sum(axis=1) * (1.0 / K)
    dh = _dot(s, w3_ref[...]) + b3_ref[...]

    def _ln(v):
        mu_ = jnp.mean(v, axis=-1, keepdims=True)
        vc = v - mu_
        var = jnp.mean(vc * vc, axis=-1, keepdims=True)
        return vc / jnp.sqrt(var + 1e-5)

    h1 = _ln(hrow_ref[0] + dh)
    ff = _dot(jax.nn.gelu(_dot(h1, f1_ref[...]) + fb1_ref[...]),
              f2_ref[...]) + fb2_ref[...]
    out_ref[0] = _ln(h1 + ff)


def _main0(hrow, cc, d_e, rel_e, We1, W2, b2, W3, b3, F1, fb1, F2, fb2):
    b = d_e.shape[0]
    n = d_e.shape[1] // K
    grid = (b, n // _BLK)
    nspec = pl.BlockSpec((1, _BLK, C), lambda bi, ni: (bi, ni, 0))
    espec1 = pl.BlockSpec((1, _BLK * K, 1), lambda bi, ni: (bi, ni, 0))
    rspec = pl.BlockSpec((1, 1, C), lambda bi, ni: (bi, 0, 0))
    wfull = lambda shape: pl.BlockSpec(shape, lambda bi, ni: (0,) * len(shape))
    return pl.pallas_call(
        _main0_body,
        grid=grid,
        in_specs=[
            rspec, rspec, espec1, espec1,
            wfull((NUM_RBF + 2 * REL_MAX + 1, C)),
            wfull((C, C)), wfull((1, C)),
            wfull((C, C)), wfull((1, C)),
            wfull((C, 4 * C)), wfull((1, 4 * C)),
            wfull((4 * C, C)), wfull((1, C)),
        ],
        out_specs=[nspec],
        out_shape=[jax.ShapeDtypeStruct((b, n, C), jnp.float32)],
    )(hrow.reshape(b, 1, C), cc.reshape(b, 1, C), d_e, rel_e, We1, W2,
      b2.reshape(1, C), W3, b3.reshape(1, C), F1, fb1.reshape(1, 4 * C),
      F2, fb2.reshape(1, C))[0]


def _proj_body(h_ref, pw_ref, pb_ref, out_ref):
    lg = _dot(h_ref[0], pw_ref[...]) + pb_ref[...]
    mx = jnp.max(lg, axis=-1, keepdims=True)
    lse = jnp.log(jnp.sum(jnp.exp(lg - mx), axis=-1, keepdims=True)) + mx
    out_ref[0] = lg - lse


def _proj(h, proj_W, proj_b):
    b, n, _ = h.shape
    grid = (b, n // _PRE_BLK)
    return pl.pallas_call(
        _proj_body,
        grid=grid,
        in_specs=[
            pl.BlockSpec((1, _PRE_BLK, C), lambda bi, ni: (bi, ni, 0)),
            pl.BlockSpec((C, N_TOKENS), lambda bi, ni: (0, 0)),
            pl.BlockSpec((1, N_TOKENS), lambda bi, ni: (0, 0)),
        ],
        out_specs=[
            pl.BlockSpec((1, _PRE_BLK, N_TOKENS), lambda bi, ni: (bi, ni, 0)),
        ],
        out_shape=[jax.ShapeDtypeStruct((b, n, N_TOKENS), jnp.float32)],
    )(h, proj_W, proj_b.reshape(1, N_TOKENS))[0]


def kernel(denoised_coords, coords_noise_level, seq_mask, residue_index,
           noise_W1, noise_b1, noise_W2, noise_b2, W_e, b_e,
           cond_W, cond_b, msg_W1, msg_b1, msg_W2, msg_b2, msg_W3, msg_b3,
           ffn_W1, ffn_b1, ffn_W2, ffn_b2, proj_W, proj_b):
    b, n = seq_mask.shape

    W1a = msg_W1[:, :C, :]
    W1b = msg_W1[:, C:2 * C, :]
    W1c = msg_W1[:, 2 * C:, :]
    We1 = jnp.einsum('ec,lcd->led', W_e, W1c)
    c0 = msg_b1 + jnp.einsum('c,lcd->ld', b_e, W1c)

    scale, shift, cc0 = _noise_cond(coords_noise_level, noise_W1, noise_b1,
                                    noise_W2, noise_b2, cond_W, cond_b,
                                    W1a[0] + W1b[0], c0[0])

    ca = denoised_coords[:, :, 1, :]
    ca_rows = jnp.pad(ca, ((0, 0), (0, 0), (0, 5)))
    ca_cols = jnp.pad(jnp.transpose(ca, (0, 2, 1)), ((0, 0), (0, 5), (0, 0)))
    _, idxg, rel, dnbr = _knn(ca_rows, ca_cols)

    rows_total = b * n * K
    idx_flat = idxg.reshape(rows_total)
    d_e = dnbr.reshape(b, n * K, 1)
    rel_e = rel.reshape(b, n * K, 1)
    gather = _make_gather(rows_total, C)

    h = _main0(shift[0], cc0, d_e, rel_e, We1[0], msg_W2[0], msg_b2[0],
               msg_W3[0], msg_b3[0], ffn_W1[0], ffn_b1[0], ffn_W2[0],
               ffn_b2[0])
    for l in range(1, L):
        hp, a, g = _pre(h, scale[l], shift[l], W1a[l], W1b[l], c0[l])
        gj = gather(idx_flat, g.reshape(b * n, C))
        gj_e = gj.reshape(b, n * K, C)
        h = _main(hp, a, gj_e, d_e, rel_e, We1[l], msg_W2[l], msg_b2[l],
                  msg_W3[l], msg_b3[l], ffn_W1[l], ffn_b1[l],
                  ffn_W2[l], ffn_b2[l])

    return _proj(h, proj_W, proj_b)

# --- scband reference (transcript-rebuilt; emitter-appended) ---
"""Pipeline reference for scband-mini-mpnn-52441550684721 (READ-ONLY COPY).

The authoritative reference and input builder live on the scoring server;
editing this copy changes nothing except your own understanding.
"""

import jax, jax.numpy as jnp
import numpy as np

C = 128
T = 512
L = 3
K = 32
NUM_RBF = 16
REL_MAX = 32
N_TOKENS = 21


def setup_inputs(seed: int = 0) -> dict:
    key = jax.random.key(seed)
    ks = jax.random.split(key, 16)
    b, n = 2, 2048
    s = 0.05
    inp = {}
    inp['denoised_coords'] = jax.random.normal(ks[0], (b, n, 4, 3), dtype=jnp.float32) * 3.0
    inp['coords_noise_level'] = jax.random.uniform(ks[1], (b,), dtype=jnp.float32, minval=0.1, maxval=1.0)
    inp['seq_mask'] = jnp.ones((b, n), dtype=jnp.float32)
    inp['residue_index'] = jnp.tile(jnp.arange(n, dtype=jnp.int32)[None, :], (b, 1))
    inp['noise_W1'] = jax.random.normal(ks[2], (C, T), dtype=jnp.float32) * s
    inp['noise_b1'] = jnp.zeros((T,), dtype=jnp.float32)
    inp['noise_W2'] = jax.random.normal(ks[3], (T, T), dtype=jnp.float32) * s
    inp['noise_b2'] = jnp.zeros((T,), dtype=jnp.float32)
    edge_in = NUM_RBF + 2 * REL_MAX + 1
    inp['W_e'] = jax.random.normal(ks[4], (edge_in, C), dtype=jnp.float32) * s
    inp['b_e'] = jnp.zeros((C,), dtype=jnp.float32)
    inp['cond_W'] = jax.random.normal(ks[5], (L, T, 2 * C), dtype=jnp.float32) * s
    inp['cond_b'] = jnp.zeros((L, 2 * C), dtype=jnp.float32)
    inp['msg_W1'] = jax.random.normal(ks[6], (L, 3 * C, C), dtype=jnp.float32) * s
    inp['msg_b1'] = jnp.zeros((L, C), dtype=jnp.float32)
    inp['msg_W2'] = jax.random.normal(ks[7], (L, C, C), dtype=jnp.float32) * s
    inp['msg_b2'] = jnp.zeros((L, C), dtype=jnp.float32)
    inp['msg_W3'] = jax.random.normal(ks[8], (L, C, C), dtype=jnp.float32) * s
    inp['msg_b3'] = jnp.zeros((L, C), dtype=jnp.float32)
    inp['ffn_W1'] = jax.random.normal(ks[9], (L, C, 4 * C), dtype=jnp.float32) * s
    inp['ffn_b1'] = jnp.zeros((L, 4 * C), dtype=jnp.float32)
    inp['ffn_W2'] = jax.random.normal(ks[10], (L, 4 * C, C), dtype=jnp.float32) * s
    inp['ffn_b2'] = jnp.zeros((L, C), dtype=jnp.float32)
    inp['proj_W'] = jax.random.normal(ks[11], (C, N_TOKENS), dtype=jnp.float32) * s
    inp['proj_b'] = jnp.zeros((N_TOKENS,), dtype=jnp.float32)
    return inp


def _layer_norm(x, eps=1e-5):
    mu = jnp.mean(x, axis=-1, keepdims=True)
    var = jnp.var(x, axis=-1, keepdims=True)
    return (x - mu) / jnp.sqrt(var + eps)


def _rbf(D):
    mu = jnp.linspace(2.0, 22.0, NUM_RBF)
    sigma = (22.0 - 2.0) / NUM_RBF
    return jnp.exp(-(((D[..., None] - mu) / sigma) ** 2))


def reference(denoised_coords, coords_noise_level, seq_mask, residue_index,
              noise_W1, noise_b1, noise_W2, noise_b2, W_e, b_e,
              cond_W, cond_b, msg_W1, msg_b1, msg_W2, msg_b2, msg_W3, msg_b3,
              ffn_W1, ffn_b1, ffn_W2, ffn_b2, proj_W, proj_b):
    b, n = seq_mask.shape
    # noise conditioning block: fourier embed of 0.25*log(sigma) -> MLP
    t = 0.25 * jnp.log(coords_noise_level)
    half = C // 2
    freqs = jnp.exp(-np.log(10000.0) * jnp.arange(half, dtype=jnp.float32) / half)
    ang = t[:, None] * freqs[None, :]
    emb = jnp.concatenate([jnp.sin(ang), jnp.cos(ang)], axis=-1)
    noise_cond = jax.nn.silu(emb @ noise_W1 + noise_b1) @ noise_W2 + noise_b2
    # k-NN graph from CA coordinates
    ca = denoised_coords[:, :, 1, :]
    diff = ca[:, :, None, :] - ca[:, None, :, :]
    D = jnp.sqrt(jnp.sum(diff * diff, axis=-1) + 1e-8)
    mask2d = seq_mask[:, :, None] * seq_mask[:, None, :]
    D_masked = D + (1.0 - mask2d) * 1e6
    neg_vals, idx = jax.lax.top_k(-D_masked, K)
    D_nbr = -neg_vals
    # edge features: RBF(dist) + relative-position one-hot
    ri_j = jax.vmap(lambda r, i: r[i])(residue_index, idx)
    rel = jnp.clip(ri_j - residue_index[:, :, None], -REL_MAX, REL_MAX) + REL_MAX
    rel_oh = jax.nn.one_hot(rel, 2 * REL_MAX + 1, dtype=jnp.float32)
    e_feat = jnp.concatenate([_rbf(D_nbr), rel_oh], axis=-1)
    e = e_feat @ W_e + b_e
    mask_j = jax.vmap(lambda m, i: m[i])(seq_mask, idx)
    # seq_self_cond is None -> zero sequence embedding input
    h = jnp.zeros((b, n, C), dtype=jnp.float32)
    for l in range(L):
        ss = jax.nn.silu(noise_cond) @ cond_W[l] + cond_b[l]
        scale, shift = jnp.split(ss, 2, axis=-1)
        h = h * (1.0 + scale[:, None, :]) + shift[:, None, :]
        h_j = jax.vmap(lambda hb, ib: hb[ib])(h, idx)
        h_i = jnp.broadcast_to(h[:, :, None, :], (b, n, K, C))
        m = jnp.concatenate([h_i, h_j, e], axis=-1)
        m = jax.nn.gelu(m @ msg_W1[l] + msg_b1[l])
        m = jax.nn.gelu(m @ msg_W2[l] + msg_b2[l])
        m = m @ msg_W3[l] + msg_b3[l]
        m = m * mask_j[..., None]
        dh = jnp.sum(m, axis=2) / K
        h = _layer_norm(h + dh)
        ff = jax.nn.gelu(h @ ffn_W1[l] + ffn_b1[l]) @ ffn_W2[l] + ffn_b2[l]
        h = _layer_norm(h + ff)
        h = h * seq_mask[..., None]
    logits = h @ proj_W + proj_b
    return jax.nn.log_softmax(logits, axis=-1)

if __name__ == "__main__":
    import jax
    _d = setup_inputs()
    print(jax.jit(kernel)(*tuple(_d.values())))

</pallas_src>

<mosaic_0001>
#map = affine_map<(d0, d1) -> (0)>
#map1 = affine_map<(d0, d1) -> (0, 0)>
module attributes {stable_mosaic.version = 14 : i64} {
  func.func @gk(%arg0: i32, %arg1: i32, %arg2: memref<131072xi32, #tpu.memory_space<hbm>>, %arg3: memref<4096x128xf32, #tpu.memory_space<hbm>>, %arg4: memref<131072x128xf32, #tpu.memory_space<hbm>>, %arg5: memref<256xi32, #tpu.memory_space<vmem>>, %arg6: memref<256xi32, #tpu.memory_space<vmem>>, %arg7: memref<2x256x128xf32, #tpu.memory_space<vmem>>, %arg8: memref<!tpu.dma_semaphore, #tpu.memory_space<semaphore_mem>>, %arg9: memref<!tpu.dma_semaphore, #tpu.memory_space<semaphore_mem>>, %arg10: memref<!tpu.dma_semaphore, #tpu.memory_space<semaphore_mem>>, %arg11: memref<!tpu.dma_semaphore, #tpu.memory_space<semaphore_mem>>) attributes {dimension_semantics = [#tpu.dimension_semantics<core_parallel>, #tpu.dimension_semantics<subcore_parallel>], iteration_bounds = array<i64: 2, 16>, scalar_prefetch = 0 : i64, scratch_operands = 7 : i64, tpu.core_type = #tpu.core_type<sc_vector_subcore>, window_params = [{transform_indices = #map}, {transform_indices = #map1}, {transform_indices = #map1}]} {
    %mul3A = arith.constant 2 : i32
    %mul3A_0 = arith.muli %arg1, %mul3A : i32
    %add3A = arith.addi %mul3A_0, %arg0 : i32
    %mul3A_1 = arith.constant 4096 : i32
    %mul3A_2 = arith.muli %add3A, %mul3A_1 : i32
    %add3A_3 = arith.constant 0 : i32
    %add3A_4 = arith.addi %mul3A_2, %add3A_3 : i32
    "tpu.region"() ({
      %run_scoped3A = tpu.sem_alloc : memref<!tpu.dma_semaphore, #tpu.memory_space<semaphore_mem>>
      %dma_start3A_799 = tpu.memref_slice %arg2[%add3A_4] : memref<131072xi32, #tpu.memory_space<hbm>> -> memref<256xi32, #tpu.memory_space<hbm>>
      %dma_start3A_800 = tpu.memref_slice %arg2[%add3A_4] : memref<131072xi32, #tpu.memory_space<hbm>> -> memref<256xi32, #tpu.memory_space<hbm>>
      tpu.enqueue_dma source(%dma_start3A_800 : memref<256xi32, #tpu.memory_space<hbm>>) target(%arg5 : memref<256xi32, #tpu.memory_space<vmem>>) target_semaphore(%run_scoped3A : memref<!tpu.dma_semaphore, #tpu.memory_space<semaphore_mem>>)
      %dma_wait3A_801 = tpu.memref_slice %arg2[%add3A_4] : memref<131072xi32, #tpu.memory_space<hbm>> -> memref<256xi32, #tpu.memory_space<hbm>>
      %dma_wait3A_802 = tpu.memref_slice %arg2[%add3A_4] : memref<131072xi32, #tpu.memory_space<hbm>> -> memref<256xi32, #tpu.memory_space<hbm>>
      tpu.wait_dma2 semaphore(%run_scoped3A : memref<!tpu.dma_semaphore, #tpu.memory_space<semaphore_mem>>) src(%dma_wait3A_802 : memref<256xi32, #tpu.memory_space<hbm>>) dst(%arg5 : memref<256xi32, #tpu.memory_space<vmem>>)
      tpu.yield
    }) : () -> ()
    %dma_start3A = arith.constant 0 : i32
    %dma_start3A_5 = arith.constant 0 : i32
    %dma_start3A_6 = arith.constant 0 : i32
    %dma_start3A_7 = tpu.memref_slice %arg7[%dma_start3A, %dma_start3A_5, %dma_start3A_6] : memref<2x256x128xf32, #tpu.memory_space<vmem>> -> memref<1x256x128xf32, #tpu.memory_space<vmem>>
    %dma_start3A_8 = tpu.memref_squeeze %dma_start3A_7 : memref<1x256x128xf32, #tpu.memory_space<vmem>> -> memref<256x128xf32, #tpu.memory_space<vmem>>
    %dma_start3A_9 = arith.constant 0 : i32
    %dma_start3A_10 = arith.constant 0 : i32
    %dma_start3A_11 = tpu.memref_slice %arg3[%dma_start3A_9, %dma_start3A_10] : memref<4096x128xf32, #tpu.memory_space<hbm>> -> memref<4096x128xf32, #tpu.memory_space<hbm>>
    tpu.enqueue_indirect_dma source(%dma_start3A_11 : memref<4096x128xf32, #tpu.memory_space<hbm>>) target(%dma_start3A_8 : memref<256x128xf32, #tpu.memory_space<vmem>>) offsets(%arg5 : memref<256xi32, #tpu.memory_space<vmem>>) semaphore(%arg8 : memref<!tpu.dma_semaphore, #tpu.memory_space<semaphore_mem>>)
    %mul3A_12 = arith.constant 4096 : i32
    %mul3A_13 = arith.muli %add3A, %mul3A_12 : i32
    %add3A_14 = arith.constant 256 : i32
    %add3A_15 = arith.addi %mul3A_13, %add3A_14 : i32
    "tpu.region"() ({
      %run_scoped3A = tpu.sem_alloc : memref<!tpu.dma_semaphore, #tpu.memory_space<semaphore_mem>>
      %dma_start3A_799 = tpu.memref_slice %arg2[%add3A_15] : memref<131072xi32, #tpu.memory_space<hbm>> -> memref<256xi32, #tpu.memory_space<hbm>>
      %dma_start3A_800 = tpu.memref_slice %arg2[%add3A_15] : memref<131072xi32, #tpu.memory_space<hbm>> -> memref<256xi32, #tpu.memory_space<hbm>>
      tpu.enqueue_dma source(%dma_start3A_800 : memref<256xi32, #tpu.memory_space<hbm>>) target(%arg6 : memref<256xi32, #tpu.memory_space<vmem>>) target_semaphore(%run_scoped3A : memref<!tpu.dma_semaphore, #tpu.memory_space<semaphore_mem>>)
      %dma_wait3A_801 = tpu.memref_slice %arg2[%add3A_15] : memref<131072xi32, #tpu.memory_space<hbm>> -> memref<256xi32, #tpu.memory_space<hbm>>
      %dma_wait3A_802 = tpu.memref_slice %arg2[%add3A_15] : memref<131072xi32, #tpu.memory_space<hbm>> -> memref<256xi32, #tpu.memory_space<hbm>>
      tpu.wait_dma2 semaphore(%run_scoped3A : memref<!tpu.dma_semaphore, #tpu.memory_space<semaphore_mem>>) src(%dma_wait3A_802 : memref<256xi32, #tpu.memory_space<hbm>>) dst(%arg6 : memref<256xi32, #tpu.memory_space<vmem>>)
      tpu.yield
    }) : () -> ()
    %dma_start3A_16 = arith.constant 1 : i32
    %dma_start3A_17 = arith.constant 0 : i32
    %dma_start3A_18 = arith.constant 0 : i32
    %dma_start3A_19 = tpu.memref_slice %arg7[%dma_start3A_16, %dma_start3A_17, %dma_start3A_18] : memref<2x256x128xf32, #tpu.memory_space<vmem>> -> memref<1x256x128xf32, #tpu.memory_space<vmem>>
    %dma_start3A_20 = tpu.memref_squeeze %dma_start3A_19 : memref<1x256x128xf32, #tpu.memory_space<vmem>> -> memref<256x128xf32, #tpu.memory_space<vmem>>
    %dma_start3A_21 = arith.constant 0 : i32
    %dma_start3A_22 = arith.constant 0 : i32
    %dma_start3A_23 = tpu.memref_slice %arg3[%dma_start3A_21, %dma_start3A_22] : memref<4096x128xf32, #tpu.memory_space<hbm>> -> memref<4096x128xf32, #tpu.memory_space<hbm>>
    tpu.enqueue_indirect_dma source(%dma_start3A_23 : memref<4096x128xf32, #tpu.memory_space<hbm>>) target(%dma_start3A_20 : memref<256x128xf32, #tpu.memory_space<vmem>>) offsets(%arg6 : memref<256xi32, #tpu.memory_space<vmem>>) semaphore(%arg9 : memref<!tpu.dma_semaphore, #tpu.memory_space<semaphore_mem>>)
    %mul3A_24 = arith.constant 4096 : i32
    %mul3A_25 = arith.muli %add3A, %mul3A_24 : i32
    %add3A_26 = arith.constant 0 : i32
    %add3A_27 = arith.addi %mul3A_25, %add3A_26 : i32
    %dma_wait3A = arith.constant 0 : i32
    %dma_wait3A_28 = arith.constant 0 : i32
    %dma_wait3A_29 = arith.constant 0 : i32
    %dma_wait3A_30 = tpu.memref_slice %arg7[%dma_wait3A, %dma_wait3A_28, %dma_wait3A_29] : memref<2x256x128xf32, #tpu.memory_space<vmem>> -> memref<1x256x128xf32, #tpu.memory_space<vmem>>
    %dma_wait3A_31 = tpu.memref_squeeze %dma_wait3A_30 : memref<1x256x128xf32, #tpu.memory_space<vmem>> -> memref<256x128xf32, #tpu.memory_space<vmem>>
    %dma_wait3A_32 = arith.constant 0 : i32
    %dma_wait3A_33 = arith.constant 0 : i32
    %dma_wait3A_34 = tpu.memref_slice %arg3[%dma_wait3A_32, %dma_wait3A_33] : memref<4096x128xf32, #tpu.memory_space<hbm>> -> memref<4096x128xf32, #tpu.memory_space<hbm>>
    tpu.wait_indirect_dma semaphore(%arg8 : memref<!tpu.dma_semaphore, #tpu.memory_space<semaphore_mem>>) src(%dma_wait3A_34 : memref<4096x128xf32, #tpu.memory_space<hbm>>) dst(%dma_wait3A_31 : memref<256x128xf32, #tpu.memory_space<vmem>>)
    %dma_start3A_35 = arith.constant 0 : i32
    %dma_start3A_36 = arith.constant 0 : i32
    %dma_start3A_37 = arith.constant 0 : i32
    %dma_start3A_38 = tpu.memref_slice %arg7[%dma_start3A_35, %dma_start3A_36, %dma_start3A_37] : memref<2x256x128xf32, #tpu.memory_space<vmem>> -> memref<1x256x128xf32, #tpu.memory_space<vmem>>
    %dma_start3A_39 = tpu.memref_squeeze %dma_start3A_38 : memref<1x256x128xf32, #tpu.memory_space<vmem>> -> memref<256x128xf32, #tpu.memory_space<vmem>>
    %dma_start3A_40 = arith.constant 0 : i32
    %dma_start3A_41 = tpu.memref_slice %arg4[%add3A_27, %dma_start3A_40] : memref<131072x128xf32, #tpu.memory_space<hbm>> -> memref<256x128xf32, #tpu.memory_space<hbm>>
    %dma_start3A_42 = arith.constant 0 : i32
    %dma_start3A_43 = tpu.memref_slice %arg4[%add3A_27, %dma_start3A_42] : memref<131072x128xf32, #tpu.memory_space<hbm>> -> memref<256x128xf32, #tpu.memory_space<hbm>>
    %dma_start3A_44 = arith.constant 0 : i32
    %dma_start3A_45 = arith.constant 0 : i32
    %dma_start3A_46 = tpu.memref_slice %arg7[%dma_start3A_35, %dma_start3A_44, %dma_start3A_45] : memref<2x256x128xf32, #tpu.memory_space<vmem>> -> memref<1x256x128xf32, #tpu.memory_space<vmem>>
    %dma_start3A_47 = tpu.memref_squeeze %dma_start3A_46 : memref<1x256x128xf32, #tpu.memory_space<vmem>> -> memref<256x128xf32, #tpu.memory_space<vmem>>
    tpu.enqueue_dma source(%dma_start3A_47 : memref<256x128xf32, #tpu.memory_space<vmem>>) target(%dma_start3A_43 : memref<256x128xf32, #tpu.memory_space<hbm>>) target_semaphore(%arg10 : memref<!tpu.dma_semaphore, #tpu.memory_space<semaphore_mem>>)
    %mul3A_48 = arith.constant 4096 : i32
    %mul3A_49 = arith.muli %add3A, %mul3A_48 : i32
    %add3A_50 = arith.constant 512 : i32
    %add3A_51 = arith.addi %mul3A_49, %add3A_50 : i32
    %dma_wait3A_52 = arith.constant 0 : i32
    %dma_wait3A_53 = arith.constant 0 : i32
    %dma_wait3A_54 = arith.constant 0 : i32
    %dma_wait3A_55 = tpu.memref_slice %arg7[%dma_wait3A_52, %dma_wait3A_53, %dma_wait3A_54] : memref<2x256x128xf32, #tpu.memory_space<vmem>> -> memref<1x256x128xf32, #tpu.memory_space<vmem>>
    %dma_wait3A_56 = tpu.memref_squeeze %dma_wait3A_55 : memref<1x256x128xf32, #tpu.memory_space<vmem>> -> memref<256x128xf32, #tpu.memory_space<vmem>>
    %dma_wait3A_57 = arith.constant 0 : i32
    %dma_wait3A_58 = tpu.memref_slice %arg4[%add3A_27, %dma_wait3A_57] : memref<131072x128xf32, #tpu.memory_space<hbm>> -> memref<256x128xf32, #tpu.memory_space<hbm>>
    %dma_wait3A_59 = arith.constant 0 : i32
    %dma_wait3A_60 = tpu.memref_slice %arg4[%add3A_27, %dma_wait3A_59] : memref<131072x128xf32, #tpu.memory_space<hbm>> -> memref<256x128xf32, #tpu.memory_space<hbm>>
    %dma_wait3A_61 = arith.constant 0 : i32
    %dma_wait3A_62 = arith.constant 0 : i32
    %dma_wait3A_63 = tpu.memref_slice %arg7[%dma_wait3A_52, %dma_wait3A_61, %dma_wait3A_62] : memref<2x256x128xf32, #tpu.memory_space<vmem>> -> memref<1x256x128xf32, #tpu.memory_space<vmem>>
    %dma_wait3A_64 = tpu.memref_squeeze %dma_wait3A_63 : memref<1x256x128xf32, #tpu.memory_space<vmem>> -> memref<256x128xf32, #tpu.memory_space<vmem>>
    tpu.wait_dma2 semaphore(%arg10 : memref<!tpu.dma_semaphore, #tpu.memory_space<semaphore_mem>>) src(%dma_wait3A_64 : memref<256x128xf32, #tpu.memory_space<vmem>>) dst(%dma_wait3A_60 : memref<256x128xf32, #tpu.memory_space<hbm>>)
    "tpu.region"() ({
      %run_scoped3A = tpu.sem_alloc : memref<!tpu.dma_semaphore, #tpu.memory_space<semaphore_mem>>
      %dma_start3A_799 = tpu.memref_slice %arg2[%add3A_51] : memref<131072xi32, #tpu.memory_space<hbm>> -> memref<256xi32, #tpu.memory_space<hbm>>
      %dma_start3A_800 = tpu.memref_slice %arg2[%add3A_51] : memref<131072xi32, #tpu.memory_space<hbm>> -> memref<256xi32, #tpu.memory_space<hbm>>
      tpu.enqueue_dma source(%dma_start3A_800 : memref<256xi32, #tpu.memory_space<hbm>>) target(%arg5 : memref<256xi32, #tpu.memory_space<vmem>>) target_semaphore(%run_scoped3A : memref<!tpu.dma_semaphore, #tpu.memory_space<semaphore_mem>>)
      %dma_wait3A_801 = tpu.memref_slice %arg2[%add3A_51] : memref<131072xi32, #tpu.memory_space<hbm>> -> memref<256xi32, #tpu.memory_space<hbm>>
      %dma_wait3A_802 = tpu.memref_slice %arg2[%add3A_51] : memref<131072xi32, #tpu.memory_space<hbm>> -> memref<256xi32, #tpu.memory_space<hbm>>
      tpu.wait_dma2 semaphore(%run_scoped3A : memref<!tpu.dma_semaphore, #tpu.memory_space<semaphore_mem>>) src(%dma_wait3A_802 : memref<256xi32, #tpu.memory_space<hbm>>) dst(%arg5 : memref<256xi32, #tpu.memory_space<vmem>>)
      tpu.yield
    }) : () -> ()
    %dma_start3A_65 = arith.constant 0 : i32
    %dma_start3A_66 = arith.constant 0 : i32
    %dma_start3A_67 = arith.constant 0 : i32
    %dma_start3A_68 = tpu.memref_slice %arg7[%dma_start3A_65, %dma_start3A_66, %dma_start3A_67] : memref<2x256x128xf32, #tpu.memory_space<vmem>> -> memref<1x256x128xf32, #tpu.memory_space<vmem>>
    %dma_start3A_69 = tpu.memref_squeeze %dma_start3A_68 : memref<1x256x128xf32, #tpu.memory_space<vmem>> -> memref<256x128xf32, #tpu.memory_space<vmem>>
    %dma_start3A_70 = arith.constant 0 : i32
    %dma_start3A_71 = arith.constant 0 : i32
    %dma_start3A_72 = tpu.memref_slice %arg3[%dma_start3A_70, %dma_start3A_71] : memref<4096x128xf32, #tpu.memory_space<hbm>> -> memref<4096x128xf32, #tpu.memory_space<hbm>>
    tpu.enqueue_indirect_dma source(%dma_start3A_72 : memref<4096x128xf32, #tpu.memory_space<hbm>>) target(%dma_start3A_69 : memref<256x128xf32, #tpu.memory_space<vmem>>) offsets(%arg5 : memref<256xi32, #tpu.memory_space<vmem>>) semaphore(%arg8 : memref<!tpu.dma_semaphore, #tpu.memory_space<semaphore_mem>>)
    %mul3A_73 = arith.constant 4096 : i32
    %mul3A_74 = arith.muli %add3A, %mul3A_73 : i32
    %add3A_75 = arith.constant 256 : i32
    %add3A_76 = arith.addi %mul3A_74, %add3A_75 : i32
    %dma_wait3A_77 = arith.constant 1 : i32
    %dma_wait3A_78 = arith.constant 0 : i32
    %dma_wait3A_79 = arith.constant 0 : i32
    %dma_wait3A_80 = tpu.memref_slice %arg7[%dma_wait3A_77, %dma_wait3A_78, %dma_wait3A_79] : memref<2x256x128xf32, #tpu.memory_space<vmem>> -> memref<1x256x128xf32, #tpu.memory_space<vmem>>
    %dma_wait3A_81 = tpu.memref_squeeze %dma_wait3A_80 : memref<1x256x128xf32, #tpu.memory_space<vmem>> -> memref<256x128xf32, #tpu.memory_space<vmem>>
    %dma_wait3A_82 = arith.constant 0 : i32
    %dma_wait3A_83 = arith.constant 0 : i32
    %dma_wait3A_84 = tpu.memref_slice %arg3[%dma_wait3A_82, %dma_wait3A_83] : memref<4096x128xf32, #tpu.memory_space<hbm>> -> memref<4096x128xf32, #tpu.memory_space<hbm>>
    tpu.wait_indirect_dma semaphore(%arg9 : memref<!tpu.dma_semaphore, #tpu.memory_space<semaphore_mem>>) src(%dma_wait3A_84 : memref<4096x128xf32, #tpu.memory_space<hbm>>) dst(%dma_wait3A_81 : memref<256x128xf32, #tpu.memory_space<vmem>>)
    %dma_start3A_85 = arith.constant 1 : i32
    %dma_start3A_86 = arith.constant 0 : i32
    %dma_start3A_87 = arith.constant 0 : i32
    %dma_start3A_88 = tpu.memref_slice %arg7[%dma_start3A_85, %dma_start3A_86, %dma_start3A_87] : memref<2x256x128xf32, #tpu.memory_space<vmem>> -> memref<1x256x128xf32, #tpu.memory_space<vmem>>
    %dma_start3A_89 = tpu.memref_squeeze %dma_start3A_88 : memref<1x256x128xf32, #tpu.memory_space<vmem>> -> memref<256x128xf32, #tpu.memory_space<vmem>>
    %dma_start3A_90 = arith.constant 0 : i32
    %dma_start3A_91 = tpu.memref_slice %arg4[%add3A_76, %dma_start3A_90] : memref<131072x128xf32, #tpu.memory_space<hbm>> -> memref<256x128xf32, #tpu.memory_space<hbm>>
    %dma_start3A_92 = arith.constant 0 : i32
    %dma_start3A_93 = tpu.memref_slice %arg4[%add3A_76, %dma_start3A_92] : memref<131072x128xf32, #tpu.memory_space<hbm>> -> memref<256x128xf32, #tpu.memory_space<hbm>>
    %dma_start3A_94 = arith.constant 0 : i32
    %dma_start3A_95 = arith.constant 0 : i32
    %dma_start3A_96 = tpu.memref_slice %arg7[%dma_start3A_85, %dma_start3A_94, %dma_start3A_95] : memref<2x256x128xf32, #tpu.memory_space<vmem>> -> memref<1x256x128xf32, #tpu.memory_space<vmem>>
    %dma_start3A_97 = tpu.memref_squeeze %dma_start3A_96 : memref<1x256x128xf32, #tpu.memory_space<vmem>> -> memref<256x128xf32, #tpu.memory_space<vmem>>
    tpu.enqueue_dma source(%dma_start3A_97 : memref<256x128xf32, #tpu.memory_space<vmem>>) target(%dma_start3A_93 : memref<256x128xf32, #tpu.memory_space<hbm>>) target_semaphore(%arg11 : memref<!tpu.dma_semaphore, #tpu.memory_space<semaphore_mem>>)
    %mul3A_98 = arith.constant 4096 : i32
    %mul3A_99 = arith.muli %add3A, %mul3A_98 : i32
    %add3A_100 = arith.constant 768 : i32
    %add3A_101 = arith.addi %mul3A_99, %add3A_100 : i32
    %dma_wait3A_102 = arith.constant 1 : i32
    %dma_wait3A_103 = arith.constant 0 : i32
    %dma_wait3A_104 = arith.constant 0 : i32
    %dma_wait3A_105 = tpu.memref_slice %arg7[%dma_wait3A_102, %dma_wait3A_103, %dma_wait3A_104] : memref<2x256x128xf32, #tpu.memory_space<vmem>> -> memref<1x256x128xf32, #tpu.memory_space<vmem>>
    %dma_wait3A_106 = tpu.memref_squeeze %dma_wait3A_105 : memref<1x256x128xf32, #tpu.memory_space<vmem>> -> memref<256x128xf32, #tpu.memory_space<vmem>>
    %dma_wait3A_107 = arith.constant 0 : i32
    %dma_wait3A_108 = tpu.memref_slice %arg4[%add3A_76, %dma_wait3A_107] : memref<131072x128xf32, #tpu.memory_space<hbm>> -> memref<256x128xf32, #tpu.memory_space<hbm>>
    %dma_wait3A_109 = arith.constant 0 : i32
    %dma_wait3A_110 = tpu.memref_slice %arg4[%add3A_76, %dma_wait3A_109] : memref<131072x128xf32, #tpu.memory_space<hbm>> -> memref<256x128xf32, #tpu.memory_space<hbm>>
    %dma_wait3A_111 = arith.constant 0 : i32
    %dma_wait3A_112 = arith.constant 0 : i32
    %dma_wait3A_113 = tpu.memref_slice %arg7[%dma_wait3A_102, %dma_wait3A_111, %dma_wait3A_112] : memref<2x256x128xf32, #tpu.memory_space<vmem>> -> memref<1x256x128xf32, #tpu.memory_space<vmem>>
    %dma_wait3A_114 = tpu.memref_squeeze %dma_wait3A_113 : memref<1x256x128xf32, #tpu.memory_space<vmem>> -> memref<256x128xf32, #tpu.memory_space<vmem>>
    tpu.wait_dma2 semaphore(%arg11 : memref<!tpu.dma_semaphore, #tpu.memory_space<semaphore_mem>>) src(%dma_wait3A_114 : memref<256x128xf32, #tpu.memory_space<vmem>>) dst(%dma_wait3A_110 : memref<256x128xf32, #tpu.memory_space<hbm>>)
    "tpu.region"() ({
      %run_scoped3A = tpu.sem_alloc : memref<!tpu.dma_semaphore, #tpu.memory_space<semaphore_mem>>
      %dma_start3A_799 = tpu.memref_slice %arg2[%add3A_101] : memref<131072xi32, #tpu.memory_space<hbm>> -> memref<256xi32, #tpu.memory_space<hbm>>
      %dma_start3A_800 = tpu.memref_slice %arg2[%add3A_101] : memref<131072xi32, #tpu.memory_space<hbm>> -> memref<256xi32, #tpu.memory_space<hbm>>
      tpu.enqueue_dma source(%dma_start3A_800 : memref<256xi32, #tpu.memory_space<hbm>>) target(%arg6 : memref<256xi32, #tpu.memory_space<vmem>>) target_semaphore(%run_scoped3A : memref<!tpu.dma_semaphore, #tpu.memory_space<semaphore_mem>>)
      %dma_wait3A_801 = tpu.memref_slice %arg2[%add3A_101] : memref<131072xi32, #tpu.memory_space<hbm>> -> memref<256xi32, #tpu.memory_space<hbm>>
      %dma_wait3A_802 = tpu.memref_slice %arg2[%add3A_101] : memref<131072xi32, #tpu.memory_space<hbm>> -> memref<256xi32, #tpu.memory_space<hbm>>
      tpu.wait_dma2 semaphore(%run_scoped3A : memref<!tpu.dma_semaphore, #tpu.memory_space<semaphore_mem>>) src(%dma_wait3A_802 : memref<256xi32, #tpu.memory_space<hbm>>) dst(%arg6 : memref<256xi32, #tpu.memory_space<vmem>>)
      tpu.yield
    }) : () -> ()
    %dma_start3A_115 = arith.constant 1 : i32
    %dma_start3A_116 = arith.constant 0 : i32
    %dma_start3A_117 = arith.constant 0 : i32
    %dma_start3A_118 = tpu.memref_slice %arg7[%dma_start3A_115, %dma_start3A_116, %dma_start3A_117] : memref<2x256x128xf32, #tpu.memory_space<vmem>> -> memref<1x256x128xf32, #tpu.memory_space<vmem>>
    %dma_start3A_119 = tpu.memref_squeeze %dma_start3A_118 : memref<1x256x128xf32, #tpu.memory_space<vmem>> -> memref<256x128xf32, #tpu.memory_space<vmem>>
    %dma_start3A_120 = arith.constant 0 : i32
    %dma_start3A_121 = arith.constant 0 : i32
    %dma_start3A_122 = tpu.memref_slice %arg3[%dma_start3A_120, %dma_start3A_121] : memref<4096x128xf32, #tpu.memory_space<hbm>> -> memref<4096x128xf32, #tpu.memory_space<hbm>>
    tpu.enqueue_indirect_dma source(%dma_start3A_122 : memref<4096x128xf32, #tpu.memory_space<hbm>>) target(%dma_start3A_119 : memref<256x128xf32, #tpu.memory_space<vmem>>) offsets(%arg6 : memref<256xi32, #tpu.memory_space<vmem>>) semaphore(%arg9 : memref<!tpu.dma_semaphore, #tpu.memory_space<semaphore_mem>>)
    %mul3A_123 = arith.constant 4096 : i32
    %mul3A_124 = arith.muli %add3A, %mul3A_123 : i32
    %add3A_125 = arith.constant 512 : i32
    %add3A_126 = arith.addi %mul3A_124, %add3A_125 : i32
    %dma_wait3A_127 = arith.constant 0 : i32
    %dma_wait3A_128 = arith.constant 0 : i32
    %dma_wait3A_129 = arith.constant 0 : i32
    %dma_wait3A_130 = tpu.memref_slice %arg7[%dma_wait3A_127, %dma_wait3A_128, %dma_wait3A_129] : memref<2x256x128xf32, #tpu.memory_space<vmem>> -> memref<1x256x128xf32, #tpu.memory_space<vmem>>
    %dma_wait3A_131 = tpu.memref_squeeze %dma_wait3A_130 : memref<1x256x128xf32, #tpu.memory_space<vmem>> -> memref<256x128xf32, #tpu.memory_space<vmem>>
    %dma_wait3A_132 = arith.constant 0 : i32
    %dma_wait3A_133 = arith.constant 0 : i32
    %dma_wait3A_134 = tpu.memref_slice %arg3[%dma_wait3A_132, %dma_wait3A_133] : memref<4096x128xf32, #tpu.memory_space<hbm>> -> memref<4096x128xf32, #tpu.memory_space<hbm>>
    tpu.wait_indirect_dma semaphore(%arg8 : memref<!tpu.dma_semaphore, #tpu.memory_space<semaphore_mem>>) src(%dma_wait3A_134 : memref<4096x128xf32, #tpu.memory_space<hbm>>) dst(%dma_wait3A_131 : memref<256x128xf32, #tpu.memory_space<vmem>>)
    %dma_start3A_135 = arith.constant 0 : i32
    %dma_start3A_136 = arith.constant 0 : i32
    %dma_start3A_137 = arith.constant 0 : i32
    %dma_start3A_138 = tpu.memref_slice %arg7[%dma_start3A_135, %dma_start3A_136, %dma_start3A_137] : memref<2x256x128xf32, #tpu.memory_space<vmem>> -> memref<1x256x128xf32, #tpu.memory_space<vmem>>
    %dma_start3A_139 = tpu.memref_squeeze %dma_start3A_138 : memref<1x256x128xf32, #tpu.memory_space<vmem>> -> memref<256x128xf32, #tpu.memory_space<vmem>>
    %dma_start3A_140 = arith.constant 0 : i32
    %dma_start3A_141 = tpu.memref_slice %arg4[%add3A_126, %dma_start3A_140] : memref<131072x128xf32, #tpu.memory_space<hbm>> -> memref<256x128xf32, #tpu.memory_space<hbm>>
    %dma_start3A_142 = arith.constant 0 : i32
    %dma_start3A_143 = tpu.memref_slice %arg4[%add3A_126, %dma_start3A_142] : memref<131072x128xf32, #tpu.memory_space<hbm>> -> memref<256x128xf32, #tpu.memory_space<hbm>>
    %dma_start3A_144 = arith.constant 0 : i32
    %dma_start3A_145 = arith.constant 0 : i32
    %dma_start3A_146 = tpu.memref_slice %arg7[%dma_start3A_135, %dma_start3A_144, %dma_start3A_145] : memref<2x256x128xf32, #tpu.memory_space<vmem>> -> memref<1x256x128xf32, #tpu.memory_space<vmem>>
    %dma_start3A_147 = tpu.memref_squeeze %dma_start3A_146 : memref<1x256x128xf32, #tpu.memory_space<vmem>> -> memref<256x128xf32, #tpu.memory_space<vmem>>
    tpu.enqueue_dma source(%dma_start3A_147 : memref<256x128xf32, #tpu.memory_space<vmem>>) target(%dma_start3A_143 : memref<256x128xf32, #tpu.memory_space<hbm>>) target_semaphore(%arg10 : memref<!tpu.dma_semaphore, #tpu.memory_space<semaphore_mem>>)
    %mul3A_148 = arith.constant 4096 : i32
    %mul3A_149 = arith.muli %add3A, %mul3A_148 : i32
    %add3A_150 = arith.constant 1024 : i32
    %add3A_151 = arith.addi %mul3A_149, %add3A_150 : i32
    %dma_wait3A_152 = arith.constant 0 : i32
    %dma_wait3A_153 = arith.constant 0 : i32
    %dma_wait3A_154 = arith.constant 0 : i32
    %dma_wait3A_155 = tpu.memref_slice %arg7[%dma_wait3A_152, %dma_wait3A_153, %dma_wait3A_154] : memref<2x256x128xf32, #tpu.memory_space<vmem>> -> memref<1x256x128xf32, #tpu.memory_space<vmem>>
    %dma_wait3A_156 = tpu.memref_squeeze %dma_wait3A_155 : memref<1x256x128xf32, #tpu.memory_space<vmem>> -> memref<256x128xf32, #tpu.memory_space<vmem>>
    %dma_wait3A_157 = arith.constant 0 : i32
    %dma_wait3A_158 = tpu.memref_slice %arg4[%add3A_126, %dma_wait3A_157] : memref<131072x128xf32, #tpu.memory_space<hbm>> -> memref<256x128xf32, #tpu.memory_space<hbm>>
    %dma_wait3A_159 = arith.constant 0 : i32
    %dma_wait3A_160 = tpu.memref_slice %arg4[%add3A_126, %dma_wait3A_159] : memref<131072x128xf32, #tpu.memory_space<hbm>> -> memref<256x128xf32, #tpu.memory_space<hbm>>
    %dma_wait3A_161 = arith.constant 0 : i32
    %dma_wait3A_162 = arith.constant 0 : i32
    %dma_wait3A_163 = tpu.memref_slice %arg7[%dma_wait3A_152, %dma_wait3A_161, %dma_wait3A_162] : memref<2x256x128xf32, #tpu.memory_space<vmem>> -> memref<1x256x128xf32, #tpu.memory_space<vmem>>
    %dma_wait3A_164 = tpu.memref_squeeze %dma_wait3A_163 : memref<1x256x128xf32, #tpu.memory_space<vmem>> -> memref<256x128xf32, #tpu.memory_space<vmem>>
    tpu.wait_dma2 semaphore(%arg10 : memref<!tpu.dma_semaphore, #tpu.memory_space<semaphore_mem>>) src(%dma_wait3A_164 : memref<256x128xf32, #tpu.memory_space<vmem>>) dst(%dma_wait3A_160 : memref<256x128xf32, #tpu.memory_space<hbm>>)
    "tpu.region"() ({
      %run_scoped3A = tpu.sem_alloc : memref<!tpu.dma_semaphore, #tpu.memory_space<semaphore_mem>>
      %dma_start3A_799 = tpu.memref_slice %arg2[%add3A_151] : memref<131072xi32, #tpu.memory_space<hbm>> -> memref<256xi32, #tpu.memory_space<hbm>>
      %dma_start3A_800 = tpu.memref_slice %arg2[%add3A_151] : memref<131072xi32, #tpu.memory_space<hbm>> -> memref<256xi32, #tpu.memory_space<hbm>>
      tpu.enqueue_dma source(%dma_start3A_800 : memref<256xi32, #tpu.memory_space<hbm>>) target(%arg5 : memref<256xi32, #tpu.memory_space<vmem>>) target_semaphore(%run_scoped3A : memref<!tpu.dma_semaphore, #tpu.memory_space<semaphore_mem>>)
      %dma_wait3A_801 = tpu.memref_slice %arg2[%add3A_151] : memref<131072xi32, #tpu.memory_space<hbm>> -> memref<256xi32, #tpu.memory_space<hbm>>
      %dma_wait3A_802 = tpu.memref_slice %arg2[%add3A_151] : memref<131072xi32, #tpu.memory_space<hbm>> -> memref<256xi32, #tpu.memory_space<hbm>>
      tpu.wait_dma2 semaphore(%run_scoped3A : memref<!tpu.dma_semaphore, #tpu.memory_space<semaphore_mem>>) src(%dma_wait3A_802 : memref<256xi32, #tpu.memory_space<hbm>>) dst(%arg5 : memref<256xi32, #tpu.memory_space<vmem>>)
      tpu.yield
    }) : () -> ()
    %dma_start3A_165 = arith.constant 0 : i32
    %dma_start3A_166 = arith.constant 0 : i32
    %dma_start3A_167 = arith.constant 0 : i32
    %dma_start3A_168 = tpu.memref_slice %arg7[%dma_start3A_165, %dma_start3A_166, %dma_start3A_167] : memref<2x256x128xf32, #tpu.memory_space<vmem>> -> memref<1x256x128xf32, #tpu.memory_space<vmem>>
    %dma_start3A_169 = tpu.memref_squeeze %dma_start3A_168 : memref<1x256x128xf32, #tpu.memory_space<vmem>> -> memref<256x128xf32, #tpu.memory_space<vmem>>
    %dma_start3A_170 = arith.constant 0 : i32
    %dma_start3A_171 = arith.constant 0 : i32
    %dma_start3A_172 = tpu.memref_slice %arg3[%dma_start3A_170, %dma_start3A_171] : memref<4096x128xf32, #tpu.memory_space<hbm>> -> memref<4096x128xf32, #tpu.memory_space<hbm>>
    tpu.enqueue_indirect_dma source(%dma_start3A_172 : memref<4096x128xf32, #tpu.memory_space<hbm>>) target(%dma_start3A_169 : memref<256x128xf32, #tpu.memory_space<vmem>>) offsets(%arg5 : memref<256xi32, #tpu.memory_space<vmem>>) semaphore(%arg8 : memref<!tpu.dma_semaphore, #tpu.memory_space<semaphore_mem>>)
    %mul3A_173 = arith.constant 4096 : i32
    %mul3A_174 = arith.muli %add3A, %mul3A_173 : i32
    %add3A_175 = arith.constant 768 : i32
    %add3A_176 = arith.addi %mul3A_174, %add3A_175 : i32
    %dma_wait3A_177 = arith.constant 1 : i32
    %dma_wait3A_178 = arith.constant 0 : i32
    %dma_wait3A_179 = arith.constant 0 : i32
    %dma_wait3A_180 = tpu.memref_slice %arg7[%dma_wait3A_177, %dma_wait3A_178, %dma_wait3A_179] : memref<2x256x128xf32, #tpu.memory_space<vmem>> -> memref<1x256x128xf32, #tpu.memory_space<vmem>>
    %dma_wait3A_181 = tpu.memref_squeeze %dma_wait3A_180 : memref<1x256x128xf32, #tpu.memory_space<vmem>> -> memref<256x128xf32, #tpu.memory_space<vmem>>
    %dma_wait3A_182 = arith.constant 0 : i32
    %dma_wait3A_183 = arith.constant 0 : i32
    %dma_wait3A_184 = tpu.memref_slice %arg3[%dma_wait3A_182, %dma_wait3A_183] : memref<4096x128xf32, #tpu.memory_space<hbm>> -> memref<4096x128xf32, #tpu.memory_space<hbm>>
    tpu.wait_indirect_dma semaphore(%arg9 : memref<!tpu.dma_semaphore, #tpu.memory_space<semaphore_mem>>) src(%dma_wait3A_184 : memref<4096x128xf32, #tpu.memory_space<hbm>>) dst(%dma_wait3A_181 : memref<256x128xf32, #tpu.memory_space<vmem>>)
    %dma_start3A_185 = arith.constant 1 : i32
    %dma_start3A_186 = arith.constant 0 : i32
    %dma_start3A_187 = arith.constant 0 : i32
    %dma_start3A_188 = tpu.memref_slice %arg7[%dma_start3A_185, %dma_start3A_186, %dma_start3A_187] : memref<2x256x128xf32, #tpu.memory_space<vmem>> -> memref<1x256x128xf32, #tpu.memory_space<vmem>>
    %dma_start3A_189 = tpu.memref_squeeze %dma_start3A_188 : memref<1x256x128xf32, #tpu.memory_space<vmem>> -> memref<256x128xf32, #tpu.memory_space<vmem>>
    %dma_start3A_190 = arith.constant 0 : i32
    %dma_start3A_191 = tpu.memref_slice %arg4[%add3A_176, %dma_start3A_190] : memref<131072x128xf32, #tpu.memory_space<hbm>> -> memref<256x128xf32, #tpu.memory_space<hbm>>
    %dma_start3A_192 = arith.constant 0 : i32
    %dma_start3A_193 = tpu.memref_slice %arg4[%add3A_176, %dma_start3A_192] : memref<131072x128xf32, #tpu.memory_space<hbm>> -> memref<256x128xf32, #tpu.memory_space<hbm>>
    %dma_start3A_194 = arith.constant 0 : i32
    %dma_start3A_195 = arith.constant 0 : i32
    %dma_start3A_196 = tpu.memref_slice %arg7[%dma_start3A_185, %dma_start3A_194, %dma_start3A_195] : memref<2x256x128xf32, #tpu.memory_space<vmem>> -> memref<1x256x128xf32, #tpu.memory_space<vmem>>
    %dma_start3A_197 = tpu.memref_squeeze %dma_start3A_196 : memref<1x256x128xf32, #tpu.memory_space<vmem>> -> memref<256x128xf32, #tpu.memory_space<vmem>>
    tpu.enqueue_dma source(%dma_start3A_197 : memref<256x128xf32, #tpu.memory_space<vmem>>) target(%dma_start3A_193 : memref<256x128xf32, #tpu.memory_space<hbm>>) target_semaphore(%arg11 : memref<!tpu.dma_semaphore, #tpu.memory_space<semaphore_mem>>)
    %mul3A_198 = arith.constant 4096 : i32
    %mul3A_199 = arith.muli %add3A, %mul3A_198 : i32
    %add3A_200 = arith.constant 1280 : i32
    %add3A_201 = arith.addi %mul3A_199, %add3A_200 : i32
    %dma_wait3A_202 = arith.constant 1 : i32
    %dma_wait3A_203 = arith.constant 0 : i32
    %dma_wait3A_204 = arith.constant 0 : i32
    %dma_wait3A_205 = tpu.memref_slice %arg7[%dma_wait3A_202, %dma_wait3A_203, %dma_wait3A_204] : memref<2x256x128xf32, #tpu.memory_space<vmem>> -> memref<1x256x128xf32, #tpu.memory_space<vmem>>
    %dma_wait3A_206 = tpu.memref_squeeze %dma_wait3A_205 : memref<1x256x128xf32, #tpu.memory_space<vmem>> -> memref<256x128xf32, #tpu.memory_space<vmem>>
    %dma_wait3A_207 = arith.constant 0 : i32
    %dma_wait3A_208 = tpu.memref_slice %arg4[%add3A_176, %dma_wait3A_207] : memref<131072x128xf32, #tpu.memory_space<hbm>> -> memref<256x128xf32, #tpu.memory_space<hbm>>
    %dma_wait3A_209 = arith.constant 0 : i32
    %dma_wait3A_210 = tpu.memref_slice %arg4[%add3A_176, %dma_wait3A_209] : memref<131072x128xf32, #tpu.memory_space<hbm>> -> memref<256x128xf32, #tpu.memory_space<hbm>>
    %dma_wait3A_211 = arith.constant 0 : i32
    %dma_wait3A_212 = arith.constant 0 : i32
    %dma_wait3A_213 = tpu.memref_slice %arg7[%dma_wait3A_202, %dma_wait3A_211, %dma_wait3A_212] : memref<2x256x128xf32, #tpu.memory_space<vmem>> -> memref<1x256x128xf32, #tpu.memory_space<vmem>>
    %dma_wait3A_214 = tpu.memref_squeeze %dma_wait3A_213 : memref<1x256x128xf32, #tpu.memory_space<vmem>> -> memref<256x128xf32, #tpu.memory_space<vmem>>
    tpu.wait_dma2 semaphore(%arg11 : memref<!tpu.dma_semaphore, #tpu.memory_space<semaphore_mem>>) src(%dma_wait3A_214 : memref<256x128xf32, #tpu.memory_space<vmem>>) dst(%dma_wait3A_210 : memref<256x128xf32, #tpu.memory_space<hbm>>)
    "tpu.region"() ({
      %run_scoped3A = tpu.sem_alloc : memref<!tpu.dma_semaphore, #tpu.memory_space<semaphore_mem>>
      %dma_start3A_799 = tpu.memref_slice %arg2[%add3A_201] : memref<131072xi32, #tpu.memory_space<hbm>> -> memref<256xi32, #tpu.memory_space<hbm>>
      %dma_start3A_800 = tpu.memref_slice %arg2[%add3A_201] : memref<131072xi32, #tpu.memory_space<hbm>> -> memref<256xi32, #tpu.memory_space<hbm>>
      tpu.enqueue_dma source(%dma_start3A_800 : memref<256xi32, #tpu.memory_space<hbm>>) target(%arg6 : memref<256xi32, #tpu.memory_space<vmem>>) target_semaphore(%run_scoped3A : memref<!tpu.dma_semaphore, #tpu.memory_space<semaphore_mem>>)
      %dma_wait3A_801 = tpu.memref_slice %arg2[%add3A_201] : memref<131072xi32, #tpu.memory_space<hbm>> -> memref<256xi32, #tpu.memory_space<hbm>>
      %dma_wait3A_802 = tpu.memref_slice %arg2[%add3A_201] : memref<131072xi32, #tpu.memory_space<hbm>> -> memref<256xi32, #tpu.memory_space<hbm>>
      tpu.wait_dma2 semaphore(%run_scoped3A : memref<!tpu.dma_semaphore, #tpu.memory_space<semaphore_mem>>) src(%dma_wait3A_802 : memref<256xi32, #tpu.memory_space<hbm>>) dst(%arg6 : memref<256xi32, #tpu.memory_space<vmem>>)
      tpu.yield
    }) : () -> ()
    %dma_start3A_215 = arith.constant 1 : i32
    %dma_start3A_216 = arith.constant 0 : i32
    %dma_start3A_217 = arith.constant 0 : i32
    %dma_start3A_218 = tpu.memref_slice %arg7[%dma_start3A_215, %dma_start3A_216, %dma_start3A_217] : memref<2x256x128xf32, #tpu.memory_space<vmem>> -> memref<1x256x128xf32, #tpu.memory_space<vmem>>
    %dma_start3A_219 = tpu.memref_squeeze %dma_start3A_218 : memref<1x256x128xf32, #tpu.memory_space<vmem>> -> memref<256x128xf32, #tpu.memory_space<vmem>>
    %dma_start3A_220 = arith.constant 0 : i32
    %dma_start3A_221 = arith.constant 0 : i32
    %dma_start3A_222 = tpu.memref_slice %arg3[%dma_start3A_220, %dma_start3A_221] : memref<4096x128xf32, #tpu.memory_space<hbm>> -> memref<4096x128xf32, #tpu.memory_space<hbm>>
    tpu.enqueue_indirect_dma source(%dma_start3A_222 : memref<4096x128xf32, #tpu.memory_space<hbm>>) target(%dma_start3A_219 : memref<256x128xf32, #tpu.memory_space<vmem>>) offsets(%arg6 : memref<256xi32, #tpu.memory_space<vmem>>) semaphore(%arg9 : memref<!tpu.dma_semaphore, #tpu.memory_space<semaphore_mem>>)
    %mul3A_223 = arith.constant 4096 : i32
    %mul3A_224 = arith.muli %add3A, %mul3A_223 : i32
    %add3A_225 = arith.constant 1024 : i32
    %add3A_226 = arith.addi %mul3A_224, %add3A_225 : i32
    %dma_wait3A_227 = arith.constant 0 : i32
    %dma_wait3A_228 = arith.constant 0 : i32
    %dma_wait3A_229 = arith.constant 0 : i32
    %dma_wait3A_230 = tpu.memref_slice %arg7[%dma_wait3A_227, %dma_wait3A_228, %dma_wait3A_229] : memref<2x256x128xf32, #tpu.memory_space<vmem>> -> memref<1x256x128xf32, #tpu.memory_space<vmem>>
    %dma_wait3A_231 = tpu.memref_squeeze %dma_wait3A_230 : memref<1x256x128xf32, #tpu.memory_space<vmem>> -> memref<256x128xf32, #tpu.memory_space<vmem>>
    %dma_wait3A_232 = arith.constant 0 : i32
    %dma_wait3A_233 = arith.constant 0 : i32
    %dma_wait3A_234 = tpu.memref_slice %arg3[%dma_wait3A_232, %dma_wait3A_233] : memref<4096x128xf32, #tpu.memory_space<hbm>> -> memref<4096x128xf32, #tpu.memory_space<hbm>>
    tpu.wait_indirect_dma semaphore(%arg8 : memref<!tpu.dma_semaphore, #tpu.memory_space<semaphore_mem>>) src(%dma_wait3A_234 : memref<4096x128xf32, #tpu.memory_space<hbm>>) dst(%dma_wait3A_231 : memref<256x128xf32, #tpu.memory_space<vmem>>)
    %dma_start3A_235 = arith.constant 0 : i32
    %dma_start3A_236 = arith.constant 0 : i32
    %dma_start3A_237 = arith.constant 0 : i32
    %dma_start3A_238 = tpu.memref_slice %arg7[%dma_start3A_235, %dma_start3A_236, %dma_start3A_237] : memref<2x256x128xf32, #tpu.memory_space<vmem>> -> memref<1x256x128xf32, #tpu.memory_space<vmem>>
    %dma_start3A_239 = tpu.memref_squeeze %dma_start3A_238 : memref<1x256x128xf32, #tpu.memory_space<vmem>> -> memref<256x128xf32, #tpu.memory_space<vmem>>
    %dma_start3A_240 = arith.constant 0 : i32
    %dma_start3A_241 = tpu.memref_slice %arg4[%add3A_226, %dma_start3A_240] : memref<131072x128xf32, #tpu.memory_space<hbm>> -> memref<256x128xf32, #tpu.memory_space<hbm>>
    %dma_start3A_242 = arith.constant 0 : i32
    %dma_start3A_243 = tpu.memref_slice %arg4[%add3A_226, %dma_start3A_242] : memref<131072x128xf32, #tpu.memory_space<hbm>> -> memref<256x128xf32, #tpu.memory_space<hbm>>
    %dma_start3A_244 = arith.constant 0 : i32
    %dma_start3A_245 = arith.constant 0 : i32
    %dma_start3A_246 = tpu.memref_slice %arg7[%dma_start3A_235, %dma_start3A_244, %dma_start3A_245] : memref<2x256x128xf32, #tpu.memory_space<vmem>> -> memref<1x256x128xf32, #tpu.memory_space<vmem>>
    %dma_start3A_247 = tpu.memref_squeeze %dma_start3A_246 : memref<1x256x128xf32, #tpu.memory_space<vmem>> -> memref<256x128xf32, #tpu.memory_space<vmem>>
    tpu.enqueue_dma source(%dma_start3A_247 : memref<256x128xf32, #tpu.memory_space<vmem>>) target(%dma_start3A_243 : memref<256x128xf32, #tpu.memory_space<hbm>>) target_semaphore(%arg10 : memref<!tpu.dma_semaphore, #tpu.memory_space<semaphore_mem>>)
    %mul3A_248 = arith.constant 4096 : i32
    %mul3A_249 = arith.muli %add3A, %mul3A_248 : i32
    %add3A_250 = arith.constant 1536 : i32
    %add3A_251 = arith.addi %mul3A_249, %add3A_250 : i32
    %dma_wait3A_252 = arith.constant 0 : i32
    %dma_wait3A_253 = arith.constant 0 : i32
    %dma_wait3A_254 = arith.constant 0 : i32
    %dma_wait3A_255 = tpu.memref_slice %arg7[%dma_wait3A_252, %dma_wait3A_253, %dma_wait3A_254] : memref<2x256x128xf32, #tpu.memory_space<vmem>> -> memref<1x256x128xf32, #tpu.memory_space<vmem>>
    %dma_wait3A_256 = tpu.memref_squeeze %dma_wait3A_255 : memref<1x256x128xf32, #tpu.memory_space<vmem>> -> memref<256x128xf32, #tpu.memory_space<vmem>>
    %dma_wait3A_257 = arith.constant 0 : i32
    %dma_wait3A_258 = tpu.memref_slice %arg4[%add3A_226, %dma_wait3A_257] : memref<131072x128xf32, #tpu.memory_space<hbm>> -> memref<256x128xf32, #tpu.memory_space<hbm>>
    %dma_wait3A_259 = arith.constant 0 : i32
    %dma_wait3A_260 = tpu.memref_slice %arg4[%add3A_226, %dma_wait3A_259] : memref<131072x128xf32, #tpu.memory_space<hbm>> -> memref<256x128xf32, #tpu.memory_space<hbm>>
    %dma_wait3A_261 = arith.constant 0 : i32
    %dma_wait3A_262 = arith.constant 0 : i32
    %dma_wait3A_263 = tpu.memref_slice %arg7[%dma_wait3A_252, %dma_wait3A_261, %dma_wait3A_262] : memref<2x256x128xf32, #tpu.memory_space<vmem>> -> memref<1x256x128xf32, #tpu.memory_space<vmem>>
    %dma_wait3A_264 = tpu.memref_squeeze %dma_wait3A_263 : memref<1x256x128xf32, #tpu.memory_space<vmem>> -> memref<256x128xf32, #tpu.memory_space<vmem>>
    tpu.wait_dma2 semaphore(%arg10 : memref<!tpu.dma_semaphore, #tpu.memory_space<semaphore_mem>>) src(%dma_wait3A_264 : memref<256x128xf32, #tpu.memory_space<vmem>>) dst(%dma_wait3A_260 : memref<256x128xf32, #tpu.memory_space<hbm>>)
    "tpu.region"() ({
      %run_scoped3A = tpu.sem_alloc : memref<!tpu.dma_semaphore, #tpu.memory_space<semaphore_mem>>
      %dma_start3A_799 = tpu.memref_slice %arg2[%add3A_251] : memref<131072xi32, #tpu.memory_space<hbm>> -> memref<256xi32, #tpu.memory_space<hbm>>
      %dma_start3A_800 = tpu.memref_slice %arg2[%add3A_251] : memref<131072xi32, #tpu.memory_space<hbm>> -> memref<256xi32, #tpu.memory_space<hbm>>
      tpu.enqueue_dma source(%dma_start3A_800 : memref<256xi32, #tpu.memory_space<hbm>>) target(%arg5 : memref<256xi32, #tpu.memory_space<vmem>>) target_semaphore(%run_scoped3A : memref<!tpu.dma_semaphore, #tpu.memory_space<semaphore_mem>>)
      %dma_wait3A_801 = tpu.memref_slice %arg2[%add3A_251] : memref<131072xi32, #tpu.memory_space<hbm>> -> memref<256xi32, #tpu.memory_space<hbm>>
      %dma_wait3A_802 = tpu.memref_slice %arg2[%add3A_251] : memref<131072xi32, #tpu.memory_space<hbm>> -> memref<256xi32, #tpu.memory_space<hbm>>
      tpu.wait_dma2 semaphore(%run_scoped3A : memref<!tpu.dma_semaphore, #tpu.memory_space<semaphore_mem>>) src(%dma_wait3A_802 : memref<256xi32, #tpu.memory_space<hbm>>) dst(%arg5 : memref<256xi32, #tpu.memory_space<vmem>>)
      tpu.yield
    }) : () -> ()
    %dma_start3A_265 = arith.constant 0 : i32
    %dma_start3A_266 = arith.constant 0 : i32
    %dma_start3A_267 = arith.constant 0 : i32
    %dma_start3A_268 = tpu.memref_slice %arg7[%dma_start3A_265, %dma_start3A_266, %dma_start3A_267] : memref<2x256x128xf32, #tpu.memory_space<vmem>> -> memref<1x256x128xf32, #tpu.memory_space<vmem>>
    %dma_start3A_269 = tpu.memref_squeeze %dma_start3A_268 : memref<1x256x128xf32, #tpu.memory_space<vmem>> -> memref<256x128xf32, #tpu.memory_space<vmem>>
    %dma_start3A_270 = arith.constant 0 : i32
    %dma_start3A_271 = arith.constant 0 : i32
    %dma_start3A_272 = tpu.memref_slice %arg3[%dma_start3A_270, %dma_start3A_271] : memref<4096x128xf32, #tpu.memory_space<hbm>> -> memref<4096x128xf32, #tpu.memory_space<hbm>>
    tpu.enqueue_indirect_dma source(%dma_start3A_272 : memref<4096x128xf32, #tpu.memory_space<hbm>>) target(%dma_start3A_269 : memref<256x128xf32, #tpu.memory_space<vmem>>) offsets(%arg5 : memref<256xi32, #tpu.memory_space<vmem>>) semaphore(%arg8 : memref<!tpu.dma_semaphore, #tpu.memory_space<semaphore_mem>>)
    %mul3A_273 = arith.constant 4096 : i32
    %mul3A_274 = arith.muli %add3A, %mul3A_273 : i32
    %add3A_275 = arith.constant 1280 : i32
    %add3A_276 = arith.addi %mul3A_274, %add3A_275 : i32
    %dma_wait3A_277 = arith.constant 1 : i32
    %dma_wait3A_278 = arith.constant 0 : i32
    %dma_wait3A_279 = arith.constant 0 : i32
    %dma_wait3A_280 = tpu.memref_slice %arg7[%dma_wait3A_277, %dma_wait3A_278, %dma_wait3A_279] : memref<2x256x128xf32, #tpu.memory_space<vmem>> -> memref<1x256x128xf32, #tpu.memory_space<vmem>>
    %dma_wait3A_281 = tpu.memref_squeeze %dma_wait3A_280 : memref<1x256x128xf32, #tpu.memory_space<vmem>> -> memref<256x128xf32, #tpu.memory_space<vmem>>
    %dma_wait3A_282 = arith.constant 0 : i32
    %dma_wait3A_283 = arith.constant 0 : i32
    %dma_wait3A_284 = tpu.memref_slice %arg3[%dma_wait3A_282, %dma_wait3A_283] : memref<4096x128xf32, #tpu.memory_space<hbm>> -> memref<4096x128xf32, #tpu.memory_space<hbm>>
    tpu.wait_indirect_dma semaphore(%arg9 : memref<!tpu.dma_semaphore, #tpu.memory_space<semaphore_mem>>) src(%dma_wait3A_284 : memref<4096x128xf32, #tpu.memory_space<hbm>>) dst(%dma_wait3A_281 : memref<256x128xf32, #tpu.memory_space<vmem>>)
    %dma_start3A_285 = arith.constant 1 : i32
    %dma_start3A_286 = arith.constant 0 : i32
    %dma_start3A_287 = arith.constant 0 : i32
    %dma_start3A_288 = tpu.memref_slice %arg7[%dma_start3A_285, %dma_start3A_286, %dma_start3A_287] : memref<2x256x128xf32, #tpu.memory_space<vmem>> -> memref<1x256x128xf32, #tpu.memory_space<vmem>>
    %dma_start3A_289 = tpu.memref_squeeze %dma_start3A_288 : memref<1x256x128xf32, #tpu.memory_space<vmem>> -> memref<256x128xf32, #tpu.memory_space<vmem>>
    %dma_start3A_290 = arith.constant 0 : i32
    %dma_start3A_291 = tpu.memref_slice %arg4[%add3A_276, %dma_start3A_290] : memref<131072x128xf32, #tpu.memory_space<hbm>> -> memref<256x128xf32, #tpu.memory_space<hbm>>
    %dma_start3A_292 = arith.constant 0 : i32
    %dma_start3A_293 = tpu.memref_slice %arg4[%add3A_276, %dma_start3A_292] : memref<131072x128xf32, #tpu.memory_space<hbm>> -> memref<256x128xf32, #tpu.memory_space<hbm>>
    %dma_start3A_294 = arith.constant 0 : i32
    %dma_start3A_295 = arith.constant 0 : i32
    %dma_start3A_296 = tpu.memref_slice %arg7[%dma_start3A_285, %dma_start3A_294, %dma_start3A_295] : memref<2x256x128xf32, #tpu.memory_space<vmem>> -> memref<1x256x128xf32, #tpu.memory_space<vmem>>
    %dma_start3A_297 = tpu.memref_squeeze %dma_start3A_296 : memref<1x256x128xf32, #tpu.memory_space<vmem>> -> memref<256x128xf32, #tpu.memory_space<vmem>>
    tpu.enqueue_dma source(%dma_start3A_297 : memref<256x128xf32, #tpu.memory_space<vmem>>) target(%dma_start3A_293 : memref<256x128xf32, #tpu.memory_space<hbm>>) target_semaphore(%arg11 : memref<!tpu.dma_semaphore, #tpu.memory_space<semaphore_mem>>)
    %mul3A_298 = arith.constant 4096 : i32
    %mul3A_299 = arith.muli %add3A, %mul3A_298 : i32
    %add3A_300 = arith.constant 1792 : i32
    %add3A_301 = arith.addi %mul3A_299, %add3A_300 : i32
    %dma_wait3A_302 = arith.constant 1 : i32
    %dma_wait3A_303 = arith.constant 0 : i32
    %dma_wait3A_304 = arith.constant 0 : i32
    %dma_wait3A_305 = tpu.memref_slice %arg7[%dma_wait3A_302, %dma_wait3A_303, %dma_wait3A_304] : memref<2x256x128xf32, #tpu.memory_space<vmem>> -> memref<1x256x128xf32, #tpu.memory_space<vmem>>
    %dma_wait3A_306 = tpu.memref_squeeze %dma_wait3A_305 : memref<1x256x128xf32, #tpu.memory_space<vmem>> -> memref<256x128xf32, #tpu.memory_space<vmem>>
    %dma_wait3A_307 = arith.constant 0 : i32
    %dma_wait3A_308 = tpu.memref_slice %arg4[%add3A_276, %dma_wait3A_307] : memref<131072x128xf32, #tpu.memory_space<hbm>> -> memref<256x128xf32, #tpu.memory_space<hbm>>
    %dma_wait3A_309 = arith.constant 0 : i32
    %dma_wait3A_310 = tpu.memref_slice %arg4[%add3A_276, %dma_wait3A_309] : memref<131072x128xf32, #tpu.memory_space<hbm>> -> memref<256x128xf32, #tpu.memory_space<hbm>>
    %dma_wait3A_311 = arith.constant 0 : i32
    %dma_wait3A_312 = arith.constant 0 : i32
    %dma_wait3A_313 = tpu.memref_slice %arg7[%dma_wait3A_302, %dma_wait3A_311, %dma_wait3A_312] : memref<2x256x128xf32, #tpu.memory_space<vmem>> -> memref<1x256x128xf32, #tpu.memory_space<vmem>>
    %dma_wait3A_314 = tpu.memref_squeeze %dma_wait3A_313 : memref<1x256x128xf32, #tpu.memory_space<vmem>> -> memref<256x128xf32, #tpu.memory_space<vmem>>
    tpu.wait_dma2 semaphore(%arg11 : memref<!tpu.dma_semaphore, #tpu.memory_space<semaphore_mem>>) src(%dma_wait3A_314 : memref<256x128xf32, #tpu.memory_space<vmem>>) dst(%dma_wait3A_310 : memref<256x128xf32, #tpu.memory_space<hbm>>)
    "tpu.region"() ({
      %run_scoped3A = tpu.sem_alloc : memref<!tpu.dma_semaphore, #tpu.memory_space<semaphore_mem>>
      %dma_start3A_799 = tpu.memref_slice %arg2[%add3A_301] : memref<131072xi32, #tpu.memory_space<hbm>> -> memref<256xi32, #tpu.memory_space<hbm>>
      %dma_start3A_800 = tpu.memref_slice %arg2[%add3A_301] : memref<131072xi32, #tpu.memory_space<hbm>> -> memref<256xi32, #tpu.memory_space<hbm>>
      tpu.enqueue_dma source(%dma_start3A_800 : memref<256xi32, #tpu.memory_space<hbm>>) target(%arg6 : memref<256xi32, #tpu.memory_space<vmem>>) target_semaphore(%run_scoped3A : memref<!tpu.dma_semaphore, #tpu.memory_space<semaphore_mem>>)
      %dma_wait3A_801 = tpu.memref_slice %arg2[%add3A_301] : memref<131072xi32, #tpu.memory_space<hbm>> -> memref<256xi32, #tpu.memory_space<hbm>>
      %dma_wait3A_802 = tpu.memref_slice %arg2[%add3A_301] : memref<131072xi32, #tpu.memory_space<hbm>> -> memref<256xi32, #tpu.memory_space<hbm>>
      tpu.wait_dma2 semaphore(%run_scoped3A : memref<!tpu.dma_semaphore, #tpu.memory_space<semaphore_mem>>) src(%dma_wait3A_802 : memref<256xi32, #tpu.memory_space<hbm>>) dst(%arg6 : memref<256xi32, #tpu.memory_space<vmem>>)
      tpu.yield
    }) : () -> ()
    %dma_start3A_315 = arith.constant 1 : i32
    %dma_start3A_316 = arith.constant 0 : i32
    %dma_start3A_317 = arith.constant 0 : i32
    %dma_start3A_318 = tpu.memref_slice %arg7[%dma_start3A_315, %dma_start3A_316, %dma_start3A_317] : memref<2x256x128xf32, #tpu.memory_space<vmem>> -> memref<1x256x128xf32, #tpu.memory_space<vmem>>
    %dma_start3A_319 = tpu.memref_squeeze %dma_start3A_318 : memref<1x256x128xf32, #tpu.memory_space<vmem>> -> memref<256x128xf32, #tpu.memory_space<vmem>>
    %dma_start3A_320 = arith.constant 0 : i32
    %dma_start3A_321 = arith.constant 0 : i32
    %dma_start3A_322 = tpu.memref_slice %arg3[%dma_start3A_320, %dma_start3A_321] : memref<4096x128xf32, #tpu.memory_space<hbm>> -> memref<4096x128xf32, #tpu.memory_space<hbm>>
    tpu.enqueue_indirect_dma source(%dma_start3A_322 : memref<4096x128xf32, #tpu.memory_space<hbm>>) target(%dma_start3A_319 : memref<256x128xf32, #tpu.memory_space<vmem>>) offsets(%arg6 : memref<256xi32, #tpu.memory_space<vmem>>) semaphore(%arg9 : memref<!tpu.dma_semaphore, #tpu.memory_space<semaphore_mem>>)
    %mul3A_323 = arith.constant 4096 : i32
    %mul3A_324 = arith.muli %add3A, %mul3A_323 : i32
    %add3A_325 = arith.constant 1536 : i32
    %add3A_326 = arith.addi %mul3A_324, %add3A_325 : i32
    %dma_wait3A_327 = arith.constant 0 : i32
    %dma_wait3A_328 = arith.constant 0 : i32
    %dma_wait3A_329 = arith.constant 0 : i32
    %dma_wait3A_330 = tpu.memref_slice %arg7[%dma_wait3A_327, %dma_wait3A_328, %dma_wait3A_329] : memref<2x256x128xf32, #tpu.memory_space<vmem>> -> memref<1x256x128xf32, #tpu.memory_space<vmem>>
    %dma_wait3A_331 = tpu.memref_squeeze %dma_wait3A_330 : memref<1x256x128xf32, #tpu.memory_space<vmem>> -> memref<256x128xf32, #tpu.memory_space<vmem>>
    %dma_wait3A_332 = arith.constant 0 : i32
    %dma_wait3A_333 = arith.constant 0 : i32
    %dma_wait3A_334 = tpu.memref_slice %arg3[%dma_wait3A_332, %dma_wait3A_333] : memref<4096x128xf32, #tpu.memory_space<hbm>> -> memref<4096x128xf32, #tpu.memory_space<hbm>>
    tpu.wait_indirect_dma semaphore(%arg8 : memref<!tpu.dma_semaphore, #tpu.memory_space<semaphore_mem>>) src(%dma_wait3A_334 : memref<4096x128xf32, #tpu.memory_space<hbm>>) dst(%dma_wait3A_331 : memref<256x128xf32, #tpu.memory_space<vmem>>)
    %dma_start3A_335 = arith.constant 0 : i32
    %dma_start3A_336 = arith.constant 0 : i32
    %dma_start3A_337 = arith.constant 0 : i32
    %dma_start3A_338 = tpu.memref_slice %arg7[%dma_start3A_335, %dma_start3A_336, %dma_start3A_337] : memref<2x256x128xf32, #tpu.memory_space<vmem>> -> memref<1x256x128xf32, #tpu.memory_space<vmem>>
    %dma_start3A_339 = tpu.memref_squeeze %dma_start3A_338 : memref<1x256x128xf32, #tpu.memory_space<vmem>> -> memref<256x128xf32, #tpu.memory_space<vmem>>
    %dma_start3A_340 = arith.constant 0 : i32
    %dma_start3A_341 = tpu.memref_slice %arg4[%add3A_326, %dma_start3A_340] : memref<131072x128xf32, #tpu.memory_space<hbm>> -> memref<256x128xf32, #tpu.memory_space<hbm>>
    %dma_start3A_342 = arith.constant 0 : i32
    %dma_start3A_343 = tpu.memref_slice %arg4[%add3A_326, %dma_start3A_342] : memref<131072x128xf32, #tpu.memory_space<hbm>> -> memref<256x128xf32, #tpu.memory_space<hbm>>
    %dma_start3A_344 = arith.constant 0 : i32
    %dma_start3A_345 = arith.constant 0 : i32
    %dma_start3A_346 = tpu.memref_slice %arg7[%dma_start3A_335, %dma_start3A_344, %dma_start3A_345] : memref<2x256x128xf32, #tpu.memory_space<vmem>> -> memref<1x256x128xf32, #tpu.memory_space<vmem>>
    %dma_start3A_347 = tpu.memref_squeeze %dma_start3A_346 : memref<1x256x128xf32, #tpu.memory_space<vmem>> -> memref<256x128xf32, #tpu.memory_space<vmem>>
    tpu.enqueue_dma source(%dma_start3A_347 : memref<256x128xf32, #tpu.memory_space<vmem>>) target(%dma_start3A_343 : memref<256x128xf32, #tpu.memory_space<hbm>>) target_semaphore(%arg10 : memref<!tpu.dma_semaphore, #tpu.memory_space<semaphore_mem>>)
    %mul3A_348 = arith.constant 4096 : i32
    %mul3A_349 = arith.muli %add3A, %mul3A_348 : i32
    %add3A_350 = arith.constant 2048 : i32
    %add3A_351 = arith.addi %mul3A_349, %add3A_350 : i32
    %dma_wait3A_352 = arith.constant 0 : i32
    %dma_wait3A_353 = arith.constant 0 : i32
    %dma_wait3A_354 = arith.constant 0 : i32
    %dma_wait3A_355 = tpu.memref_slice %arg7[%dma_wait3A_352, %dma_wait3A_353, %dma_wait3A_354] : memref<2x256x128xf32, #tpu.memory_space<vmem>> -> memref<1x256x128xf32, #tpu.memory_space<vmem>>
    %dma_wait3A_356 = tpu.memref_squeeze %dma_wait3A_355 : memref<1x256x128xf32, #tpu.memory_space<vmem>> -> memref<256x128xf32, #tpu.memory_space<vmem>>
    %dma_wait3A_357 = arith.constant 0 : i32
    %dma_wait3A_358 = tpu.memref_slice %arg4[%add3A_326, %dma_wait3A_357] : memref<131072x128xf32, #tpu.memory_space<hbm>> -> memref<256x128xf32, #tpu.memory_space<hbm>>
    %dma_wait3A_359 = arith.constant 0 : i32
    %dma_wait3A_360 = tpu.memref_slice %arg4[%add3A_326, %dma_wait3A_359] : memref<131072x128xf32, #tpu.memory_space<hbm>> -> memref<256x128xf32, #tpu.memory_space<hbm>>
    %dma_wait3A_361 = arith.constant 0 : i32
    %dma_wait3A_362 = arith.constant 0 : i32
    %dma_wait3A_363 = tpu.memref_slice %arg7[%dma_wait3A_352, %dma_wait3A_361, %dma_wait3A_362] : memref<2x256x128xf32, #tpu.memory_space<vmem>> -> memref<1x256x128xf32, #tpu.memory_space<vmem>>
    %dma_wait3A_364 = tpu.memref_squeeze %dma_wait3A_363 : memref<1x256x128xf32, #tpu.memory_space<vmem>> -> memref<256x128xf32, #tpu.memory_space<vmem>>
    tpu.wait_dma2 semaphore(%arg10 : memref<!tpu.dma_semaphore, #tpu.memory_space<semaphore_mem>>) src(%dma_wait3A_364 : memref<256x128xf32, #tpu.memory_space<vmem>>) dst(%dma_wait3A_360 : memref<256x128xf32, #tpu.memory_space<hbm>>)
    "tpu.region"() ({
      %run_scoped3A = tpu.sem_alloc : memref<!tpu.dma_semaphore, #tpu.memory_space<semaphore_mem>>
      %dma_start3A_799 = tpu.memref_slice %arg2[%add3A_351] : memref<131072xi32, #tpu.memory_space<hbm>> -> memref<256xi32, #tpu.memory_space<hbm>>
      %dma_start3A_800 = tpu.memref_slice %arg2[%add3A_351] : memref<131072xi32, #tpu.memory_space<hbm>> -> memref<256xi32, #tpu.memory_space<hbm>>
      tpu.enqueue_dma source(%dma_start3A_800 : memref<256xi32, #tpu.memory_space<hbm>>) target(%arg5 : memref<256xi32, #tpu.memory_space<vmem>>) target_semaphore(%run_scoped3A : memref<!tpu.dma_semaphore, #tpu.memory_space<semaphore_mem>>)
      %dma_wait3A_801 = tpu.memref_slice %arg2[%add3A_351] : memref<131072xi32, #tpu.memory_space<hbm>> -> memref<256xi32, #tpu.memory_space<hbm>>
      %dma_wait3A_802 = tpu.memref_slice %arg2[%add3A_351] : memref<131072xi32, #tpu.memory_space<hbm>> -> memref<256xi32, #tpu.memory_space<hbm>>
      tpu.wait_dma2 semaphore(%run_scoped3A : memref<!tpu.dma_semaphore, #tpu.memory_space<semaphore_mem>>) src(%dma_wait3A_802 : memref<256xi32, #tpu.memory_space<hbm>>) dst(%arg5 : memref<256xi32, #tpu.memory_space<vmem>>)
      tpu.yield
    }) : () -> ()
    %dma_start3A_365 = arith.constant 0 : i32
    %dma_start3A_366 = arith.constant 0 : i32
    %dma_start3A_367 = arith.constant 0 : i32
    %dma_start3A_368 = tpu.memref_slice %arg7[%dma_start3A_365, %dma_start3A_366, %dma_start3A_367] : memref<2x256x128xf32, #tpu.memory_space<vmem>> -> memref<1x256x128xf32, #tpu.memory_space<vmem>>
    %dma_start3A_369 = tpu.memref_squeeze %dma_start3A_368 : memref<1x256x128xf32, #tpu.memory_space<vmem>> -> memref<256x128xf32, #tpu.memory_space<vmem>>
    %dma_start3A_370 = arith.constant 0 : i32
    %dma_start3A_371 = arith.constant 0 : i32
    %dma_start3A_372 = tpu.memref_slice %arg3[%dma_start3A_370, %dma_start3A_371] : memref<4096x128xf32, #tpu.memory_space<hbm>> -> memref<4096x128xf32, #tpu.memory_space<hbm>>
    tpu.enqueue_indirect_dma source(%dma_start3A_372 : memref<4096x128xf32, #tpu.memory_space<hbm>>) target(%dma_start3A_369 : memref<256x128xf32, #tpu.memory_space<vmem>>) offsets(%arg5 : memref<256xi32, #tpu.memory_space<vmem>>) semaphore(%arg8 : memref<!tpu.dma_semaphore, #tpu.memory_space<semaphore_mem>>)
    %mul3A_373 = arith.constant 4096 : i32
    %mul3A_374 = arith.muli %add3A, %mul3A_373 : i32
    %add3A_375 = arith.constant 1792 : i32
    %add3A_376 = arith.addi %mul3A_374, %add3A_375 : i32
    %dma_wait3A_377 = arith.constant 1 : i32
    %dma_wait3A_378 = arith.constant 0 : i32
    %dma_wait3A_379 = arith.constant 0 : i32
    %dma_wait3A_380 = tpu.memref_slice %arg7[%dma_wait3A_377, %dma_wait3A_378, %dma_wait3A_379] : memref<2x256x128xf32, #tpu.memory_space<vmem>> -> memref<1x256x128xf32, #tpu.memory_space<vmem>>
    %dma_wait3A_381 = tpu.memref_squeeze %dma_wait3A_380 : memref<1x256x128xf32, #tpu.memory_space<vmem>> -> memref<256x128xf32, #tpu.memory_space<vmem>>
    %dma_wait3A_382 = arith.constant 0 : i32
    %dma_wait3A_383 = arith.constant 0 : i32
    %dma_wait3A_384 = tpu.memref_slice %arg3[%dma_wait3A_382, %dma_wait3A_383] : memref<4096x128xf32, #tpu.memory_space<hbm>> -> memref<4096x128xf32, #tpu.memory_space<hbm>>
    tpu.wait_indirect_dma semaphore(%arg9 : memref<!tpu.dma_semaphore, #tpu.memory_space<semaphore_mem>>) src(%dma_wait3A_384 : memref<4096x128xf32, #tpu.memory_space<hbm>>) dst(%dma_wait3A_381 : memref<256x128xf32, #tpu.memory_space<vmem>>)
    %dma_start3A_385 = arith.constant 1 : i32
    %dma_start3A_386 = arith.constant 0 : i32
    %dma_start3A_387 = arith.constant 0 : i32
    %dma_start3A_388 = tpu.memref_slice %arg7[%dma_start3A_385, %dma_start3A_386, %dma_start3A_387] : memref<2x256x128xf32, #tpu.memory_space<vmem>> -> memref<1x256x128xf32, #tpu.memory_space<vmem>>
    %dma_start3A_389 = tpu.memref_squeeze %dma_start3A_388 : memref<1x256x128xf32, #tpu.memory_space<vmem>> -> memref<256x128xf32, #tpu.memory_space<vmem>>
    %dma_start3A_390 = arith.constant 0 : i32
    %dma_start3A_391 = tpu.memref_slice %arg4[%add3A_376, %dma_start3A_390] : memref<131072x128xf32, #tpu.memory_space<hbm>> -> memref<256x128xf32, #tpu.memory_space<hbm>>
    %dma_start3A_392 = arith.constant 0 : i32
    %dma_start3A_393 = tpu.memref_slice %arg4[%add3A_376, %dma_start3A_392] : memref<131072x128xf32, #tpu.memory_space<hbm>> -> memref<256x128xf32, #tpu.memory_space<hbm>>
    %dma_start3A_394 = arith.constant 0 : i32
    %dma_start3A_395 = arith.constant 0 : i32
    %dma_start3A_396 = tpu.memref_slice %arg7[%dma_start3A_385, %dma_start3A_394, %dma_start3A_395] : memref<2x256x128xf32, #tpu.memory_space<vmem>> -> memref<1x256x128xf32, #tpu.memory_space<vmem>>
    %dma_start3A_397 = tpu.memref_squeeze %dma_start3A_396 : memref<1x256x128xf32, #tpu.memory_space<vmem>> -> memref<256x128xf32, #tpu.memory_space<vmem>>
    tpu.enqueue_dma source(%dma_start3A_397 : memref<256x128xf32, #tpu.memory_space<vmem>>) target(%dma_start3A_393 : memref<256x128xf32, #tpu.memory_space<hbm>>) target_semaphore(%arg11 : memref<!tpu.dma_semaphore, #tpu.memory_space<semaphore_mem>>)
    %mul3A_398 = arith.constant 4096 : i32
    %mul3A_399 = arith.muli %add3A, %mul3A_398 : i32
    %add3A_400 = arith.constant 2304 : i32
    %add3A_401 = arith.addi %mul3A_399, %add3A_400 : i32
    %dma_wait3A_402 = arith.constant 1 : i32
    %dma_wait3A_403 = arith.constant 0 : i32
    %dma_wait3A_404 = arith.constant 0 : i32
    %dma_wait3A_405 = tpu.memref_slice %arg7[%dma_wait3A_402, %dma_wait3A_403, %dma_wait3A_404] : memref<2x256x128xf32, #tpu.memory_space<vmem>> -> memref<1x256x128xf32, #tpu.memory_space<vmem>>
    %dma_wait3A_406 = tpu.memref_squeeze %dma_wait3A_405 : memref<1x256x128xf32, #tpu.memory_space<vmem>> -> memref<256x128xf32, #tpu.memory_space<vmem>>
    %dma_wait3A_407 = arith.constant 0 : i32
    %dma_wait3A_408 = tpu.memref_slice %arg4[%add3A_376, %dma_wait3A_407] : memref<131072x128xf32, #tpu.memory_space<hbm>> -> memref<256x128xf32, #tpu.memory_space<hbm>>
    %dma_wait3A_409 = arith.constant 0 : i32
    %dma_wait3A_410 = tpu.memref_slice %arg4[%add3A_376, %dma_wait3A_409] : memref<131072x128xf32, #tpu.memory_space<hbm>> -> memref<256x128xf32, #tpu.memory_space<hbm>>
    %dma_wait3A_411 = arith.constant 0 : i32
    %dma_wait3A_412 = arith.constant 0 : i32
    %dma_wait3A_413 = tpu.memref_slice %arg7[%dma_wait3A_402, %dma_wait3A_411, %dma_wait3A_412] : memref<2x256x128xf32, #tpu.memory_space<vmem>> -> memref<1x256x128xf32, #tpu.memory_space<vmem>>
    %dma_wait3A_414 = tpu.memref_squeeze %dma_wait3A_413 : memref<1x256x128xf32, #tpu.memory_space<vmem>> -> memref<256x128xf32, #tpu.memory_space<vmem>>
    tpu.wait_dma2 semaphore(%arg11 : memref<!tpu.dma_semaphore, #tpu.memory_space<semaphore_mem>>) src(%dma_wait3A_414 : memref<256x128xf32, #tpu.memory_space<vmem>>) dst(%dma_wait3A_410 : memref<256x128xf32, #tpu.memory_space<hbm>>)
    "tpu.region"() ({
      %run_scoped3A = tpu.sem_alloc : memref<!tpu.dma_semaphore, #tpu.memory_space<semaphore_mem>>
      %dma_start3A_799 = tpu.memref_slice %arg2[%add3A_401] : memref<131072xi32, #tpu.memory_space<hbm>> -> memref<256xi32, #tpu.memory_space<hbm>>
      %dma_start3A_800 = tpu.memref_slice %arg2[%add3A_401] : memref<131072xi32, #tpu.memory_space<hbm>> -> memref<256xi32, #tpu.memory_space<hbm>>
      tpu.enqueue_dma source(%dma_start3A_800 : memref<256xi32, #tpu.memory_space<hbm>>) target(%arg6 : memref<256xi32, #tpu.memory_space<vmem>>) target_semaphore(%run_scoped3A : memref<!tpu.dma_semaphore, #tpu.memory_space<semaphore_mem>>)
      %dma_wait3A_801 = tpu.memref_slice %arg2[%add3A_401] : memref<131072xi32, #tpu.memory_space<hbm>> -> memref<256xi32, #tpu.memory_space<hbm>>
      %dma_wait3A_802 = tpu.memref_slice %arg2[%add3A_401] : memref<131072xi32, #tpu.memory_space<hbm>> -> memref<256xi32, #tpu.memory_space<hbm>>
      tpu.wait_dma2 semaphore(%run_scoped3A : memref<!tpu.dma_semaphore, #tpu.memory_space<semaphore_mem>>) src(%dma_wait3A_802 : memref<256xi32, #tpu.memory_space<hbm>>) dst(%arg6 : memref<256xi32, #tpu.memory_space<vmem>>)
      tpu.yield
    }) : () -> ()
    %dma_start3A_415 = arith.constant 1 : i32
    %dma_start3A_416 = arith.constant 0 : i32
    %dma_start3A_417 = arith.constant 0 : i32
    %dma_start3A_418 = tpu.memref_slice %arg7[%dma_start3A_415, %dma_start3A_416, %dma_start3A_417] : memref<2x256x128xf32, #tpu.memory_space<vmem>> -> memref<1x256x128xf32, #tpu.memory_space<vmem>>
    %dma_start3A_419 = tpu.memref_squeeze %dma_start3A_418 : memref<1x256x128xf32, #tpu.memory_space<vmem>> -> memref<256x128xf32, #tpu.memory_space<vmem>>
    %dma_start3A_420 = arith.constant 0 : i32
    %dma_start3A_421 = arith.constant 0 : i32
    %dma_start3A_422 = tpu.memref_slice %arg3[%dma_start3A_420, %dma_start3A_421] : memref<4096x128xf32, #tpu.memory_space<hbm>> -> memref<4096x128xf32, #tpu.memory_space<hbm>>
    tpu.enqueue_indirect_dma source(%dma_start3A_422 : memref<4096x128xf32, #tpu.memory_space<hbm>>) target(%dma_start3A_419 : memref<256x128xf32, #tpu.memory_space<vmem>>) offsets(%arg6 : memref<256xi32, #tpu.memory_space<vmem>>) semaphore(%arg9 : memref<!tpu.dma_semaphore, #tpu.memory_space<semaphore_mem>>)
    %mul3A_423 = arith.constant 4096 : i32
    %mul3A_424 = arith.muli %add3A, %mul3A_423 : i32
    %add3A_425 = arith.constant 2048 : i32
    %add3A_426 = arith.addi %mul3A_424, %add3A_425 : i32
    %dma_wait3A_427 = arith.constant 0 : i32
    %dma_wait3A_428 = arith.constant 0 : i32
    %dma_wait3A_429 = arith.constant 0 : i32
    %dma_wait3A_430 = tpu.memref_slice %arg7[%dma_wait3A_427, %dma_wait3A_428, %dma_wait3A_429] : memref<2x256x128xf32, #tpu.memory_space<vmem>> -> memref<1x256x128xf32, #tpu.memory_space<vmem>>
    %dma_wait3A_431 = tpu.memref_squeeze %dma_wait3A_430 : memref<1x256x128xf32, #tpu.memory_space<vmem>> -> memref<256x128xf32, #tpu.memory_space<vmem>>
    %dma_wait3A_432 = arith.constant 0 : i32
    %dma_wait3A_433 = arith.constant 0 : i32
    %dma_wait3A_434 = tpu.memref_slice %arg3[%dma_wait3A_432, %dma_wait3A_433] : memref<4096x128xf32, #tpu.memory_space<hbm>> -> memref<4096x128xf32, #tpu.memory_space<hbm>>
    tpu.wait_indirect_dma semaphore(%arg8 : memref<!tpu.dma_semaphore, #tpu.memory_space<semaphore_mem>>) src(%dma_wait3A_434 : memref<4096x128xf32, #tpu.memory_space<hbm>>) dst(%dma_wait3A_431 : memref<256x128xf32, #tpu.memory_space<vmem>>)
    %dma_start3A_435 = arith.constant 0 : i32
    %dma_start3A_436 = arith.constant 0 : i32
    %dma_start3A_437 = arith.constant 0 : i32
    %dma_start3A_438 = tpu.memref_slice %arg7[%dma_start3A_435, %dma_start3A_436, %dma_start3A_437] : memref<2x256x128xf32, #tpu.memory_space<vmem>> -> memref<1x256x128xf32, #tpu.memory_space<vmem>>
    %dma_start3A_439 = tpu.memref_squeeze %dma_start3A_438 : memref<1x256x128xf32, #tpu.memory_space<vmem>> -> memref<256x128xf32, #tpu.memory_space<vmem>>
    %dma_start3A_440 = arith.constant 0 : i32
    %dma_start3A_441 = tpu.memref_slice %arg4[%add3A_426, %dma_start3A_440] : memref<131072x128xf32, #tpu.memory_space<hbm>> -> memref<256x128xf32, #tpu.memory_space<hbm>>
    %dma_start3A_442 = arith.constant 0 : i32
    %dma_start3A_443 = tpu.memref_slice %arg4[%add3A_426, %dma_start3A_442] : memref<131072x128xf32, #tpu.memory_space<hbm>> -> memref<256x128xf32, #tpu.memory_space<hbm>>
    %dma_start3A_444 = arith.constant 0 : i32
    %dma_start3A_445 = arith.constant 0 : i32
    %dma_start3A_446 = tpu.memref_slice %arg7[%dma_start3A_435, %dma_start3A_444, %dma_start3A_445] : memref<2x256x128xf32, #tpu.memory_space<vmem>> -> memref<1x256x128xf32, #tpu.memory_space<vmem>>
    %dma_start3A_447 = tpu.memref_squeeze %dma_start3A_446 : memref<1x256x128xf32, #tpu.memory_space<vmem>> -> memref<256x128xf32, #tpu.memory_space<vmem>>
    tpu.enqueue_dma source(%dma_start3A_447 : memref<256x128xf32, #tpu.memory_space<vmem>>) target(%dma_start3A_443 : memref<256x128xf32, #tpu.memory_space<hbm>>) target_semaphore(%arg10 : memref<!tpu.dma_semaphore, #tpu.memory_space<semaphore_mem>>)
    %mul3A_448 = arith.constant 4096 : i32
    %mul3A_449 = arith.muli %add3A, %mul3A_448 : i32
    %add3A_450 = arith.constant 2560 : i32
    %add3A_451 = arith.addi %mul3A_449, %add3A_450 : i32
    %dma_wait3A_452 = arith.constant 0 : i32
    %dma_wait3A_453 = arith.constant 0 : i32
    %dma_wait3A_454 = arith.constant 0 : i32
    %dma_wait3A_455 = tpu.memref_slice %arg7[%dma_wait3A_452, %dma_wait3A_453, %dma_wait3A_454] : memref<2x256x128xf32, #tpu.memory_space<vmem>> -> memref<1x256x128xf32, #tpu.memory_space<vmem>>
    %dma_wait3A_456 = tpu.memref_squeeze %dma_wait3A_455 : memref<1x256x128xf32, #tpu.memory_space<vmem>> -> memref<256x128xf32, #tpu.memory_space<vmem>>
    %dma_wait3A_457 = arith.constant 0 : i32
    %dma_wait3A_458 = tpu.memref_slice %arg4[%add3A_426, %dma_wait3A_457] : memref<131072x128xf32, #tpu.memory_space<hbm>> -> memref<256x128xf32, #tpu.memory_space<hbm>>
    %dma_wait3A_459 = arith.constant 0 : i32
    %dma_wait3A_460 = tpu.memref_slice %arg4[%add3A_426, %dma_wait3A_459] : memref<131072x128xf32, #tpu.memory_space<hbm>> -> memref<256x128xf32, #tpu.memory_space<hbm>>
    %dma_wait3A_461 = arith.constant 0 : i32
    %dma_wait3A_462 = arith.constant 0 : i32
    %dma_wait3A_463 = tpu.memref_slice %arg7[%dma_wait3A_452, %dma_wait3A_461, %dma_wait3A_462] : memref<2x256x128xf32, #tpu.memory_space<vmem>> -> memref<1x256x128xf32, #tpu.memory_space<vmem>>
    %dma_wait3A_464 = tpu.memref_squeeze %dma_wait3A_463 : memref<1x256x128xf32, #tpu.memory_space<vmem>> -> memref<256x128xf32, #tpu.memory_space<vmem>>
    tpu.wait_dma2 semaphore(%arg10 : memref<!tpu.dma_semaphore, #tpu.memory_space<semaphore_mem>>) src(%dma_wait3A_464 : memref<256x128xf32, #tpu.memory_space<vmem>>) dst(%dma_wait3A_460 : memref<256x128xf32, #tpu.memory_space<hbm>>)
    "tpu.region"() ({
      %run_scoped3A = tpu.sem_alloc : memref<!tpu.dma_semaphore, #tpu.memory_space<semaphore_mem>>
      %dma_start3A_799 = tpu.memref_slice %arg2[%add3A_451] : memref<131072xi32, #tpu.memory_space<hbm>> -> memref<256xi32, #tpu.memory_space<hbm>>
      %dma_start3A_800 = tpu.memref_slice %arg2[%add3A_451] : memref<131072xi32, #tpu.memory_space<hbm>> -> memref<256xi32, #tpu.memory_space<hbm>>
      tpu.enqueue_dma source(%dma_start3A_800 : memref<256xi32, #tpu.memory_space<hbm>>) target(%arg5 : memref<256xi32, #tpu.memory_space<vmem>>) target_semaphore(%run_scoped3A : memref<!tpu.dma_semaphore, #tpu.memory_space<semaphore_mem>>)
      %dma_wait3A_801 = tpu.memref_slice %arg2[%add3A_451] : memref<131072xi32, #tpu.memory_space<hbm>> -> memref<256xi32, #tpu.memory_space<hbm>>
      %dma_wait3A_802 = tpu.memref_slice %arg2[%add3A_451] : memref<131072xi32, #tpu.memory_space<hbm>> -> memref<256xi32, #tpu.memory_space<hbm>>
      tpu.wait_dma2 semaphore(%run_scoped3A : memref<!tpu.dma_semaphore, #tpu.memory_space<semaphore_mem>>) src(%dma_wait3A_802 : memref<256xi32, #tpu.memory_space<hbm>>) dst(%arg5 : memref<256xi32, #tpu.memory_space<vmem>>)
      tpu.yield
    }) : () -> ()
    %dma_start3A_465 = arith.constant 0 : i32
    %dma_start3A_466 = arith.constant 0 : i32
    %dma_start3A_467 = arith.constant 0 : i32
    %dma_start3A_468 = tpu.memref_slice %arg7[%dma_start3A_465, %dma_start3A_466, %dma_start3A_467] : memref<2x256x128xf32, #tpu.memory_space<vmem>> -> memref<1x256x128xf32, #tpu.memory_space<vmem>>
    %dma_start3A_469 = tpu.memref_squeeze %dma_start3A_468 : memref<1x256x128xf32, #tpu.memory_space<vmem>> -> memref<256x128xf32, #tpu.memory_space<vmem>>
    %dma_start3A_470 = arith.constant 0 : i32
    %dma_start3A_471 = arith.constant 0 : i32
    %dma_start3A_472 = tpu.memref_slice %arg3[%dma_start3A_470, %dma_start3A_471] : memref<4096x128xf32, #tpu.memory_space<hbm>> -> memref<4096x128xf32, #tpu.memory_space<hbm>>
    tpu.enqueue_indirect_dma source(%dma_start3A_472 : memref<4096x128xf32, #tpu.memory_space<hbm>>) target(%dma_start3A_469 : memref<256x128xf32, #tpu.memory_space<vmem>>) offsets(%arg5 : memref<256xi32, #tpu.memory_space<vmem>>) semaphore(%arg8 : memref<!tpu.dma_semaphore, #tpu.memory_space<semaphore_mem>>)
    %mul3A_473 = arith.constant 4096 : i32
    %mul3A_474 = arith.muli %add3A, %mul3A_473 : i32
    %add3A_475 = arith.constant 2304 : i32
    %add3A_476 = arith.addi %mul3A_474, %add3A_475 : i32
    %dma_wait3A_477 = arith.constant 1 : i32
    %dma_wait3A_478 = arith.constant 0 : i32
    %dma_wait3A_479 = arith.constant 0 : i32
    %dma_wait3A_480 = tpu.memref_slice %arg7[%dma_wait3A_477, %dma_wait3A_478, %dma_wait3A_479] : memref<2x256x128xf32, #tpu.memory_space<vmem>> -> memref<1x256x128xf32, #tpu.memory_space<vmem>>
    %dma_wait3A_481 = tpu.memref_squeeze %dma_wait3A_480 : memref<1x256x128xf32, #tpu.memory_space<vmem>> -> memref<256x128xf32, #tpu.memory_space<vmem>>
    %dma_wait3A_482 = arith.constant 0 : i32
    %dma_wait3A_483 = arith.constant 0 : i32
    %dma_wait3A_484 = tpu.memref_slice %arg3[%dma_wait3A_482, %dma_wait3A_483] : memref<4096x128xf32, #tpu.memory_space<hbm>> -> memref<4096x128xf32, #tpu.memory_space<hbm>>
    tpu.wait_indirect_dma semaphore(%arg9 : memref<!tpu.dma_semaphore, #tpu.memory_space<semaphore_mem>>) src(%dma_wait3A_484 : memref<4096x128xf32, #tpu.memory_space<hbm>>) dst(%dma_wait3A_481 : memref<256x128xf32, #tpu.memory_space<vmem>>)
    %dma_start3A_485 = arith.constant 1 : i32
    %dma_start3A_486 = arith.constant 0 : i32
    %dma_start3A_487 = arith.constant 0 : i32
    %dma_start3A_488 = tpu.memref_slice %arg7[%dma_start3A_485, %dma_start3A_486, %dma_start3A_487] : memref<2x256x128xf32, #tpu.memory_space<vmem>> -> memref<1x256x128xf32, #tpu.memory_space<vmem>>
    %dma_start3A_489 = tpu.memref_squeeze %dma_start3A_488 : memref<1x256x128xf32, #tpu.memory_space<vmem>> -> memref<256x128xf32, #tpu.memory_space<vmem>>
    %dma_start3A_490 = arith.constant 0 : i32
    %dma_start3A_491 = tpu.memref_slice %arg4[%add3A_476, %dma_start3A_490] : memref<131072x128xf32, #tpu.memory_space<hbm>> -> memref<256x128xf32, #tpu.memory_space<hbm>>
    %dma_start3A_492 = arith.constant 0 : i32
    %dma_start3A_493 = tpu.memref_slice %arg4[%add3A_476, %dma_start3A_492] : memref<131072x128xf32, #tpu.memory_space<hbm>> -> memref<256x128xf32, #tpu.memory_space<hbm>>
    %dma_start3A_494 = arith.constant 0 : i32
    %dma_start3A_495 = arith.constant 0 : i32
    %dma_start3A_496 = tpu.memref_slice %arg7[%dma_start3A_485, %dma_start3A_494, %dma_start3A_495] : memref<2x256x128xf32, #tpu.memory_space<vmem>> -> memref<1x256x128xf32, #tpu.memory_space<vmem>>
    %dma_start3A_497 = tpu.memref_squeeze %dma_start3A_496 : memref<1x256x128xf32, #tpu.memory_space<vmem>> -> memref<256x128xf32, #tpu.memory_space<vmem>>
    tpu.enqueue_dma source(%dma_start3A_497 : memref<256x128xf32, #tpu.memory_space<vmem>>) target(%dma_start3A_493 : memref<256x128xf32, #tpu.memory_space<hbm>>) target_semaphore(%arg11 : memref<!tpu.dma_semaphore, #tpu.memory_space<semaphore_mem>>)
    %mul3A_498 = arith.constant 4096 : i32
    %mul3A_499 = arith.muli %add3A, %mul3A_498 : i32
    %add3A_500 = arith.constant 2816 : i32
    %add3A_501 = arith.addi %mul3A_499, %add3A_500 : i32
    %dma_wait3A_502 = arith.constant 1 : i32
    %dma_wait3A_503 = arith.constant 0 : i32
    %dma_wait3A_504 = arith.constant 0 : i32
    %dma_wait3A_505 = tpu.memref_slice %arg7[%dma_wait3A_502, %dma_wait3A_503, %dma_wait3A_504] : memref<2x256x128xf32, #tpu.memory_space<vmem>> -> memref<1x256x128xf32, #tpu.memory_space<vmem>>
    %dma_wait3A_506 = tpu.memref_squeeze %dma_wait3A_505 : memref<1x256x128xf32, #tpu.memory_space<vmem>> -> memref<256x128xf32, #tpu.memory_space<vmem>>
    %dma_wait3A_507 = arith.constant 0 : i32
    %dma_wait3A_508 = tpu.memref_slice %arg4[%add3A_476, %dma_wait3A_507] : memref<131072x128xf32, #tpu.memory_space<hbm>> -> memref<256x128xf32, #tpu.memory_space<hbm>>
    %dma_wait3A_509 = arith.constant 0 : i32
    %dma_wait3A_510 = tpu.memref_slice %arg4[%add3A_476, %dma_wait3A_509] : memref<131072x128xf32, #tpu.memory_space<hbm>> -> memref<256x128xf32, #tpu.memory_space<hbm>>
    %dma_wait3A_511 = arith.constant 0 : i32
    %dma_wait3A_512 = arith.constant 0 : i32
    %dma_wait3A_513 = tpu.memref_slice %arg7[%dma_wait3A_502, %dma_wait3A_511, %dma_wait3A_512] : memref<2x256x128xf32, #tpu.memory_space<vmem>> -> memref<1x256x128xf32, #tpu.memory_space<vmem>>
    %dma_wait3A_514 = tpu.memref_squeeze %dma_wait3A_513 : memref<1x256x128xf32, #tpu.memory_space<vmem>> -> memref<256x128xf32, #tpu.memory_space<vmem>>
    tpu.wait_dma2 semaphore(%arg11 : memref<!tpu.dma_semaphore, #tpu.memory_space<semaphore_mem>>) src(%dma_wait3A_514 : memref<256x128xf32, #tpu.memory_space<vmem>>) dst(%dma_wait3A_510 : memref<256x128xf32, #tpu.memory_space<hbm>>)
    "tpu.region"() ({
      %run_scoped3A = tpu.sem_alloc : memref<!tpu.dma_semaphore, #tpu.memory_space<semaphore_mem>>
      %dma_start3A_799 = tpu.memref_slice %arg2[%add3A_501] : memref<131072xi32, #tpu.memory_space<hbm>> -> memref<256xi32, #tpu.memory_space<hbm>>
      %dma_start3A_800 = tpu.memref_slice %arg2[%add3A_501] : memref<131072xi32, #tpu.memory_space<hbm>> -> memref<256xi32, #tpu.memory_space<hbm>>
      tpu.enqueue_dma source(%dma_start3A_800 : memref<256xi32, #tpu.memory_space<hbm>>) target(%arg6 : memref<256xi32, #tpu.memory_space<vmem>>) target_semaphore(%run_scoped3A : memref<!tpu.dma_semaphore, #tpu.memory_space<semaphore_mem>>)
      %dma_wait3A_801 = tpu.memref_slice %arg2[%add3A_501] : memref<131072xi32, #tpu.memory_space<hbm>> -> memref<256xi32, #tpu.memory_space<hbm>>
      %dma_wait3A_802 = tpu.memref_slice %arg2[%add3A_501] : memref<131072xi32, #tpu.memory_space<hbm>> -> memref<256xi32, #tpu.memory_space<hbm>>
      tpu.wait_dma2 semaphore(%run_scoped3A : memref<!tpu.dma_semaphore, #tpu.memory_space<semaphore_mem>>) src(%dma_wait3A_802 : memref<256xi32, #tpu.memory_space<hbm>>) dst(%arg6 : memref<256xi32, #tpu.memory_space<vmem>>)
      tpu.yield
    }) : () -> ()
    %dma_start3A_515 = arith.constant 1 : i32
    %dma_start3A_516 = arith.constant 0 : i32
    %dma_start3A_517 = arith.constant 0 : i32
    %dma_start3A_518 = tpu.memref_slice %arg7[%dma_start3A_515, %dma_start3A_516, %dma_start3A_517] : memref<2x256x128xf32, #tpu.memory_space<vmem>> -> memref<1x256x128xf32, #tpu.memory_space<vmem>>
    %dma_start3A_519 = tpu.memref_squeeze %dma_start3A_518 : memref<1x256x128xf32, #tpu.memory_space<vmem>> -> memref<256x128xf32, #tpu.memory_space<vmem>>
    %dma_start3A_520 = arith.constant 0 : i32
    %dma_start3A_521 = arith.constant 0 : i32
    %dma_start3A_522 = tpu.memref_slice %arg3[%dma_start3A_520, %dma_start3A_521] : memref<4096x128xf32, #tpu.memory_space<hbm>> -> memref<4096x128xf32, #tpu.memory_space<hbm>>
    tpu.enqueue_indirect_dma source(%dma_start3A_522 : memref<4096x128xf32, #tpu.memory_space<hbm>>) target(%dma_start3A_519 : memref<256x128xf32, #tpu.memory_space<vmem>>) offsets(%arg6 : memref<256xi32, #tpu.memory_space<vmem>>) semaphore(%arg9 : memref<!tpu.dma_semaphore, #tpu.memory_space<semaphore_mem>>)
    %mul3A_523 = arith.constant 4096 : i32
    %mul3A_524 = arith.muli %add3A, %mul3A_523 : i32
    %add3A_525 = arith.constant 2560 : i32
    %add3A_526 = arith.addi %mul3A_524, %add3A_525 : i32
    %dma_wait3A_527 = arith.constant 0 : i32
    %dma_wait3A_528 = arith.constant 0 : i32
    %dma_wait3A_529 = arith.constant 0 : i32
    %dma_wait3A_530 = tpu.memref_slice %arg7[%dma_wait3A_527, %dma_wait3A_528, %dma_wait3A_529] : memref<2x256x128xf32, #tpu.memory_space<vmem>> -> memref<1x256x128xf32, #tpu.memory_space<vmem>>
    %dma_wait3A_531 = tpu.memref_squeeze %dma_wait3A_530 : memref<1x256x128xf32, #tpu.memory_space<vmem>> -> memref<256x128xf32, #tpu.memory_space<vmem>>
    %dma_wait3A_532 = arith.constant 0 : i32
    %dma_wait3A_533 = arith.constant 0 : i32
    %dma_wait3A_534 = tpu.memref_slice %arg3[%dma_wait3A_532, %dma_wait3A_533] : memref<4096x128xf32, #tpu.memory_space<hbm>> -> memref<4096x128xf32, #tpu.memory_space<hbm>>
    tpu.wait_indirect_dma semaphore(%arg8 : memref<!tpu.dma_semaphore, #tpu.memory_space<semaphore_mem>>) src(%dma_wait3A_534 : memref<4096x128xf32, #tpu.memory_space<hbm>>) dst(%dma_wait3A_531 : memref<256x128xf32, #tpu.memory_space<vmem>>)
    %dma_start3A_535 = arith.constant 0 : i32
    %dma_start3A_536 = arith.constant 0 : i32
    %dma_start3A_537 = arith.constant 0 : i32
    %dma_start3A_538 = tpu.memref_slice %arg7[%dma_start3A_535, %dma_start3A_536, %dma_start3A_537] : memref<2x256x128xf32, #tpu.memory_space<vmem>> -> memref<1x256x128xf32, #tpu.memory_space<vmem>>
    %dma_start3A_539 = tpu.memref_squeeze %dma_start3A_538 : memref<1x256x128xf32, #tpu.memory_space<vmem>> -> memref<256x128xf32, #tpu.memory_space<vmem>>
    %dma_start3A_540 = arith.constant 0 : i32
    %dma_start3A_541 = tpu.memref_slice %arg4[%add3A_526, %dma_start3A_540] : memref<131072x128xf32, #tpu.memory_space<hbm>> -> memref<256x128xf32, #tpu.memory_space<hbm>>
    %dma_start3A_542 = arith.constant 0 : i32
    %dma_start3A_543 = tpu.memref_slice %arg4[%add3A_526, %dma_start3A_542] : memref<131072x128xf32, #tpu.memory_space<hbm>> -> memref<256x128xf32, #tpu.memory_space<hbm>>
    %dma_start3A_544 = arith.constant 0 : i32
    %dma_start3A_545 = arith.constant 0 : i32
    %dma_start3A_546 = tpu.memref_slice %arg7[%dma_start3A_535, %dma_start3A_544, %dma_start3A_545] : memref<2x256x128xf32, #tpu.memory_space<vmem>> -> memref<1x256x128xf32, #tpu.memory_space<vmem>>
    %dma_start3A_547 = tpu.memref_squeeze %dma_start3A_546 : memref<1x256x128xf32, #tpu.memory_space<vmem>> -> memref<256x128xf32, #tpu.memory_space<vmem>>
    tpu.enqueue_dma source(%dma_start3A_547 : memref<256x128xf32, #tpu.memory_space<vmem>>) target(%dma_start3A_543 : memref<256x128xf32, #tpu.memory_space<hbm>>) target_semaphore(%arg10 : memref<!tpu.dma_semaphore, #tpu.memory_space<semaphore_mem>>)
    %mul3A_548 = arith.constant 4096 : i32
    %mul3A_549 = arith.muli %add3A, %mul3A_548 : i32
    %add3A_550 = arith.constant 3072 : i32
    %add3A_551 = arith.addi %mul3A_549, %add3A_550 : i32
    %dma_wait3A_552 = arith.constant 0 : i32
    %dma_wait3A_553 = arith.constant 0 : i32
    %dma_wait3A_554 = arith.constant 0 : i32
    %dma_wait3A_555 = tpu.memref_slice %arg7[%dma_wait3A_552, %dma_wait3A_553, %dma_wait3A_554] : memref<2x256x128xf32, #tpu.memory_space<vmem>> -> memref<1x256x128xf32, #tpu.memory_space<vmem>>
    %dma_wait3A_556 = tpu.memref_squeeze %dma_wait3A_555 : memref<1x256x128xf32, #tpu.memory_space<vmem>> -> memref<256x128xf32, #tpu.memory_space<vmem>>
    %dma_wait3A_557 = arith.constant 0 : i32
    %dma_wait3A_558 = tpu.memref_slice %arg4[%add3A_526, %dma_wait3A_557] : memref<131072x128xf32, #tpu.memory_space<hbm>> -> memref<256x128xf32, #tpu.memory_space<hbm>>
    %dma_wait3A_559 = arith.constant 0 : i32
    %dma_wait3A_560 = tpu.memref_slice %arg4[%add3A_526, %dma_wait3A_559] : memref<131072x128xf32, #tpu.memory_space<hbm>> -> memref<256x128xf32, #tpu.memory_space<hbm>>
    %dma_wait3A_561 = arith.constant 0 : i32
    %dma_wait3A_562 = arith.constant 0 : i32
    %dma_wait3A_563 = tpu.memref_slice %arg7[%dma_wait3A_552, %dma_wait3A_561, %dma_wait3A_562] : memref<2x256x128xf32, #tpu.memory_space<vmem>> -> memref<1x256x128xf32, #tpu.memory_space<vmem>>
    %dma_wait3A_564 = tpu.memref_squeeze %dma_wait3A_563 : memref<1x256x128xf32, #tpu.memory_space<vmem>> -> memref<256x128xf32, #tpu.memory_space<vmem>>
    tpu.wait_dma2 semaphore(%arg10 : memref<!tpu.dma_semaphore, #tpu.memory_space<semaphore_mem>>) src(%dma_wait3A_564 : memref<256x128xf32, #tpu.memory_space<vmem>>) dst(%dma_wait3A_560 : memref<256x128xf32, #tpu.memory_space<hbm>>)
    "tpu.region"() ({
      %run_scoped3A = tpu.sem_alloc : memref<!tpu.dma_semaphore, #tpu.memory_space<semaphore_mem>>
      %dma_start3A_799 = tpu.memref_slice %arg2[%add3A_551] : memref<131072xi32, #tpu.memory_space<hbm>> -> memref<256xi32, #tpu.memory_space<hbm>>
      %dma_start3A_800 = tpu.memref_slice %arg2[%add3A_551] : memref<131072xi32, #tpu.memory_space<hbm>> -> memref<256xi32, #tpu.memory_space<hbm>>
      tpu.enqueue_dma source(%dma_start3A_800 : memref<256xi32, #tpu.memory_space<hbm>>) target(%arg5 : memref<256xi32, #tpu.memory_space<vmem>>) target_semaphore(%run_scoped3A : memref<!tpu.dma_semaphore, #tpu.memory_space<semaphore_mem>>)
      %dma_wait3A_801 = tpu.memref_slice %arg2[%add3A_551] : memref<131072xi32, #tpu.memory_space<hbm>> -> memref<256xi32, #tpu.memory_space<hbm>>
      %dma_wait3A_802 = tpu.memref_slice %arg2[%add3A_551] : memref<131072xi32, #tpu.memory_space<hbm>> -> memref<256xi32, #tpu.memory_space<hbm>>
      tpu.wait_dma2 semaphore(%run_scoped3A : memref<!tpu.dma_semaphore, #tpu.memory_space<semaphore_mem>>) src(%dma_wait3A_802 : memref<256xi32, #tpu.memory_space<hbm>>) dst(%arg5 : memref<256xi32, #tpu.memory_space<vmem>>)
      tpu.yield
    }) : () -> ()
    %dma_start3A_565 = arith.constant 0 : i32
    %dma_start3A_566 = arith.constant 0 : i32
    %dma_start3A_567 = arith.constant 0 : i32
    %dma_start3A_568 = tpu.memref_slice %arg7[%dma_start3A_565, %dma_start3A_566, %dma_start3A_567] : memref<2x256x128xf32, #tpu.memory_space<vmem>> -> memref<1x256x128xf32, #tpu.memory_space<vmem>>
    %dma_start3A_569 = tpu.memref_squeeze %dma_start3A_568 : memref<1x256x128xf32, #tpu.memory_space<vmem>> -> memref<256x128xf32, #tpu.memory_space<vmem>>
    %dma_start3A_570 = arith.constant 0 : i32
    %dma_start3A_571 = arith.constant 0 : i32
    %dma_start3A_572 = tpu.memref_slice %arg3[%dma_start3A_570, %dma_start3A_571] : memref<4096x128xf32, #tpu.memory_space<hbm>> -> memref<4096x128xf32, #tpu.memory_space<hbm>>
    tpu.enqueue_indirect_dma source(%dma_start3A_572 : memref<4096x128xf32, #tpu.memory_space<hbm>>) target(%dma_start3A_569 : memref<256x128xf32, #tpu.memory_space<vmem>>) offsets(%arg5 : memref<256xi32, #tpu.memory_space<vmem>>) semaphore(%arg8 : memref<!tpu.dma_semaphore, #tpu.memory_space<semaphore_mem>>)
    %mul3A_573 = arith.constant 4096 : i32
    %mul3A_574 = arith.muli %add3A, %mul3A_573 : i32
    %add3A_575 = arith.constant 2816 : i32
    %add3A_576 = arith.addi %mul3A_574, %add3A_575 : i32
    %dma_wait3A_577 = arith.constant 1 : i32
    %dma_wait3A_578 = arith.constant 0 : i32
    %dma_wait3A_579 = arith.constant 0 : i32
    %dma_wait3A_580 = tpu.memref_slice %arg7[%dma_wait3A_577, %dma_wait3A_578, %dma_wait3A_579] : memref<2x256x128xf32, #tpu.memory_space<vmem>> -> memref<1x256x128xf32, #tpu.memory_space<vmem>>
    %dma_wait3A_581 = tpu.memref_squeeze %dma_wait3A_580 : memref<1x256x128xf32, #tpu.memory_space<vmem>> -> memref<256x128xf32, #tpu.memory_space<vmem>>
    %dma_wait3A_582 = arith.constant 0 : i32
    %dma_wait3A_583 = arith.constant 0 : i32
    %dma_wait3A_584 = tpu.memref_slice %arg3[%dma_wait3A_582, %dma_wait3A_583] : memref<4096x128xf32, #tpu.memory_space<hbm>> -> memref<4096x128xf32, #tpu.memory_space<hbm>>
    tpu.wait_indirect_dma semaphore(%arg9 : memref<!tpu.dma_semaphore, #tpu.memory_space<semaphore_mem>>) src(%dma_wait3A_584 : memref<4096x128xf32, #tpu.memory_space<hbm>>) dst(%dma_wait3A_581 : memref<256x128xf32, #tpu.memory_space<vmem>>)
    %dma_start3A_585 = arith.constant 1 : i32
    %dma_start3A_586 = arith.constant 0 : i32
    %dma_start3A_587 = arith.constant 0 : i32
    %dma_start3A_588 = tpu.memref_slice %arg7[%dma_start3A_585, %dma_start3A_586, %dma_start3A_587] : memref<2x256x128xf32, #tpu.memory_space<vmem>> -> memref<1x256x128xf32, #tpu.memory_space<vmem>>
    %dma_start3A_589 = tpu.memref_squeeze %dma_start3A_588 : memref<1x256x128xf32, #tpu.memory_space<vmem>> -> memref<256x128xf32, #tpu.memory_space<vmem>>
    %dma_start3A_590 = arith.constant 0 : i32
    %dma_start3A_591 = tpu.memref_slice %arg4[%add3A_576, %dma_start3A_590] : memref<131072x128xf32, #tpu.memory_space<hbm>> -> memref<256x128xf32, #tpu.memory_space<hbm>>
    %dma_start3A_592 = arith.constant 0 : i32
    %dma_start3A_593 = tpu.memref_slice %arg4[%add3A_576, %dma_start3A_592] : memref<131072x128xf32, #tpu.memory_space<hbm>> -> memref<256x128xf32, #tpu.memory_space<hbm>>
    %dma_start3A_594 = arith.constant 0 : i32
    %dma_start3A_595 = arith.constant 0 : i32
    %dma_start3A_596 = tpu.memref_slice %arg7[%dma_start3A_585, %dma_start3A_594, %dma_start3A_595] : memref<2x256x128xf32, #tpu.memory_space<vmem>> -> memref<1x256x128xf32, #tpu.memory_space<vmem>>
    %dma_start3A_597 = tpu.memref_squeeze %dma_start3A_596 : memref<1x256x128xf32, #tpu.memory_space<vmem>> -> memref<256x128xf32, #tpu.memory_space<vmem>>
    tpu.enqueue_dma source(%dma_start3A_597 : memref<256x128xf32, #tpu.memory_space<vmem>>) target(%dma_start3A_593 : memref<256x128xf32, #tpu.memory_space<hbm>>) target_semaphore(%arg11 : memref<!tpu.dma_semaphore, #tpu.memory_space<semaphore_mem>>)
    %mul3A_598 = arith.constant 4096 : i32
    %mul3A_599 = arith.muli %add3A, %mul3A_598 : i32
    %add3A_600 = arith.constant 3328 : i32
    %add3A_601 = arith.addi %mul3A_599, %add3A_600 : i32
    %dma_wait3A_602 = arith.constant 1 : i32
    %dma_wait3A_603 = arith.constant 0 : i32
    %dma_wait3A_604 = arith.constant 0 : i32
    %dma_wait3A_605 = tpu.memref_slice %arg7[%dma_wait3A_602, %dma_wait3A_603, %dma_wait3A_604] : memref<2x256x128xf32, #tpu.memory_space<vmem>> -> memref<1x256x128xf32, #tpu.memory_space<vmem>>
    %dma_wait3A_606 = tpu.memref_squeeze %dma_wait3A_605 : memref<1x256x128xf32, #tpu.memory_space<vmem>> -> memref<256x128xf32, #tpu.memory_space<vmem>>
    %dma_wait3A_607 = arith.constant 0 : i32
    %dma_wait3A_608 = tpu.memref_slice %arg4[%add3A_576, %dma_wait3A_607] : memref<131072x128xf32, #tpu.memory_space<hbm>> -> memref<256x128xf32, #tpu.memory_space<hbm>>
    %dma_wait3A_609 = arith.constant 0 : i32
    %dma_wait3A_610 = tpu.memref_slice %arg4[%add3A_576, %dma_wait3A_609] : memref<131072x128xf32, #tpu.memory_space<hbm>> -> memref<256x128xf32, #tpu.memory_space<hbm>>
    %dma_wait3A_611 = arith.constant 0 : i32
    %dma_wait3A_612 = arith.constant 0 : i32
    %dma_wait3A_613 = tpu.memref_slice %arg7[%dma_wait3A_602, %dma_wait3A_611, %dma_wait3A_612] : memref<2x256x128xf32, #tpu.memory_space<vmem>> -> memref<1x256x128xf32, #tpu.memory_space<vmem>>
    %dma_wait3A_614 = tpu.memref_squeeze %dma_wait3A_613 : memref<1x256x128xf32, #tpu.memory_space<vmem>> -> memref<256x128xf32, #tpu.memory_space<vmem>>
    tpu.wait_dma2 semaphore(%arg11 : memref<!tpu.dma_semaphore, #tpu.memory_space<semaphore_mem>>) src(%dma_wait3A_614 : memref<256x128xf32, #tpu.memory_space<vmem>>) dst(%dma_wait3A_610 : memref<256x128xf32, #tpu.memory_space<hbm>>)
    "tpu.region"() ({
      %run_scoped3A = tpu.sem_alloc : memref<!tpu.dma_semaphore, #tpu.memory_space<semaphore_mem>>
      %dma_start3A_799 = tpu.memref_slice %arg2[%add3A_601] : memref<131072xi32, #tpu.memory_space<hbm>> -> memref<256xi32, #tpu.memory_space<hbm>>
      %dma_start3A_800 = tpu.memref_slice %arg2[%add3A_601] : memref<131072xi32, #tpu.memory_space<hbm>> -> memref<256xi32, #tpu.memory_space<hbm>>
      tpu.enqueue_dma source(%dma_start3A_800 : memref<256xi32, #tpu.memory_space<hbm>>) target(%arg6 : memref<256xi32, #tpu.memory_space<vmem>>) target_semaphore(%run_scoped3A : memref<!tpu.dma_semaphore, #tpu.memory_space<semaphore_mem>>)
      %dma_wait3A_801 = tpu.memref_slice %arg2[%add3A_601] : memref<131072xi32, #tpu.memory_space<hbm>> -> memref<256xi32, #tpu.memory_space<hbm>>
      %dma_wait3A_802 = tpu.memref_slice %arg2[%add3A_601] : memref<131072xi32, #tpu.memory_space<hbm>> -> memref<256xi32, #tpu.memory_space<hbm>>
      tpu.wait_dma2 semaphore(%run_scoped3A : memref<!tpu.dma_semaphore, #tpu.memory_space<semaphore_mem>>) src(%dma_wait3A_802 : memref<256xi32, #tpu.memory_space<hbm>>) dst(%arg6 : memref<256xi32, #tpu.memory_space<vmem>>)
      tpu.yield
    }) : () -> ()
    %dma_start3A_615 = arith.constant 1 : i32
    %dma_start3A_616 = arith.constant 0 : i32
    %dma_start3A_617 = arith.constant 0 : i32
    %dma_start3A_618 = tpu.memref_slice %arg7[%dma_start3A_615, %dma_start3A_616, %dma_start3A_617] : memref<2x256x128xf32, #tpu.memory_space<vmem>> -> memref<1x256x128xf32, #tpu.memory_space<vmem>>
    %dma_start3A_619 = tpu.memref_squeeze %dma_start3A_618 : memref<1x256x128xf32, #tpu.memory_space<vmem>> -> memref<256x128xf32, #tpu.memory_space<vmem>>
    %dma_start3A_620 = arith.constant 0 : i32
    %dma_start3A_621 = arith.constant 0 : i32
    %dma_start3A_622 = tpu.memref_slice %arg3[%dma_start3A_620, %dma_start3A_621] : memref<4096x128xf32, #tpu.memory_space<hbm>> -> memref<4096x128xf32, #tpu.memory_space<hbm>>
    tpu.enqueue_indirect_dma source(%dma_start3A_622 : memref<4096x128xf32, #tpu.memory_space<hbm>>) target(%dma_start3A_619 : memref<256x128xf32, #tpu.memory_space<vmem>>) offsets(%arg6 : memref<256xi32, #tpu.memory_space<vmem>>) semaphore(%arg9 : memref<!tpu.dma_semaphore, #tpu.memory_space<semaphore_mem>>)
    %mul3A_623 = arith.constant 4096 : i32
    %mul3A_624 = arith.muli %add3A, %mul3A_623 : i32
    %add3A_625 = arith.constant 3072 : i32
    %add3A_626 = arith.addi %mul3A_624, %add3A_625 : i32
    %dma_wait3A_627 = arith.constant 0 : i32
    %dma_wait3A_628 = arith.constant 0 : i32
    %dma_wait3A_629 = arith.constant 0 : i32
    %dma_wait3A_630 = tpu.memref_slice %arg7[%dma_wait3A_627, %dma_wait3A_628, %dma_wait3A_629] : memref<2x256x128xf32, #tpu.memory_space<vmem>> -> memref<1x256x128xf32, #tpu.memory_space<vmem>>
    %dma_wait3A_631 = tpu.memref_squeeze %dma_wait3A_630 : memref<1x256x128xf32, #tpu.memory_space<vmem>> -> memref<256x128xf32, #tpu.memory_space<vmem>>
    %dma_wait3A_632 = arith.constant 0 : i32
    %dma_wait3A_633 = arith.constant 0 : i32
    %dma_wait3A_634 = tpu.memref_slice %arg3[%dma_wait3A_632, %dma_wait3A_633] : memref<4096x128xf32, #tpu.memory_space<hbm>> -> memref<4096x128xf32, #tpu.memory_space<hbm>>
    tpu.wait_indirect_dma semaphore(%arg8 : memref<!tpu.dma_semaphore, #tpu.memory_space<semaphore_mem>>) src(%dma_wait3A_634 : memref<4096x128xf32, #tpu.memory_space<hbm>>) dst(%dma_wait3A_631 : memref<256x128xf32, #tpu.memory_space<vmem>>)
    %dma_start3A_635 = arith.constant 0 : i32
    %dma_start3A_636 = arith.constant 0 : i32
    %dma_start3A_637 = arith.constant 0 : i32
    %dma_start3A_638 = tpu.memref_slice %arg7[%dma_start3A_635, %dma_start3A_636, %dma_start3A_637] : memref<2x256x128xf32, #tpu.memory_space<vmem>> -> memref<1x256x128xf32, #tpu.memory_space<vmem>>
    %dma_start3A_639 = tpu.memref_squeeze %dma_start3A_638 : memref<1x256x128xf32, #tpu.memory_space<vmem>> -> memref<256x128xf32, #tpu.memory_space<vmem>>
    %dma_start3A_640 = arith.constant 0 : i32
    %dma_start3A_641 = tpu.memref_slice %arg4[%add3A_626, %dma_start3A_640] : memref<131072x128xf32, #tpu.memory_space<hbm>> -> memref<256x128xf32, #tpu.memory_space<hbm>>
    %dma_start3A_642 = arith.constant 0 : i32
    %dma_start3A_643 = tpu.memref_slice %arg4[%add3A_626, %dma_start3A_642] : memref<131072x128xf32, #tpu.memory_space<hbm>> -> memref<256x128xf32, #tpu.memory_space<hbm>>
    %dma_start3A_644 = arith.constant 0 : i32
    %dma_start3A_645 = arith.constant 0 : i32
    %dma_start3A_646 = tpu.memref_slice %arg7[%dma_start3A_635, %dma_start3A_644, %dma_start3A_645] : memref<2x256x128xf32, #tpu.memory_space<vmem>> -> memref<1x256x128xf32, #tpu.memory_space<vmem>>
    %dma_start3A_647 = tpu.memref_squeeze %dma_start3A_646 : memref<1x256x128xf32, #tpu.memory_space<vmem>> -> memref<256x128xf32, #tpu.memory_space<vmem>>
    tpu.enqueue_dma source(%dma_start3A_647 : memref<256x128xf32, #tpu.memory_space<vmem>>) target(%dma_start3A_643 : memref<256x128xf32, #tpu.memory_space<hbm>>) target_semaphore(%arg10 : memref<!tpu.dma_semaphore, #tpu.memory_space<semaphore_mem>>)
    %mul3A_648 = arith.constant 4096 : i32
    %mul3A_649 = arith.muli %add3A, %mul3A_648 : i32
    %add3A_650 = arith.constant 3584 : i32
    %add3A_651 = arith.addi %mul3A_649, %add3A_650 : i32
    %dma_wait3A_652 = arith.constant 0 : i32
    %dma_wait3A_653 = arith.constant 0 : i32
    %dma_wait3A_654 = arith.constant 0 : i32
    %dma_wait3A_655 = tpu.memref_slice %arg7[%dma_wait3A_652, %dma_wait3A_653, %dma_wait3A_654] : memref<2x256x128xf32, #tpu.memory_space<vmem>> -> memref<1x256x128xf32, #tpu.memory_space<vmem>>
    %dma_wait3A_656 = tpu.memref_squeeze %dma_wait3A_655 : memref<1x256x128xf32, #tpu.memory_space<vmem>> -> memref<256x128xf32, #tpu.memory_space<vmem>>
    %dma_wait3A_657 = arith.constant 0 : i32
    %dma_wait3A_658 = tpu.memref_slice %arg4[%add3A_626, %dma_wait3A_657] : memref<131072x128xf32, #tpu.memory_space<hbm>> -> memref<256x128xf32, #tpu.memory_space<hbm>>
    %dma_wait3A_659 = arith.constant 0 : i32
    %dma_wait3A_660 = tpu.memref_slice %arg4[%add3A_626, %dma_wait3A_659] : memref<131072x128xf32, #tpu.memory_space<hbm>> -> memref<256x128xf32, #tpu.memory_space<hbm>>
    %dma_wait3A_661 = arith.constant 0 : i32
    %dma_wait3A_662 = arith.constant 0 : i32
    %dma_wait3A_663 = tpu.memref_slice %arg7[%dma_wait3A_652, %dma_wait3A_661, %dma_wait3A_662] : memref<2x256x128xf32, #tpu.memory_space<vmem>> -> memref<1x256x128xf32, #tpu.memory_space<vmem>>
    %dma_wait3A_664 = tpu.memref_squeeze %dma_wait3A_663 : memref<1x256x128xf32, #tpu.memory_space<vmem>> -> memref<256x128xf32, #tpu.memory_space<vmem>>
    tpu.wait_dma2 semaphore(%arg10 : memref<!tpu.dma_semaphore, #tpu.memory_space<semaphore_mem>>) src(%dma_wait3A_664 : memref<256x128xf32, #tpu.memory_space<vmem>>) dst(%dma_wait3A_660 : memref<256x128xf32, #tpu.memory_space<hbm>>)
    "tpu.region"() ({
      %run_scoped3A = tpu.sem_alloc : memref<!tpu.dma_semaphore, #tpu.memory_space<semaphore_mem>>
      %dma_start3A_799 = tpu.memref_slice %arg2[%add3A_651] : memref<131072xi32, #tpu.memory_space<hbm>> -> memref<256xi32, #tpu.memory_space<hbm>>
      %dma_start3A_800 = tpu.memref_slice %arg2[%add3A_651] : memref<131072xi32, #tpu.memory_space<hbm>> -> memref<256xi32, #tpu.memory_space<hbm>>
      tpu.enqueue_dma source(%dma_start3A_800 : memref<256xi32, #tpu.memory_space<hbm>>) target(%arg5 : memref<256xi32, #tpu.memory_space<vmem>>) target_semaphore(%run_scoped3A : memref<!tpu.dma_semaphore, #tpu.memory_space<semaphore_mem>>)
      %dma_wait3A_801 = tpu.memref_slice %arg2[%add3A_651] : memref<131072xi32, #tpu.memory_space<hbm>> -> memref<256xi32, #tpu.memory_space<hbm>>
      %dma_wait3A_802 = tpu.memref_slice %arg2[%add3A_651] : memref<131072xi32, #tpu.memory_space<hbm>> -> memref<256xi32, #tpu.memory_space<hbm>>
      tpu.wait_dma2 semaphore(%run_scoped3A : memref<!tpu.dma_semaphore, #tpu.memory_space<semaphore_mem>>) src(%dma_wait3A_802 : memref<256xi32, #tpu.memory_space<hbm>>) dst(%arg5 : memref<256xi32, #tpu.memory_space<vmem>>)
      tpu.yield
    }) : () -> ()
    %dma_start3A_665 = arith.constant 0 : i32
    %dma_start3A_666 = arith.constant 0 : i32
    %dma_start3A_667 = arith.constant 0 : i32
    %dma_start3A_668 = tpu.memref_slice %arg7[%dma_start3A_665, %dma_start3A_666, %dma_start3A_667] : memref<2x256x128xf32, #tpu.memory_space<vmem>> -> memref<1x256x128xf32, #tpu.memory_space<vmem>>
    %dma_start3A_669 = tpu.memref_squeeze %dma_start3A_668 : memref<1x256x128xf32, #tpu.memory_space<vmem>> -> memref<256x128xf32, #tpu.memory_space<vmem>>
    %dma_start3A_670 = arith.constant 0 : i32
    %dma_start3A_671 = arith.constant 0 : i32
    %dma_start3A_672 = tpu.memref_slice %arg3[%dma_start3A_670, %dma_start3A_671] : memref<4096x128xf32, #tpu.memory_space<hbm>> -> memref<4096x128xf32, #tpu.memory_space<hbm>>
    tpu.enqueue_indirect_dma source(%dma_start3A_672 : memref<4096x128xf32, #tpu.memory_space<hbm>>) target(%dma_start3A_669 : memref<256x128xf32, #tpu.memory_space<vmem>>) offsets(%arg5 : memref<256xi32, #tpu.memory_space<vmem>>) semaphore(%arg8 : memref<!tpu.dma_semaphore, #tpu.memory_space<semaphore_mem>>)
    %mul3A_673 = arith.constant 4096 : i32
    %mul3A_674 = arith.muli %add3A, %mul3A_673 : i32
    %add3A_675 = arith.constant 3328 : i32
    %add3A_676 = arith.addi %mul3A_674, %add3A_675 : i32
    %dma_wait3A_677 = arith.constant 1 : i32
    %dma_wait3A_678 = arith.constant 0 : i32
    %dma_wait3A_679 = arith.constant 0 : i32
    %dma_wait3A_680 = tpu.memref_slice %arg7[%dma_wait3A_677, %dma_wait3A_678, %dma_wait3A_679] : memref<2x256x128xf32, #tpu.memory_space<vmem>> -> memref<1x256x128xf32, #tpu.memory_space<vmem>>
    %dma_wait3A_681 = tpu.memref_squeeze %dma_wait3A_680 : memref<1x256x128xf32, #tpu.memory_space<vmem>> -> memref<256x128xf32, #tpu.memory_space<vmem>>
    %dma_wait3A_682 = arith.constant 0 : i32
    %dma_wait3A_683 = arith.constant 0 : i32
    %dma_wait3A_684 = tpu.memref_slice %arg3[%dma_wait3A_682, %dma_wait3A_683] : memref<4096x128xf32, #tpu.memory_space<hbm>> -> memref<4096x128xf32, #tpu.memory_space<hbm>>
    tpu.wait_indirect_dma semaphore(%arg9 : memref<!tpu.dma_semaphore, #tpu.memory_space<semaphore_mem>>) src(%dma_wait3A_684 : memref<4096x128xf32, #tpu.memory_space<hbm>>) dst(%dma_wait3A_681 : memref<256x128xf32, #tpu.memory_space<vmem>>)
    %dma_start3A_685 = arith.constant 1 : i32
    %dma_start3A_686 = arith.constant 0 : i32
    %dma_start3A_687 = arith.constant 0 : i32
    %dma_start3A_688 = tpu.memref_slice %arg7[%dma_start3A_685, %dma_start3A_686, %dma_start3A_687] : memref<2x256x128xf32, #tpu.memory_space<vmem>> -> memref<1x256x128xf32, #tpu.memory_space<vmem>>
    %dma_start3A_689 = tpu.memref_squeeze %dma_start3A_688 : memref<1x256x128xf32, #tpu.memory_space<vmem>> -> memref<256x128xf32, #tpu.memory_space<vmem>>
    %dma_start3A_690 = arith.constant 0 : i32
    %dma_start3A_691 = tpu.memref_slice %arg4[%add3A_676, %dma_start3A_690] : memref<131072x128xf32, #tpu.memory_space<hbm>> -> memref<256x128xf32, #tpu.memory_space<hbm>>
    %dma_start3A_692 = arith.constant 0 : i32
    %dma_start3A_693 = tpu.memref_slice %arg4[%add3A_676, %dma_start3A_692] : memref<131072x128xf32, #tpu.memory_space<hbm>> -> memref<256x128xf32, #tpu.memory_space<hbm>>
    %dma_start3A_694 = arith.constant 0 : i32
    %dma_start3A_695 = arith.constant 0 : i32
    %dma_start3A_696 = tpu.memref_slice %arg7[%dma_start3A_685, %dma_start3A_694, %dma_start3A_695] : memref<2x256x128xf32, #tpu.memory_space<vmem>> -> memref<1x256x128xf32, #tpu.memory_space<vmem>>
    %dma_start3A_697 = tpu.memref_squeeze %dma_start3A_696 : memref<1x256x128xf32, #tpu.memory_space<vmem>> -> memref<256x128xf32, #tpu.memory_space<vmem>>
    tpu.enqueue_dma source(%dma_start3A_697 : memref<256x128xf32, #tpu.memory_space<vmem>>) target(%dma_start3A_693 : memref<256x128xf32, #tpu.memory_space<hbm>>) target_semaphore(%arg11 : memref<!tpu.dma_semaphore, #tpu.memory_space<semaphore_mem>>)
    %mul3A_698 = arith.constant 4096 : i32
    %mul3A_699 = arith.muli %add3A, %mul3A_698 : i32
    %add3A_700 = arith.constant 3840 : i32
    %add3A_701 = arith.addi %mul3A_699, %add3A_700 : i32
    %dma_wait3A_702 = arith.constant 1 : i32
    %dma_wait3A_703 = arith.constant 0 : i32
    %dma_wait3A_704 = arith.constant 0 : i32
    %dma_wait3A_705 = tpu.memref_slice %arg7[%dma_wait3A_702, %dma_wait3A_703, %dma_wait3A_704] : memref<2x256x128xf32, #tpu.memory_space<vmem>> -> memref<1x256x128xf32, #tpu.memory_space<vmem>>
    %dma_wait3A_706 = tpu.memref_squeeze %dma_wait3A_705 : memref<1x256x128xf32, #tpu.memory_space<vmem>> -> memref<256x128xf32, #tpu.memory_space<vmem>>
    %dma_wait3A_707 = arith.constant 0 : i32
    %dma_wait3A_708 = tpu.memref_slice %arg4[%add3A_676, %dma_wait3A_707] : memref<131072x128xf32, #tpu.memory_space<hbm>> -> memref<256x128xf32, #tpu.memory_space<hbm>>
    %dma_wait3A_709 = arith.constant 0 : i32
    %dma_wait3A_710 = tpu.memref_slice %arg4[%add3A_676, %dma_wait3A_709] : memref<131072x128xf32, #tpu.memory_space<hbm>> -> memref<256x128xf32, #tpu.memory_space<hbm>>
    %dma_wait3A_711 = arith.constant 0 : i32
    %dma_wait3A_712 = arith.constant 0 : i32
    %dma_wait3A_713 = tpu.memref_slice %arg7[%dma_wait3A_702, %dma_wait3A_711, %dma_wait3A_712] : memref<2x256x128xf32, #tpu.memory_space<vmem>> -> memref<1x256x128xf32, #tpu.memory_space<vmem>>
    %dma_wait3A_714 = tpu.memref_squeeze %dma_wait3A_713 : memref<1x256x128xf32, #tpu.memory_space<vmem>> -> memref<256x128xf32, #tpu.memory_space<vmem>>
    tpu.wait_dma2 semaphore(%arg11 : memref<!tpu.dma_semaphore, #tpu.memory_space<semaphore_mem>>) src(%dma_wait3A_714 : memref<256x128xf32, #tpu.memory_space<vmem>>) dst(%dma_wait3A_710 : memref<256x128xf32, #tpu.memory_space<hbm>>)
    "tpu.region"() ({
      %run_scoped3A = tpu.sem_alloc : memref<!tpu.dma_semaphore, #tpu.memory_space<semaphore_mem>>
      %dma_start3A_799 = tpu.memref_slice %arg2[%add3A_701] : memref<131072xi32, #tpu.memory_space<hbm>> -> memref<256xi32, #tpu.memory_space<hbm>>
      %dma_start3A_800 = tpu.memref_slice %arg2[%add3A_701] : memref<131072xi32, #tpu.memory_space<hbm>> -> memref<256xi32, #tpu.memory_space<hbm>>
      tpu.enqueue_dma source(%dma_start3A_800 : memref<256xi32, #tpu.memory_space<hbm>>) target(%arg6 : memref<256xi32, #tpu.memory_space<vmem>>) target_semaphore(%run_scoped3A : memref<!tpu.dma_semaphore, #tpu.memory_space<semaphore_mem>>)
      %dma_wait3A_801 = tpu.memref_slice %arg2[%add3A_701] : memref<131072xi32, #tpu.memory_space<hbm>> -> memref<256xi32, #tpu.memory_space<hbm>>
      %dma_wait3A_802 = tpu.memref_slice %arg2[%add3A_701] : memref<131072xi32, #tpu.memory_space<hbm>> -> memref<256xi32, #tpu.memory_space<hbm>>
      tpu.wait_dma2 semaphore(%run_scoped3A : memref<!tpu.dma_semaphore, #tpu.memory_space<semaphore_mem>>) src(%dma_wait3A_802 : memref<256xi32, #tpu.memory_space<hbm>>) dst(%arg6 : memref<256xi32, #tpu.memory_space<vmem>>)
      tpu.yield
    }) : () -> ()
    %dma_start3A_715 = arith.constant 1 : i32
    %dma_start3A_716 = arith.constant 0 : i32
    %dma_start3A_717 = arith.constant 0 : i32
    %dma_start3A_718 = tpu.memref_slice %arg7[%dma_start3A_715, %dma_start3A_716, %dma_start3A_717] : memref<2x256x128xf32, #tpu.memory_space<vmem>> -> memref<1x256x128xf32, #tpu.memory_space<vmem>>
    %dma_start3A_719 = tpu.memref_squeeze %dma_start3A_718 : memref<1x256x128xf32, #tpu.memory_space<vmem>> -> memref<256x128xf32, #tpu.memory_space<vmem>>
    %dma_start3A_720 = arith.constant 0 : i32
    %dma_start3A_721 = arith.constant 0 : i32
    %dma_start3A_722 = tpu.memref_slice %arg3[%dma_start3A_720, %dma_start3A_721] : memref<4096x128xf32, #tpu.memory_space<hbm>> -> memref<4096x128xf32, #tpu.memory_space<hbm>>
    tpu.enqueue_indirect_dma source(%dma_start3A_722 : memref<4096x128xf32, #tpu.memory_space<hbm>>) target(%dma_start3A_719 : memref<256x128xf32, #tpu.memory_space<vmem>>) offsets(%arg6 : memref<256xi32, #tpu.memory_space<vmem>>) semaphore(%arg9 : memref<!tpu.dma_semaphore, #tpu.memory_space<semaphore_mem>>)
    %mul3A_723 = arith.constant 4096 : i32
    %mul3A_724 = arith.muli %add3A, %mul3A_723 : i32
    %add3A_725 = arith.constant 3584 : i32
    %add3A_726 = arith.addi %mul3A_724, %add3A_725 : i32
    %dma_wait3A_727 = arith.constant 0 : i32
    %dma_wait3A_728 = arith.constant 0 : i32
    %dma_wait3A_729 = arith.constant 0 : i32
    %dma_wait3A_730 = tpu.memref_slice %arg7[%dma_wait3A_727, %dma_wait3A_728, %dma_wait3A_729] : memref<2x256x128xf32, #tpu.memory_space<vmem>> -> memref<1x256x128xf32, #tpu.memory_space<vmem>>
    %dma_wait3A_731 = tpu.memref_squeeze %dma_wait3A_730 : memref<1x256x128xf32, #tpu.memory_space<vmem>> -> memref<256x128xf32, #tpu.memory_space<vmem>>
    %dma_wait3A_732 = arith.constant 0 : i32
    %dma_wait3A_733 = arith.constant 0 : i32
    %dma_wait3A_734 = tpu.memref_slice %arg3[%dma_wait3A_732, %dma_wait3A_733] : memref<4096x128xf32, #tpu.memory_space<hbm>> -> memref<4096x128xf32, #tpu.memory_space<hbm>>
    tpu.wait_indirect_dma semaphore(%arg8 : memref<!tpu.dma_semaphore, #tpu.memory_space<semaphore_mem>>) src(%dma_wait3A_734 : memref<4096x128xf32, #tpu.memory_space<hbm>>) dst(%dma_wait3A_731 : memref<256x128xf32, #tpu.memory_space<vmem>>)
    %dma_start3A_735 = arith.constant 0 : i32
    %dma_start3A_736 = arith.constant 0 : i32
    %dma_start3A_737 = arith.constant 0 : i32
    %dma_start3A_738 = tpu.memref_slice %arg7[%dma_start3A_735, %dma_start3A_736, %dma_start3A_737] : memref<2x256x128xf32, #tpu.memory_space<vmem>> -> memref<1x256x128xf32, #tpu.memory_space<vmem>>
    %dma_start3A_739 = tpu.memref_squeeze %dma_start3A_738 : memref<1x256x128xf32, #tpu.memory_space<vmem>> -> memref<256x128xf32, #tpu.memory_space<vmem>>
    %dma_start3A_740 = arith.constant 0 : i32
    %dma_start3A_741 = tpu.memref_slice %arg4[%add3A_726, %dma_start3A_740] : memref<131072x128xf32, #tpu.memory_space<hbm>> -> memref<256x128xf32, #tpu.memory_space<hbm>>
    %dma_start3A_742 = arith.constant 0 : i32
    %dma_start3A_743 = tpu.memref_slice %arg4[%add3A_726, %dma_start3A_742] : memref<131072x128xf32, #tpu.memory_space<hbm>> -> memref<256x128xf32, #tpu.memory_space<hbm>>
    %dma_start3A_744 = arith.constant 0 : i32
    %dma_start3A_745 = arith.constant 0 : i32
    %dma_start3A_746 = tpu.memref_slice %arg7[%dma_start3A_735, %dma_start3A_744, %dma_start3A_745] : memref<2x256x128xf32, #tpu.memory_space<vmem>> -> memref<1x256x128xf32, #tpu.memory_space<vmem>>
    %dma_start3A_747 = tpu.memref_squeeze %dma_start3A_746 : memref<1x256x128xf32, #tpu.memory_space<vmem>> -> memref<256x128xf32, #tpu.memory_space<vmem>>
    tpu.enqueue_dma source(%dma_start3A_747 : memref<256x128xf32, #tpu.memory_space<vmem>>) target(%dma_start3A_743 : memref<256x128xf32, #tpu.memory_space<hbm>>) target_semaphore(%arg10 : memref<!tpu.dma_semaphore, #tpu.memory_space<semaphore_mem>>)
    %mul3A_748 = arith.constant 4096 : i32
    %mul3A_749 = arith.muli %add3A, %mul3A_748 : i32
    %add3A_750 = arith.constant 3840 : i32
    %add3A_751 = arith.addi %mul3A_749, %add3A_750 : i32
    %dma_wait3A_752 = arith.constant 1 : i32
    %dma_wait3A_753 = arith.constant 0 : i32
    %dma_wait3A_754 = arith.constant 0 : i32
    %dma_wait3A_755 = tpu.memref_slice %arg7[%dma_wait3A_752, %dma_wait3A_753, %dma_wait3A_754] : memref<2x256x128xf32, #tpu.memory_space<vmem>> -> memref<1x256x128xf32, #tpu.memory_space<vmem>>
    %dma_wait3A_756 = tpu.memref_squeeze %dma_wait3A_755 : memref<1x256x128xf32, #tpu.memory_space<vmem>> -> memref<256x128xf32, #tpu.memory_space<vmem>>
    %dma_wait3A_757 = arith.constant 0 : i32
    %dma_wait3A_758 = arith.constant 0 : i32
    %dma_wait3A_759 = tpu.memref_slice %arg3[%dma_wait3A_757, %dma_wait3A_758] : memref<4096x128xf32, #tpu.memory_space<hbm>> -> memref<4096x128xf32, #tpu.memory_space<hbm>>
    tpu.wait_indirect_dma semaphore(%arg9 : memref<!tpu.dma_semaphore, #tpu.memory_space<semaphore_mem>>) src(%dma_wait3A_759 : memref<4096x128xf32, #tpu.memory_space<hbm>>) dst(%dma_wait3A_756 : memref<256x128xf32, #tpu.memory_space<vmem>>)
    %dma_start3A_760 = arith.constant 1 : i32
    %dma_start3A_761 = arith.constant 0 : i32
    %dma_start3A_762 = arith.constant 0 : i32
    %dma_start3A_763 = tpu.memref_slice %arg7[%dma_start3A_760, %dma_start3A_761, %dma_start3A_762] : memref<2x256x128xf32, #tpu.memory_space<vmem>> -> memref<1x256x128xf32, #tpu.memory_space<vmem>>
    %dma_start3A_764 = tpu.memref_squeeze %dma_start3A_763 : memref<1x256x128xf32, #tpu.memory_space<vmem>> -> memref<256x128xf32, #tpu.memory_space<vmem>>
    %dma_start3A_765 = arith.constant 0 : i32
    %dma_start3A_766 = tpu.memref_slice %arg4[%add3A_751, %dma_start3A_765] : memref<131072x128xf32, #tpu.memory_space<hbm>> -> memref<256x128xf32, #tpu.memory_space<hbm>>
    %dma_start3A_767 = arith.constant 0 : i32
    %dma_start3A_768 = tpu.memref_slice %arg4[%add3A_751, %dma_start3A_767] : memref<131072x128xf32, #tpu.memory_space<hbm>> -> memref<256x128xf32, #tpu.memory_space<hbm>>
    %dma_start3A_769 = arith.constant 0 : i32
    %dma_start3A_770 = arith.constant 0 : i32
    %dma_start3A_771 = tpu.memref_slice %arg7[%dma_start3A_760, %dma_start3A_769, %dma_start3A_770] : memref<2x256x128xf32, #tpu.memory_space<vmem>> -> memref<1x256x128xf32, #tpu.memory_space<vmem>>
    %dma_start3A_772 = tpu.memref_squeeze %dma_start3A_771 : memref<1x256x128xf32, #tpu.memory_space<vmem>> -> memref<256x128xf32, #tpu.memory_space<vmem>>
    tpu.enqueue_dma source(%dma_start3A_772 : memref<256x128xf32, #tpu.memory_space<vmem>>) target(%dma_start3A_768 : memref<256x128xf32, #tpu.memory_space<hbm>>) target_semaphore(%arg11 : memref<!tpu.dma_semaphore, #tpu.memory_space<semaphore_mem>>)
    %dma_wait3A_773 = arith.constant 0 : i32
    %dma_wait3A_774 = arith.constant 0 : i32
    %dma_wait3A_775 = arith.constant 0 : i32
    %dma_wait3A_776 = tpu.memref_slice %arg7[%dma_wait3A_773, %dma_wait3A_774, %dma_wait3A_775] : memref<2x256x128xf32, #tpu.memory_space<vmem>> -> memref<1x256x128xf32, #tpu.memory_space<vmem>>
    %dma_wait3A_777 = tpu.memref_squeeze %dma_wait3A_776 : memref<1x256x128xf32, #tpu.memory_space<vmem>> -> memref<256x128xf32, #tpu.memory_space<vmem>>
    %dma_wait3A_778 = arith.constant 0 : i32
    %dma_wait3A_779 = tpu.memref_slice %arg4[%add3A_726, %dma_wait3A_778] : memref<131072x128xf32, #tpu.memory_space<hbm>> -> memref<256x128xf32, #tpu.memory_space<hbm>>
    %dma_wait3A_780 = arith.constant 0 : i32
    %dma_wait3A_781 = tpu.memref_slice %arg4[%add3A_726, %dma_wait3A_780] : memref<131072x128xf32, #tpu.memory_space<hbm>> -> memref<256x128xf32, #tpu.memory_space<hbm>>
    %dma_wait3A_782 = arith.constant 0 : i32
    %dma_wait3A_783 = arith.constant 0 : i32
    %dma_wait3A_784 = tpu.memref_slice %arg7[%dma_wait3A_773, %dma_wait3A_782, %dma_wait3A_783] : memref<2x256x128xf32, #tpu.memory_space<vmem>> -> memref<1x256x128xf32, #tpu.memory_space<vmem>>
    %dma_wait3A_785 = tpu.memref_squeeze %dma_wait3A_784 : memref<1x256x128xf32, #tpu.memory_space<vmem>> -> memref<256x128xf32, #tpu.memory_space<vmem>>
    tpu.wait_dma2 semaphore(%arg10 : memref<!tpu.dma_semaphore, #tpu.memory_space<semaphore_mem>>) src(%dma_wait3A_785 : memref<256x128xf32, #tpu.memory_space<vmem>>) dst(%dma_wait3A_781 : memref<256x128xf32, #tpu.memory_space<hbm>>)
    %dma_wait3A_786 = arith.constant 1 : i32
    %dma_wait3A_787 = arith.constant 0 : i32
    %dma_wait3A_788 = arith.constant 0 : i32
    %dma_wait3A_789 = tpu.memref_slice %arg7[%dma_wait3A_786, %dma_wait3A_787, %dma_wait3A_788] : memref<2x256x128xf32, #tpu.memory_space<vmem>> -> memref<1x256x128xf32, #tpu.memory_space<vmem>>
    %dma_wait3A_790 = tpu.memref_squeeze %dma_wait3A_789 : memref<1x256x128xf32, #tpu.memory_space<vmem>> -> memref<256x128xf32, #tpu.memory_space<vmem>>
    %dma_wait3A_791 = arith.constant 0 : i32
    %dma_wait3A_792 = tpu.memref_slice %arg4[%add3A_751, %dma_wait3A_791] : memref<131072x128xf32, #tpu.memory_space<hbm>> -> memref<256x128xf32, #tpu.memory_space<hbm>>
    %dma_wait3A_793 = arith.constant 0 : i32
    %dma_wait3A_794 = tpu.memref_slice %arg4[%add3A_751, %dma_wait3A_793] : memref<131072x128xf32, #tpu.memory_space<hbm>> -> memref<256x128xf32, #tpu.memory_space<hbm>>
    %dma_wait3A_795 = arith.constant 0 : i32
    %dma_wait3A_796 = arith.constant 0 : i32
    %dma_wait3A_797 = tpu.memref_slice %arg7[%dma_wait3A_786, %dma_wait3A_795, %dma_wait3A_796] : memref<2x256x128xf32, #tpu.memory_space<vmem>> -> memref<1x256x128xf32, #tpu.memory_space<vmem>>
    %dma_wait3A_798 = tpu.memref_squeeze %dma_wait3A_797 : memref<1x256x128xf32, #tpu.memory_space<vmem>> -> memref<256x128xf32, #tpu.memory_space<vmem>>
    tpu.wait_dma2 semaphore(%arg11 : memref<!tpu.dma_semaphore, #tpu.memory_space<semaphore_mem>>) src(%dma_wait3A_798 : memref<256x128xf32, #tpu.memory_space<vmem>>) dst(%dma_wait3A_794 : memref<256x128xf32, #tpu.memory_space<hbm>>)
    return
  }
}

#map = affine_map<(d0, d1) -> (0)>
#map1 = affine_map<(d0, d1) -> (0, 0)>
module attributes {stable_mosaic.version = 14 : i64} {
  func.func @gk(%arg0: i32, %arg1: i32, %arg2: memref<131072xi32, #tpu.memory_space<hbm>>, %arg3: memref<4096x128xf32, #tpu.memory_space<hbm>>, %arg4: memref<131072x128xf32, #tpu.memory_space<hbm>>, %arg5: memref<256xi32, #tpu.memory_space<vmem>>, %arg6: memref<256xi32, #tpu.memory_space<vmem>>, %arg7: memref<2x256x128xf32, #tpu.memory_space<vmem>>, %arg8: memref<!tpu.dma_semaphore, #tpu.memory_space<semaphore_mem>>, %arg9: memref<!tpu.dma_semaphore, #tpu.memory_space<semaphore_mem>>, %arg10: memref<!tpu.dma_semaphore, #tpu.memory_space<semaphore_mem>>, %arg11: memref<!tpu.dma_semaphore, #tpu.memory_space<semaphore_mem>>) attributes {dimension_semantics = [#tpu.dimension_semantics<core_parallel>, #tpu.dimension_semantics<subcore_parallel>], iteration_bounds = array<i64: 2, 16>, scalar_prefetch = 0 : i64, scratch_operands = 7 : i64, tpu.core_type = #tpu.core_type<sc_vector_subcore>, window_params = [{transform_indices = #map}, {transform_indices = #map1}, {transform_indices = #map1}]} {
    %mul3A = arith.constant 2 : i32
    %mul3A_0 = arith.muli %arg1, %mul3A : i32
    %add3A = arith.addi %mul3A_0, %arg0 : i32
    %mul3A_1 = arith.constant 4096 : i32
    %mul3A_2 = arith.muli %add3A, %mul3A_1 : i32
    %add3A_3 = arith.constant 0 : i32
    %add3A_4 = arith.addi %mul3A_2, %add3A_3 : i32
    "tpu.region"() ({
      %run_scoped3A = tpu.sem_alloc : memref<!tpu.dma_semaphore, #tpu.memory_space<semaphore_mem>>
      %dma_start3A_799 = tpu.memref_slice %arg2[%add3A_4] : memref<131072xi32, #tpu.memory_space<hbm>> -> memref<256xi32, #tpu.memory_space<hbm>>
      %dma_start3A_800 = tpu.memref_slice %arg2[%add3A_4] : memref<131072xi32, #tpu.memory_space<hbm>> -> memref<256xi32, #tpu.memory_space<hbm>>
      tpu.enqueue_dma source(%dma_start3A_800 : memref<256xi32, #tpu.memory_space<hbm>>) target(%arg5 : memref<256xi32, #tpu.memory_space<vmem>>) target_semaphore(%run_scoped3A : memref<!tpu.dma_semaphore, #tpu.memory_space<semaphore_mem>>)
      %dma_wait3A_801 = tpu.memref_slice %arg2[%add3A_4] : memref<131072xi32, #tpu.memory_space<hbm>> -> memref<256xi32, #tpu.memory_space<hbm>>
      %dma_wait3A_802 = tpu.memref_slice %arg2[%add3A_4] : memref<131072xi32, #tpu.memory_space<hbm>> -> memref<256xi32, #tpu.memory_space<hbm>>
      tpu.wait_dma2 semaphore(%run_scoped3A : memref<!tpu.dma_semaphore, #tpu.memory_space<semaphore_mem>>) src(%dma_wait3A_802 : memref<256xi32, #tpu.memory_space<hbm>>) dst(%arg5 : memref<256xi32, #tpu.memory_space<vmem>>)
      tpu.yield
    }) : () -> ()
    %dma_start3A = arith.constant 0 : i32
    %dma_start3A_5 = arith.constant 0 : i32
    %dma_start3A_6 = arith.constant 0 : i32
    %dma_start3A_7 = tpu.memref_slice %arg7[%dma_start3A, %dma_start3A_5, %dma_start3A_6] : memref<2x256x128xf32, #tpu.memory_space<vmem>> -> memref<1x256x128xf32, #tpu.memory_space<vmem>>
    %dma_start3A_8 = tpu.memref_squeeze %dma_start3A_7 : memref<1x256x128xf32, #tpu.memory_space<vmem>> -> memref<256x128xf32, #tpu.memory_space<vmem>>
    %dma_start3A_9 = arith.constant 0 : i32
    %dma_start3A_10 = arith.constant 0 : i32
    %dma_start3A_11 = tpu.memref_slice %arg3[%dma_start3A_9, %dma_start3A_10] : memref<4096x128xf32, #tpu.memory_space<hbm>> -> memref<4096x128xf32, #tpu.memory_space<hbm>>
    tpu.enqueue_indirect_dma source(%dma_start3A_11 : memref<4096x128xf32, #tpu.memory_space<hbm>>) target(%dma_start3A_8 : memref<256x128xf32, #tpu.memory_space<vmem>>) offsets(%arg5 : memref<256xi32, #tpu.memory_space<vmem>>) semaphore(%arg8 : memref<!tpu.dma_semaphore, #tpu.memory_space<semaphore_mem>>)
    %mul3A_12 = arith.constant 4096 : i32
    %mul3A_13 = arith.muli %add3A, %mul3A_12 : i32
    %add3A_14 = arith.constant 256 : i32
    %add3A_15 = arith.addi %mul3A_13, %add3A_14 : i32
    "tpu.region"() ({
      %run_scoped3A = tpu.sem_alloc : memref<!tpu.dma_semaphore, #tpu.memory_space<semaphore_mem>>
      %dma_start3A_799 = tpu.memref_slice %arg2[%add3A_15] : memref<131072xi32, #tpu.memory_space<hbm>> -> memref<256xi32, #tpu.memory_space<hbm>>
      %dma_start3A_800 = tpu.memref_slice %arg2[%add3A_15] : memref<131072xi32, #tpu.memory_space<hbm>> -> memref<256xi32, #tpu.memory_space<hbm>>
      tpu.enqueue_dma source(%dma_start3A_800 : memref<256xi32, #tpu.memory_space<hbm>>) target(%arg6 : memref<256xi32, #tpu.memory_space<vmem>>) target_semaphore(%run_scoped3A : memref<!tpu.dma_semaphore, #tpu.memory_space<semaphore_mem>>)
      %dma_wait3A_801 = tpu.memref_slice %arg2[%add3A_15] : memref<131072xi32, #tpu.memory_space<hbm>> -> memref<256xi32, #tpu.memory_space<hbm>>
      %dma_wait3A_802 = tpu.memref_slice %arg2[%add3A_15] : memref<131072xi32, #tpu.memory_space<hbm>> -> memref<256xi32, #tpu.memory_space<hbm>>
      tpu.wait_dma2 semaphore(%run_scoped3A : memref<!tpu.dma_semaphore, #tpu.memory_space<semaphore_mem>>) src(%dma_wait3A_802 : memref<256xi32, #tpu.memory_space<hbm>>) dst(%arg6 : memref<256xi32, #tpu.memory_space<vmem>>)
      tpu.yield
    }) : () -> ()
    %dma_start3A_16 = arith.constant 1 : i32
    %dma_start3A_17 = arith.constant 0 : i32
    %dma_start3A_18 = arith.constant 0 : i32
    %dma_start3A_19 = tpu.memref_slice %arg7[%dma_start3A_16, %dma_start3A_17, %dma_start3A_18] : memref<2x256x128xf32, #tpu.memory_space<vmem>> -> memref<1x256x128xf32, #tpu.memory_space<vmem>>
    %dma_start3A_20 = tpu.memref_squeeze %dma_start3A_19 : memref<1x256x128xf32, #tpu.memory_space<vmem>> -> memref<256x128xf32, #tpu.memory_space<vmem>>
    %dma_start3A_21 = arith.constant 0 : i32
    %dma_start3A_22 = arith.constant 0 : i32
    %dma_start3A_23 = tpu.memref_slice %arg3[%dma_start3A_21, %dma_start3A_22] : memref<4096x128xf32, #tpu.memory_space<hbm>> -> memref<4096x128xf32, #tpu.memory_space<hbm>>
    tpu.enqueue_indirect_dma source(%dma_start3A_23 : memref<4096x128xf32, #tpu.memory_space<hbm>>) target(%dma_start3A_20 : memref<256x128xf32, #tpu.memory_space<vmem>>) offsets(%arg6 : memref<256xi32, #tpu.memory_space<vmem>>) semaphore(%arg9 : memref<!tpu.dma_semaphore, #tpu.memory_space<semaphore_mem>>)
    %mul3A_24 = arith.constant 4096 : i32
    %mul3A_25 = arith.muli %add3A, %mul3A_24 : i32
    %add3A_26 = arith.constant 0 : i32
    %add3A_27 = arith.addi %mul3A_25, %add3A_26 : i32
    %dma_wait3A = arith.constant 0 : i32
    %dma_wait3A_28 = arith.constant 0 : i32
    %dma_wait3A_29 = arith.constant 0 : i32
    %dma_wait3A_30 = tpu.memref_slice %arg7[%dma_wait3A, %dma_wait3A_28, %dma_wait3A_29] : memref<2x256x128xf32, #tpu.memory_space<vmem>> -> memref<1x256x128xf32, #tpu.memory_space<vmem>>
    %dma_wait3A_31 = tpu.memref_squeeze %dma_wait3A_30 : memref<1x256x128xf32, #tpu.memory_space<vmem>> -> memref<256x128xf32, #tpu.memory_space<vmem>>
    %dma_wait3A_32 = arith.constant 0 : i32
    %dma_wait3A_33 = arith.constant 0 : i32
    %dma_wait3A_34 = tpu.memref_slice %arg3[%dma_wait3A_32, %dma_wait3A_33] : memref<4096x128xf32, #tpu.memory_space<hbm>> -> memref<4096x128xf32, #tpu.memory_space<hbm>>
    tpu.wait_indirect_dma semaphore(%arg8 : memref<!tpu.dma_semaphore, #tpu.memory_space<semaphore_mem>>) src(%dma_wait3A_34 : memref<4096x128xf32, #tpu.memory_space<hbm>>) dst(%dma_wait3A_31 : memref<256x128xf32, #tpu.memory_space<vmem>>)
    %dma_start3A_35 = arith.constant 0 : i32
    %dma_start3A_36 = arith.constant 0 : i32
    %dma_start3A_37 = arith.constant 0 : i32
    %dma_start3A_38 = tpu.memref_slice %arg7[%dma_start3A_35, %dma_start3A_36, %dma_start3A_37] : memref<2x256x128xf32, #tpu.memory_space<vmem>> -> memref<1x256x128xf32, #tpu.memory_space<vmem>>
    %dma_start3A_39 = tpu.memref_squeeze %dma_start3A_38 : memref<1x256x128xf32, #tpu.memory_space<vmem>> -> memref<256x128xf32, #tpu.memory_space<vmem>>
    %dma_start3A_40 = arith.constant 0 : i32
    %dma_start3A_41 = tpu.memref_slice %arg4[%add3A_27, %dma_start3A_40] : memref<131072x128xf32, #tpu.memory_space<hbm>> -> memref<256x128xf32, #tpu.memory_space<hbm>>
    %dma_start3A_42 = arith.constant 0 : i32
    %dma_start3A_43 = tpu.memref_slice %arg4[%add3A_27, %dma_start3A_42] : memref<131072x128xf32, #tpu.memory_space<hbm>> -> memref<256x128xf32, #tpu.memory_space<hbm>>
    %dma_start3A_44 = arith.constant 0 : i32
    %dma_start3A_45 = arith.constant 0 : i32
    %dma_start3A_46 = tpu.memref_slice %arg7[%dma_start3A_35, %dma_start3A_44, %dma_start3A_45] : memref<2x256x128xf32, #tpu.memory_space<vmem>> -> memref<1x256x128xf32, #tpu.memory_space<vmem>>
    %dma_start3A_47 = tpu.memref_squeeze %dma_start3A_46 : memref<1x256x128xf32, #tpu.memory_space<vmem>> -> memref<256x128xf32, #tpu.memory_space<vmem>>
    tpu.enqueue_dma source(%dma_start3A_47 : memref<256x128xf32, #tpu.memory_space<vmem>>) target(%dma_start3A_43 : memref<256x128xf32, #tpu.memory_space<hbm>>) target_semaphore(%arg10 : memref<!tpu.dma_semaphore, #tpu.memory_space<semaphore_mem>>)
    %mul3A_48 = arith.constant 4096 : i32
    %mul3A_49 = arith.muli %add3A, %mul3A_48 : i32
    %add3A_50 = arith.constant 512 : i32
    %add3A_51 = arith.addi %mul3A_49, %add3A_50 : i32
    %dma_wait3A_52 = arith.constant 0 : i32
    %dma_wait3A_53 = arith.constant 0 : i32
    %dma_wait3A_54 = arith.constant 0 : i32
    %dma_wait3A_55 = tpu.memref_slice %arg7[%dma_wait3A_52, %dma_wait3A_53, %dma_wait3A_54] : memref<2x256x128xf32, #tpu.memory_space<vmem>> -> memref<1x256x128xf32, #tpu.memory_space<vmem>>
    %dma_wait3A_56 = tpu.memref_squeeze %dma_wait3A_55 : memref<1x256x128xf32, #tpu.memory_space<vmem>> -> memref<256x128xf32, #tpu.memory_space<vmem>>
    %dma_wait3A_57 = arith.constant 0 : i32
    %dma_wait3A_58 = tpu.memref_slice %arg4[%add3A_27, %dma_wait3A_57] : memref<131072x128xf32, #tpu.memory_space<hbm>> -> memref<256x128xf32, #tpu.memory_space<hbm>>
    %dma_wait3A_59 = arith.constant 0 : i32
    %dma_wait3A_60 = tpu.memref_slice %arg4[%add3A_27, %dma_wait3A_59] : memref<131072x128xf32, #tpu.memory_space<hbm>> -> memref<256x128xf32, #tpu.memory_space<hbm>>
    %dma_wait3A_61 = arith.constant 0 : i32
    %dma_wait3A_62 = arith.constant 0 : i32
    %dma_wait3A_63 = tpu.memref_slice %arg7[%dma_wait3A_52, %dma_wait3A_61, %dma_wait3A_62] : memref<2x256x128xf32, #tpu.memory_space<vmem>> -> memref<1x256x128xf32, #tpu.memory_space<vmem>>
    %dma_wait3A_64 = tpu.memref_squeeze %dma_wait3A_63 : memref<1x256x128xf32, #tpu.memory_space<vmem>> -> memref<256x128xf32, #tpu.memory_space<vmem>>
    tpu.wait_dma2 semaphore(%arg10 : memref<!tpu.dma_semaphore, #tpu.memory_space<semaphore_mem>>) src(%dma_wait3A_64 : memref<256x128xf32, #tpu.memory_space<vmem>>) dst(%dma_wait3A_60 : memref<256x128xf32, #tpu.memory_space<hbm>>)
    "tpu.region"() ({
      %run_scoped3A = tpu.sem_alloc : memref<!tpu.dma_semaphore, #tpu.memory_space<semaphore_mem>>
      %dma_start3A_799 = tpu.memref_slice %arg2[%add3A_51] : memref<131072xi32, #tpu.memory_space<hbm>> -> memref<256xi32, #tpu.memory_space<hbm>>
      %dma_start3A_800 = tpu.memref_slice %arg2[%add3A_51] : memref<131072xi32, #tpu.memory_space<hbm>> -> memref<256xi32, #tpu.memory_space<hbm>>
      tpu.enqueue_dma source(%dma_start3A_800 : memref<256xi32, #tpu.memory_space<hbm>>) target(%arg5 : memref<256xi32, #tpu.memory_space<vmem>>) target_semaphore(%run_scoped3A : memref<!tpu.dma_semaphore, #tpu.memory_space<semaphore_mem>>)
      %dma_wait3A_801 = tpu.memref_slice %arg2[%add3A_51] : memref<131072xi32, #tpu.memory_space<hbm>> -> memref<256xi32, #tpu.memory_space<hbm>>
      %dma_wait3A_802 = tpu.memref_slice %arg2[%add3A_51] : memref<131072xi32, #tpu.memory_space<hbm>> -> memref<256xi32, #tpu.memory_space<hbm>>
      tpu.wait_dma2 semaphore(%run_scoped3A : memref<!tpu.dma_semaphore, #tpu.memory_space<semaphore_mem>>) src(%dma_wait3A_802 : memref<256xi32, #tpu.memory_space<hbm>>) dst(%arg5 : memref<256xi32, #tpu.memory_space<vmem>>)
      tpu.yield
    }) : () -> ()
    %dma_start3A_65 = arith.constant 0 : i32
    %dma_start3A_66 = arith.constant 0 : i32
    %dma_start3A_67 = arith.constant 0 : i32
    %dma_start3A_68 = tpu.memref_slice %arg7[%dma_start3A_65, %dma_start3A_66, %dma_start3A_67] : memref<2x256x128xf32, #tpu.memory_space<vmem>> -> memref<1x256x128xf32, #tpu.memory_space<vmem>>
    %dma_start3A_69 = tpu.memref_squeeze %dma_start3A_68 : memref<1x256x128xf32, #tpu.memory_space<vmem>> -> memref<256x128xf32, #tpu.memory_space<vmem>>
    %dma_start3A_70 = arith.constant 0 : i32
    %dma_start3A_71 = arith.constant 0 : i32
    %dma_start3A_72 = tpu.memref_slice %arg3[%dma_start3A_70, %dma_start3A_71] : memref<4096x128xf32, #tpu.memory_space<hbm>> -> memref<4096x128xf32, #tpu.memory_space<hbm>>
    tpu.enqueue_indirect_dma source(%dma_start3A_72 : memref<4096x128xf32, #tpu.memory_space<hbm>>) target(%dma_start3A_69 : memref<256x128xf32, #tpu.memory_space<vmem>>) offsets(%arg5 : memref<256xi32, #tpu.memory_space<vmem>>) semaphore(%arg8 : memref<!tpu.dma_semaphore, #tpu.memory_space<semaphore_mem>>)
    %mul3A_73 = arith.constant 4096 : i32
    %mul3A_74 = arith.muli %add3A, %mul3A_73 : i32
    %add3A_75 = arith.constant 256 : i32
    %add3A_76 = arith.addi %mul3A_74, %add3A_75 : i32
    %dma_wait3A_77 = arith.constant 1 : i32
    %dma_wait3A_78 = arith.constant 0 : i32
    %dma_wait3A_79 = arith.constant 0 : i32
    %dma_wait3A_80 = tpu.memref_slice %arg7[%dma_wait3A_77, %dma_wait3A_78, %dma_wait3A_79] : memref<2x256x128xf32, #tpu.memory_space<vmem>> -> memref<1x256x128xf32, #tpu.memory_space<vmem>>
    %dma_wait3A_81 = tpu.memref_squeeze %dma_wait3A_80 : memref<1x256x128xf32, #tpu.memory_space<vmem>> -> memref<256x128xf32, #tpu.memory_space<vmem>>
    %dma_wait3A_82 = arith.constant 0 : i32
    %dma_wait3A_83 = arith.constant 0 : i32
    %dma_wait3A_84 = tpu.memref_slice %arg3[%dma_wait3A_82, %dma_wait3A_83] : memref<4096x128xf32, #tpu.memory_space<hbm>> -> memref<4096x128xf32, #tpu.memory_space<hbm>>
    tpu.wait_indirect_dma semaphore(%arg9 : memref<!tpu.dma_semaphore, #tpu.memory_space<semaphore_mem>>) src(%dma_wait3A_84 : memref<4096x128xf32, #tpu.memory_space<hbm>>) dst(%dma_wait3A_81 : memref<256x128xf32, #tpu.memory_space<vmem>>)
    %dma_start3A_85 = arith.constant 1 : i32
    %dma_start3A_86 = arith.constant 0 : i32
    %dma_start3A_87 = arith.constant 0 : i32
    %dma_start3A_88 = tpu.memref_slice %arg7[%dma_start3A_85, %dma_start3A_86, %dma_start3A_87] : memref<2x256x128xf32, #tpu.memory_space<vmem>> -> memref<1x256x128xf32, #tpu.memory_space<vmem>>
    %dma_start3A_89 = tpu.memref_squeeze %dma_start3A_88 : memref<1x256x128xf32, #tpu.memory_space<vmem>> -> memref<256x128xf32, #tpu.memory_space<vmem>>
    %dma_start3A_90 = arith.constant 0 : i32
    %dma_start3A_91 = tpu.memref_slice %arg4[%add3A_76, %dma_start3A_90] : memref<131072x128xf32, #tpu.memory_space<hbm>> -> memref<256x128xf32, #tpu.memory_space<hbm>>
    %dma_start3A_92 = arith.constant 0 : i32
    %dma_start3A_93 = tpu.memref_slice %arg4[%add3A_76, %dma_start3A_92] : memref<131072x128xf32, #tpu.memory_space<hbm>> -> memref<256x128xf32, #tpu.memory_space<hbm>>
    %dma_start3A_94 = arith.constant 0 : i32
    %dma_start3A_95 = arith.constant 0 : i32
    %dma_start3A_96 = tpu.memref_slice %arg7[%dma_start3A_85, %dma_start3A_94, %dma_start3A_95] : memref<2x256x128xf32, #tpu.memory_space<vmem>> -> memref<1x256x128xf32, #tpu.memory_space<vmem>>
    %dma_start3A_97 = tpu.memref_squeeze %dma_start3A_96 : memref<1x256x128xf32, #tpu.memory_space<vmem>> -> memref<256x128xf32, #tpu.memory_space<vmem>>
    tpu.enqueue_dma source(%dma_start3A_97 : memref<256x128xf32, #tpu.memory_space<vmem>>) target(%dma_start3A_93 : memref<256x128xf32, #tpu.memory_space<hbm>>) target_semaphore(%arg11 : memref<!tpu.dma_semaphore, #tpu.memory_space<semaphore_mem>>)
    %mul3A_98 = arith.constant 4096 : i32
    %mul3A_99 = arith.muli %add3A, %mul3A_98 : i32
    %add3A_100 = arith.constant 768 : i32
    %add3A_101 = arith.addi %mul3A_99, %add3A_100 : i32
    %dma_wait3A_102 = arith.constant 1 : i32
    %dma_wait3A_103 = arith.constant 0 : i32
    %dma_wait3A_104 = arith.constant 0 : i32
    %dma_wait3A_105 = tpu.memref_slice %arg7[%dma_wait3A_102, %dma_wait3A_103, %dma_wait3A_104] : memref<2x256x128xf32, #tpu.memory_space<vmem>> -> memref<1x256x128xf32, #tpu.memory_space<vmem>>
    %dma_wait3A_106 = tpu.memref_squeeze %dma_wait3A_105 : memref<1x256x128xf32, #tpu.memory_space<vmem>> -> memref<256x128xf32, #tpu.memory_space<vmem>>
    %dma_wait3A_107 = arith.constant 0 : i32
    %dma_wait3A_108 = tpu.memref_slice %arg4[%add3A_76, %dma_wait3A_107] : memref<131072x128xf32, #tpu.memory_space<hbm>> -> memref<256x128xf32, #tpu.memory_space<hbm>>
    %dma_wait3A_109 = arith.constant 0 : i32
    %dma_wait3A_110 = tpu.memref_slice %arg4[%add3A_76, %dma_wait3A_109] : memref<131072x128xf32, #tpu.memory_space<hbm>> -> memref<256x128xf32, #tpu.memory_space<hbm>>
    %dma_wait3A_111 = arith.constant 0 : i32
    %dma_wait3A_112 = arith.constant 0 : i32
    %dma_wait3A_113 = tpu.memref_slice %arg7[%dma_wait3A_102, %dma_wait3A_111, %dma_wait3A_112] : memref<2x256x128xf32, #tpu.memory_space<vmem>> -> memref<1x256x128xf32, #tpu.memory_space<vmem>>
    %dma_wait3A_114 = tpu.memref_squeeze %dma_wait3A_113 : memref<1x256x128xf32, #tpu.memory_space<vmem>> -> memref<256x128xf32, #tpu.memory_space<vmem>>
    tpu.wait_dma2 semaphore(%arg11 : memref<!tpu.dma_semaphore, #tpu.memory_space<semaphore_mem>>) src(%dma_wait3A_114 : memref<256x128xf32, #tpu.memory_space<vmem>>) dst(%dma_wait3A_110 : memref<256x128xf32, #tpu.memory_space<hbm>>)
    "tpu.region"() ({
      %run_scoped3A = tpu.sem_alloc : memref<!tpu.dma_semaphore, #tpu.memory_space<semaphore_mem>>
      %dma_start3A_799 = tpu.memref_slice %arg2[%add3A_101] : memref<131072xi32, #tpu.memory_space<hbm>> -> memref<256xi32, #tpu.memory_space<hbm>>
      %dma_start3A_800 = tpu.memref_slice %arg2[%add3A_101] : memref<131072xi32, #tpu.memory_space<hbm>> -> memref<256xi32, #tpu.memory_space<hbm>>
      tpu.enqueue_dma source(%dma_start3A_800 : memref<256xi32, #tpu.memory_space<hbm>>) target(%arg6 : memref<256xi32, #tpu.memory_space<vmem>>) target_semaphore(%run_scoped3A : memref<!tpu.dma_semaphore, #tpu.memory_space<semaphore_mem>>)
      %dma_wait3A_801 = tpu.memref_slice %arg2[%add3A_101] : memref<131072xi32, #tpu.memory_space<hbm>> -> memref<256xi32, #tpu.memory_space<hbm>>
      %dma_wait3A_802 = tpu.memref_slice %arg2[%add3A_101] : memref<131072xi32, #tpu.memory_space<hbm>> -> memref<256xi32, #tpu.memory_space<hbm>>
      tpu.wait_dma2 semaphore(%run_scoped3A : memref<!tpu.dma_semaphore, #tpu.memory_space<semaphore_mem>>) src(%dma_wait3A_802 : memref<256xi32, #tpu.memory_space<hbm>>) dst(%arg6 : memref<256xi32, #tpu.memory_space<vmem>>)
      tpu.yield
    }) : () -> ()
    %dma_start3A_115 = arith.constant 1 : i32
    %dma_start3A_116 = arith.constant 0 : i32
    %dma_start3A_117 = arith.constant 0 : i32
    %dma_start3A_118 = tpu.memref_slice %arg7[%dma_start3A_115, %dma_start3A_116, %dma_start3A_117] : memref<2x256x128xf32, #tpu.memory_space<vmem>> -> memref<1x256x128xf32, #tpu.memory_space<vmem>>
    %dma_start3A_119 = tpu.memref_squeeze %dma_start3A_118 : memref<1x256x128xf32, #tpu.memory_space<vmem>> -> memref<256x128xf32, #tpu.memory_space<vmem>>
    %dma_start3A_120 = arith.constant 0 : i32
    %dma_start3A_121 = arith.constant 0 : i32
    %dma_start3A_122 = tpu.memref_slice %arg3[%dma_start3A_120, %dma_start3A_121] : memref<4096x128xf32, #tpu.memory_space<hbm>> -> memref<4096x128xf32, #tpu.memory_space<hbm>>
    tpu.enqueue_indirect_dma source(%dma_start3A_122 : memref<4096x128xf32, #tpu.memory_space<hbm>>) target(%dma_start3A_119 : memref<256x128xf32, #tpu.memory_space<vmem>>) offsets(%arg6 : memref<256xi32, #tpu.memory_space<vmem>>) semaphore(%arg9 : memref<!tpu.dma_semaphore, #tpu.memory_space<semaphore_mem>>)
    %mul3A_123 = arith.constant 4096 : i32
    %mul3A_124 = arith.muli %add3A, %mul3A_123 : i32
    %add3A_125 = arith.constant 512 : i32
    %add3A_126 = arith.addi %mul3A_124, %add3A_125 : i32
    %dma_wait3A_127 = arith.constant 0 : i32
    %dma_wait3A_128 = arith.constant 0 : i32
    %dma_wait3A_129 = arith.constant 0 : i32
    %dma_wait3A_130 = tpu.memref_slice %arg7[%dma_wait3A_127, %dma_wait3A_128, %dma_wait3A_129] : memref<2x256x128xf32, #tpu.memory_space<vmem>> -> memref<1x256x128xf32, #tpu.memory_space<vmem>>
    %dma_wait3A_131 = tpu.memref_squeeze %dma_wait3A_130 : memref<1x256x128xf32, #tpu.memory_space<vmem>> -> memref<256x128xf32, #tpu.memory_space<vmem>>
    %dma_wait3A_132 = arith.constant 0 : i32
    %dma_wait3A_133 = arith.constant 0 : i32
    %dma_wait3A_134 = tpu.memref_slice %arg3[%dma_wait3A_132, %dma_wait3A_133] : memref<4096x128xf32, #tpu.memory_space<hbm>> -> memref<4096x128xf32, #tpu.memory_space<hbm>>
    tpu.wait_indirect_dma semaphore(%arg8 : memref<!tpu.dma_semaphore, #tpu.memory_space<semaphore_mem>>) src(%dma_wait3A_134 : memref<4096x128xf32, #tpu.memory_space<hbm>>) dst(%dma_wait3A_131 : memref<256x128xf32, #tpu.memory_space<vmem>>)
    %dma_start3A_135 = arith.constant 0 : i32
    %dma_start3A_136 = arith.constant 0 : i32
    %dma_start3A_137 = arith.constant 0 : i32
    %dma_start3A_138 = tpu.memref_slice %arg7[%dma_start3A_135, %dma_start3A_136, %dma_start3A_137] : memref<2x256x128xf32, #tpu.memory_space<vmem>> -> memref<1x256x128xf32, #tpu.memory_space<vmem>>
    %dma_start3A_139 = tpu.memref_squeeze %dma_start3A_138 : memref<1x256x128xf32, #tpu.memory_space<vmem>> -> memref<256x128xf32, #tpu.memory_space<vmem>>
    %dma_start3A_140 = arith.constant 0 : i32
    %dma_start3A_141 = tpu.memref_slice %arg4[%add3A_126, %dma_start3A_140] : memref<131072x128xf32, #tpu.memory_space<hbm>> -> memref<256x128xf32, #tpu.memory_space<hbm>>
    %dma_start3A_142 = arith.constant 0 : i32
    %dma_start3A_143 = tpu.memref_slice %arg4[%add3A_126, %dma_start3A_142] : memref<131072x128xf32, #tpu.memory_space<hbm>> -> memref<256x128xf32, #tpu.memory_space<hbm>>
    %dma_start3A_144 = arith.constant 0 : i32
    %dma_start3A_145 = arith.constant 0 : i32
    %dma_start3A_146 = tpu.memref_slice %arg7[%dma_start3A_135, %dma_start3A_144, %dma_start3A_145] : memref<2x256x128xf32, #tpu.memory_space<vmem>> -> memref<1x256x128xf32, #tpu.memory_space<vmem>>
    %dma_start3A_147 = tpu.memref_squeeze %dma_start3A_146 : memref<1x256x128xf32, #tpu.memory_space<vmem>> -> memref<256x128xf32, #tpu.memory_space<vmem>>
    tpu.enqueue_dma source(%dma_start3A_147 : memref<256x128xf32, #tpu.memory_space<vmem>>) target(%dma_start3A_143 : memref<256x128xf32, #tpu.memory_space<hbm>>) target_semaphore(%arg10 : memref<!tpu.dma_semaphore, #tpu.memory_space<semaphore_mem>>)
    %mul3A_148 = arith.constant 4096 : i32
    %mul3A_149 = arith.muli %add3A, %mul3A_148 : i32
    %add3A_150 = arith.constant 1024 : i32
    %add3A_151 = arith.addi %mul3A_149, %add3A_150 : i32
    %dma_wait3A_152 = arith.constant 0 : i32
    %dma_wait3A_153 = arith.constant 0 : i32
    %dma_wait3A_154 = arith.constant 0 : i32
    %dma_wait3A_155 = tpu.memref_slice %arg7[%dma_wait3A_152, %dma_wait3A_153, %dma_wait3A_154] : memref<2x256x128xf32, #tpu.memory_space<vmem>> -> memref<1x256x128xf32, #tpu.memory_space<vmem>>
    %dma_wait3A_156 = tpu.memref_squeeze %dma_wait3A_155 : memref<1x256x128xf32, #tpu.memory_space<vmem>> -> memref<256x128xf32, #tpu.memory_space<vmem>>
    %dma_wait3A_157 = arith.constant 0 : i32
    %dma_wait3A_158 = tpu.memref_slice %arg4[%add3A_126, %dma_wait3A_157] : memref<131072x128xf32, #tpu.memory_space<hbm>> -> memref<256x128xf32, #tpu.memory_space<hbm>>
    %dma_wait3A_159 = arith.constant 0 : i32
    %dma_wait3A_160 = tpu.memref_slice %arg4[%add3A_126, %dma_wait3A_159] : memref<131072x128xf32, #tpu.memory_space<hbm>> -> memref<256x128xf32, #tpu.memory_space<hbm>>
    %dma_wait3A_161 = arith.constant 0 : i32
    %dma_wait3A_162 = arith.constant 0 : i32
    %dma_wait3A_163 = tpu.memref_slice %arg7[%dma_wait3A_152, %dma_wait3A_161, %dma_wait3A_162] : memref<2x256x128xf32, #tpu.memory_space<vmem>> -> memref<1x256x128xf32, #tpu.memory_space<vmem>>
    %dma_wait3A_164 = tpu.memref_squeeze %dma_wait3A_163 : memref<1x256x128xf32, #tpu.memory_space<vmem>> -> memref<256x128xf32, #tpu.memory_space<vmem>>
    tpu.wait_dma2 semaphore(%arg10 : memref<!tpu.dma_semaphore, #tpu.memory_space<semaphore_mem>>) src(%dma_wait3A_164 : memref<256x128xf32, #tpu.memory_space<vmem>>) dst(%dma_wait3A_160 : memref<256x128xf32, #tpu.memory_space<hbm>>)
    "tpu.region"() ({
      %run_scoped3A = tpu.sem_alloc : memref<!tpu.dma_semaphore, #tpu.memory_space<semaphore_mem>>
      %dma_start3A_799 = tpu.memref_slice %arg2[%add3A_151] : memref<131072xi32, #tpu.memory_space<hbm>> -> memref<256xi32, #tpu.memory_space<hbm>>
      %dma_start3A_800 = tpu.memref_slice %arg2[%add3A_151] : memref<131072xi32, #tpu.memory_space<hbm>> -> memref<256xi32, #tpu.memory_space<hbm>>
      tpu.enqueue_dma source(%dma_start3A_800 : memref<256xi32, #tpu.memory_space<hbm>>) target(%arg5 : memref<256xi32, #tpu.memory_space<vmem>>) target_semaphore(%run_scoped3A : memref<!tpu.dma_semaphore, #tpu.memory_space<semaphore_mem>>)
      %dma_wait3A_801 = tpu.memref_slice %arg2[%add3A_151] : memref<131072xi32, #tpu.memory_space<hbm>> -> memref<256xi32, #tpu.memory_space<hbm>>
      %dma_wait3A_802 = tpu.memref_slice %arg2[%add3A_151] : memref<131072xi32, #tpu.memory_space<hbm>> -> memref<256xi32, #tpu.memory_space<hbm>>
      tpu.wait_dma2 semaphore(%run_scoped3A : memref<!tpu.dma_semaphore, #tpu.memory_space<semaphore_mem>>) src(%dma_wait3A_802 : memref<256xi32, #tpu.memory_space<hbm>>) dst(%arg5 : memref<256xi32, #tpu.memory_space<vmem>>)
      tpu.yield
    }) : () -> ()
    %dma_start3A_165 = arith.constant 0 : i32
    %dma_start3A_166 = arith.constant 0 : i32
    %dma_start3A_167 = arith.constant 0 : i32
    %dma_start3A_168 = tpu.memref_slice %arg7[%dma_start3A_165, %dma_start3A_166, %dma_start3A_167] : memref<2x256x128xf32, #tpu.memory_space<vmem>> -> memref<1x256x128xf32, #tpu.memory_space<vmem>>
    %dma_start3A_169 = tpu.memref_squeeze %dma_start3A_168 : memref<1x256x128xf32, #tpu.memory_space<vmem>> -> memref<256x128xf32, #tpu.memory_space<vmem>>
    %dma_start3A_170 = arith.constant 0 : i32
    %dma_start3A_171 = arith.constant 0 : i32
    %dma_start3A_172 = tpu.memref_slice %arg3[%dma_start3A_170, %dma_start3A_171] : memref<4096x128xf32, #tpu.memory_space<hbm>> -> memref<4096x128xf32, #tpu.memory_space<hbm>>
    tpu.enqueue_indirect_dma source(%dma_start3A_172 : memref<4096x128xf32, #tpu.memory_space<hbm>>) target(%dma_start3A_169 : memref<256x128xf32, #tpu.memory_space<vmem>>) offsets(%arg5 : memref<256xi32, #tpu.memory_space<vmem>>) semaphore(%arg8 : memref<!tpu.dma_semaphore, #tpu.memory_space<semaphore_mem>>)
    %mul3A_173 = arith.constant 4096 : i32
    %mul3A_174 = arith.muli %add3A, %mul3A_173 : i32
    %add3A_175 = arith.constant 768 : i32
    %add3A_176 = arith.addi %mul3A_174, %add3A_175 : i32
    %dma_wait3A_177 = arith.constant 1 : i32
    %dma_wait3A_178 = arith.constant 0 : i32
    %dma_wait3A_179 = arith.constant 0 : i32
    %dma_wait3A_180 = tpu.memref_slice %arg7[%dma_wait3A_177, %dma_wait3A_178, %dma_wait3A_179] : memref<2x256x128xf32, #tpu.memory_space<vmem>> -> memref<1x256x128xf32, #tpu.memory_space<vmem>>
    %dma_wait3A_181 = tpu.memref_squeeze %dma_wait3A_180 : memref<1x256x128xf32, #tpu.memory_space<vmem>> -> memref<256x128xf32, #tpu.memory_space<vmem>>
    %dma_wait3A_182 = arith.constant 0 : i32
    %dma_wait3A_183 = arith.constant 0 : i32
    %dma_wait3A_184 = tpu.memref_slice %arg3[%dma_wait3A_182, %dma_wait3A_183] : memref<4096x128xf32, #tpu.memory_space<hbm>> -> memref<4096x128xf32, #tpu.memory_space<hbm>>
    tpu.wait_indirect_dma semaphore(%arg9 : memref<!tpu.dma_semaphore, #tpu.memory_space<semaphore_mem>>) src(%dma_wait3A_184 : memref<4096x128xf32, #tpu.memory_space<hbm>>) dst(%dma_wait3A_181 : memref<256x128xf32, #tpu.memory_space<vmem>>)
    %dma_start3A_185 = arith.constant 1 : i32
    %dma_start3A_186 = arith.constant 0 : i32
    %dma_start3A_187 = arith.constant 0 : i32
    %dma_start3A_188 = tpu.memref_slice %arg7[%dma_start3A_185, %dma_start3A_186, %dma_start3A_187] : memref<2x256x128xf32, #tpu.memory_space<vmem>> -> memref<1x256x128xf32, #tpu.memory_space<vmem>>
    %dma_start3A_189 = tpu.memref_squeeze %dma_start3A_188 : memref<1x256x128xf32, #tpu.memory_space<vmem>> -> memref<256x128xf32, #tpu.memory_space<vmem>>
    %dma_start3A_190 = arith.constant 0 : i32
    %dma_start3A_191 = tpu.memref_slice %arg4[%add3A_176, %dma_start3A_190] : memref<131072x128xf32, #tpu.memory_space<hbm>> -> memref<256x128xf32, #tpu.memory_space<hbm>>
    %dma_start3A_192 = arith.constant 0 : i32
    %dma_start3A_193 = tpu.memref_slice %arg4[%add3A_176, %dma_start3A_192] : memref<131072x128xf32, #tpu.memory_space<hbm>> -> memref<256x128xf32, #tpu.memory_space<hbm>>
    %dma_start3A_194 = arith.constant 0 : i32
    %dma_start3A_195 = arith.constant 0 : i32
    %dma_start3A_196 = tpu.memref_slice %arg7[%dma_start3A_185, %dma_start3A_194, %dma_start3A_195] : memref<2x256x128xf32, #tpu.memory_space<vmem>> -> memref<1x256x128xf32, #tpu.memory_space<vmem>>
    %dma_start3A_197 = tpu.memref_squeeze %dma_start3A_196 : memref<1x256x128xf32, #tpu.memory_space<vmem>> -> memref<256x128xf32, #tpu.memory_space<vmem>>
    tpu.enqueue_dma source(%dma_start3A_197 : memref<256x128xf32, #tpu.memory_space<vmem>>) target(%dma_start3A_193 : memref<256x128xf32, #tpu.memory_space<hbm>>) target_semaphore(%arg11 : memref<!tpu.dma_semaphore, #tpu.memory_space<semaphore_mem>>)
    %mul3A_198 = arith.constant 4096 : i32
    %mul3A_199 = arith.muli %add3A, %mul3A_198 : i32
    %add3A_200 = arith.constant 1280 : i32
    %add3A_201 = arith.addi %mul3A_199, %add3A_200 : i32
    %dma_wait3A_202 = arith.constant 1 : i32
    %dma_wait3A_203 = arith.constant 0 : i32
    %dma_wait3A_204 = arith.constant 0 : i32
    %dma_wait3A_205 = tpu.memref_slice %arg7[%dma_wait3A_202, %dma_wait3A_203, %dma_wait3A_204] : memref<2x256x128xf32, #tpu.memory_space<vmem>> -> memref<1x256x128xf32, #tpu.memory_space<vmem>>
    %dma_wait3A_206 = tpu.memref_squeeze %dma_wait3A_205 : memref<1x256x128xf32, #tpu.memory_space<vmem>> -> memref<256x128xf32, #tpu.memory_space<vmem>>
    %dma_wait3A_207 = arith.constant 0 : i32
    %dma_wait3A_208 = tpu.memref_slice %arg4[%add3A_176, %dma_wait3A_207] : memref<131072x128xf32, #tpu.memory_space<hbm>> -> memref<256x128xf32, #tpu.memory_space<hbm>>
    %dma_wait3A_209 = arith.constant 0 : i32
    %dma_wait3A_210 = tpu.memref_slice %arg4[%add3A_176, %dma_wait3A_209] : memref<131072x128xf32, #tpu.memory_space<hbm>> -> memref<256x128xf32, #tpu.memory_space<hbm>>
    %dma_wait3A_211 = arith.constant 0 : i32
    %dma_wait3A_212 = arith.constant 0 : i32
    %dma_wait3A_213 = tpu.memref_slice %arg7[%dma_wait3A_202, %dma_wait3A_211, %dma_wait3A_212] : memref<2x256x128xf32, #tpu.memory_space<vmem>> -> memref<1x256x128xf32, #tpu.memory_space<vmem>>
    %dma_wait3A_214 = tpu.memref_squeeze %dma_wait3A_213 : memref<1x256x128xf32, #tpu.memory_space<vmem>> -> memref<256x128xf32, #tpu.memory_space<vmem>>
    tpu.wait_dma2 semaphore(%arg11 : memref<!tpu.dma_semaphore, #tpu.memory_space<semaphore_mem>>) src(%dma_wait3A_214 : memref<256x128xf32, #tpu.memory_space<vmem>>) dst(%dma_wait3A_210 : memref<256x128xf32, #tpu.memory_space<hbm>>)
    "tpu.region"() ({
      %run_scoped3A = tpu.sem_alloc : memref<!tpu.dma_semaphore, #tpu.memory_space<semaphore_mem>>
      %dma_start3A_799 = tpu.memref_slice %arg2[%add3A_201] : memref<131072xi32, #tpu.memory_space<hbm>> -> memref<256xi32, #tpu.memory_space<hbm>>
      %dma_start3A_800 = tpu.memref_slice %arg2[%add3A_201] : memref<131072xi32, #tpu.memory_space<hbm>> -> memref<256xi32, #tpu.memory_space<hbm>>
      tpu.enqueue_dma source(%dma_start3A_800 : memref<256xi32, #tpu.memory_space<hbm>>) target(%arg6 : memref<256xi32, #tpu.memory_space<vmem>>) target_semaphore(%run_scoped3A : memref<!tpu.dma_semaphore, #tpu.memory_space<semaphore_mem>>)
      %dma_wait3A_801 = tpu.memref_slice %arg2[%add3A_201] : memref<131072xi32, #tpu.memory_space<hbm>> -> memref<256xi32, #tpu.memory_space<hbm>>
      %dma_wait3A_802 = tpu.memref_slice %arg2[%add3A_201] : memref<131072xi32, #tpu.memory_space<hbm>> -> memref<256xi32, #tpu.memory_space<hbm>>
      tpu.wait_dma2 semaphore(%run_scoped3A : memref<!tpu.dma_semaphore, #tpu.memory_space<semaphore_mem>>) src(%dma_wait3A_802 : memref<256xi32, #tpu.memory_space<hbm>>) dst(%arg6 : memref<256xi32, #tpu.memory_space<vmem>>)
      tpu.yield
    }) : () -> ()
    %dma_start3A_215 = arith.constant 1 : i32
    %dma_start3A_216 = arith.constant 0 : i32
    %dma_start3A_217 = arith.constant 0 : i32
    %dma_start3A_218 = tpu.memref_slice %arg7[%dma_start3A_215, %dma_start3A_216, %dma_start3A_217] : memref<2x256x128xf32, #tpu.memory_space<vmem>> -> memref<1x256x128xf32, #tpu.memory_space<vmem>>
    %dma_start3A_219 = tpu.memref_squeeze %dma_start3A_218 : memref<1x256x128xf32, #tpu.memory_space<vmem>> -> memref<256x128xf32, #tpu.memory_space<vmem>>
    %dma_start3A_220 = arith.constant 0 : i32
    %dma_start3A_221 = arith.constant 0 : i32
    %dma_start3A_222 = tpu.memref_slice %arg3[%dma_start3A_220, %dma_start3A_221] : memref<4096x128xf32, #tpu.memory_space<hbm>> -> memref<4096x128xf32, #tpu.memory_space<hbm>>
    tpu.enqueue_indirect_dma source(%dma_start3A_222 : memref<4096x128xf32, #tpu.memory_space<hbm>>) target(%dma_start3A_219 : memref<256x128xf32, #tpu.memory_space<vmem>>) offsets(%arg6 : memref<256xi32, #tpu.memory_space<vmem>>) semaphore(%arg9 : memref<!tpu.dma_semaphore, #tpu.memory_space<semaphore_mem>>)
    %mul3A_223 = arith.constant 4096 : i32
    %mul3A_224 = arith.muli %add3A, %mul3A_223 : i32
    %add3A_225 = arith.constant 1024 : i32
    %add3A_226 = arith.addi %mul3A_224, %add3A_225 : i32
    %dma_wait3A_227 = arith.constant 0 : i32
    %dma_wait3A_228 = arith.constant 0 : i32
    %dma_wait3A_229 = arith.constant 0 : i32
    %dma_wait3A_230 = tpu.memref_slice %arg7[%dma_wait3A_227, %dma_wait3A_228, %dma_wait3A_229] : memref<2x256x128xf32, #tpu.memory_space<vmem>> -> memref<1x256x128xf32, #tpu.memory_space<vmem>>
    %dma_wait3A_231 = tpu.memref_squeeze %dma_wait3A_230 : memref<1x256x128xf32, #tpu.memory_space<vmem>> -> memref<256x128xf32, #tpu.memory_space<vmem>>
    %dma_wait3A_232 = arith.constant 0 : i32
    %dma_wait3A_233 = arith.constant 0 : i32
    %dma_wait3A_234 = tpu.memref_slice %arg3[%dma_wait3A_232, %dma_wait3A_233] : memref<4096x128xf32, #tpu.memory_space<hbm>> -> memref<4096x128xf32, #tpu.memory_space<hbm>>
    tpu.wait_indirect_dma semaphore(%arg8 : memref<!tpu.dma_semaphore, #tpu.memory_space<semaphore_mem>>) src(%dma_wait3A_234 : memref<4096x128xf32, #tpu.memory_space<hbm>>) dst(%dma_wait3A_231 : memref<256x128xf32, #tpu.memory_space<vmem>>)
    %dma_start3A_235 = arith.constant 0 : i32
    %dma_start3A_236 = arith.constant 0 : i32
    %dma_start3A_237 = arith.constant 0 : i32
    %dma_start3A_238 = tpu.memref_slice %arg7[%dma_start3A_235, %dma_start3A_236, %dma_start3A_237] : memref<2x256x128xf32, #tpu.memory_space<vmem>> -> memref<1x256x128xf32, #tpu.memory_space<vmem>>
    %dma_start3A_239 = tpu.memref_squeeze %dma_start3A_238 : memref<1x256x128xf32, #tpu.memory_space<vmem>> -> memref<256x128xf32, #tpu.memory_space<vmem>>
    %dma_start3A_240 = arith.constant 0 : i32
    %dma_start3A_241 = tpu.memref_slice %arg4[%add3A_226, %dma_start3A_240] : memref<131072x128xf32, #tpu.memory_space<hbm>> -> memref<256x128xf32, #tpu.memory_space<hbm>>
    %dma_start3A_242 = arith.constant 0 : i32
    %dma_start3A_243 = tpu.memref_slice %arg4[%add3A_226, %dma_start3A_242] : memref<131072x128xf32, #tpu.memory_space<hbm>> -> memref<256x128xf32, #tpu.memory_space<hbm>>
    %dma_start3A_244 = arith.constant 0 : i32
    %dma_start3A_245 = arith.constant 0 : i32
    %dma_start3A_246 = tpu.memref_slice %arg7[%dma_start3A_235, %dma_start3A_244, %dma_start3A_245] : memref<2x256x128xf32, #tpu.memory_space<vmem>> -> memref<1x256x128xf32, #tpu.memory_space<vmem>>
    %dma_start3A_247 = tpu.memref_squeeze %dma_start3A_246 : memref<1x256x128xf32, #tpu.memory_space<vmem>> -> memref<256x128xf32, #tpu.memory_space<vmem>>
    tpu.enqueue_dma source(%dma_start3A_247 : memref<256x128xf32, #tpu.memory_space<vmem>>) target(%dma_start3A_243 : memref<256x128xf32, #tpu.memory_space<hbm>>) target_semaphore(%arg10 : memref<!tpu.dma_semaphore, #tpu.memory_space<semaphore_mem>>)
    %mul3A_248 = arith.constant 4096 : i32
    %mul3A_249 = arith.muli %add3A, %mul3A_248 : i32
    %add3A_250 = arith.constant 1536 : i32
    %add3A_251 = arith.addi %mul3A_249, %add3A_250 : i32
    %dma_wait3A_252 = arith.constant 0 : i32
    %dma_wait3A_253 = arith.constant 0 : i32
    %dma_wait3A_254 = arith.constant 0 : i32
    %dma_wait3A_255 = tpu.memref_slice %arg7[%dma_wait3A_252, %dma_wait3A_253, %dma_wait3A_254] : memref<2x256x128xf32, #tpu.memory_space<vmem>> -> memref<1x256x128xf32, #tpu.memory_space<vmem>>
    %dma_wait3A_256 = tpu.memref_squeeze %dma_wait3A_255 : memref<1x256x128xf32, #tpu.memory_space<vmem>> -> memref<256x128xf32, #tpu.memory_space<vmem>>
    %dma_wait3A_257 = arith.constant 0 : i32
    %dma_wait3A_258 = tpu.memref_slice %arg4[%add3A_226, %dma_wait3A_257] : memref<131072x128xf32, #tpu.memory_space<hbm>> -> memref<256x128xf32, #tpu.memory_space<hbm>>
    %dma_wait3A_259 = arith.constant 0 : i32
    %dma_wait3A_260 = tpu.memref_slice %arg4[%add3A_226, %dma_wait3A_259] : memref<131072x128xf32, #tpu.memory_space<hbm>> -> memref<256x128xf32, #tpu.memory_space<hbm>>
    %dma_wait3A_261 = arith.constant 0 : i32
    %dma_wait3A_262 = arith.constant 0 : i32
    %dma_wait3A_263 = tpu.memref_slice %arg7[%dma_wait3A_252, %dma_wait3A_261, %dma_wait3A_262] : memref<2x256x128xf32, #tpu.memory_space<vmem>> -> memref<1x256x128xf32, #tpu.memory_space<vmem>>
    %dma_wait3A_264 = tpu.memref_squeeze %dma_wait3A_263 : memref<1x256x128xf32, #tpu.memory_space<vmem>> -> memref<256x128xf32, #tpu.memory_space<vmem>>
    tpu.wait_dma2 semaphore(%arg10 : memref<!tpu.dma_semaphore, #tpu.memory_space<semaphore_mem>>) src(%dma_wait3A_264 : memref<256x128xf32, #tpu.memory_space<vmem>>) dst(%dma_wait3A_260 : memref<256x128xf32, #tpu.memory_space<hbm>>)
    "tpu.region"() ({
      %run_scoped3A = tpu.sem_alloc : memref<!tpu.dma_semaphore, #tpu.memory_space<semaphore_mem>>
      %dma_start3A_799 = tpu.memref_slice %arg2[%add3A_251] : memref<131072xi32, #tpu.memory_space<hbm>> -> memref<256xi32, #tpu.memory_space<hbm>>
      %dma_start3A_800 = tpu.memref_slice %arg2[%add3A_251] : memref<131072xi32, #tpu.memory_space<hbm>> -> memref<256xi32, #tpu.memory_space<hbm>>
      tpu.enqueue_dma source(%dma_start3A_800 : memref<256xi32, #tpu.memory_space<hbm>>) target(%arg5 : memref<256xi32, #tpu.memory_space<vmem>>) target_semaphore(%run_scoped3A : memref<!tpu.dma_semaphore, #tpu.memory_space<semaphore_mem>>)
      %dma_wait3A_801 = tpu.memref_slice %arg2[%add3A_251] : memref<131072xi32, #tpu.memory_space<hbm>> -> memref<256xi32, #tpu.memory_space<hbm>>
      %dma_wait3A_802 = tpu.memref_slice %arg2[%add3A_251] : memref<131072xi32, #tpu.memory_space<hbm>> -> memref<256xi32, #tpu.memory_space<hbm>>
      tpu.wait_dma2 semaphore(%run_scoped3A : memref<!tpu.dma_semaphore, #tpu.memory_space<semaphore_mem>>) src(%dma_wait3A_802 : memref<256xi32, #tpu.memory_space<hbm>>) dst(%arg5 : memref<256xi32, #tpu.memory_space<vmem>>)
      tpu.yield
    }) : () -> ()
    %dma_start3A_265 = arith.constant 0 : i32
    %dma_start3A_266 = arith.constant 0 : i32
    %dma_start3A_267 = arith.constant 0 : i32
    %dma_start3A_268 = tpu.memref_slice %arg7[%dma_start3A_265, %dma_start3A_266, %dma_start3A_267] : memref<2x256x128xf32, #tpu.memory_space<vmem>> -> memref<1x256x128xf32, #tpu.memory_space<vmem>>
    %dma_start3A_269 = tpu.memref_squeeze %dma_start3A_268 : memref<1x256x128xf32, #tpu.memory_space<vmem>> -> memref<256x128xf32, #tpu.memory_space<vmem>>
    %dma_start3A_270 = arith.constant 0 : i32
    %dma_start3A_271 = arith.constant 0 : i32
    %dma_start3A_272 = tpu.memref_slice %arg3[%dma_start3A_270, %dma_start3A_271] : memref<4096x128xf32, #tpu.memory_space<hbm>> -> memref<4096x128xf32, #tpu.memory_space<hbm>>
    tpu.enqueue_indirect_dma source(%dma_start3A_272 : memref<4096x128xf32, #tpu.memory_space<hbm>>) target(%dma_start3A_269 : memref<256x128xf32, #tpu.memory_space<vmem>>) offsets(%arg5 : memref<256xi32, #tpu.memory_space<vmem>>) semaphore(%arg8 : memref<!tpu.dma_semaphore, #tpu.memory_space<semaphore_mem>>)
    %mul3A_273 = arith.constant 4096 : i32
    %mul3A_274 = arith.muli %add3A, %mul3A_273 : i32
    %add3A_275 = arith.constant 1280 : i32
    %add3A_276 = arith.addi %mul3A_274, %add3A_275 : i32
    %dma_wait3A_277 = arith.constant 1 : i32
    %dma_wait3A_278 = arith.constant 0 : i32
    %dma_wait3A_279 = arith.constant 0 : i32
    %dma_wait3A_280 = tpu.memref_slice %arg7[%dma_wait3A_277, %dma_wait3A_278, %dma_wait3A_279] : memref<2x256x128xf32, #tpu.memory_space<vmem>> -> memref<1x256x128xf32, #tpu.memory_space<vmem>>
    %dma_wait3A_281 = tpu.memref_squeeze %dma_wait3A_280 : memref<1x256x128xf32, #tpu.memory_space<vmem>> -> memref<256x128xf32, #tpu.memory_space<vmem>>
    %dma_wait3A_282 = arith.constant 0 : i32
    %dma_wait3A_283 = arith.constant 0 : i32
    %dma_wait3A_284 = tpu.memref_slice %arg3[%dma_wait3A_282, %dma_wait3A_283] : memref<4096x128xf32, #tpu.memory_space<hbm>> -> memref<4096x128xf32, #tpu.memory_space<hbm>>
    tpu.wait_indirect_dma semaphore(%arg9 : memref<!tpu.dma_semaphore, #tpu.memory_space<semaphore_mem>>) src(%dma_wait3A_284 : memref<4096x128xf32, #tpu.memory_space<hbm>>) dst(%dma_wait3A_281 : memref<256x128xf32, #tpu.memory_space<vmem>>)
    %dma_start3A_285 = arith.constant 1 : i32
    %dma_start3A_286 = arith.constant 0 : i32
    %dma_start3A_287 = arith.constant 0 : i32
    %dma_start3A_288 = tpu.memref_slice %arg7[%dma_start3A_285, %dma_start3A_286, %dma_start3A_287] : memref<2x256x128xf32, #tpu.memory_space<vmem>> -> memref<1x256x128xf32, #tpu.memory_space<vmem>>
    %dma_start3A_289 = tpu.memref_squeeze %dma_start3A_288 : memref<1x256x128xf32, #tpu.memory_space<vmem>> -> memref<256x128xf32, #tpu.memory_space<vmem>>
    %dma_start3A_290 = arith.constant 0 : i32
    %dma_start3A_291 = tpu.memref_slice %arg4[%add3A_276, %dma_start3A_290] : memref<131072x128xf32, #tpu.memory_space<hbm>> -> memref<256x128xf32, #tpu.memory_space<hbm>>
    %dma_start3A_292 = arith.constant 0 : i32
    %dma_start3A_293 = tpu.memref_slice %arg4[%add3A_276, %dma_start3A_292] : memref<131072x128xf32, #tpu.memory_space<hbm>> -> memref<256x128xf32, #tpu.memory_space<hbm>>
    %dma_start3A_294 = arith.constant 0 : i32
    %dma_start3A_295 = arith.constant 0 : i32
    %dma_start3A_296 = tpu.memref_slice %arg7[%dma_start3A_285, %dma_start3A_294, %dma_start3A_295] : memref<2x256x128xf32, #tpu.memory_space<vmem>> -> memref<1x256x128xf32, #tpu.memory_space<vmem>>
    %dma_start3A_297 = tpu.memref_squeeze %dma_start3A_296 : memref<1x256x128xf32, #tpu.memory_space<vmem>> -> memref<256x128xf32, #tpu.memory_space<vmem>>
    tpu.enqueue_dma source(%dma_start3A_297 : memref<256x128xf32, #tpu.memory_space<vmem>>) target(%dma_start3A_293 : memref<256x128xf32, #tpu.memory_space<hbm>>) target_semaphore(%arg11 : memref<!tpu.dma_semaphore, #tpu.memory_space<semaphore_mem>>)
    %mul3A_298 = arith.constant 4096 : i32
    %mul3A_299 = arith.muli %add3A, %mul3A_298 : i32
    %add3A_300 = arith.constant 1792 : i32
    %add3A_301 = arith.addi %mul3A_299, %add3A_300 : i32
    %dma_wait3A_302 = arith.constant 1 : i32
    %dma_wait3A_303 = arith.constant 0 : i32
    %dma_wait3A_304 = arith.constant 0 : i32
    %dma_wait3A_305 = tpu.memref_slice %arg7[%dma_wait3A_302, %dma_wait3A_303, %dma_wait3A_304] : memref<2x256x128xf32, #tpu.memory_space<vmem>> -> memref<1x256x128xf32, #tpu.memory_space<vmem>>
    %dma_wait3A_306 = tpu.memref_squeeze %dma_wait3A_305 : memref<1x256x128xf32, #tpu.memory_space<vmem>> -> memref<256x128xf32, #tpu.memory_space<vmem>>
    %dma_wait3A_307 = arith.constant 0 : i32
    %dma_wait3A_308 = tpu.memref_slice %arg4[%add3A_276, %dma_wait3A_307] : memref<131072x128xf32, #tpu.memory_space<hbm>> -> memref<256x128xf32, #tpu.memory_space<hbm>>
    %dma_wait3A_309 = arith.constant 0 : i32
    %dma_wait3A_310 = tpu.memref_slice %arg4[%add3A_276, %dma_wait3A_309] : memref<131072x128xf32, #tpu.memory_space<hbm>> -> memref<256x128xf32, #tpu.memory_space<hbm>>
    %dma_wait3A_311 = arith.constant 0 : i32
    %dma_wait3A_312 = arith.constant 0 : i32
    %dma_wait3A_313 = tpu.memref_slice %arg7[%dma_wait3A_302, %dma_wait3A_311, %dma_wait3A_312] : memref<2x256x128xf32, #tpu.memory_space<vmem>> -> memref<1x256x128xf32, #tpu.memory_space<vmem>>
    %dma_wait3A_314 = tpu.memref_squeeze %dma_wait3A_313 : memref<1x256x128xf32, #tpu.memory_space<vmem>> -> memref<256x128xf32, #tpu.memory_space<vmem>>
    tpu.wait_dma2 semaphore(%arg11 : memref<!tpu.dma_semaphore, #tpu.memory_space<semaphore_mem>>) src(%dma_wait3A_314 : memref<256x128xf32, #tpu.memory_space<vmem>>) dst(%dma_wait3A_310 : memref<256x128xf32, #tpu.memory_space<hbm>>)
    "tpu.region"() ({
      %run_scoped3A = tpu.sem_alloc : memref<!tpu.dma_semaphore, #tpu.memory_space<semaphore_mem>>
      %dma_start3A_799 = tpu.memref_slice %arg2[%add3A_301] : memref<131072xi32, #tpu.memory_space<hbm>> -> memref<256xi32, #tpu.memory_space<hbm>>
      %dma_start3A_800 = tpu.memref_slice %arg2[%add3A_301] : memref<131072xi32, #tpu.memory_space<hbm>> -> memref<256xi32, #tpu.memory_space<hbm>>
      tpu.enqueue_dma source(%dma_start3A_800 : memref<256xi32, #tpu.memory_space<hbm>>) target(%arg6 : memref<256xi32, #tpu.memory_space<vmem>>) target_semaphore(%run_scoped3A : memref<!tpu.dma_semaphore, #tpu.memory_space<semaphore_mem>>)
      %dma_wait3A_801 = tpu.memref_slice %arg2[%add3A_301] : memref<131072xi32, #tpu.memory_space<hbm>> -> memref<256xi32, #tpu.memory_space<hbm>>
      %dma_wait3A_802 = tpu.memref_slice %arg2[%add3A_301] : memref<131072xi32, #tpu.memory_space<hbm>> -> memref<256xi32, #tpu.memory_space<hbm>>
      tpu.wait_dma2 semaphore(%run_scoped3A : memref<!tpu.dma_semaphore, #tpu.memory_space<semaphore_mem>>) src(%dma_wait3A_802 : memref<256xi32, #tpu.memory_space<hbm>>) dst(%arg6 : memref<256xi32, #tpu.memory_space<vmem>>)
      tpu.yield
    }) : () -> ()
    %dma_start3A_315 = arith.constant 1 : i32
    %dma_start3A_316 = arith.constant 0 : i32
    %dma_start3A_317 = arith.constant 0 : i32
    %dma_start3A_318 = tpu.memref_slice %arg7[%dma_start3A_315, %dma_start3A_316, %dma_start3A_317] : memref<2x256x128xf32, #tpu.memory_space<vmem>> -> memref<1x256x128xf32, #tpu.memory_space<vmem>>
    %dma_start3A_319 = tpu.memref_squeeze %dma_start3A_318 : memref<1x256x128xf32, #tpu.memory_space<vmem>> -> memref<256x128xf32, #tpu.memory_space<vmem>>
    %dma_start3A_320 = arith.constant 0 : i32
    %dma_start3A_321 = arith.constant 0 : i32
    %dma_start3A_322 = tpu.memref_slice %arg3[%dma_start3A_320, %dma_start3A_321] : memref<4096x128xf32, #tpu.memory_space<hbm>> -> memref<4096x128xf32, #tpu.memory_space<hbm>>
    tpu.enqueue_indirect_dma source(%dma_start3A_322 : memref<4096x128xf32, #tpu.memory_space<hbm>>) target(%dma_start3A_319 : memref<256x128xf32, #tpu.memory_space<vmem>>) offsets(%arg6 : memref<256xi32, #tpu.memory_space<vmem>>) semaphore(%arg9 : memref<!tpu.dma_semaphore, #tpu.memory_space<semaphore_mem>>)
    %mul3A_323 = arith.constant 4096 : i32
    %mul3A_324 = arith.muli %add3A, %mul3A_323 : i32
    %add3A_325 = arith.constant 1536 : i32
    %add3A_326 = arith.addi %mul3A_324, %add3A_325 : i32
    %dma_wait3A_327 = arith.constant 0 : i32
    %dma_wait3A_328 = arith.constant 0 : i32
    %dma_wait3A_329 = arith.constant 0 : i32
    %dma_wait3A_330 = tpu.memref_slice %arg7[%dma_wait3A_327, %dma_wait3A_328, %dma_wait3A_329] : memref<2x256x128xf32, #tpu.memory_space<vmem>> -> memref<1x256x128xf32, #tpu.memory_space<vmem>>
    %dma_wait3A_331 = tpu.memref_squeeze %dma_wait3A_330 : memref<1x256x128xf32, #tpu.memory_space<vmem>> -> memref<256x128xf32, #tpu.memory_space<vmem>>
    %dma_wait3A_332 = arith.constant 0 : i32
    %dma_wait3A_333 = arith.constant 0 : i32
    %dma_wait3A_334 = tpu.memref_slice %arg3[%dma_wait3A_332, %dma_wait3A_333] : memref<4096x128xf32, #tpu.memory_space<hbm>> -> memref<4096x128xf32, #tpu.memory_space<hbm>>
    tpu.wait_indirect_dma semaphore(%arg8 : memref<!tpu.dma_semaphore, #tpu.memory_space<semaphore_mem>>) src(%dma_wait3A_334 : memref<4096x128xf32, #tpu.memory_space<hbm>>) dst(%dma_wait3A_331 : memref<256x128xf32, #tpu.memory_space<vmem>>)
    %dma_start3A_335 = arith.constant 0 : i32
    %dma_start3A_336 = arith.constant 0 : i32
    %dma_start3A_337 = arith.constant 0 : i32
    %dma_start3A_338 = tpu.memref_slice %arg7[%dma_start3A_335, %dma_start3A_336, %dma_start3A_337] : memref<2x256x128xf32, #tpu.memory_space<vmem>> -> memref<1x256x128xf32, #tpu.memory_space<vmem>>
    %dma_start3A_339 = tpu.memref_squeeze %dma_start3A_338 : memref<1x256x128xf32, #tpu.memory_space<vmem>> -> memref<256x128xf32, #tpu.memory_space<vmem>>
    %dma_start3A_340 = arith.constant 0 : i32
    %dma_start3A_341 = tpu.memref_slice %arg4[%add3A_326, %dma_start3A_340] : memref<131072x128xf32, #tpu.memory_space<hbm>> -> memref<256x128xf32, #tpu.memory_space<hbm>>
    %dma_start3A_342 = arith.constant 0 : i32
    %dma_start3A_343 = tpu.memref_slice %arg4[%add3A_326, %dma_start3A_342] : memref<131072x128xf32, #tpu.memory_space<hbm>> -> memref<256x128xf32, #tpu.memory_space<hbm>>
    %dma_start3A_344 = arith.constant 0 : i32
    %dma_start3A_345 = arith.constant 0 : i32
    %dma_start3A_346 = tpu.memref_slice %arg7[%dma_start3A_335, %dma_start3A_344, %dma_start3A_345] : memref<2x256x128xf32, #tpu.memory_space<vmem>> -> memref<1x256x128xf32, #tpu.memory_space<vmem>>
    %dma_start3A_347 = tpu.memref_squeeze %dma_start3A_346 : memref<1x256x128xf32, #tpu.memory_space<vmem>> -> memref<256x128xf32, #tpu.memory_space<vmem>>
    tpu.enqueue_dma source(%dma_start3A_347 : memref<256x128xf32, #tpu.memory_space<vmem>>) target(%dma_start3A_343 : memref<256x128xf32, #tpu.memory_space<hbm>>) target_semaphore(%arg10 : memref<!tpu.dma_semaphore, #tpu.memory_space<semaphore_mem>>)
    %mul3A_348 = arith.constant 4096 : i32
    %mul3A_349 = arith.muli %add3A, %mul3A_348 : i32
    %add3A_350 = arith.constant 2048 : i32
    %add3A_351 = arith.addi %mul3A_349, %add3A_350 : i32
    %dma_wait3A_352 = arith.constant 0 : i32
    %dma_wait3A_353 = arith.constant 0 : i32
    %dma_wait3A_354 = arith.constant 0 : i32
    %dma_wait3A_355 = tpu.memref_slice %arg7[%dma_wait3A_352, %dma_wait3A_353, %dma_wait3A_354] : memref<2x256x128xf32, #tpu.memory_space<vmem>> -> memref<1x256x128xf32, #tpu.memory_space<vmem>>
    %dma_wait3A_356 = tpu.memref_squeeze %dma_wait3A_355 : memref<1x256x128xf32, #tpu.memory_space<vmem>> -> memref<256x128xf32, #tpu.memory_space<vmem>>
    %dma_wait3A_357 = arith.constant 0 : i32
    %dma_wait3A_358 = tpu.memref_slice %arg4[%add3A_326, %dma_wait3A_357] : memref<131072x128xf32, #tpu.memory_space<hbm>> -> memref<256x128xf32, #tpu.memory_space<hbm>>
    %dma_wait3A_359 = arith.constant 0 : i32
    %dma_wait3A_360 = tpu.memref_slice %arg4[%add3A_326, %dma_wait3A_359] : memref<131072x128xf32, #tpu.memory_space<hbm>> -> memref<256x128xf32, #tpu.memory_space<hbm>>
    %dma_wait3A_361 = arith.constant 0 : i32
    %dma_wait3A_362 = arith.constant 0 : i32
    %dma_wait3A_363 = tpu.memref_slice %arg7[%dma_wait3A_352, %dma_wait3A_361, %dma_wait3A_362] : memref<2x256x128xf32, #tpu.memory_space<vmem>> -> memref<1x256x128xf32, #tpu.memory_space<vmem>>
    %dma_wait3A_364 = tpu.memref_squeeze %dma_wait3A_363 : memref<1x256x128xf32, #tpu.memory_space<vmem>> -> memref<256x128xf32, #tpu.memory_space<vmem>>
    tpu.wait_dma2 semaphore(%arg10 : memref<!tpu.dma_semaphore, #tpu.memory_space<semaphore_mem>>) src(%dma_wait3A_364 : memref<256x128xf32, #tpu.memory_space<vmem>>) dst(%dma_wait3A_360 : memref<256x128xf32, #tpu.memory_space<hbm>>)
    "tpu.region"() ({
      %run_scoped3A = tpu.sem_alloc : memref<!tpu.dma_semaphore, #tpu.memory_space<semaphore_mem>>
      %dma_start3A_799 = tpu.memref_slice %arg2[%add3A_351] : memref<131072xi32, #tpu.memory_space<hbm>> -> memref<256xi32, #tpu.memory_space<hbm>>
      %dma_start3A_800 = tpu.memref_slice %arg2[%add3A_351] : memref<131072xi32, #tpu.memory_space<hbm>> -> memref<256xi32, #tpu.memory_space<hbm>>
      tpu.enqueue_dma source(%dma_start3A_800 : memref<256xi32, #tpu.memory_space<hbm>>) target(%arg5 : memref<256xi32, #tpu.memory_space<vmem>>) target_semaphore(%run_scoped3A : memref<!tpu.dma_semaphore, #tpu.memory_space<semaphore_mem>>)
      %dma_wait3A_801 = tpu.memref_slice %arg2[%add3A_351] : memref<131072xi32, #tpu.memory_space<hbm>> -> memref<256xi32, #tpu.memory_space<hbm>>
      %dma_wait3A_802 = tpu.memref_slice %arg2[%add3A_351] : memref<131072xi32, #tpu.memory_space<hbm>> -> memref<256xi32, #tpu.memory_space<hbm>>
      tpu.wait_dma2 semaphore(%run_scoped3A : memref<!tpu.dma_semaphore, #tpu.memory_space<semaphore_mem>>) src(%dma_wait3A_802 : memref<256xi32, #tpu.memory_space<hbm>>) dst(%arg5 : memref<256xi32, #tpu.memory_space<vmem>>)
      tpu.yield
    }) : () -> ()
    %dma_start3A_365 = arith.constant 0 : i32
    %dma_start3A_366 = arith.constant 0 : i32
    %dma_start3A_367 = arith.constant 0 : i32
    %dma_start3A_368 = tpu.memref_slice %arg7[%dma_start3A_365, %dma_start3A_366, %dma_start3A_367] : memref<2x256x128xf32, #tpu.memory_space<vmem>> -> memref<1x256x128xf32, #tpu.memory_space<vmem>>
    %dma_start3A_369 = tpu.memref_squeeze %dma_start3A_368 : memref<1x256x128xf32, #tpu.memory_space<vmem>> -> memref<256x128xf32, #tpu.memory_space<vmem>>
    %dma_start3A_370 = arith.constant 0 : i32
    %dma_start3A_371 = arith.constant 0 : i32
    %dma_start3A_372 = tpu.memref_slice %arg3[%dma_start3A_370, %dma_start3A_371] : memref<4096x128xf32, #tpu.memory_space<hbm>> -> memref<4096x128xf32, #tpu.memory_space<hbm>>
    tpu.enqueue_indirect_dma source(%dma_start3A_372 : memref<4096x128xf32, #tpu.memory_space<hbm>>) target(%dma_start3A_369 : memref<256x128xf32, #tpu.memory_space<vmem>>) offsets(%arg5 : memref<256xi32, #tpu.memory_space<vmem>>) semaphore(%arg8 : memref<!tpu.dma_semaphore, #tpu.memory_space<semaphore_mem>>)
    %mul3A_373 = arith.constant 4096 : i32
    %mul3A_374 = arith.muli %add3A, %mul3A_373 : i32
    %add3A_375 = arith.constant 1792 : i32
    %add3A_376 = arith.addi %mul3A_374, %add3A_375 : i32
    %dma_wait3A_377 = arith.constant 1 : i32
    %dma_wait3A_378 = arith.constant 0 : i32
    %dma_wait3A_379 = arith.constant 0 : i32
    %dma_wait3A_380 = tpu.memref_slice %arg7[%dma_wait3A_377, %dma_wait3A_378, %dma_wait3A_379] : memref<2x256x128xf32, #tpu.memory_space<vmem>> -> memref<1x256x128xf32, #tpu.memory_space<vmem>>
    %dma_wait3A_381 = tpu.memref_squeeze %dma_wait3A_380 : memref<1x256x128xf32, #tpu.memory_space<vmem>> -> memref<256x128xf32, #tpu.memory_space<vmem>>
    %dma_wait3A_382 = arith.constant 0 : i32
    %dma_wait3A_383 = arith.constant 0 : i32
    %dma_wait3A_384 = tpu.memref_slice %arg3[%dma_wait3A_382, %dma_wait3A_383] : memref<4096x128xf32, #tpu.memory_space<hbm>> -> memref<4096x128xf32, #tpu.memory_space<hbm>>
    tpu.wait_indirect_dma semaphore(%arg9 : memref<!tpu.dma_semaphore, #tpu.memory_space<semaphore_mem>>) src(%dma_wait3A_384 : memref<4096x128xf32, #tpu.memory_space<hbm>>) dst(%dma_wait3A_381 : memref<256x128xf32, #tpu.memory_space<vmem>>)
    %dma_start3A_385 = arith.constant 1 : i32
    %dma_start3A_386 = arith.constant 0 : i32
    %dma_start3A_387 = arith.constant 0 : i32
    %dma_start3A_388 = tpu.memref_slice %arg7[%dma_start3A_385, %dma_start3A_386, %dma_start3A_387] : memref<2x256x128xf32, #tpu.memory_space<vmem>> -> memref<1x256x128xf32, #tpu.memory_space<vmem>>
    %dma_start3A_389 = tpu.memref_squeeze %dma_start3A_388 : memref<1x256x128xf32, #tpu.memory_space<vmem>> -> memref<256x128xf32, #tpu.memory_space<vmem>>
    %dma_start3A_390 = arith.constant 0 : i32
    %dma_start3A_391 = tpu.memref_slice %arg4[%add3A_376, %dma_start3A_390] : memref<131072x128xf32, #tpu.memory_space<hbm>> -> memref<256x128xf32, #tpu.memory_space<hbm>>
    %dma_start3A_392 = arith.constant 0 : i32
    %dma_start3A_393 = tpu.memref_slice %arg4[%add3A_376, %dma_start3A_392] : memref<131072x128xf32, #tpu.memory_space<hbm>> -> memref<256x128xf32, #tpu.memory_space<hbm>>
    %dma_start3A_394 = arith.constant 0 : i32
    %dma_start3A_395 = arith.constant 0 : i32
    %dma_start3A_396 = tpu.memref_slice %arg7[%dma_start3A_385, %dma_start3A_394, %dma_start3A_395] : memref<2x256x128xf32, #tpu.memory_space<vmem>> -> memref<1x256x128xf32, #tpu.memory_space<vmem>>
    %dma_start3A_397 = tpu.memref_squeeze %dma_start3A_396 : memref<1x256x128xf32, #tpu.memory_space<vmem>> -> memref<256x128xf32, #tpu.memory_space<vmem>>
    tpu.enqueue_dma source(%dma_start3A_397 : memref<256x128xf32, #tpu.memory_space<vmem>>) target(%dma_start3A_393 : memref<256x128xf32, #tpu.memory_space<hbm>>) target_semaphore(%arg11 : memref<!tpu.dma_semaphore, #tpu.memory_space<semaphore_mem>>)
    %mul3A_398 = arith.constant 4096 : i32
    %mul3A_399 = arith.muli %add3A, %mul3A_398 : i32
    %add3A_400 = arith.constant 2304 : i32
    %add3A_401 = arith.addi %mul3A_399, %add3A_400 : i32
    %dma_wait3A_402 = arith.constant 1 : i32
    %dma_wait3A_403 = arith.constant 0 : i32
    %dma_wait3A_404 = arith.constant 0 : i32
    %dma_wait3A_405 = tpu.memref_slice %arg7[%dma_wait3A_402, %dma_wait3A_403, %dma_wait3A_404] : memref<2x256x128xf32, #tpu.memory_space<vmem>> -> memref<1x256x128xf32, #tpu.memory_space<vmem>>
    %dma_wait3A_406 = tpu.memref_squeeze %dma_wait3A_405 : memref<1x256x128xf32, #tpu.memory_space<vmem>> -> memref<256x128xf32, #tpu.memory_space<vmem>>
    %dma_wait3A_407 = arith.constant 0 : i32
    %dma_wait3A_408 = tpu.memref_slice %arg4[%add3A_376, %dma_wait3A_407] : memref<131072x128xf32, #tpu.memory_space<hbm>> -> memref<256x128xf32, #tpu.memory_space<hbm>>
    %dma_wait3A_409 = arith.constant 0 : i32
    %dma_wait3A_410 = tpu.memref_slice %arg4[%add3A_376, %dma_wait3A_409] : memref<131072x128xf32, #tpu.memory_space<hbm>> -> memref<256x128xf32, #tpu.memory_space<hbm>>
    %dma_wait3A_411 = arith.constant 0 : i32
    %dma_wait3A_412 = arith.constant 0 : i32
    %dma_wait3A_413 = tpu.memref_slice %arg7[%dma_wait3A_402, %dma_wait3A_411, %dma_wait3A_412] : memref<2x256x128xf32, #tpu.memory_space<vmem>> -> memref<1x256x128xf32, #tpu.memory_space<vmem>>
    %dma_wait3A_414 = tpu.memref_squeeze %dma_wait3A_413 : memref<1x256x128xf32, #tpu.memory_space<vmem>> -> memref<256x128xf32, #tpu.memory_space<vmem>>
    tpu.wait_dma2 semaphore(%arg11 : memref<!tpu.dma_semaphore, #tpu.memory_space<semaphore_mem>>) src(%dma_wait3A_414 : memref<256x128xf32, #tpu.memory_space<vmem>>) dst(%dma_wait3A_410 : memref<256x128xf32, #tpu.memory_space<hbm>>)
    "tpu.region"() ({
      %run_scoped3A = tpu.sem_alloc : memref<!tpu.dma_semaphore, #tpu.memory_space<semaphore_mem>>
      %dma_start3A_799 = tpu.memref_slice %arg2[%add3A_401] : memref<131072xi32, #tpu.memory_space<hbm>> -> memref<256xi32, #tpu.memory_space<hbm>>
      %dma_start3A_800 = tpu.memref_slice %arg2[%add3A_401] : memref<131072xi32, #tpu.memory_space<hbm>> -> memref<256xi32, #tpu.memory_space<hbm>>
      tpu.enqueue_dma source(%dma_start3A_800 : memref<256xi32, #tpu.memory_space<hbm>>) target(%arg6 : memref<256xi32, #tpu.memory_space<vmem>>) target_semaphore(%run_scoped3A : memref<!tpu.dma_semaphore, #tpu.memory_space<semaphore_mem>>)
      %dma_wait3A_801 = tpu.memref_slice %arg2[%add3A_401] : memref<131072xi32, #tpu.memory_space<hbm>> -> memref<256xi32, #tpu.memory_space<hbm>>
      %dma_wait3A_802 = tpu.memref_slice %arg2[%add3A_401] : memref<131072xi32, #tpu.memory_space<hbm>> -> memref<256xi32, #tpu.memory_space<hbm>>
      tpu.wait_dma2 semaphore(%run_scoped3A : memref<!tpu.dma_semaphore, #tpu.memory_space<semaphore_mem>>) src(%dma_wait3A_802 : memref<256xi32, #tpu.memory_space<hbm>>) dst(%arg6 : memref<256xi32, #tpu.memory_space<vmem>>)
      tpu.yield
    }) : () -> ()
    %dma_start3A_415 = arith.constant 1 : i32
    %dma_start3A_416 = arith.constant 0 : i32
    %dma_start3A_417 = arith.constant 0 : i32
    %dma_start3A_418 = tpu.memref_slice %arg7[%dma_start3A_415, %dma_start3A_416, %dma_start3A_417] : memref<2x256x128xf32, #tpu.memory_space<vmem>> -> memref<1x256x128xf32, #tpu.memory_space<vmem>>
    %dma_start3A_419 = tpu.memref_squeeze %dma_start3A_418 : memref<1x256x128xf32, #tpu.memory_space<vmem>> -> memref<256x128xf32, #tpu.memory_space<vmem>>
    %dma_start3A_420 = arith.constant 0 : i32
    %dma_start3A_421 = arith.constant 0 : i32
    %dma_start3A_422 = tpu.memref_slice %arg3[%dma_start3A_420, %dma_start3A_421] : memref<4096x128xf32, #tpu.memory_space<hbm>> -> memref<4096x128xf32, #tpu.memory_space<hbm>>
    tpu.enqueue_indirect_dma source(%dma_start3A_422 : memref<4096x128xf32, #tpu.memory_space<hbm>>) target(%dma_start3A_419 : memref<256x128xf32, #tpu.memory_space<vmem>>) offsets(%arg6 : memref<256xi32, #tpu.memory_space<vmem>>) semaphore(%arg9 : memref<!tpu.dma_semaphore, #tpu.memory_space<semaphore_mem>>)
    %mul3A_423 = arith.constant 4096 : i32
    %mul3A_424 = arith.muli %add3A, %mul3A_423 : i32
    %add3A_425 = arith.constant 2048 : i32
    %add3A_426 = arith.addi %mul3A_424, %add3A_425 : i32
    %dma_wait3A_427 = arith.constant 0 : i32
    %dma_wait3A_428 = arith.constant 0 : i32
    %dma_wait3A_429 = arith.constant 0 : i32
    %dma_wait3A_430 = tpu.memref_slice %arg7[%dma_wait3A_427, %dma_wait3A_428, %dma_wait3A_429] : memref<2x256x128xf32, #tpu.memory_space<vmem>> -> memref<1x256x128xf32, #tpu.memory_space<vmem>>
    %dma_wait3A_431 = tpu.memref_squeeze %dma_wait3A_430 : memref<1x256x128xf32, #tpu.memory_space<vmem>> -> memref<256x128xf32, #tpu.memory_space<vmem>>
    %dma_wait3A_432 = arith.constant 0 : i32
    %dma_wait3A_433 = arith.constant 0 : i32
    %dma_wait3A_434 = tpu.memref_slice %arg3[%dma_wait3A_432, %dma_wait3A_433] : memref<4096x128xf32, #tpu.memory_space<hbm>> -> memref<4096x128xf32, #tpu.memory_space<hbm>>
    tpu.wait_indirect_dma semaphore(%arg8 : memref<!tpu.dma_semaphore, #tpu.memory_space<semaphore_mem>>) src(%dma_wait3A_434 : memref<4096x128xf32, #tpu.memory_space<hbm>>) dst(%dma_wait3A_431 : memref<256x128xf32, #tpu.memory_space<vmem>>)
    %dma_start3A_435 = arith.constant 0 : i32
    %dma_start3A_436 = arith.constant 0 : i32
    %dma_start3A_437 = arith.constant 0 : i32
    %dma_start3A_438 = tpu.memref_slice %arg7[%dma_start3A_435, %dma_start3A_436, %dma_start3A_437] : memref<2x256x128xf32, #tpu.memory_space<vmem>> -> memref<1x256x128xf32, #tpu.memory_space<vmem>>
    %dma_start3A_439 = tpu.memref_squeeze %dma_start3A_438 : memref<1x256x128xf32, #tpu.memory_space<vmem>> -> memref<256x128xf32, #tpu.memory_space<vmem>>
    %dma_start3A_440 = arith.constant 0 : i32
    %dma_start3A_441 = tpu.memref_slice %arg4[%add3A_426, %dma_start3A_440] : memref<131072x128xf32, #tpu.memory_space<hbm>> -> memref<256x128xf32, #tpu.memory_space<hbm>>
    %dma_start3A_442 = arith.constant 0 : i32
    %dma_start3A_443 = tpu.memref_slice %arg4[%add3A_426, %dma_start3A_442] : memref<131072x128xf32, #tpu.memory_space<hbm>> -> memref<256x128xf32, #tpu.memory_space<hbm>>
    %dma_start3A_444 = arith.constant 0 : i32
    %dma_start3A_445 = arith.constant 0 : i32
    %dma_start3A_446 = tpu.memref_slice %arg7[%dma_start3A_435, %dma_start3A_444, %dma_start3A_445] : memref<2x256x128xf32, #tpu.memory_space<vmem>> -> memref<1x256x128xf32, #tpu.memory_space<vmem>>
    %dma_start3A_447 = tpu.memref_squeeze %dma_start3A_446 : memref<1x256x128xf32, #tpu.memory_space<vmem>> -> memref<256x128xf32, #tpu.memory_space<vmem>>
    tpu.enqueue_dma source(%dma_start3A_447 : memref<256x128xf32, #tpu.memory_space<vmem>>) target(%dma_start3A_443 : memref<256x128xf32, #tpu.memory_space<hbm>>) target_semaphore(%arg10 : memref<!tpu.dma_semaphore, #tpu.memory_space<semaphore_mem>>)
    %mul3A_448 = arith.constant 4096 : i32
    %mul3A_449 = arith.muli %add3A, %mul3A_448 : i32
    %add3A_450 = arith.constant 2560 : i32
    %add3A_451 = arith.addi %mul3A_449, %add3A_450 : i32
    %dma_wait3A_452 = arith.constant 0 : i32
    %dma_wait3A_453 = arith.constant 0 : i32
    %dma_wait3A_454 = arith.constant 0 : i32
    %dma_wait3A_455 = tpu.memref_slice %arg7[%dma_wait3A_452, %dma_wait3A_453, %dma_wait3A_454] : memref<2x256x128xf32, #tpu.memory_space<vmem>> -> memref<1x256x128xf32, #tpu.memory_space<vmem>>
    %dma_wait3A_456 = tpu.memref_squeeze %dma_wait3A_455 : memref<1x256x128xf32, #tpu.memory_space<vmem>> -> memref<256x128xf32, #tpu.memory_space<vmem>>
    %dma_wait3A_457 = arith.constant 0 : i32
    %dma_wait3A_458 = tpu.memref_slice %arg4[%add3A_426, %dma_wait3A_457] : memref<131072x128xf32, #tpu.memory_space<hbm>> -> memref<256x128xf32, #tpu.memory_space<hbm>>
    %dma_wait3A_459 = arith.constant 0 : i32
    %dma_wait3A_460 = tpu.memref_slice %arg4[%add3A_426, %dma_wait3A_459] : memref<131072x128xf32, #tpu.memory_space<hbm>> -> memref<256x128xf32, #tpu.memory_space<hbm>>
    %dma_wait3A_461 = arith.constant 0 : i32
    %dma_wait3A_462 = arith.constant 0 : i32
    %dma_wait3A_463 = tpu.memref_slice %arg7[%dma_wait3A_452, %dma_wait3A_461, %dma_wait3A_462] : memref<2x256x128xf32, #tpu.memory_space<vmem>> -> memref<1x256x128xf32, #tpu.memory_space<vmem>>
    %dma_wait3A_464 = tpu.memref_squeeze %dma_wait3A_463 : memref<1x256x128xf32, #tpu.memory_space<vmem>> -> memref<256x128xf32, #tpu.memory_space<vmem>>
    tpu.wait_dma2 semaphore(%arg10 : memref<!tpu.dma_semaphore, #tpu.memory_space<semaphore_mem>>) src(%dma_wait3A_464 : memref<256x128xf32, #tpu.memory_space<vmem>>) dst(%dma_wait3A_460 : memref<256x128xf32, #tpu.memory_space<hbm>>)
    "tpu.region"() ({
      %run_scoped3A = tpu.sem_alloc : memref<!tpu.dma_semaphore, #tpu.memory_space<semaphore_mem>>
      %dma_start3A_799 = tpu.memref_slice %arg2[%add3A_451] : memref<131072xi32, #tpu.memory_space<hbm>> -> memref<256xi32, #tpu.memory_space<hbm>>
      %dma_start3A_800 = tpu.memref_slice %arg2[%add3A_451] : memref<131072xi32, #tpu.memory_space<hbm>> -> memref<256xi32, #tpu.memory_space<hbm>>
      tpu.enqueue_dma source(%dma_start3A_800 : memref<256xi32, #tpu.memory_space<hbm>>) target(%arg5 : memref<256xi32, #tpu.memory_space<vmem>>) target_semaphore(%run_scoped3A : memref<!tpu.dma_semaphore, #tpu.memory_space<semaphore_mem>>)
      %dma_wait3A_801 = tpu.memref_slice %arg2[%add3A_451] : memref<131072xi32, #tpu.memory_space<hbm>> -> memref<256xi32, #tpu.memory_space<hbm>>
      %dma_wait3A_802 = tpu.memref_slice %arg2[%add3A_451] : memref<131072xi32, #tpu.memory_space<hbm>> -> memref<256xi32, #tpu.memory_space<hbm>>
      tpu.wait_dma2 semaphore(%run_scoped3A : memref<!tpu.dma_semaphore, #tpu.memory_space<semaphore_mem>>) src(%dma_wait3A_802 : memref<256xi32, #tpu.memory_space<hbm>>) dst(%arg5 : memref<256xi32, #tpu.memory_space<vmem>>)
      tpu.yield
    }) : () -> ()
    %dma_start3A_465 = arith.constant 0 : i32
    %dma_start3A_466 = arith.constant 0 : i32
    %dma_start3A_467 = arith.constant 0 : i32
    %dma_start3A_468 = tpu.memref_slice %arg7[%dma_start3A_465, %dma_start3A_466, %dma_start3A_467] : memref<2x256x128xf32, #tpu.memory_space<vmem>> -> memref<1x256x128xf32, #tpu.memory_space<vmem>>
    %dma_start3A_469 = tpu.memref_squeeze %dma_start3A_468 : memref<1x256x128xf32, #tpu.memory_space<vmem>> -> memref<256x128xf32, #tpu.memory_space<vmem>>
    %dma_start3A_470 = arith.constant 0 : i32
    %dma_start3A_471 = arith.constant 0 : i32
    %dma_start3A_472 = tpu.memref_slice %arg3[%dma_start3A_470, %dma_start3A_471] : memref<4096x128xf32, #tpu.memory_space<hbm>> -> memref<4096x128xf32, #tpu.memory_space<hbm>>
    tpu.enqueue_indirect_dma source(%dma_start3A_472 : memref<4096x128xf32, #tpu.memory_space<hbm>>) target(%dma_start3A_469 : memref<256x128xf32, #tpu.memory_space<vmem>>) offsets(%arg5 : memref<256xi32, #tpu.memory_space<vmem>>) semaphore(%arg8 : memref<!tpu.dma_semaphore, #tpu.memory_space<semaphore_mem>>)
    %mul3A_473 = arith.constant 4096 : i32
    %mul3A_474 = arith.muli %add3A, %mul3A_473 : i32
    %add3A_475 = arith.constant 2304 : i32
    %add3A_476 = arith.addi %mul3A_474, %add3A_475 : i32
    %dma_wait3A_477 = arith.constant 1 : i32
    %dma_wait3A_478 = arith.constant 0 : i32
    %dma_wait3A_479 = arith.constant 0 : i32
    %dma_wait3A_480 = tpu.memref_slice %arg7[%dma_wait3A_477, %dma_wait3A_478, %dma_wait3A_479] : memref<2x256x128xf32, #tpu.memory_space<vmem>> -> memref<1x256x128xf32, #tpu.memory_space<vmem>>
    %dma_wait3A_481 = tpu.memref_squeeze %dma_wait3A_480 : memref<1x256x128xf32, #tpu.memory_space<vmem>> -> memref<256x128xf32, #tpu.memory_space<vmem>>
    %dma_wait3A_482 = arith.constant 0 : i32
    %dma_wait3A_483 = arith.constant 0 : i32
    %dma_wait3A_484 = tpu.memref_slice %arg3[%dma_wait3A_482, %dma_wait3A_483] : memref<4096x128xf32, #tpu.memory_space<hbm>> -> memref<4096x128xf32, #tpu.memory_space<hbm>>
    tpu.wait_indirect_dma semaphore(%arg9 : memref<!tpu.dma_semaphore, #tpu.memory_space<semaphore_mem>>) src(%dma_wait3A_484 : memref<4096x128xf32, #tpu.memory_space<hbm>>) dst(%dma_wait3A_481 : memref<256x128xf32, #tpu.memory_space<vmem>>)
    %dma_start3A_485 = arith.constant 1 : i32
    %dma_start3A_486 = arith.constant 0 : i32
    %dma_start3A_487 = arith.constant 0 : i32
    %dma_start3A_488 = tpu.memref_slice %arg7[%dma_start3A_485, %dma_start3A_486, %dma_start3A_487] : memref<2x256x128xf32, #tpu.memory_space<vmem>> -> memref<1x256x128xf32, #tpu.memory_space<vmem>>
    %dma_start3A_489 = tpu.memref_squeeze %dma_start3A_488 : memref<1x256x128xf32, #tpu.memory_space<vmem>> -> memref<256x128xf32, #tpu.memory_space<vmem>>
    %dma_start3A_490 = arith.constant 0 : i32
    %dma_start3A_491 = tpu.memref_slice %arg4[%add3A_476, %dma_start3A_490] : memref<131072x128xf32, #tpu.memory_space<hbm>> -> memref<256x128xf32, #tpu.memory_space<hbm>>
    %dma_start3A_492 = arith.constant 0 : i32
    %dma_start3A_493 = tpu.memref_slice %arg4[%add3A_476, %dma_start3A_492] : memref<131072x128xf32, #tpu.memory_space<hbm>> -> memref<256x128xf32, #tpu.memory_space<hbm>>
    %dma_start3A_494 = arith.constant 0 : i32
    %dma_start3A_495 = arith.constant 0 : i32
    %dma_start3A_496 = tpu.memref_slice %arg7[%dma_start3A_485, %dma_start3A_494, %dma_start3A_495] : memref<2x256x128xf32, #tpu.memory_space<vmem>> -> memref<1x256x128xf32, #tpu.memory_space<vmem>>
    %dma_start3A_497 = tpu.memref_squeeze %dma_start3A_496 : memref<1x256x128xf32, #tpu.memory_space<vmem>> -> memref<256x128xf32, #tpu.memory_space<vmem>>
    tpu.enqueue_dma source(%dma_start3A_497 : memref<256x128xf32, #tpu.memory_space<vmem>>) target(%dma_start3A_493 : memref<256x128xf32, #tpu.memory_space<hbm>>) target_semaphore(%arg11 : memref<!tpu.dma_semaphore, #tpu.memory_space<semaphore_mem>>)
    %mul3A_498 = arith.constant 4096 : i32
    %mul3A_499 = arith.muli %add3A, %mul3A_498 : i32
    %add3A_500 = arith.constant 2816 : i32
    %add3A_501 = arith.addi %mul3A_499, %add3A_500 : i32
    %dma_wait3A_502 = arith.constant 1 : i32
    %dma_wait3A_503 = arith.constant 0 : i32
    %dma_wait3A_504 = arith.constant 0 : i32
    %dma_wait3A_505 = tpu.memref_slice %arg7[%dma_wait3A_502, %dma_wait3A_503, %dma_wait3A_504] : memref<2x256x128xf32, #tpu.memory_space<vmem>> -> memref<1x256x128xf32, #tpu.memory_space<vmem>>
    %dma_wait3A_506 = tpu.memref_squeeze %dma_wait3A_505 : memref<1x256x128xf32, #tpu.memory_space<vmem>> -> memref<256x128xf32, #tpu.memory_space<vmem>>
    %dma_wait3A_507 = arith.constant 0 : i32
    %dma_wait3A_508 = tpu.memref_slice %arg4[%add3A_476, %dma_wait3A_507] : memref<131072x128xf32, #tpu.memory_space<hbm>> -> memref<256x128xf32, #tpu.memory_space<hbm>>
    %dma_wait3A_509 = arith.constant 0 : i32
    %dma_wait3A_510 = tpu.memref_slice %arg4[%add3A_476, %dma_wait3A_509] : memref<131072x128xf32, #tpu.memory_space<hbm>> -> memref<256x128xf32, #tpu.memory_space<hbm>>
    %dma_wait3A_511 = arith.constant 0 : i32
    %dma_wait3A_512 = arith.constant 0 : i32
    %dma_wait3A_513 = tpu.memref_slice %arg7[%dma_wait3A_502, %dma_wait3A_511, %dma_wait3A_512] : memref<2x256x128xf32, #tpu.memory_space<vmem>> -> memref<1x256x128xf32, #tpu.memory_space<vmem>>
    %dma_wait3A_514 = tpu.memref_squeeze %dma_wait3A_513 : memref<1x256x128xf32, #tpu.memory_space<vmem>> -> memref<256x128xf32, #tpu.memory_space<vmem>>
    tpu.wait_dma2 semaphore(%arg11 : memref<!tpu.dma_semaphore, #tpu.memory_space<semaphore_mem>>) src(%dma_wait3A_514 : memref<256x128xf32, #tpu.memory_space<vmem>>) dst(%dma_wait3A_510 : memref<256x128xf32, #tpu.memory_space<hbm>>)
    "tpu.region"() ({
      %run_scoped3A = tpu.sem_alloc : memref<!tpu.dma_semaphore, #tpu.memory_space<semaphore_mem>>
      %dma_start3A_799 = tpu.memref_slice %arg2[%add3A_501] : memref<131072xi32, #tpu.memory_space<hbm>> -> memref<256xi32, #tpu.memory_space<hbm>>
      %dma_start3A_800 = tpu.memref_slice %arg2[%add3A_501] : memref<131072xi32, #tpu.memory_space<hbm>> -> memref<256xi32, #tpu.memory_space<hbm>>
      tpu.enqueue_dma source(%dma_start3A_800 : memref<256xi32, #tpu.memory_space<hbm>>) target(%arg6 : memref<256xi32, #tpu.memory_space<vmem>>) target_semaphore(%run_scoped3A : memref<!tpu.dma_semaphore, #tpu.memory_space<semaphore_mem>>)
      %dma_wait3A_801 = tpu.memref_slice %arg2[%add3A_501] : memref<131072xi32, #tpu.memory_space<hbm>> -> memref<256xi32, #tpu.memory_space<hbm>>
      %dma_wait3A_802 = tpu.memref_slice %arg2[%add3A_501] : memref<131072xi32, #tpu.memory_space<hbm>> -> memref<256xi32, #tpu.memory_space<hbm>>
      tpu.wait_dma2 semaphore(%run_scoped3A : memref<!tpu.dma_semaphore, #tpu.memory_space<semaphore_mem>>) src(%dma_wait3A_802 : memref<256xi32, #tpu.memory_space<hbm>>) dst(%arg6 : memref<256xi32, #tpu.memory_space<vmem>>)
      tpu.yield
    }) : () -> ()
    %dma_start3A_515 = arith.constant 1 : i32
    %dma_start3A_516 = arith.constant 0 : i32
    %dma_start3A_517 = arith.constant 0 : i32
    %dma_start3A_518 = tpu.memref_slice %arg7[%dma_start3A_515, %dma_start3A_516, %dma_start3A_517] : memref<2x256x128xf32, #tpu.memory_space<vmem>> -> memref<1x256x128xf32, #tpu.memory_space<vmem>>
    %dma_start3A_519 = tpu.memref_squeeze %dma_start3A_518 : memref<1x256x128xf32, #tpu.memory_space<vmem>> -> memref<256x128xf32, #tpu.memory_space<vmem>>
    %dma_start3A_520 = arith.constant 0 : i32
    %dma_start3A_521 = arith.constant 0 : i32
    %dma_start3A_522 = tpu.memref_slice %arg3[%dma_start3A_520, %dma_start3A_521] : memref<4096x128xf32, #tpu.memory_space<hbm>> -> memref<4096x128xf32, #tpu.memory_space<hbm>>
    tpu.enqueue_indirect_dma source(%dma_start3A_522 : memref<4096x128xf32, #tpu.memory_space<hbm>>) target(%dma_start3A_519 : memref<256x128xf32, #tpu.memory_space<vmem>>) offsets(%arg6 : memref<256xi32, #tpu.memory_space<vmem>>) semaphore(%arg9 : memref<!tpu.dma_semaphore, #tpu.memory_space<semaphore_mem>>)
    %mul3A_523 = arith.constant 4096 : i32
    %mul3A_524 = arith.muli %add3A, %mul3A_523 : i32
    %add3A_525 = arith.constant 2560 : i32
    %add3A_526 = arith.addi %mul3A_524, %add3A_525 : i32
    %dma_wait3A_527 = arith.constant 0 : i32
    %dma_wait3A_528 = arith.constant 0 : i32
    %dma_wait3A_529 = arith.constant 0 : i32
    %dma_wait3A_530 = tpu.memref_slice %arg7[%dma_wait3A_527, %dma_wait3A_528, %dma_wait3A_529] : memref<2x256x128xf32, #tpu.memory_space<vmem>> -> memref<1x256x128xf32, #tpu.memory_space<vmem>>
    %dma_wait3A_531 = tpu.memref_squeeze %dma_wait3A_530 : memref<1x256x128xf32, #tpu.memory_space<vmem>> -> memref<256x128xf32, #tpu.memory_space<vmem>>
    %dma_wait3A_532 = arith.constant 0 : i32
    %dma_wait3A_533 = arith.constant 0 : i32
    %dma_wait3A_534 = tpu.memref_slice %arg3[%dma_wait3A_532, %dma_wait3A_533] : memref<4096x128xf32, #tpu.memory_space<hbm>> -> memref<4096x128xf32, #tpu.memory_space<hbm>>
    tpu.wait_indirect_dma semaphore(%arg8 : memref<!tpu.dma_semaphore, #tpu.memory_space<semaphore_mem>>) src(%dma_wait3A_534 : memref<4096x128xf32, #tpu.memory_space<hbm>>) dst(%dma_wait3A_531 : memref<256x128xf32, #tpu.memory_space<vmem>>)
    %dma_start3A_535 = arith.constant 0 : i32
    %dma_start3A_536 = arith.constant 0 : i32
    %dma_start3A_537 = arith.constant 0 : i32
    %dma_start3A_538 = tpu.memref_slice %arg7[%dma_start3A_535, %dma_start3A_536, %dma_start3A_537] : memref<2x256x128xf32, #tpu.memory_space<vmem>> -> memref<1x256x128xf32, #tpu.memory_space<vmem>>
    %dma_start3A_539 = tpu.memref_squeeze %dma_start3A_538 : memref<1x256x128xf32, #tpu.memory_space<vmem>> -> memref<256x128xf32, #tpu.memory_space<vmem>>
    %dma_start3A_540 = arith.constant 0 : i32
    %dma_start3A_541 = tpu.memref_slice %arg4[%add3A_526, %dma_start3A_540] : memref<131072x128xf32, #tpu.memory_space<hbm>> -> memref<256x128xf32, #tpu.memory_space<hbm>>
    %dma_start3A_542 = arith.constant 0 : i32
    %dma_start3A_543 = tpu.memref_slice %arg4[%add3A_526, %dma_start3A_542] : memref<131072x128xf32, #tpu.memory_space<hbm>> -> memref<256x128xf32, #tpu.memory_space<hbm>>
    %dma_start3A_544 = arith.constant 0 : i32
    %dma_start3A_545 = arith.constant 0 : i32
    %dma_start3A_546 = tpu.memref_slice %arg7[%dma_start3A_535, %dma_start3A_544, %dma_start3A_545] : memref<2x256x128xf32, #tpu.memory_space<vmem>> -> memref<1x256x128xf32, #tpu.memory_space<vmem>>
    %dma_start3A_547 = tpu.memref_squeeze %dma_start3A_546 : memref<1x256x128xf32, #tpu.memory_space<vmem>> -> memref<256x128xf32, #tpu.memory_space<vmem>>
    tpu.enqueue_dma source(%dma_start3A_547 : memref<256x128xf32, #tpu.memory_space<vmem>>) target(%dma_start3A_543 : memref<256x128xf32, #tpu.memory_space<hbm>>) target_semaphore(%arg10 : memref<!tpu.dma_semaphore, #tpu.memory_space<semaphore_mem>>)
    %mul3A_548 = arith.constant 4096 : i32
    %mul3A_549 = arith.muli %add3A, %mul3A_548 : i32
    %add3A_550 = arith.constant 3072 : i32
    %add3A_551 = arith.addi %mul3A_549, %add3A_550 : i32
    %dma_wait3A_552 = arith.constant 0 : i32
    %dma_wait3A_553 = arith.constant 0 : i32
    %dma_wait3A_554 = arith.constant 0 : i32
    %dma_wait3A_555 = tpu.memref_slice %arg7[%dma_wait3A_552, %dma_wait3A_553, %dma_wait3A_554] : memref<2x256x128xf32, #tpu.memory_space<vmem>> -> memref<1x256x128xf32, #tpu.memory_space<vmem>>
    %dma_wait3A_556 = tpu.memref_squeeze %dma_wait3A_555 : memref<1x256x128xf32, #tpu.memory_space<vmem>> -> memref<256x128xf32, #tpu.memory_space<vmem>>
    %dma_wait3A_557 = arith.constant 0 : i32
    %dma_wait3A_558 = tpu.memref_slice %arg4[%add3A_526, %dma_wait3A_557] : memref<131072x128xf32, #tpu.memory_space<hbm>> -> memref<256x128xf32, #tpu.memory_space<hbm>>
    %dma_wait3A_559 = arith.constant 0 : i32
    %dma_wait3A_560 = tpu.memref_slice %arg4[%add3A_526, %dma_wait3A_559] : memref<131072x128xf32, #tpu.memory_space<hbm>> -> memref<256x128xf32, #tpu.memory_space<hbm>>
    %dma_wait3A_561 = arith.constant 0 : i32
    %dma_wait3A_562 = arith.constant 0 : i32
    %dma_wait3A_563 = tpu.memref_slice %arg7[%dma_wait3A_552, %dma_wait3A_561, %dma_wait3A_562] : memref<2x256x128xf32, #tpu.memory_space<vmem>> -> memref<1x256x128xf32, #tpu.memory_space<vmem>>
    %dma_wait3A_564 = tpu.memref_squeeze %dma_wait3A_563 : memref<1x256x128xf32, #tpu.memory_space<vmem>> -> memref<256x128xf32, #tpu.memory_space<vmem>>
    tpu.wait_dma2 semaphore(%arg10 : memref<!tpu.dma_semaphore, #tpu.memory_space<semaphore_mem>>) src(%dma_wait3A_564 : memref<256x128xf32, #tpu.memory_space<vmem>>) dst(%dma_wait3A_560 : memref<256x128xf32, #tpu.memory_space<hbm>>)
    "tpu.region"() ({
      %run_scoped3A = tpu.sem_alloc : memref<!tpu.dma_semaphore, #tpu.memory_space<semaphore_mem>>
      %dma_start3A_799 = tpu.memref_slice %arg2[%add3A_551] : memref<131072xi32, #tpu.memory_space<hbm>> -> memref<256xi32, #tpu.memory_space<hbm>>
      %dma_start3A_800 = tpu.memref_slice %arg2[%add3A_551] : memref<131072xi32, #tpu.memory_space<hbm>> -> memref<256xi32, #tpu.memory_space<hbm>>
      tpu.enqueue_dma source(%dma_start3A_800 : memref<256xi32, #tpu.memory_space<hbm>>) target(%arg5 : memref<256xi32, #tpu.memory_space<vmem>>) target_semaphore(%run_scoped3A : memref<!tpu.dma_semaphore, #tpu.memory_space<semaphore_mem>>)
      %dma_wait3A_801 = tpu.memref_slice %arg2[%add3A_551] : memref<131072xi32, #tpu.memory_space<hbm>> -> memref<256xi32, #tpu.memory_space<hbm>>
      %dma_wait3A_802 = tpu.memref_slice %arg2[%add3A_551] : memref<131072xi32, #tpu.memory_space<hbm>> -> memref<256xi32, #tpu.memory_space<hbm>>
      tpu.wait_dma2 semaphore(%run_scoped3A : memref<!tpu.dma_semaphore, #tpu.memory_space<semaphore_mem>>) src(%dma_wait3A_802 : memref<256xi32, #tpu.memory_space<hbm>>) dst(%arg5 : memref<256xi32, #tpu.memory_space<vmem>>)
      tpu.yield
    }) : () -> ()
    %dma_start3A_565 = arith.constant 0 : i32
    %dma_start3A_566 = arith.constant 0 : i32
    %dma_start3A_567 = arith.constant 0 : i32
    %dma_start3A_568 = tpu.memref_slice %arg7[%dma_start3A_565, %dma_start3A_566, %dma_start3A_567] : memref<2x256x128xf32, #tpu.memory_space<vmem>> -> memref<1x256x128xf32, #tpu.memory_space<vmem>>
    %dma_start3A_569 = tpu.memref_squeeze %dma_start3A_568 : memref<1x256x128xf32, #tpu.memory_space<vmem>> -> memref<256x128xf32, #tpu.memory_space<vmem>>
    %dma_start3A_570 = arith.constant 0 : i32
    %dma_start3A_571 = arith.constant 0 : i32
    %dma_start3A_572 = tpu.memref_slice %arg3[%dma_start3A_570, %dma_start3A_571] : memref<4096x128xf32, #tpu.memory_space<hbm>> -> memref<4096x128xf32, #tpu.memory_space<hbm>>
    tpu.enqueue_indirect_dma source(%dma_start3A_572 : memref<4096x128xf32, #tpu.memory_space<hbm>>) target(%dma_start3A_569 : memref<256x128xf32, #tpu.memory_space<vmem>>) offsets(%arg5 : memref<256xi32, #tpu.memory_space<vmem>>) semaphore(%arg8 : memref<!tpu.dma_semaphore, #tpu.memory_space<semaphore_mem>>)
    %mul3A_573 = arith.constant 4096 : i32
    %mul3A_574 = arith.muli %add3A, %mul3A_573 : i32
    %add3A_575 = arith.constant 2816 : i32
    %add3A_576 = arith.addi %mul3A_574, %add3A_575 : i32
    %dma_wait3A_577 = arith.constant 1 : i32
    %dma_wait3A_578 = arith.constant 0 : i32
    %dma_wait3A_579 = arith.constant 0 : i32
    %dma_wait3A_580 = tpu.memref_slice %arg7[%dma_wait3A_577, %dma_wait3A_578, %dma_wait3A_579] : memref<2x256x128xf32, #tpu.memory_space<vmem>> -> memref<1x256x128xf32, #tpu.memory_space<vmem>>
    %dma_wait3A_581 = tpu.memref_squeeze %dma_wait3A_580 : memref<1x256x128xf32, #tpu.memory_space<vmem>> -> memref<256x128xf32, #tpu.memory_space<vmem>>
    %dma_wait3A_582 = arith.constant 0 : i32
    %dma_wait3A_583 = arith.constant 0 : i32
    %dma_wait3A_584 = tpu.memref_slice %arg3[%dma_wait3A_582, %dma_wait3A_583] : memref<4096x128xf32, #tpu.memory_space<hbm>> -> memref<4096x128xf32, #tpu.memory_space<hbm>>
    tpu.wait_indirect_dma semaphore(%arg9 : memref<!tpu.dma_semaphore, #tpu.memory_space<semaphore_mem>>) src(%dma_wait3A_584 : memref<4096x128xf32, #tpu.memory_space<hbm>>) dst(%dma_wait3A_581 : memref<256x128xf32, #tpu.memory_space<vmem>>)
    %dma_start3A_585 = arith.constant 1 : i32
    %dma_start3A_586 = arith.constant 0 : i32
    %dma_start3A_587 = arith.constant 0 : i32
    %dma_start3A_588 = tpu.memref_slice %arg7[%dma_start3A_585, %dma_start3A_586, %dma_start3A_587] : memref<2x256x128xf32, #tpu.memory_space<vmem>> -> memref<1x256x128xf32, #tpu.memory_space<vmem>>
    %dma_start3A_589 = tpu.memref_squeeze %dma_start3A_588 : memref<1x256x128xf32, #tpu.memory_space<vmem>> -> memref<256x128xf32, #tpu.memory_space<vmem>>
    %dma_start3A_590 = arith.constant 0 : i32
    %dma_start3A_591 = tpu.memref_slice %arg4[%add3A_576, %dma_start3A_590] : memref<131072x128xf32, #tpu.memory_space<hbm>> -> memref<256x128xf32, #tpu.memory_space<hbm>>
    %dma_start3A_592 = arith.constant 0 : i32
    %dma_start3A_593 = tpu.memref_slice %arg4[%add3A_576, %dma_start3A_592] : memref<131072x128xf32, #tpu.memory_space<hbm>> -> memref<256x128xf32, #tpu.memory_space<hbm>>
    %dma_start3A_594 = arith.constant 0 : i32
    %dma_start3A_595 = arith.constant 0 : i32
    %dma_start3A_596 = tpu.memref_slice %arg7[%dma_start3A_585, %dma_start3A_594, %dma_start3A_595] : memref<2x256x128xf32, #tpu.memory_space<vmem>> -> memref<1x256x128xf32, #tpu.memory_space<vmem>>
    %dma_start3A_597 = tpu.memref_squeeze %dma_start3A_596 : memref<1x256x128xf32, #tpu.memory_space<vmem>> -> memref<256x128xf32, #tpu.memory_space<vmem>>
    tpu.enqueue_dma source(%dma_start3A_597 : memref<256x128xf32, #tpu.memory_space<vmem>>) target(%dma_start3A_593 : memref<256x128xf32, #tpu.memory_space<hbm>>) target_semaphore(%arg11 : memref<!tpu.dma_semaphore, #tpu.memory_space<semaphore_mem>>)
    %mul3A_598 = arith.constant 4096 : i32
    %mul3A_599 = arith.muli %add3A, %mul3A_598 : i32
    %add3A_600 = arith.constant 3328 : i32
    %add3A_601 = arith.addi %mul3A_599, %add3A_600 : i32
    %dma_wait3A_602 = arith.constant 1 : i32
    %dma_wait3A_603 = arith.constant 0 : i32
    %dma_wait3A_604 = arith.constant 0 : i32
    %dma_wait3A_605 = tpu.memref_slice %arg7[%dma_wait3A_602, %dma_wait3A_603, %dma_wait3A_604] : memref<2x256x128xf32, #tpu.memory_space<vmem>> -> memref<1x256x128xf32, #tpu.memory_space<vmem>>
    %dma_wait3A_606 = tpu.memref_squeeze %dma_wait3A_605 : memref<1x256x128xf32, #tpu.memory_space<vmem>> -> memref<256x128xf32, #tpu.memory_space<vmem>>
    %dma_wait3A_607 = arith.constant 0 : i32
    %dma_wait3A_608 = tpu.memref_slice %arg4[%add3A_576, %dma_wait3A_607] : memref<131072x128xf32, #tpu.memory_space<hbm>> -> memref<256x128xf32, #tpu.memory_space<hbm>>
    %dma_wait3A_609 = arith.constant 0 : i32
    %dma_wait3A_610 = tpu.memref_slice %arg4[%add3A_576, %dma_wait3A_609] : memref<131072x128xf32, #tpu.memory_space<hbm>> -> memref<256x128xf32, #tpu.memory_space<hbm>>
    %dma_wait3A_611 = arith.constant 0 : i32
    %dma_wait3A_612 = arith.constant 0 : i32
    %dma_wait3A_613 = tpu.memref_slice %arg7[%dma_wait3A_602, %dma_wait3A_611, %dma_wait3A_612] : memref<2x256x128xf32, #tpu.memory_space<vmem>> -> memref<1x256x128xf32, #tpu.memory_space<vmem>>
    %dma_wait3A_614 = tpu.memref_squeeze %dma_wait3A_613 : memref<1x256x128xf32, #tpu.memory_space<vmem>> -> memref<256x128xf32, #tpu.memory_space<vmem>>
    tpu.wait_dma2 semaphore(%arg11 : memref<!tpu.dma_semaphore, #tpu.memory_space<semaphore_mem>>) src(%dma_wait3A_614 : memref<256x128xf32, #tpu.memory_space<vmem>>) dst(%dma_wait3A_610 : memref<256x128xf32, #tpu.memory_space<hbm>>)
    "tpu.region"() ({
      %run_scoped3A = tpu.sem_alloc : memref<!tpu.dma_semaphore, #tpu.memory_space<semaphore_mem>>
      %dma_start3A_799 = tpu.memref_slice %arg2[%add3A_601] : memref<131072xi32, #tpu.memory_space<hbm>> -> memref<256xi32, #tpu.memory_space<hbm>>
      %dma_start3A_800 = tpu.memref_slice %arg2[%add3A_601] : memref<131072xi32, #tpu.memory_space<hbm>> -> memref<256xi32, #tpu.memory_space<hbm>>
      tpu.enqueue_dma source(%dma_start3A_800 : memref<256xi32, #tpu.memory_space<hbm>>) target(%arg6 : memref<256xi32, #tpu.memory_space<vmem>>) target_semaphore(%run_scoped3A : memref<!tpu.dma_semaphore, #tpu.memory_space<semaphore_mem>>)
      %dma_wait3A_801 = tpu.memref_slice %arg2[%add3A_601] : memref<131072xi32, #tpu.memory_space<hbm>> -> memref<256xi32, #tpu.memory_space<hbm>>
      %dma_wait3A_802 = tpu.memref_slice %arg2[%add3A_601] : memref<131072xi32, #tpu.memory_space<hbm>> -> memref<256xi32, #tpu.memory_space<hbm>>
      tpu.wait_dma2 semaphore(%run_scoped3A : memref<!tpu.dma_semaphore, #tpu.memory_space<semaphore_mem>>) src(%dma_wait3A_802 : memref<256xi32, #tpu.memory_space<hbm>>) dst(%arg6 : memref<256xi32, #tpu.memory_space<vmem>>)
      tpu.yield
    }) : () -> ()
    %dma_start3A_615 = arith.constant 1 : i32
    %dma_start3A_616 = arith.constant 0 : i32
    %dma_start3A_617 = arith.constant 0 : i32
    %dma_start3A_618 = tpu.memref_slice %arg7[%dma_start3A_615, %dma_start3A_616, %dma_start3A_617] : memref<2x256x128xf32, #tpu.memory_space<vmem>> -> memref<1x256x128xf32, #tpu.memory_space<vmem>>
    %dma_start3A_619 = tpu.memref_squeeze %dma_start3A_618 : memref<1x256x128xf32, #tpu.memory_space<vmem>> -> memref<256x128xf32, #tpu.memory_space<vmem>>
    %dma_start3A_620 = arith.constant 0 : i32
    %dma_start3A_621 = arith.constant 0 : i32
    %dma_start3A_622 = tpu.memref_slice %arg3[%dma_start3A_620, %dma_start3A_621] : memref<4096x128xf32, #tpu.memory_space<hbm>> -> memref<4096x128xf32, #tpu.memory_space<hbm>>
    tpu.enqueue_indirect_dma source(%dma_start3A_622 : memref<4096x128xf32, #tpu.memory_space<hbm>>) target(%dma_start3A_619 : memref<256x128xf32, #tpu.memory_space<vmem>>) offsets(%arg6 : memref<256xi32, #tpu.memory_space<vmem>>) semaphore(%arg9 : memref<!tpu.dma_semaphore, #tpu.memory_space<semaphore_mem>>)
    %mul3A_623 = arith.constant 4096 : i32
    %mul3A_624 = arith.muli %add3A, %mul3A_623 : i32
    %add3A_625 = arith.constant 3072 : i32
    %add3A_626 = arith.addi %mul3A_624, %add3A_625 : i32
    %dma_wait3A_627 = arith.constant 0 : i32
    %dma_wait3A_628 = arith.constant 0 : i32
    %dma_wait3A_629 = arith.constant 0 : i32
    %dma_wait3A_630 = tpu.memref_slice %arg7[%dma_wait3A_627, %dma_wait3A_628, %dma_wait3A_629] : memref<2x256x128xf32, #tpu.memory_space<vmem>> -> memref<1x256x128xf32, #tpu.memory_space<vmem>>
    %dma_wait3A_631 = tpu.memref_squeeze %dma_wait3A_630 : memref<1x256x128xf32, #tpu.memory_space<vmem>> -> memref<256x128xf32, #tpu.memory_space<vmem>>
    %dma_wait3A_632 = arith.constant 0 : i32
    %dma_wait3A_633 = arith.constant 0 : i32
    %dma_wait3A_634 = tpu.memref_slice %arg3[%dma_wait3A_632, %dma_wait3A_633] : memref<4096x128xf32, #tpu.memory_space<hbm>> -> memref<4096x128xf32, #tpu.memory_space<hbm>>
    tpu.wait_indirect_dma semaphore(%arg8 : memref<!tpu.dma_semaphore, #tpu.memory_space<semaphore_mem>>) src(%dma_wait3A_634 : memref<4096x128xf32, #tpu.memory_space<hbm>>) dst(%dma_wait3A_631 : memref<256x128xf32, #tpu.memory_space<vmem>>)
    %dma_start3A_635 = arith.constant 0 : i32
    %dma_start3A_636 = arith.constant 0 : i32
    %dma_start3A_637 = arith.constant 0 : i32
    %dma_start3A_638 = tpu.memref_slice %arg7[%dma_start3A_635, %dma_start3A_636, %dma_start3A_637] : memref<2x256x128xf32, #tpu.memory_space<vmem>> -> memref<1x256x128xf32, #tpu.memory_space<vmem>>
    %dma_start3A_639 = tpu.memref_squeeze %dma_start3A_638 : memref<1x256x128xf32, #tpu.memory_space<vmem>> -> memref<256x128xf32, #tpu.memory_space<vmem>>
    %dma_start3A_640 = arith.constant 0 : i32
    %dma_start3A_641 = tpu.memref_slice %arg4[%add3A_626, %dma_start3A_640] : memref<131072x128xf32, #tpu.memory_space<hbm>> -> memref<256x128xf32, #tpu.memory_space<hbm>>
    %dma_start3A_642 = arith.constant 0 : i32
    %dma_start3A_643 = tpu.memref_slice %arg4[%add3A_626, %dma_start3A_642] : memref<131072x128xf32, #tpu.memory_space<hbm>> -> memref<256x128xf32, #tpu.memory_space<hbm>>
    %dma_start3A_644 = arith.constant 0 : i32
    %dma_start3A_645 = arith.constant 0 : i32
    %dma_start3A_646 = tpu.memref_slice %arg7[%dma_start3A_635, %dma_start3A_644, %dma_start3A_645] : memref<2x256x128xf32, #tpu.memory_space<vmem>> -> memref<1x256x128xf32, #tpu.memory_space<vmem>>
    %dma_start3A_647 = tpu.memref_squeeze %dma_start3A_646 : memref<1x256x128xf32, #tpu.memory_space<vmem>> -> memref<256x128xf32, #tpu.memory_space<vmem>>
    tpu.enqueue_dma source(%dma_start3A_647 : memref<256x128xf32, #tpu.memory_space<vmem>>) target(%dma_start3A_643 : memref<256x128xf32, #tpu.memory_space<hbm>>) target_semaphore(%arg10 : memref<!tpu.dma_semaphore, #tpu.memory_space<semaphore_mem>>)
    %mul3A_648 = arith.constant 4096 : i32
    %mul3A_649 = arith.muli %add3A, %mul3A_648 : i32
    %add3A_650 = arith.constant 3584 : i32
    %add3A_651 = arith.addi %mul3A_649, %add3A_650 : i32
    %dma_wait3A_652 = arith.constant 0 : i32
    %dma_wait3A_653 = arith.constant 0 : i32
    %dma_wait3A_654 = arith.constant 0 : i32
    %dma_wait3A_655 = tpu.memref_slice %arg7[%dma_wait3A_652, %dma_wait3A_653, %dma_wait3A_654] : memref<2x256x128xf32, #tpu.memory_space<vmem>> -> memref<1x256x128xf32, #tpu.memory_space<vmem>>
    %dma_wait3A_656 = tpu.memref_squeeze %dma_wait3A_655 : memref<1x256x128xf32, #tpu.memory_space<vmem>> -> memref<256x128xf32, #tpu.memory_space<vmem>>
    %dma_wait3A_657 = arith.constant 0 : i32
    %dma_wait3A_658 = tpu.memref_slice %arg4[%add3A_626, %dma_wait3A_657] : memref<131072x128xf32, #tpu.memory_space<hbm>> -> memref<256x128xf32, #tpu.memory_space<hbm>>
    %dma_wait3A_659 = arith.constant 0 : i32
    %dma_wait3A_660 = tpu.memref_slice %arg4[%add3A_626, %dma_wait3A_659] : memref<131072x128xf32, #tpu.memory_space<hbm>> -> memref<256x128xf32, #tpu.memory_space<hbm>>
    %dma_wait3A_661 = arith.constant 0 : i32
    %dma_wait3A_662 = arith.constant 0 : i32
    %dma_wait3A_663 = tpu.memref_slice %arg7[%dma_wait3A_652, %dma_wait3A_661, %dma_wait3A_662] : memref<2x256x128xf32, #tpu.memory_space<vmem>> -> memref<1x256x128xf32, #tpu.memory_space<vmem>>
    %dma_wait3A_664 = tpu.memref_squeeze %dma_wait3A_663 : memref<1x256x128xf32, #tpu.memory_space<vmem>> -> memref<256x128xf32, #tpu.memory_space<vmem>>
    tpu.wait_dma2 semaphore(%arg10 : memref<!tpu.dma_semaphore, #tpu.memory_space<semaphore_mem>>) src(%dma_wait3A_664 : memref<256x128xf32, #tpu.memory_space<vmem>>) dst(%dma_wait3A_660 : memref<256x128xf32, #tpu.memory_space<hbm>>)
    "tpu.region"() ({
      %run_scoped3A = tpu.sem_alloc : memref<!tpu.dma_semaphore, #tpu.memory_space<semaphore_mem>>
      %dma_start3A_799 = tpu.memref_slice %arg2[%add3A_651] : memref<131072xi32, #tpu.memory_space<hbm>> -> memref<256xi32, #tpu.memory_space<hbm>>
      %dma_start3A_800 = tpu.memref_slice %arg2[%add3A_651] : memref<131072xi32, #tpu.memory_space<hbm>> -> memref<256xi32, #tpu.memory_space<hbm>>
      tpu.enqueue_dma source(%dma_start3A_800 : memref<256xi32, #tpu.memory_space<hbm>>) target(%arg5 : memref<256xi32, #tpu.memory_space<vmem>>) target_semaphore(%run_scoped3A : memref<!tpu.dma_semaphore, #tpu.memory_space<semaphore_mem>>)
      %dma_wait3A_801 = tpu.memref_slice %arg2[%add3A_651] : memref<131072xi32, #tpu.memory_space<hbm>> -> memref<256xi32, #tpu.memory_space<hbm>>
      %dma_wait3A_802 = tpu.memref_slice %arg2[%add3A_651] : memref<131072xi32, #tpu.memory_space<hbm>> -> memref<256xi32, #tpu.memory_space<hbm>>
      tpu.wait_dma2 semaphore(%run_scoped3A : memref<!tpu.dma_semaphore, #tpu.memory_space<semaphore_mem>>) src(%dma_wait3A_802 : memref<256xi32, #tpu.memory_space<hbm>>) dst(%arg5 : memref<256xi32, #tpu.memory_space<vmem>>)
      tpu.yield
    }) : () -> ()
    %dma_start3A_665 = arith.constant 0 : i32
    %dma_start3A_666 = arith.constant 0 : i32
    %dma_start3A_667 = arith.constant 0 : i32
    %dma_start3A_668 = tpu.memref_slice %arg7[%dma_start3A_665, %dma_start3A_666, %dma_start3A_667] : memref<2x256x128xf32, #tpu.memory_space<vmem>> -> memref<1x256x128xf32, #tpu.memory_space<vmem>>
    %dma_start3A_669 = tpu.memref_squeeze %dma_start3A_668 : memref<1x256x128xf32, #tpu.memory_space<vmem>> -> memref<256x128xf32, #tpu.memory_space<vmem>>
    %dma_start3A_670 = arith.constant 0 : i32
    %dma_start3A_671 = arith.constant 0 : i32
    %dma_start3A_672 = tpu.memref_slice %arg3[%dma_start3A_670, %dma_start3A_671] : memref<4096x128xf32, #tpu.memory_space<hbm>> -> memref<4096x128xf32, #tpu.memory_space<hbm>>
    tpu.enqueue_indirect_dma source(%dma_start3A_672 : memref<4096x128xf32, #tpu.memory_space<hbm>>) target(%dma_start3A_669 : memref<256x128xf32, #tpu.memory_space<vmem>>) offsets(%arg5 : memref<256xi32, #tpu.memory_space<vmem>>) semaphore(%arg8 : memref<!tpu.dma_semaphore, #tpu.memory_space<semaphore_mem>>)
    %mul3A_673 = arith.constant 4096 : i32
    %mul3A_674 = arith.muli %add3A, %mul3A_673 : i32
    %add3A_675 = arith.constant 3328 : i32
    %add3A_676 = arith.addi %mul3A_674, %add3A_675 : i32
    %dma_wait3A_677 = arith.constant 1 : i32
    %dma_wait3A_678 = arith.constant 0 : i32
    %dma_wait3A_679 = arith.constant 0 : i32
    %dma_wait3A_680 = tpu.memref_slice %arg7[%dma_wait3A_677, %dma_wait3A_678, %dma_wait3A_679] : memref<2x256x128xf32, #tpu.memory_space<vmem>> -> memref<1x256x128xf32, #tpu.memory_space<vmem>>
    %dma_wait3A_681 = tpu.memref_squeeze %dma_wait3A_680 : memref<1x256x128xf32, #tpu.memory_space<vmem>> -> memref<256x128xf32, #tpu.memory_space<vmem>>
    %dma_wait3A_682 = arith.constant 0 : i32
    %dma_wait3A_683 = arith.constant 0 : i32
    %dma_wait3A_684 = tpu.memref_slice %arg3[%dma_wait3A_682, %dma_wait3A_683] : memref<4096x128xf32, #tpu.memory_space<hbm>> -> memref<4096x128xf32, #tpu.memory_space<hbm>>
    tpu.wait_indirect_dma semaphore(%arg9 : memref<!tpu.dma_semaphore, #tpu.memory_space<semaphore_mem>>) src(%dma_wait3A_684 : memref<4096x128xf32, #tpu.memory_space<hbm>>) dst(%dma_wait3A_681 : memref<256x128xf32, #tpu.memory_space<vmem>>)
    %dma_start3A_685 = arith.constant 1 : i32
    %dma_start3A_686 = arith.constant 0 : i32
    %dma_start3A_687 = arith.constant 0 : i32
    %dma_start3A_688 = tpu.memref_slice %arg7[%dma_start3A_685, %dma_start3A_686, %dma_start3A_687] : memref<2x256x128xf32, #tpu.memory_space<vmem>> -> memref<1x256x128xf32, #tpu.memory_space<vmem>>
    %dma_start3A_689 = tpu.memref_squeeze %dma_start3A_688 : memref<1x256x128xf32, #tpu.memory_space<vmem>> -> memref<256x128xf32, #tpu.memory_space<vmem>>
    %dma_start3A_690 = arith.constant 0 : i32
    %dma_start3A_691 = tpu.memref_slice %arg4[%add3A_676, %dma_start3A_690] : memref<131072x128xf32, #tpu.memory_space<hbm>> -> memref<256x128xf32, #tpu.memory_space<hbm>>
    %dma_start3A_692 = arith.constant 0 : i32
    %dma_start3A_693 = tpu.memref_slice %arg4[%add3A_676, %dma_start3A_692] : memref<131072x128xf32, #tpu.memory_space<hbm>> -> memref<256x128xf32, #tpu.memory_space<hbm>>
    %dma_start3A_694 = arith.constant 0 : i32
    %dma_start3A_695 = arith.constant 0 : i32
    %dma_start3A_696 = tpu.memref_slice %arg7[%dma_start3A_685, %dma_start3A_694, %dma_start3A_695] : memref<2x256x128xf32, #tpu.memory_space<vmem>> -> memref<1x256x128xf32, #tpu.memory_space<vmem>>
    %dma_start3A_697 = tpu.memref_squeeze %dma_start3A_696 : memref<1x256x128xf32, #tpu.memory_space<vmem>> -> memref<256x128xf32, #tpu.memory_space<vmem>>
    tpu.enqueue_dma source(%dma_start3A_697 : memref<256x128xf32, #tpu.memory_space<vmem>>) target(%dma_start3A_693 : memref<256x128xf32, #tpu.memory_space<hbm>>) target_semaphore(%arg11 : memref<!tpu.dma_semaphore, #tpu.memory_space<semaphore_mem>>)
    %mul3A_698 = arith.constant 4096 : i32
    %mul3A_699 = arith.muli %add3A, %mul3A_698 : i32
    %add3A_700 = arith.constant 3840 : i32
    %add3A_701 = arith.addi %mul3A_699, %add3A_700 : i32
    %dma_wait3A_702 = arith.constant 1 : i32
    %dma_wait3A_703 = arith.constant 0 : i32
    %dma_wait3A_704 = arith.constant 0 : i32
    %dma_wait3A_705 = tpu.memref_slice %arg7[%dma_wait3A_702, %dma_wait3A_703, %dma_wait3A_704] : memref<2x256x128xf32, #tpu.memory_space<vmem>> -> memref<1x256x128xf32, #tpu.memory_space<vmem>>
    %dma_wait3A_706 = tpu.memref_squeeze %dma_wait3A_705 : memref<1x256x128xf32, #tpu.memory_space<vmem>> -> memref<256x128xf32, #tpu.memory_space<vmem>>
    %dma_wait3A_707 = arith.constant 0 : i32
    %dma_wait3A_708 = tpu.memref_slice %arg4[%add3A_676, %dma_wait3A_707] : memref<131072x128xf32, #tpu.memory_space<hbm>> -> memref<256x128xf32, #tpu.memory_space<hbm>>
    %dma_wait3A_709 = arith.constant 0 : i32
    %dma_wait3A_710 = tpu.memref_slice %arg4[%add3A_676, %dma_wait3A_709] : memref<131072x128xf32, #tpu.memory_space<hbm>> -> memref<256x128xf32, #tpu.memory_space<hbm>>
    %dma_wait3A_711 = arith.constant 0 : i32
    %dma_wait3A_712 = arith.constant 0 : i32
    %dma_wait3A_713 = tpu.memref_slice %arg7[%dma_wait3A_702, %dma_wait3A_711, %dma_wait3A_712] : memref<2x256x128xf32, #tpu.memory_space<vmem>> -> memref<1x256x128xf32, #tpu.memory_space<vmem>>
    %dma_wait3A_714 = tpu.memref_squeeze %dma_wait3A_713 : memref<1x256x128xf32, #tpu.memory_space<vmem>> -> memref<256x128xf32, #tpu.memory_space<vmem>>
    tpu.wait_dma2 semaphore(%arg11 : memref<!tpu.dma_semaphore, #tpu.memory_space<semaphore_mem>>) src(%dma_wait3A_714 : memref<256x128xf32, #tpu.memory_space<vmem>>) dst(%dma_wait3A_710 : memref<256x128xf32, #tpu.memory_space<hbm>>)
    "tpu.region"() ({
      %run_scoped3A = tpu.sem_alloc : memref<!tpu.dma_semaphore, #tpu.memory_space<semaphore_mem>>
      %dma_start3A_799 = tpu.memref_slice %arg2[%add3A_701] : memref<131072xi32, #tpu.memory_space<hbm>> -> memref<256xi32, #tpu.memory_space<hbm>>
      %dma_start3A_800 = tpu.memref_slice %arg2[%add3A_701] : memref<131072xi32, #tpu.memory_space<hbm>> -> memref<256xi32, #tpu.memory_space<hbm>>
      tpu.enqueue_dma source(%dma_start3A_800 : memref<256xi32, #tpu.memory_space<hbm>>) target(%arg6 : memref<256xi32, #tpu.memory_space<vmem>>) target_semaphore(%run_scoped3A : memref<!tpu.dma_semaphore, #tpu.memory_space<semaphore_mem>>)
      %dma_wait3A_801 = tpu.memref_slice %arg2[%add3A_701] : memref<131072xi32, #tpu.memory_space<hbm>> -> memref<256xi32, #tpu.memory_space<hbm>>
      %dma_wait3A_802 = tpu.memref_slice %arg2[%add3A_701] : memref<131072xi32, #tpu.memory_space<hbm>> -> memref<256xi32, #tpu.memory_space<hbm>>
      tpu.wait_dma2 semaphore(%run_scoped3A : memref<!tpu.dma_semaphore, #tpu.memory_space<semaphore_mem>>) src(%dma_wait3A_802 : memref<256xi32, #tpu.memory_space<hbm>>) dst(%arg6 : memref<256xi32, #tpu.memory_space<vmem>>)
      tpu.yield
    }) : () -> ()
    %dma_start3A_715 = arith.constant 1 : i32
    %dma_start3A_716 = arith.constant 0 : i32
    %dma_start3A_717 = arith.constant 0 : i32
    %dma_start3A_718 = tpu.memref_slice %arg7[%dma_start3A_715, %dma_start3A_716, %dma_start3A_717] : memref<2x256x128xf32, #tpu.memory_space<vmem>> -> memref<1x256x128xf32, #tpu.memory_space<vmem>>
    %dma_start3A_719 = tpu.memref_squeeze %dma_start3A_718 : memref<1x256x128xf32, #tpu.memory_space<vmem>> -> memref<256x128xf32, #tpu.memory_space<vmem>>
    %dma_start3A_720 = arith.constant 0 : i32
    %dma_start3A_721 = arith.constant 0 : i32
    %dma_start3A_722 = tpu.memref_slice %arg3[%dma_start3A_720, %dma_start3A_721] : memref<4096x128xf32, #tpu.memory_space<hbm>> -> memref<4096x128xf32, #tpu.memory_space<hbm>>
    tpu.enqueue_indirect_dma source(%dma_start3A_722 : memref<4096x128xf32, #tpu.memory_space<hbm>>) target(%dma_start3A_719 : memref<256x128xf32, #tpu.memory_space<vmem>>) offsets(%arg6 : memref<256xi32, #tpu.memory_space<vmem>>) semaphore(%arg9 : memref<!tpu.dma_semaphore, #tpu.memory_space<semaphore_mem>>)
    %mul3A_723 = arith.constant 4096 : i32
    %mul3A_724 = arith.muli %add3A, %mul3A_723 : i32
    %add3A_725 = arith.constant 3584 : i32
    %add3A_726 = arith.addi %mul3A_724, %add3A_725 : i32
    %dma_wait3A_727 = arith.constant 0 : i32
    %dma_wait3A_728 = arith.constant 0 : i32
    %dma_wait3A_729 = arith.constant 0 : i32
    %dma_wait3A_730 = tpu.memref_slice %arg7[%dma_wait3A_727, %dma_wait3A_728, %dma_wait3A_729] : memref<2x256x128xf32, #tpu.memory_space<vmem>> -> memref<1x256x128xf32, #tpu.memory_space<vmem>>
    %dma_wait3A_731 = tpu.memref_squeeze %dma_wait3A_730 : memref<1x256x128xf32, #tpu.memory_space<vmem>> -> memref<256x128xf32, #tpu.memory_space<vmem>>
    %dma_wait3A_732 = arith.constant 0 : i32
    %dma_wait3A_733 = arith.constant 0 : i32
    %dma_wait3A_734 = tpu.memref_slice %arg3[%dma_wait3A_732, %dma_wait3A_733] : memref<4096x128xf32, #tpu.memory_space<hbm>> -> memref<4096x128xf32, #tpu.memory_space<hbm>>
    tpu.wait_indirect_dma semaphore(%arg8 : memref<!tpu.dma_semaphore, #tpu.memory_space<semaphore_mem>>) src(%dma_wait3A_734 : memref<4096x128xf32, #tpu.memory_space<hbm>>) dst(%dma_wait3A_731 : memref<256x128xf32, #tpu.memory_space<vmem>>)
    %dma_start3A_735 = arith.constant 0 : i32
    %dma_start3A_736 = arith.constant 0 : i32
    %dma_start3A_737 = arith.constant 0 : i32
    %dma_start3A_738 = tpu.memref_slice %arg7[%dma_start3A_735, %dma_start3A_736, %dma_start3A_737] : memref<2x256x128xf32, #tpu.memory_space<vmem>> -> memref<1x256x128xf32, #tpu.memory_space<vmem>>
    %dma_start3A_739 = tpu.memref_squeeze %dma_start3A_738 : memref<1x256x128xf32, #tpu.memory_space<vmem>> -> memref<256x128xf32, #tpu.memory_space<vmem>>
    %dma_start3A_740 = arith.constant 0 : i32
    %dma_start3A_741 = tpu.memref_slice %arg4[%add3A_726, %dma_start3A_740] : memref<131072x128xf32, #tpu.memory_space<hbm>> -> memref<256x128xf32, #tpu.memory_space<hbm>>
    %dma_start3A_742 = arith.constant 0 : i32
    %dma_start3A_743 = tpu.memref_slice %arg4[%add3A_726, %dma_start3A_742] : memref<131072x128xf32, #tpu.memory_space<hbm>> -> memref<256x128xf32, #tpu.memory_space<hbm>>
    %dma_start3A_744 = arith.constant 0 : i32
    %dma_start3A_745 = arith.constant 0 : i32
    %dma_start3A_746 = tpu.memref_slice %arg7[%dma_start3A_735, %dma_start3A_744, %dma_start3A_745] : memref<2x256x128xf32, #tpu.memory_space<vmem>> -> memref<1x256x128xf32, #tpu.memory_space<vmem>>
    %dma_start3A_747 = tpu.memref_squeeze %dma_start3A_746 : memref<1x256x128xf32, #tpu.memory_space<vmem>> -> memref<256x128xf32, #tpu.memory_space<vmem>>
    tpu.enqueue_dma source(%dma_start3A_747 : memref<256x128xf32, #tpu.memory_space<vmem>>) target(%dma_start3A_743 : memref<256x128xf32, #tpu.memory_space<hbm>>) target_semaphore(%arg10 : memref<!tpu.dma_semaphore, #tpu.memory_space<semaphore_mem>>)
    %mul3A_748 = arith.constant 4096 : i32
    %mul3A_749 = arith.muli %add3A, %mul3A_748 : i32
    %add3A_750 = arith.constant 3840 : i32
    %add3A_751 = arith.addi %mul3A_749, %add3A_750 : i32
    %dma_wait3A_752 = arith.constant 1 : i32
    %dma_wait3A_753 = arith.constant 0 : i32
    %dma_wait3A_754 = arith.constant 0 : i32
    %dma_wait3A_755 = tpu.memref_slice %arg7[%dma_wait3A_752, %dma_wait3A_753, %dma_wait3A_754] : memref<2x256x128xf32, #tpu.memory_space<vmem>> -> memref<1x256x128xf32, #tpu.memory_space<vmem>>
    %dma_wait3A_756 = tpu.memref_squeeze %dma_wait3A_755 : memref<1x256x128xf32, #tpu.memory_space<vmem>> -> memref<256x128xf32, #tpu.memory_space<vmem>>
    %dma_wait3A_757 = arith.constant 0 : i32
    %dma_wait3A_758 = arith.constant 0 : i32
    %dma_wait3A_759 = tpu.memref_slice %arg3[%dma_wait3A_757, %dma_wait3A_758] : memref<4096x128xf32, #tpu.memory_space<hbm>> -> memref<4096x128xf32, #tpu.memory_space<hbm>>
    tpu.wait_indirect_dma semaphore(%arg9 : memref<!tpu.dma_semaphore, #tpu.memory_space<semaphore_mem>>) src(%dma_wait3A_759 : memref<4096x128xf32, #tpu.memory_space<hbm>>) dst(%dma_wait3A_756 : memref<256x128xf32, #tpu.memory_space<vmem>>)
    %dma_start3A_760 = arith.constant 1 : i32
    %dma_start3A_761 = arith.constant 0 : i32
    %dma_start3A_762 = arith.constant 0 : i32
    %dma_start3A_763 = tpu.memref_slice %arg7[%dma_start3A_760, %dma_start3A_761, %dma_start3A_762] : memref<2x256x128xf32, #tpu.memory_space<vmem>> -> memref<1x256x128xf32, #tpu.memory_space<vmem>>
    %dma_start3A_764 = tpu.memref_squeeze %dma_start3A_763 : memref<1x256x128xf32, #tpu.memory_space<vmem>> -> memref<256x128xf32, #tpu.memory_space<vmem>>
    %dma_start3A_765 = arith.constant 0 : i32
    %dma_start3A_766 = tpu.memref_slice %arg4[%add3A_751, %dma_start3A_765] : memref<131072x128xf32, #tpu.memory_space<hbm>> -> memref<256x128xf32, #tpu.memory_space<hbm>>
    %dma_start3A_767 = arith.constant 0 : i32
    %dma_start3A_768 = tpu.memref_slice %arg4[%add3A_751, %dma_start3A_767] : memref<131072x128xf32, #tpu.memory_space<hbm>> -> memref<256x128xf32, #tpu.memory_space<hbm>>
    %dma_start3A_769 = arith.constant 0 : i32
    %dma_start3A_770 = arith.constant 0 : i32
    %dma_start3A_771 = tpu.memref_slice %arg7[%dma_start3A_760, %dma_start3A_769, %dma_start3A_770] : memref<2x256x128xf32, #tpu.memory_space<vmem>> -> memref<1x256x128xf32, #tpu.memory_space<vmem>>
    %dma_start3A_772 = tpu.memref_squeeze %dma_start3A_771 : memref<1x256x128xf32, #tpu.memory_space<vmem>> -> memref<256x128xf32, #tpu.memory_space<vmem>>
    tpu.enqueue_dma source(%dma_start3A_772 : memref<256x128xf32, #tpu.memory_space<vmem>>) target(%dma_start3A_768 : memref<256x128xf32, #tpu.memory_space<hbm>>) target_semaphore(%arg11 : memref<!tpu.dma_semaphore, #tpu.memory_space<semaphore_mem>>)
    %dma_wait3A_773 = arith.constant 0 : i32
    %dma_wait3A_774 = arith.constant 0 : i32
    %dma_wait3A_775 = arith.constant 0 : i32
    %dma_wait3A_776 = tpu.memref_slice %arg7[%dma_wait3A_773, %dma_wait3A_774, %dma_wait3A_775] : memref<2x256x128xf32, #tpu.memory_space<vmem>> -> memref<1x256x128xf32, #tpu.memory_space<vmem>>
    %dma_wait3A_777 = tpu.memref_squeeze %dma_wait3A_776 : memref<1x256x128xf32, #tpu.memory_space<vmem>> -> memref<256x128xf32, #tpu.memory_space<vmem>>
    %dma_wait3A_778 = arith.constant 0 : i32
    %dma_wait3A_779 = tpu.memref_slice %arg4[%add3A_726, %dma_wait3A_778] : memref<131072x128xf32, #tpu.memory_space<hbm>> -> memref<256x128xf32, #tpu.memory_space<hbm>>
    %dma_wait3A_780 = arith.constant 0 : i32
    %dma_wait3A_781 = tpu.memref_slice %arg4[%add3A_726, %dma_wait3A_780] : memref<131072x128xf32, #tpu.memory_space<hbm>> -> memref<256x128xf32, #tpu.memory_space<hbm>>
    %dma_wait3A_782 = arith.constant 0 : i32
    %dma_wait3A_783 = arith.constant 0 : i32
    %dma_wait3A_784 = tpu.memref_slice %arg7[%dma_wait3A_773, %dma_wait3A_782, %dma_wait3A_783] : memref<2x256x128xf32, #tpu.memory_space<vmem>> -> memref<1x256x128xf32, #tpu.memory_space<vmem>>
    %dma_wait3A_785 = tpu.memref_squeeze %dma_wait3A_784 : memref<1x256x128xf32, #tpu.memory_space<vmem>> -> memref<256x128xf32, #tpu.memory_space<vmem>>
    tpu.wait_dma2 semaphore(%arg10 : memref<!tpu.dma_semaphore, #tpu.memory_space<semaphore_mem>>) src(%dma_wait3A_785 : memref<256x128xf32, #tpu.memory_space<vmem>>) dst(%dma_wait3A_781 : memref<256x128xf32, #tpu.memory_space<hbm>>)
    %dma_wait3A_786 = arith.constant 1 : i32
    %dma_wait3A_787 = arith.constant 0 : i32
    %dma_wait3A_788 = arith.constant 0 : i32
    %dma_wait3A_789 = tpu.memref_slice %arg7[%dma_wait3A_786, %dma_wait3A_787, %dma_wait3A_788] : memref<2x256x128xf32, #tpu.memory_space<vmem>> -> memref<1x256x128xf32, #tpu.memory_space<vmem>>
    %dma_wait3A_790 = tpu.memref_squeeze %dma_wait3A_789 : memref<1x256x128xf32, #tpu.memory_space<vmem>> -> memref<256x128xf32, #tpu.memory_space<vmem>>
    %dma_wait3A_791 = arith.constant 0 : i32
    %dma_wait3A_792 = tpu.memref_slice %arg4[%add3A_751, %dma_wait3A_791] : memref<131072x128xf32, #tpu.memory_space<hbm>> -> memref<256x128xf32, #tpu.memory_space<hbm>>
    %dma_wait3A_793 = arith.constant 0 : i32
    %dma_wait3A_794 = tpu.memref_slice %arg4[%add3A_751, %dma_wait3A_793] : memref<131072x128xf32, #tpu.memory_space<hbm>> -> memref<256x128xf32, #tpu.memory_space<hbm>>
    %dma_wait3A_795 = arith.constant 0 : i32
    %dma_wait3A_796 = arith.constant 0 : i32
    %dma_wait3A_797 = tpu.memref_slice %arg7[%dma_wait3A_786, %dma_wait3A_795, %dma_wait3A_796] : memref<2x256x128xf32, #tpu.memory_space<vmem>> -> memref<1x256x128xf32, #tpu.memory_space<vmem>>
    %dma_wait3A_798 = tpu.memref_squeeze %dma_wait3A_797 : memref<1x256x128xf32, #tpu.memory_space<vmem>> -> memref<256x128xf32, #tpu.memory_space<vmem>>
    tpu.wait_dma2 semaphore(%arg11 : memref<!tpu.dma_semaphore, #tpu.memory_space<semaphore_mem>>) src(%dma_wait3A_798 : memref<256x128xf32, #tpu.memory_space<vmem>>) dst(%dma_wait3A_794 : memref<256x128xf32, #tpu.memory_space<hbm>>)
    return
  }
}

module attributes {stable_mosaic.version = 14 : i64} {
  func.func @_noise_body(%arg0: memref<8x128xf32, #tpu.memory_space<vmem>>, %arg1: memref<128x512xf32, #tpu.memory_space<vmem>>, %arg2: memref<1x512xf32, #tpu.memory_space<vmem>>, %arg3: memref<512x512xf32, #tpu.memory_space<vmem>>, %arg4: memref<1x512xf32, #tpu.memory_space<vmem>>, %arg5: memref<3x512x256xf32, #tpu.memory_space<vmem>>, %arg6: memref<3x1x256xf32, #tpu.memory_space<vmem>>, %arg7: memref<128x128xf32, #tpu.memory_space<vmem>>, %arg8: memref<1x128xf32, #tpu.memory_space<vmem>>, %arg9: memref<3x8x256xf32, #tpu.memory_space<vmem>>, %arg10: memref<8x128xf32, #tpu.memory_space<vmem>>) attributes {dimension_semantics = [], scalar_prefetch = 0 : i64, scratch_operands = 0 : i64, tpu.core_type = #tpu.core_type<tc>} {
    %get3A = arith.constant 0 : index
    %get3A_0 = arith.constant 0 : index
    %get3A_1 = vector.load %arg0[%get3A, %get3A_0] : memref<8x128xf32, #tpu.memory_space<vmem>>, vector<8x1xf32>
    %log3A = math.log %get3A_1 : vector<8x1xf32>
    %mul3A = arith.constant 2.500000e-01 : f32
    %mul3A_2 = vector.broadcast %mul3A : f32 to vector<8x1xf32>
    %mul3A_3 = arith.mulf %mul3A_2, %log3A : vector<8x1xf32>
    %iota3A = tpu.iota {dimensions = array<i32: 1>} : vector<1x64xi32>
    %convert_element_type3A = arith.sitofp %iota3A : vector<1x64xi32> to vector<1x64xf32>
    %mul3A_4 = arith.constant -0.14391157 : f32
    %mul3A_5 = vector.broadcast %mul3A_4 : f32 to vector<1x64xf32>
    %mul3A_6 = arith.mulf %mul3A_5, %convert_element_type3A : vector<1x64xf32>
    %exp3A = math.exp %mul3A_6 : vector<1x64xf32>
    %mul3A_7 = vector.broadcast %mul3A_3 : vector<8x1xf32> to vector<8x64xf32>
    %mul3A_8 = vector.broadcast %exp3A : vector<1x64xf32> to vector<8x64xf32>
    %mul3A_9 = arith.mulf %mul3A_7, %mul3A_8 : vector<8x64xf32>
    %sin3A = math.sin %mul3A_9 : vector<8x64xf32>
    %cos3A = math.cos %mul3A_9 : vector<8x64xf32>
    %concatenate3A = tpu.concatenate %sin3A, %cos3A in 1 : vector<8x64xf32>, vector<8x64xf32> -> vector<8x128xf32>
    %get3A_10 = arith.constant 0 : index
    %get3A_11 = arith.constant 0 : index
    %get3A_12 = vector.load %arg1[%get3A_10, %get3A_11] : memref<128x512xf32, #tpu.memory_space<vmem>>, vector<128x512xf32>
    %dot_general3A = arith.constant dense<0.000000e+00> : vector<8x512xf32>
    %dot_general3A_13 = tpu.matmul %concatenate3A, %get3A_12, %dot_general3A {dimension_numbers = #tpu.dot_dimension_numbers<[1], [0], [0], [1], [0, 0, 1, 1], [], []>, transpose_lhs_hint = false} : vector<8x128xf32>, vector<128x512xf32>, vector<8x512xf32> -> vector<8x512xf32>
    %get3A_14 = arith.constant 0 : index
    %get3A_15 = arith.constant 0 : index
    %get3A_16 = vector.load %arg2[%get3A_14, %get3A_15] : memref<1x512xf32, #tpu.memory_space<vmem>>, vector<1x512xf32>
    %add3A = vector.broadcast %get3A_16 : vector<1x512xf32> to vector<8x512xf32>
    %add3A_17 = arith.addf %dot_general3A_13, %add3A : vector<8x512xf32>
    %logistic3A = arith.negf %add3A_17 : vector<8x512xf32>
    %logistic3A_18 = math.exp %logistic3A : vector<8x512xf32>
    %logistic3A_19 = arith.constant 1.000000e+00 : f32
    %logistic3A_20 = vector.broadcast %logistic3A_19 : f32 to vector<8x512xf32>
    %logistic3A_21 = arith.addf %logistic3A_20, %logistic3A_18 : vector<8x512xf32>
    %logistic3A_22 = arith.divf %logistic3A_20, %logistic3A_21 : vector<8x512xf32>
    %mul3A_23 = arith.mulf %add3A_17, %logistic3A_22 : vector<8x512xf32>
    %get3A_24 = arith.constant 0 : index
    %get3A_25 = arith.constant 0 : index
    %get3A_26 = vector.load %arg3[%get3A_24, %get3A_25] : memref<512x512xf32, #tpu.memory_space<vmem>>, vector<512x512xf32>
    %dot_general3A_27 = arith.constant dense<0.000000e+00> : vector<8x512xf32>
    %dot_general3A_28 = tpu.matmul %mul3A_23, %get3A_26, %dot_general3A_27 {dimension_numbers = #tpu.dot_dimension_numbers<[1], [0], [0], [1], [0, 0, 1, 1], [], []>, transpose_lhs_hint = false} : vector<8x512xf32>, vector<512x512xf32>, vector<8x512xf32> -> vector<8x512xf32>
    %get3A_29 = arith.constant 0 : index
    %get3A_30 = arith.constant 0 : index
    %get3A_31 = vector.load %arg4[%get3A_29, %get3A_30] : memref<1x512xf32, #tpu.memory_space<vmem>>, vector<1x512xf32>
    %add3A_32 = vector.broadcast %get3A_31 : vector<1x512xf32> to vector<8x512xf32>
    %add3A_33 = arith.addf %dot_general3A_28, %add3A_32 : vector<8x512xf32>
    %logistic3A_34 = arith.negf %add3A_33 : vector<8x512xf32>
    %logistic3A_35 = math.exp %logistic3A_34 : vector<8x512xf32>
    %logistic3A_36 = arith.constant 1.000000e+00 : f32
    %logistic3A_37 = vector.broadcast %logistic3A_36 : f32 to vector<8x512xf32>
    %logistic3A_38 = arith.addf %logistic3A_37, %logistic3A_35 : vector<8x512xf32>
    %logistic3A_39 = arith.divf %logistic3A_37, %logistic3A_38 : vector<8x512xf32>
    %mul3A_40 = arith.mulf %add3A_33, %logistic3A_39 : vector<8x512xf32>
    %get3A_41 = arith.constant 0 : index
    %get3A_42 = arith.constant 0 : index
    %get3A_43 = arith.constant 0 : index
    %get3A_44 = vector.load %arg5[%get3A_41, %get3A_42, %get3A_43] : memref<3x512x256xf32, #tpu.memory_space<vmem>>, vector<1x512x256xf32>
    %get3A_45 = vector.shape_cast %get3A_44 : vector<1x512x256xf32> to vector<512x256xf32>
    %dot_general3A_46 = arith.constant dense<0.000000e+00> : vector<8x256xf32>
    %dot_general3A_47 = tpu.matmul %mul3A_40, %get3A_45, %dot_general3A_46 {dimension_numbers = #tpu.dot_dimension_numbers<[1], [0], [0], [1], [0, 0, 1, 1], [], []>, transpose_lhs_hint = false} : vector<8x512xf32>, vector<512x256xf32>, vector<8x256xf32> -> vector<8x256xf32>
    %get3A_48 = arith.constant 0 : index
    %get3A_49 = arith.constant 0 : index
    %get3A_50 = arith.constant 0 : index
    %get3A_51 = vector.load %arg6[%get3A_48, %get3A_49, %get3A_50] : memref<3x1x256xf32, #tpu.memory_space<vmem>>, vector<1x1x256xf32>
    %get3A_52 = vector.shape_cast %get3A_51 : vector<1x1x256xf32> to vector<1x256xf32>
    %add3A_53 = vector.broadcast %get3A_52 : vector<1x256xf32> to vector<8x256xf32>
    %add3A_54 = arith.addf %dot_general3A_47, %add3A_53 : vector<8x256xf32>
    %swap3A = arith.constant 0 : index
    %swap3A_55 = arith.constant 0 : index
    %swap3A_56 = arith.constant 0 : index
    %swap3A_57 = vector.load %arg9[%swap3A, %swap3A_55, %swap3A_56] : memref<3x8x256xf32, #tpu.memory_space<vmem>>, vector<1x8x256xf32>
    %swap3A_58 = vector.shape_cast %swap3A_57 : vector<1x8x256xf32> to vector<8x256xf32>
    %swap3A_59 = vector.shape_cast %add3A_54 : vector<8x256xf32> to vector<1x8x256xf32>
    tpu.vector_store %arg9[%swap3A, %swap3A_55, %swap3A_56], %swap3A_59 {strides = array<i32>} : memref<3x8x256xf32, #tpu.memory_space<vmem>>, vector<1x8x256xf32>,
    %slice3A = vector.extract_strided_slice %add3A_54 {offsets = [0, 128], sizes = [8, 128], strides = [1, 1]} : vector<8x256xf32> to vector<8x128xf32>
    %get3A_60 = arith.constant 0 : index
    %get3A_61 = arith.constant 0 : index
    %get3A_62 = vector.load %arg7[%get3A_60, %get3A_61] : memref<128x128xf32, #tpu.memory_space<vmem>>, vector<128x128xf32>
    %dot_general3A_63 = arith.constant dense<0.000000e+00> : vector<8x128xf32>
    %dot_general3A_64 = tpu.matmul %slice3A, %get3A_62, %dot_general3A_63 {dimension_numbers = #tpu.dot_dimension_numbers<[1], [0], [0], [1], [0, 0, 1, 1], [], []>, transpose_lhs_hint = false} : vector<8x128xf32>, vector<128x128xf32>, vector<8x128xf32> -> vector<8x128xf32>
    %get3A_65 = arith.constant 0 : index
    %get3A_66 = arith.constant 0 : index
    %get3A_67 = vector.load %arg8[%get3A_65, %get3A_66] : memref<1x128xf32, #tpu.memory_space<vmem>>, vector<1x128xf32>
    %add3A_68 = vector.broadcast %get3A_67 : vector<1x128xf32> to vector<8x128xf32>
    %add3A_69 = arith.addf %dot_general3A_64, %add3A_68 : vector<8x128xf32>
    %swap3A_70 = arith.constant 0 : index
    %swap3A_71 = arith.constant 0 : index
    %swap3A_72 = vector.load %arg10[%swap3A_70, %swap3A_71] : memref<8x128xf32, #tpu.memory_space<vmem>>, vector<8x128xf32>
    tpu.vector_store %arg10[%swap3A_70, %swap3A_71], %add3A_69 {strides = array<i32>} : memref<8x128xf32, #tpu.memory_space<vmem>>, vector<8x128xf32>,
    %get3A_73 = arith.constant 1 : index
    %get3A_74 = arith.constant 0 : index
    %get3A_75 = arith.constant 0 : index
    %get3A_76 = vector.load %arg5[%get3A_73, %get3A_74, %get3A_75] : memref<3x512x256xf32, #tpu.memory_space<vmem>>, vector<1x512x256xf32>
    %get3A_77 = vector.shape_cast %get3A_76 : vector<1x512x256xf32> to vector<512x256xf32>
    %dot_general3A_78 = arith.constant dense<0.000000e+00> : vector<8x256xf32>
    %dot_general3A_79 = tpu.matmul %mul3A_40, %get3A_77, %dot_general3A_78 {dimension_numbers = #tpu.dot_dimension_numbers<[1], [0], [0], [1], [0, 0, 1, 1], [], []>, transpose_lhs_hint = false} : vector<8x512xf32>, vector<512x256xf32>, vector<8x256xf32> -> vector<8x256xf32>
    %get3A_80 = arith.constant 1 : index
    %get3A_81 = arith.constant 0 : index
    %get3A_82 = arith.constant 0 : index
    %get3A_83 = vector.load %arg6[%get3A_80, %get3A_81, %get3A_82] : memref<3x1x256xf32, #tpu.memory_space<vmem>>, vector<1x1x256xf32>
    %get3A_84 = vector.shape_cast %get3A_83 : vector<1x1x256xf32> to vector<1x256xf32>
    %add3A_85 = vector.broadcast %get3A_84 : vector<1x256xf32> to vector<8x256xf32>
    %add3A_86 = arith.addf %dot_general3A_79, %add3A_85 : vector<8x256xf32>
    %swap3A_87 = arith.constant 1 : index
    %swap3A_88 = arith.constant 0 : index
    %swap3A_89 = arith.constant 0 : index
    %swap3A_90 = vector.load %arg9[%swap3A_87, %swap3A_88, %swap3A_89] : memref<3x8x256xf32, #tpu.memory_space<vmem>>, vector<1x8x256xf32>
    %swap3A_91 = vector.shape_cast %swap3A_90 : vector<1x8x256xf32> to vector<8x256xf32>
    %swap3A_92 = vector.shape_cast %add3A_86 : vector<8x256xf32> to vector<1x8x256xf32>
    tpu.vector_store %arg9[%swap3A_87, %swap3A_88, %swap3A_89], %swap3A_92 {strides = array<i32>} : memref<3x8x256xf32, #tpu.memory_space<vmem>>, vector<1x8x256xf32>,
    %get3A_93 = arith.constant 2 : index
    %get3A_94 = arith.constant 0 : index
    %get3A_95 = arith.constant 0 : index
    %get3A_96 = vector.load %arg5[%get3A_93, %get3A_94, %get3A_95] : memref<3x512x256xf32, #tpu.memory_space<vmem>>, vector<1x512x256xf32>
    %get3A_97 = vector.shape_cast %get3A_96 : vector<1x512x256xf32> to vector<512x256xf32>
    %dot_general3A_98 = arith.constant dense<0.000000e+00> : vector<8x256xf32>
    %dot_general3A_99 = tpu.matmul %mul3A_40, %get3A_97, %dot_general3A_98 {dimension_numbers = #tpu.dot_dimension_numbers<[1], [0], [0], [1], [0, 0, 1, 1], [], []>, transpose_lhs_hint = false} : vector<8x512xf32>, vector<512x256xf32>, vector<8x256xf32> -> vector<8x256xf32>
    %get3A_100 = arith.constant 2 : index
    %get3A_101 = arith.constant 0 : index
    %get3A_102 = arith.constant 0 : index
    %get3A_103 = vector.load %arg6[%get3A_100, %get3A_101, %get3A_102] : memref<3x1x256xf32, #tpu.memory_space<vmem>>, vector<1x1x256xf32>
    %get3A_104 = vector.shape_cast %get3A_103 : vector<1x1x256xf32> to vector<1x256xf32>
    %add3A_105 = vector.broadcast %get3A_104 : vector<1x256xf32> to vector<8x256xf32>
    %add3A_106 = arith.addf %dot_general3A_99, %add3A_105 : vector<8x256xf32>
    %swap3A_107 = arith.constant 2 : index
    %swap3A_108 = arith.constant 0 : index
    %swap3A_109 = arith.constant 0 : index
    %swap3A_110 = vector.load %arg9[%swap3A_107, %swap3A_108, %swap3A_109] : memref<3x8x256xf32, #tpu.memory_space<vmem>>, vector<1x8x256xf32>
    %swap3A_111 = vector.shape_cast %swap3A_110 : vector<1x8x256xf32> to vector<8x256xf32>
    %swap3A_112 = vector.shape_cast %add3A_106 : vector<8x256xf32> to vector<1x8x256xf32>
    tpu.vector_store %arg9[%swap3A_107, %swap3A_108, %swap3A_109], %swap3A_112 {strides = array<i32>} : memref<3x8x256xf32, #tpu.memory_space<vmem>>, vector<1x8x256xf32>,
    return
  }
}

module attributes {stable_mosaic.version = 14 : i64} {
  func.func @_knn_body(%arg0: i32, %arg1: i32, %arg2: memref<1x512x8xf32, #tpu.memory_space<vmem>>, %arg3: memref<1x8x2048xf32, #tpu.memory_space<vmem>>, %arg4: memref<1x512x32xi32, #tpu.memory_space<vmem>>, %arg5: memref<1x512x32xi32, #tpu.memory_space<vmem>>, %arg6: memref<1x512x32xi32, #tpu.memory_space<vmem>>, %arg7: memref<1x512x32xf32, #tpu.memory_space<vmem>>) attributes {dimension_semantics = [#tpu.dimension_semantics<arbitrary>, #tpu.dimension_semantics<arbitrary>], iteration_bounds = array<i64: 2, 4>, scalar_prefetch = 0 : i64, scratch_operands = 0 : i64, tpu.core_type = #tpu.core_type<tc>, window_params = [{transform_indices = @transform_0, window_bounds = array<i64: 1, 512, 8>}, {transform_indices = @transform_1, window_bounds = array<i64: 1, 8, 2048>}, {transform_indices = @transform_2, window_bounds = array<i64: 1, 512, 32>}, {transform_indices = @transform_3, window_bounds = array<i64: 1, 512, 32>}, {transform_indices = @transform_4, window_bounds = array<i64: 1, 512, 32>}, {transform_indices = @transform_5, window_bounds = array<i64: 1, 512, 32>}]} {
    %get3A = arith.constant 0 : index
    %get3A_0 = arith.constant 0 : index
    %get3A_1 = arith.constant 0 : index
    %get3A_2 = vector.load %arg2[%get3A, %get3A_0, %get3A_1] : memref<1x512x8xf32, #tpu.memory_space<vmem>>, vector<1x512x8xf32>
    %get3A_3 = vector.shape_cast %get3A_2 : vector<1x512x8xf32> to vector<512x8xf32>
    %get3A_4 = arith.constant 0 : index
    %get3A_5 = arith.constant 0 : index
    %get3A_6 = arith.constant 0 : index
    %get3A_7 = vector.load %arg3[%get3A_4, %get3A_5, %get3A_6] : memref<1x8x2048xf32, #tpu.memory_space<vmem>>, vector<1x8x2048xf32>
    %get3A_8 = vector.shape_cast %get3A_7 : vector<1x8x2048xf32> to vector<8x2048xf32>
    %broadcast_in_dim3A = arith.constant 0.000000e+00 : f32
    %broadcast_in_dim3A_9 = vector.broadcast %broadcast_in_dim3A : f32 to vector<512x2048xf32>
    %slice3A = vector.extract_strided_slice %get3A_3 {offsets = [0, 0], sizes = [512, 1], strides = [1, 1]} : vector<512x8xf32> to vector<512x1xf32>
    %slice3A_10 = vector.extract_strided_slice %get3A_8 {offsets = [0, 0], sizes = [1, 2048], strides = [1, 1]} : vector<8x2048xf32> to vector<1x2048xf32>
    %sub3A = vector.broadcast %slice3A : vector<512x1xf32> to vector<512x2048xf32>
    %sub3A_11 = vector.broadcast %slice3A_10 : vector<1x2048xf32> to vector<512x2048xf32>
    %sub3A_12 = arith.subf %sub3A, %sub3A_11 : vector<512x2048xf32>
    %mul3A = arith.mulf %sub3A_12, %sub3A_12 : vector<512x2048xf32>
    %add3A = arith.addf %broadcast_in_dim3A_9, %mul3A : vector<512x2048xf32>
    %slice3A_13 = vector.extract_strided_slice %get3A_3 {offsets = [0, 1], sizes = [512, 1], strides = [1, 1]} : vector<512x8xf32> to vector<512x1xf32>
    %slice3A_14 = vector.extract_strided_slice %get3A_8 {offsets = [1, 0], sizes = [1, 2048], strides = [1, 1]} : vector<8x2048xf32> to vector<1x2048xf32>
    %sub3A_15 = vector.broadcast %slice3A_13 : vector<512x1xf32> to vector<512x2048xf32>
    %sub3A_16 = vector.broadcast %slice3A_14 : vector<1x2048xf32> to vector<512x2048xf32>
    %sub3A_17 = arith.subf %sub3A_15, %sub3A_16 : vector<512x2048xf32>
    %mul3A_18 = arith.mulf %sub3A_17, %sub3A_17 : vector<512x2048xf32>
    %add3A_19 = arith.addf %add3A, %mul3A_18 : vector<512x2048xf32>
    %slice3A_20 = vector.extract_strided_slice %get3A_3 {offsets = [0, 2], sizes = [512, 1], strides = [1, 1]} : vector<512x8xf32> to vector<512x1xf32>
    %slice3A_21 = vector.extract_strided_slice %get3A_8 {offsets = [2, 0], sizes = [1, 2048], strides = [1, 1]} : vector<8x2048xf32> to vector<1x2048xf32>
    %sub3A_22 = vector.broadcast %slice3A_20 : vector<512x1xf32> to vector<512x2048xf32>
    %sub3A_23 = vector.broadcast %slice3A_21 : vector<1x2048xf32> to vector<512x2048xf32>
    %sub3A_24 = arith.subf %sub3A_22, %sub3A_23 : vector<512x2048xf32>
    %mul3A_25 = arith.mulf %sub3A_24, %sub3A_24 : vector<512x2048xf32>
    %add3A_26 = arith.addf %add3A_19, %mul3A_25 : vector<512x2048xf32>
    %iota3A = tpu.iota {dimensions = array<i32: 1>} : vector<512x2048xi32>
    %iota3A_27 = tpu.iota {dimensions = array<i32: 1>} : vector<512x32xi32>
    %bitcast_convert_type3A = tpu.bitcast %add3A_26 : vector<512x2048xf32> -> vector<512x2048xi32>
    %and3A = arith.constant -2048 : i32
    %and3A_28 = vector.broadcast %and3A : i32 to vector<512x2048xi32>
    %and3A_29 = arith.andi %bitcast_convert_type3A, %and3A_28 : vector<512x2048xi32>
    %or3A = arith.ori %and3A_29, %iota3A : vector<512x2048xi32>
    %broadcast_in_dim3A_30 = arith.constant -1 : i32
    %broadcast_in_dim3A_31 = vector.broadcast %broadcast_in_dim3A_30 : i32 to vector<512x1xi32>
    %broadcast_in_dim3A_32 = arith.constant 0.000000e+00 : f32
    %broadcast_in_dim3A_33 = vector.broadcast %broadcast_in_dim3A_32 : f32 to vector<512x32xf32>
    %broadcast_in_dim3A_34 = arith.constant 0 : i32
    %broadcast_in_dim3A_35 = vector.broadcast %broadcast_in_dim3A_34 : i32 to vector<512x32xi32>
    %gt3A = vector.broadcast %broadcast_in_dim3A_31 : vector<512x1xi32> to vector<512x2048xi32>
    %gt3A_36 = arith.cmpi sgt, %or3A, %gt3A : vector<512x2048xi32>
    %jit3A = arith.constant 2147483647 : i32
    %broadcast_in_dim3A_37 = vector.broadcast %jit3A : i32 to vector<512x2048xi32>
    %select_n3A = arith.select %gt3A_36, %or3A, %broadcast_in_dim3A_37 : vector<512x2048xi1>, vector<512x2048xi32>
    %reduce_min3A = arith.constant dense<2147483647> : vector<512xi32>
    %reduce_min3A_38 = vector.multi_reduction <minsi>, %select_n3A, %reduce_min3A [1] : vector<512x2048xi32> to vector<512xi32>
    %broadcast_in_dim3A_39 = vector.shape_cast %reduce_min3A_38 : vector<512xi32> to vector<512x1xi32>
    %and3A_40 = arith.constant 2047 : i32
    %and3A_41 = vector.broadcast %and3A_40 : i32 to vector<512x1xi32>
    %and3A_42 = arith.andi %broadcast_in_dim3A_39, %and3A_41 : vector<512x1xi32>
    %and3A_43 = arith.constant -2048 : i32
    %and3A_44 = vector.broadcast %and3A_43 : i32 to vector<512x1xi32>
    %and3A_45 = arith.andi %broadcast_in_dim3A_39, %and3A_44 : vector<512x1xi32>
    %bitcast_convert_type3A_46 = tpu.bitcast %and3A_45 : vector<512x1xi32> -> vector<512x1xf32>
    %eq3A = arith.constant 0 : i32
    %eq3A_47 = vector.broadcast %eq3A : i32 to vector<512x32xi32>
    %eq3A_48 = arith.cmpi eq, %iota3A_27, %eq3A_47 : vector<512x32xi32>
    %broadcast_in_dim3A_49 = vector.shape_cast %bitcast_convert_type3A_46 : vector<512x1xf32> to vector<512x1xf32>
    %broadcast_in_dim3A_50 = vector.broadcast %broadcast_in_dim3A_49 : vector<512x1xf32> to vector<512x32xf32>
    %select_n3A_51 = arith.select %eq3A_48, %broadcast_in_dim3A_50, %broadcast_in_dim3A_33 : vector<512x32xi1>, vector<512x32xf32>
    %eq3A_52 = arith.constant 0 : i32
    %eq3A_53 = vector.broadcast %eq3A_52 : i32 to vector<512x32xi32>
    %eq3A_54 = arith.cmpi eq, %iota3A_27, %eq3A_53 : vector<512x32xi32>
    %broadcast_in_dim3A_55 = vector.shape_cast %and3A_42 : vector<512x1xi32> to vector<512x1xi32>
    %broadcast_in_dim3A_56 = vector.broadcast %broadcast_in_dim3A_55 : vector<512x1xi32> to vector<512x32xi32>
    %select_n3A_57 = arith.select %eq3A_54, %broadcast_in_dim3A_56, %broadcast_in_dim3A_35 : vector<512x32xi1>, vector<512x32xi32>
    %gt3A_58 = vector.broadcast %broadcast_in_dim3A_39 : vector<512x1xi32> to vector<512x2048xi32>
    %gt3A_59 = arith.cmpi sgt, %or3A, %gt3A_58 : vector<512x2048xi32>
    %jit3A_60 = arith.constant 2147483647 : i32
    %broadcast_in_dim3A_61 = vector.broadcast %jit3A_60 : i32 to vector<512x2048xi32>
    %select_n3A_62 = arith.select %gt3A_59, %or3A, %broadcast_in_dim3A_61 : vector<512x2048xi1>, vector<512x2048xi32>
    %reduce_min3A_63 = arith.constant dense<2147483647> : vector<512xi32>
    %reduce_min3A_64 = vector.multi_reduction <minsi>, %select_n3A_62, %reduce_min3A_63 [1] : vector<512x2048xi32> to vector<512xi32>
    %broadcast_in_dim3A_65 = vector.shape_cast %reduce_min3A_64 : vector<512xi32> to vector<512x1xi32>
    %and3A_66 = arith.constant 2047 : i32
    %and3A_67 = vector.broadcast %and3A_66 : i32 to vector<512x1xi32>
    %and3A_68 = arith.andi %broadcast_in_dim3A_65, %and3A_67 : vector<512x1xi32>
    %and3A_69 = arith.constant -2048 : i32
    %and3A_70 = vector.broadcast %and3A_69 : i32 to vector<512x1xi32>
    %and3A_71 = arith.andi %broadcast_in_dim3A_65, %and3A_70 : vector<512x1xi32>
    %bitcast_convert_type3A_72 = tpu.bitcast %and3A_71 : vector<512x1xi32> -> vector<512x1xf32>
    %eq3A_73 = arith.constant 1 : i32
    %eq3A_74 = vector.broadcast %eq3A_73 : i32 to vector<512x32xi32>
    %eq3A_75 = arith.cmpi eq, %iota3A_27, %eq3A_74 : vector<512x32xi32>
    %broadcast_in_dim3A_76 = vector.shape_cast %bitcast_convert_type3A_72 : vector<512x1xf32> to vector<512x1xf32>
    %broadcast_in_dim3A_77 = vector.broadcast %broadcast_in_dim3A_76 : vector<512x1xf32> to vector<512x32xf32>
    %select_n3A_78 = arith.select %eq3A_75, %broadcast_in_dim3A_77, %select_n3A_51 : vector<512x32xi1>, vector<512x32xf32>
    %eq3A_79 = arith.constant 1 : i32
    %eq3A_80 = vector.broadcast %eq3A_79 : i32 to vector<512x32xi32>
    %eq3A_81 = arith.cmpi eq, %iota3A_27, %eq3A_80 : vector<512x32xi32>
    %broadcast_in_dim3A_82 = vector.shape_cast %and3A_68 : vector<512x1xi32> to vector<512x1xi32>
    %broadcast_in_dim3A_83 = vector.broadcast %broadcast_in_dim3A_82 : vector<512x1xi32> to vector<512x32xi32>
    %select_n3A_84 = arith.select %eq3A_81, %broadcast_in_dim3A_83, %select_n3A_57 : vector<512x32xi1>, vector<512x32xi32>
    %gt3A_85 = vector.broadcast %broadcast_in_dim3A_65 : vector<512x1xi32> to vector<512x2048xi32>
    %gt3A_86 = arith.cmpi sgt, %or3A, %gt3A_85 : vector<512x2048xi32>
    %jit3A_87 = arith.constant 2147483647 : i32
    %broadcast_in_dim3A_88 = vector.broadcast %jit3A_87 : i32 to vector<512x2048xi32>
    %select_n3A_89 = arith.select %gt3A_86, %or3A, %broadcast_in_dim3A_88 : vector<512x2048xi1>, vector<512x2048xi32>
    %reduce_min3A_90 = arith.constant dense<2147483647> : vector<512xi32>
    %reduce_min3A_91 = vector.multi_reduction <minsi>, %select_n3A_89, %reduce_min3A_90 [1] : vector<512x2048xi32> to vector<512xi32>
    %broadcast_in_dim3A_92 = vector.shape_cast %reduce_min3A_91 : vector<512xi32> to vector<512x1xi32>
    %and3A_93 = arith.constant 2047 : i32
    %and3A_94 = vector.broadcast %and3A_93 : i32 to vector<512x1xi32>
    %and3A_95 = arith.andi %broadcast_in_dim3A_92, %and3A_94 : vector<512x1xi32>
    %and3A_96 = arith.constant -2048 : i32
    %and3A_97 = vector.broadcast %and3A_96 : i32 to vector<512x1xi32>
    %and3A_98 = arith.andi %broadcast_in_dim3A_92, %and3A_97 : vector<512x1xi32>
    %bitcast_convert_type3A_99 = tpu.bitcast %and3A_98 : vector<512x1xi32> -> vector<512x1xf32>
    %eq3A_100 = arith.constant 2 : i32
    %eq3A_101 = vector.broadcast %eq3A_100 : i32 to vector<512x32xi32>
    %eq3A_102 = arith.cmpi eq, %iota3A_27, %eq3A_101 : vector<512x32xi32>
    %broadcast_in_dim3A_103 = vector.shape_cast %bitcast_convert_type3A_99 : vector<512x1xf32> to vector<512x1xf32>
    %broadcast_in_dim3A_104 = vector.broadcast %broadcast_in_dim3A_103 : vector<512x1xf32> to vector<512x32xf32>
    %select_n3A_105 = arith.select %eq3A_102, %broadcast_in_dim3A_104, %select_n3A_78 : vector<512x32xi1>, vector<512x32xf32>
    %eq3A_106 = arith.constant 2 : i32
    %eq3A_107 = vector.broadcast %eq3A_106 : i32 to vector<512x32xi32>
    %eq3A_108 = arith.cmpi eq, %iota3A_27, %eq3A_107 : vector<512x32xi32>
    %broadcast_in_dim3A_109 = vector.shape_cast %and3A_95 : vector<512x1xi32> to vector<512x1xi32>
    %broadcast_in_dim3A_110 = vector.broadcast %broadcast_in_dim3A_109 : vector<512x1xi32> to vector<512x32xi32>
    %select_n3A_111 = arith.select %eq3A_108, %broadcast_in_dim3A_110, %select_n3A_84 : vector<512x32xi1>, vector<512x32xi32>
    %gt3A_112 = vector.broadcast %broadcast_in_dim3A_92 : vector<512x1xi32> to vector<512x2048xi32>
    %gt3A_113 = arith.cmpi sgt, %or3A, %gt3A_112 : vector<512x2048xi32>
    %jit3A_114 = arith.constant 2147483647 : i32
    %broadcast_in_dim3A_115 = vector.broadcast %jit3A_114 : i32 to vector<512x2048xi32>
    %select_n3A_116 = arith.select %gt3A_113, %or3A, %broadcast_in_dim3A_115 : vector<512x2048xi1>, vector<512x2048xi32>
    %reduce_min3A_117 = arith.constant dense<2147483647> : vector<512xi32>
    %reduce_min3A_118 = vector.multi_reduction <minsi>, %select_n3A_116, %reduce_min3A_117 [1] : vector<512x2048xi32> to vector<512xi32>
    %broadcast_in_dim3A_119 = vector.shape_cast %reduce_min3A_118 : vector<512xi32> to vector<512x1xi32>
    %and3A_120 = arith.constant 2047 : i32
    %and3A_121 = vector.broadcast %and3A_120 : i32 to vector<512x1xi32>
    %and3A_122 = arith.andi %broadcast_in_dim3A_119, %and3A_121 : vector<512x1xi32>
    %and3A_123 = arith.constant -2048 : i32
    %and3A_124 = vector.broadcast %and3A_123 : i32 to vector<512x1xi32>
    %and3A_125 = arith.andi %broadcast_in_dim3A_119, %and3A_124 : vector<512x1xi32>
    %bitcast_convert_type3A_126 = tpu.bitcast %and3A_125 : vector<512x1xi32> -> vector<512x1xf32>
    %eq3A_127 = arith.constant 3 : i32
    %eq3A_128 = vector.broadcast %eq3A_127 : i32 to vector<512x32xi32>
    %eq3A_129 = arith.cmpi eq, %iota3A_27, %eq3A_128 : vector<512x32xi32>
    %broadcast_in_dim3A_130 = vector.shape_cast %bitcast_convert_type3A_126 : vector<512x1xf32> to vector<512x1xf32>
    %broadcast_in_dim3A_131 = vector.broadcast %broadcast_in_dim3A_130 : vector<512x1xf32> to vector<512x32xf32>
    %select_n3A_132 = arith.select %eq3A_129, %broadcast_in_dim3A_131, %select_n3A_105 : vector<512x32xi1>, vector<512x32xf32>
    %eq3A_133 = arith.constant 3 : i32
    %eq3A_134 = vector.broadcast %eq3A_133 : i32 to vector<512x32xi32>
    %eq3A_135 = arith.cmpi eq, %iota3A_27, %eq3A_134 : vector<512x32xi32>
    %broadcast_in_dim3A_136 = vector.shape_cast %and3A_122 : vector<512x1xi32> to vector<512x1xi32>
    %broadcast_in_dim3A_137 = vector.broadcast %broadcast_in_dim3A_136 : vector<512x1xi32> to vector<512x32xi32>
    %select_n3A_138 = arith.select %eq3A_135, %broadcast_in_dim3A_137, %select_n3A_111 : vector<512x32xi1>, vector<512x32xi32>
    %gt3A_139 = vector.broadcast %broadcast_in_dim3A_119 : vector<512x1xi32> to vector<512x2048xi32>
    %gt3A_140 = arith.cmpi sgt, %or3A, %gt3A_139 : vector<512x2048xi32>
    %jit3A_141 = arith.constant 2147483647 : i32
    %broadcast_in_dim3A_142 = vector.broadcast %jit3A_141 : i32 to vector<512x2048xi32>
    %select_n3A_143 = arith.select %gt3A_140, %or3A, %broadcast_in_dim3A_142 : vector<512x2048xi1>, vector<512x2048xi32>
    %reduce_min3A_144 = arith.constant dense<2147483647> : vector<512xi32>
    %reduce_min3A_145 = vector.multi_reduction <minsi>, %select_n3A_143, %reduce_min3A_144 [1] : vector<512x2048xi32> to vector<512xi32>
    %broadcast_in_dim3A_146 = vector.shape_cast %reduce_min3A_145 : vector<512xi32> to vector<512x1xi32>
    %and3A_147 = arith.constant 2047 : i32
    %and3A_148 = vector.broadcast %and3A_147 : i32 to vector<512x1xi32>
    %and3A_149 = arith.andi %broadcast_in_dim3A_146, %and3A_148 : vector<512x1xi32>
    %and3A_150 = arith.constant -2048 : i32
    %and3A_151 = vector.broadcast %and3A_150 : i32 to vector<512x1xi32>
    %and3A_152 = arith.andi %broadcast_in_dim3A_146, %and3A_151 : vector<512x1xi32>
    %bitcast_convert_type3A_153 = tpu.bitcast %and3A_152 : vector<512x1xi32> -> vector<512x1xf32>
    %eq3A_154 = arith.constant 4 : i32
    %eq3A_155 = vector.broadcast %eq3A_154 : i32 to vector<512x32xi32>
    %eq3A_156 = arith.cmpi eq, %iota3A_27, %eq3A_155 : vector<512x32xi32>
    %broadcast_in_dim3A_157 = vector.shape_cast %bitcast_convert_type3A_153 : vector<512x1xf32> to vector<512x1xf32>
    %broadcast_in_dim3A_158 = vector.broadcast %broadcast_in_dim3A_157 : vector<512x1xf32> to vector<512x32xf32>
    %select_n3A_159 = arith.select %eq3A_156, %broadcast_in_dim3A_158, %select_n3A_132 : vector<512x32xi1>, vector<512x32xf32>
    %eq3A_160 = arith.constant 4 : i32
    %eq3A_161 = vector.broadcast %eq3A_160 : i32 to vector<512x32xi32>
    %eq3A_162 = arith.cmpi eq, %iota3A_27, %eq3A_161 : vector<512x32xi32>
    %broadcast_in_dim3A_163 = vector.shape_cast %and3A_149 : vector<512x1xi32> to vector<512x1xi32>
    %broadcast_in_dim3A_164 = vector.broadcast %broadcast_in_dim3A_163 : vector<512x1xi32> to vector<512x32xi32>
    %select_n3A_165 = arith.select %eq3A_162, %broadcast_in_dim3A_164, %select_n3A_138 : vector<512x32xi1>, vector<512x32xi32>
    %gt3A_166 = vector.broadcast %broadcast_in_dim3A_146 : vector<512x1xi32> to vector<512x2048xi32>
    %gt3A_167 = arith.cmpi sgt, %or3A, %gt3A_166 : vector<512x2048xi32>
    %jit3A_168 = arith.constant 2147483647 : i32
    %broadcast_in_dim3A_169 = vector.broadcast %jit3A_168 : i32 to vector<512x2048xi32>
    %select_n3A_170 = arith.select %gt3A_167, %or3A, %broadcast_in_dim3A_169 : vector<512x2048xi1>, vector<512x2048xi32>
    %reduce_min3A_171 = arith.constant dense<2147483647> : vector<512xi32>
    %reduce_min3A_172 = vector.multi_reduction <minsi>, %select_n3A_170, %reduce_min3A_171 [1] : vector<512x2048xi32> to vector<512xi32>
    %broadcast_in_dim3A_173 = vector.shape_cast %reduce_min3A_172 : vector<512xi32> to vector<512x1xi32>
    %and3A_174 = arith.constant 2047 : i32
    %and3A_175 = vector.broadcast %and3A_174 : i32 to vector<512x1xi32>
    %and3A_176 = arith.andi %broadcast_in_dim3A_173, %and3A_175 : vector<512x1xi32>
    %and3A_177 = arith.constant -2048 : i32
    %and3A_178 = vector.broadcast %and3A_177 : i32 to vector<512x1xi32>
    %and3A_179 = arith.andi %broadcast_in_dim3A_173, %and3A_178 : vector<512x1xi32>
    %bitcast_convert_type3A_180 = tpu.bitcast %and3A_179 : vector<512x1xi32> -> vector<512x1xf32>
    %eq3A_181 = arith.constant 5 : i32
    %eq3A_182 = vector.broadcast %eq3A_181 : i32 to vector<512x32xi32>
    %eq3A_183 = arith.cmpi eq, %iota3A_27, %eq3A_182 : vector<512x32xi32>
    %broadcast_in_dim3A_184 = vector.shape_cast %bitcast_convert_type3A_180 : vector<512x1xf32> to vector<512x1xf32>
    %broadcast_in_dim3A_185 = vector.broadcast %broadcast_in_dim3A_184 : vector<512x1xf32> to vector<512x32xf32>
    %select_n3A_186 = arith.select %eq3A_183, %broadcast_in_dim3A_185, %select_n3A_159 : vector<512x32xi1>, vector<512x32xf32>
    %eq3A_187 = arith.constant 5 : i32
    %eq3A_188 = vector.broadcast %eq3A_187 : i32 to vector<512x32xi32>
    %eq3A_189 = arith.cmpi eq, %iota3A_27, %eq3A_188 : vector<512x32xi32>
    %broadcast_in_dim3A_190 = vector.shape_cast %and3A_176 : vector<512x1xi32> to vector<512x1xi32>
    %broadcast_in_dim3A_191 = vector.broadcast %broadcast_in_dim3A_190 : vector<512x1xi32> to vector<512x32xi32>
    %select_n3A_192 = arith.select %eq3A_189, %broadcast_in_dim3A_191, %select_n3A_165 : vector<512x32xi1>, vector<512x32xi32>
    %gt3A_193 = vector.broadcast %broadcast_in_dim3A_173 : vector<512x1xi32> to vector<512x2048xi32>
    %gt3A_194 = arith.cmpi sgt, %or3A, %gt3A_193 : vector<512x2048xi32>
    %jit3A_195 = arith.constant 2147483647 : i32
    %broadcast_in_dim3A_196 = vector.broadcast %jit3A_195 : i32 to vector<512x2048xi32>
    %select_n3A_197 = arith.select %gt3A_194, %or3A, %broadcast_in_dim3A_196 : vector<512x2048xi1>, vector<512x2048xi32>
    %reduce_min3A_198 = arith.constant dense<2147483647> : vector<512xi32>
    %reduce_min3A_199 = vector.multi_reduction <minsi>, %select_n3A_197, %reduce_min3A_198 [1] : vector<512x2048xi32> to vector<512xi32>
    %broadcast_in_dim3A_200 = vector.shape_cast %reduce_min3A_199 : vector<512xi32> to vector<512x1xi32>
    %and3A_201 = arith.constant 2047 : i32
    %and3A_202 = vector.broadcast %and3A_201 : i32 to vector<512x1xi32>
    %and3A_203 = arith.andi %broadcast_in_dim3A_200, %and3A_202 : vector<512x1xi32>
    %and3A_204 = arith.constant -2048 : i32
    %and3A_205 = vector.broadcast %and3A_204 : i32 to vector<512x1xi32>
    %and3A_206 = arith.andi %broadcast_in_dim3A_200, %and3A_205 : vector<512x1xi32>
    %bitcast_convert_type3A_207 = tpu.bitcast %and3A_206 : vector<512x1xi32> -> vector<512x1xf32>
    %eq3A_208 = arith.constant 6 : i32
    %eq3A_209 = vector.broadcast %eq3A_208 : i32 to vector<512x32xi32>
    %eq3A_210 = arith.cmpi eq, %iota3A_27, %eq3A_209 : vector<512x32xi32>
    %broadcast_in_dim3A_211 = vector.shape_cast %bitcast_convert_type3A_207 : vector<512x1xf32> to vector<512x1xf32>
    %broadcast_in_dim3A_212 = vector.broadcast %broadcast_in_dim3A_211 : vector<512x1xf32> to vector<512x32xf32>
    %select_n3A_213 = arith.select %eq3A_210, %broadcast_in_dim3A_212, %select_n3A_186 : vector<512x32xi1>, vector<512x32xf32>
    %eq3A_214 = arith.constant 6 : i32
    %eq3A_215 = vector.broadcast %eq3A_214 : i32 to vector<512x32xi32>
    %eq3A_216 = arith.cmpi eq, %iota3A_27, %eq3A_215 : vector<512x32xi32>
    %broadcast_in_dim3A_217 = vector.shape_cast %and3A_203 : vector<512x1xi32> to vector<512x1xi32>
    %broadcast_in_dim3A_218 = vector.broadcast %broadcast_in_dim3A_217 : vector<512x1xi32> to vector<512x32xi32>
    %select_n3A_219 = arith.select %eq3A_216, %broadcast_in_dim3A_218, %select_n3A_192 : vector<512x32xi1>, vector<512x32xi32>
    %gt3A_220 = vector.broadcast %broadcast_in_dim3A_200 : vector<512x1xi32> to vector<512x2048xi32>
    %gt3A_221 = arith.cmpi sgt, %or3A, %gt3A_220 : vector<512x2048xi32>
    %jit3A_222 = arith.constant 2147483647 : i32
    %broadcast_in_dim3A_223 = vector.broadcast %jit3A_222 : i32 to vector<512x2048xi32>
    %select_n3A_224 = arith.select %gt3A_221, %or3A, %broadcast_in_dim3A_223 : vector<512x2048xi1>, vector<512x2048xi32>
    %reduce_min3A_225 = arith.constant dense<2147483647> : vector<512xi32>
    %reduce_min3A_226 = vector.multi_reduction <minsi>, %select_n3A_224, %reduce_min3A_225 [1] : vector<512x2048xi32> to vector<512xi32>
    %broadcast_in_dim3A_227 = vector.shape_cast %reduce_min3A_226 : vector<512xi32> to vector<512x1xi32>
    %and3A_228 = arith.constant 2047 : i32
    %and3A_229 = vector.broadcast %and3A_228 : i32 to vector<512x1xi32>
    %and3A_230 = arith.andi %broadcast_in_dim3A_227, %and3A_229 : vector<512x1xi32>
    %and3A_231 = arith.constant -2048 : i32
    %and3A_232 = vector.broadcast %and3A_231 : i32 to vector<512x1xi32>
    %and3A_233 = arith.andi %broadcast_in_dim3A_227, %and3A_232 : vector<512x1xi32>
    %bitcast_convert_type3A_234 = tpu.bitcast %and3A_233 : vector<512x1xi32> -> vector<512x1xf32>
    %eq3A_235 = arith.constant 7 : i32
    %eq3A_236 = vector.broadcast %eq3A_235 : i32 to vector<512x32xi32>
    %eq3A_237 = arith.cmpi eq, %iota3A_27, %eq3A_236 : vector<512x32xi32>
    %broadcast_in_dim3A_238 = vector.shape_cast %bitcast_convert_type3A_234 : vector<512x1xf32> to vector<512x1xf32>
    %broadcast_in_dim3A_239 = vector.broadcast %broadcast_in_dim3A_238 : vector<512x1xf32> to vector<512x32xf32>
    %select_n3A_240 = arith.select %eq3A_237, %broadcast_in_dim3A_239, %select_n3A_213 : vector<512x32xi1>, vector<512x32xf32>
    %eq3A_241 = arith.constant 7 : i32
    %eq3A_242 = vector.broadcast %eq3A_241 : i32 to vector<512x32xi32>
    %eq3A_243 = arith.cmpi eq, %iota3A_27, %eq3A_242 : vector<512x32xi32>
    %broadcast_in_dim3A_244 = vector.shape_cast %and3A_230 : vector<512x1xi32> to vector<512x1xi32>
    %broadcast_in_dim3A_245 = vector.broadcast %broadcast_in_dim3A_244 : vector<512x1xi32> to vector<512x32xi32>
    %select_n3A_246 = arith.select %eq3A_243, %broadcast_in_dim3A_245, %select_n3A_219 : vector<512x32xi1>, vector<512x32xi32>
    %gt3A_247 = vector.broadcast %broadcast_in_dim3A_227 : vector<512x1xi32> to vector<512x2048xi32>
    %gt3A_248 = arith.cmpi sgt, %or3A, %gt3A_247 : vector<512x2048xi32>
    %jit3A_249 = arith.constant 2147483647 : i32
    %broadcast_in_dim3A_250 = vector.broadcast %jit3A_249 : i32 to vector<512x2048xi32>
    %select_n3A_251 = arith.select %gt3A_248, %or3A, %broadcast_in_dim3A_250 : vector<512x2048xi1>, vector<512x2048xi32>
    %reduce_min3A_252 = arith.constant dense<2147483647> : vector<512xi32>
    %reduce_min3A_253 = vector.multi_reduction <minsi>, %select_n3A_251, %reduce_min3A_252 [1] : vector<512x2048xi32> to vector<512xi32>
    %broadcast_in_dim3A_254 = vector.shape_cast %reduce_min3A_253 : vector<512xi32> to vector<512x1xi32>
    %and3A_255 = arith.constant 2047 : i32
    %and3A_256 = vector.broadcast %and3A_255 : i32 to vector<512x1xi32>
    %and3A_257 = arith.andi %broadcast_in_dim3A_254, %and3A_256 : vector<512x1xi32>
    %and3A_258 = arith.constant -2048 : i32
    %and3A_259 = vector.broadcast %and3A_258 : i32 to vector<512x1xi32>
    %and3A_260 = arith.andi %broadcast_in_dim3A_254, %and3A_259 : vector<512x1xi32>
    %bitcast_convert_type3A_261 = tpu.bitcast %and3A_260 : vector<512x1xi32> -> vector<512x1xf32>
    %eq3A_262 = arith.constant 8 : i32
    %eq3A_263 = vector.broadcast %eq3A_262 : i32 to vector<512x32xi32>
    %eq3A_264 = arith.cmpi eq, %iota3A_27, %eq3A_263 : vector<512x32xi32>
    %broadcast_in_dim3A_265 = vector.shape_cast %bitcast_convert_type3A_261 : vector<512x1xf32> to vector<512x1xf32>
    %broadcast_in_dim3A_266 = vector.broadcast %broadcast_in_dim3A_265 : vector<512x1xf32> to vector<512x32xf32>
    %select_n3A_267 = arith.select %eq3A_264, %broadcast_in_dim3A_266, %select_n3A_240 : vector<512x32xi1>, vector<512x32xf32>
    %eq3A_268 = arith.constant 8 : i32
    %eq3A_269 = vector.broadcast %eq3A_268 : i32 to vector<512x32xi32>
    %eq3A_270 = arith.cmpi eq, %iota3A_27, %eq3A_269 : vector<512x32xi32>
    %broadcast_in_dim3A_271 = vector.shape_cast %and3A_257 : vector<512x1xi32> to vector<512x1xi32>
    %broadcast_in_dim3A_272 = vector.broadcast %broadcast_in_dim3A_271 : vector<512x1xi32> to vector<512x32xi32>
    %select_n3A_273 = arith.select %eq3A_270, %broadcast_in_dim3A_272, %select_n3A_246 : vector<512x32xi1>, vector<512x32xi32>
    %gt3A_274 = vector.broadcast %broadcast_in_dim3A_254 : vector<512x1xi32> to vector<512x2048xi32>
    %gt3A_275 = arith.cmpi sgt, %or3A, %gt3A_274 : vector<512x2048xi32>
    %jit3A_276 = arith.constant 2147483647 : i32
    %broadcast_in_dim3A_277 = vector.broadcast %jit3A_276 : i32 to vector<512x2048xi32>
    %select_n3A_278 = arith.select %gt3A_275, %or3A, %broadcast_in_dim3A_277 : vector<512x2048xi1>, vector<512x2048xi32>
    %reduce_min3A_279 = arith.constant dense<2147483647> : vector<512xi32>
    %reduce_min3A_280 = vector.multi_reduction <minsi>, %select_n3A_278, %reduce_min3A_279 [1] : vector<512x2048xi32> to vector<512xi32>
    %broadcast_in_dim3A_281 = vector.shape_cast %reduce_min3A_280 : vector<512xi32> to vector<512x1xi32>
    %and3A_282 = arith.constant 2047 : i32
    %and3A_283 = vector.broadcast %and3A_282 : i32 to vector<512x1xi32>
    %and3A_284 = arith.andi %broadcast_in_dim3A_281, %and3A_283 : vector<512x1xi32>
    %and3A_285 = arith.constant -2048 : i32
    %and3A_286 = vector.broadcast %and3A_285 : i32 to vector<512x1xi32>
    %and3A_287 = arith.andi %broadcast_in_dim3A_281, %and3A_286 : vector<512x1xi32>
    %bitcast_convert_type3A_288 = tpu.bitcast %and3A_287 : vector<512x1xi32> -> vector<512x1xf32>
    %eq3A_289 = arith.constant 9 : i32
    %eq3A_290 = vector.broadcast %eq3A_289 : i32 to vector<512x32xi32>
    %eq3A_291 = arith.cmpi eq, %iota3A_27, %eq3A_290 : vector<512x32xi32>
    %broadcast_in_dim3A_292 = vector.shape_cast %bitcast_convert_type3A_288 : vector<512x1xf32> to vector<512x1xf32>
    %broadcast_in_dim3A_293 = vector.broadcast %broadcast_in_dim3A_292 : vector<512x1xf32> to vector<512x32xf32>
    %select_n3A_294 = arith.select %eq3A_291, %broadcast_in_dim3A_293, %select_n3A_267 : vector<512x32xi1>, vector<512x32xf32>
    %eq3A_295 = arith.constant 9 : i32
    %eq3A_296 = vector.broadcast %eq3A_295 : i32 to vector<512x32xi32>
    %eq3A_297 = arith.cmpi eq, %iota3A_27, %eq3A_296 : vector<512x32xi32>
    %broadcast_in_dim3A_298 = vector.shape_cast %and3A_284 : vector<512x1xi32> to vector<512x1xi32>
    %broadcast_in_dim3A_299 = vector.broadcast %broadcast_in_dim3A_298 : vector<512x1xi32> to vector<512x32xi32>
    %select_n3A_300 = arith.select %eq3A_297, %broadcast_in_dim3A_299, %select_n3A_273 : vector<512x32xi1>, vector<512x32xi32>
    %gt3A_301 = vector.broadcast %broadcast_in_dim3A_281 : vector<512x1xi32> to vector<512x2048xi32>
    %gt3A_302 = arith.cmpi sgt, %or3A, %gt3A_301 : vector<512x2048xi32>
    %jit3A_303 = arith.constant 2147483647 : i32
    %broadcast_in_dim3A_304 = vector.broadcast %jit3A_303 : i32 to vector<512x2048xi32>
    %select_n3A_305 = arith.select %gt3A_302, %or3A, %broadcast_in_dim3A_304 : vector<512x2048xi1>, vector<512x2048xi32>
    %reduce_min3A_306 = arith.constant dense<2147483647> : vector<512xi32>
    %reduce_min3A_307 = vector.multi_reduction <minsi>, %select_n3A_305, %reduce_min3A_306 [1] : vector<512x2048xi32> to vector<512xi32>
    %broadcast_in_dim3A_308 = vector.shape_cast %reduce_min3A_307 : vector<512xi32> to vector<512x1xi32>
    %and3A_309 = arith.constant 2047 : i32
    %and3A_310 = vector.broadcast %and3A_309 : i32 to vector<512x1xi32>
    %and3A_311 = arith.andi %broadcast_in_dim3A_308, %and3A_310 : vector<512x1xi32>
    %and3A_312 = arith.constant -2048 : i32
    %and3A_313 = vector.broadcast %and3A_312 : i32 to vector<512x1xi32>
    %and3A_314 = arith.andi %broadcast_in_dim3A_308, %and3A_313 : vector<512x1xi32>
    %bitcast_convert_type3A_315 = tpu.bitcast %and3A_314 : vector<512x1xi32> -> vector<512x1xf32>
    %eq3A_316 = arith.constant 10 : i32
    %eq3A_317 = vector.broadcast %eq3A_316 : i32 to vector<512x32xi32>
    %eq3A_318 = arith.cmpi eq, %iota3A_27, %eq3A_317 : vector<512x32xi32>
    %broadcast_in_dim3A_319 = vector.shape_cast %bitcast_convert_type3A_315 : vector<512x1xf32> to vector<512x1xf32>
    %broadcast_in_dim3A_320 = vector.broadcast %broadcast_in_dim3A_319 : vector<512x1xf32> to vector<512x32xf32>
    %select_n3A_321 = arith.select %eq3A_318, %broadcast_in_dim3A_320, %select_n3A_294 : vector<512x32xi1>, vector<512x32xf32>
    %eq3A_322 = arith.constant 10 : i32
    %eq3A_323 = vector.broadcast %eq3A_322 : i32 to vector<512x32xi32>
    %eq3A_324 = arith.cmpi eq, %iota3A_27, %eq3A_323 : vector<512x32xi32>
    %broadcast_in_dim3A_325 = vector.shape_cast %and3A_311 : vector<512x1xi32> to vector<512x1xi32>
    %broadcast_in_dim3A_326 = vector.broadcast %broadcast_in_dim3A_325 : vector<512x1xi32> to vector<512x32xi32>
    %select_n3A_327 = arith.select %eq3A_324, %broadcast_in_dim3A_326, %select_n3A_300 : vector<512x32xi1>, vector<512x32xi32>
    %gt3A_328 = vector.broadcast %broadcast_in_dim3A_308 : vector<512x1xi32> to vector<512x2048xi32>
    %gt3A_329 = arith.cmpi sgt, %or3A, %gt3A_328 : vector<512x2048xi32>
    %jit3A_330 = arith.constant 2147483647 : i32
    %broadcast_in_dim3A_331 = vector.broadcast %jit3A_330 : i32 to vector<512x2048xi32>
    %select_n3A_332 = arith.select %gt3A_329, %or3A, %broadcast_in_dim3A_331 : vector<512x2048xi1>, vector<512x2048xi32>
    %reduce_min3A_333 = arith.constant dense<2147483647> : vector<512xi32>
    %reduce_min3A_334 = vector.multi_reduction <minsi>, %select_n3A_332, %reduce_min3A_333 [1] : vector<512x2048xi32> to vector<512xi32>
    %broadcast_in_dim3A_335 = vector.shape_cast %reduce_min3A_334 : vector<512xi32> to vector<512x1xi32>
    %and3A_336 = arith.constant 2047 : i32
    %and3A_337 = vector.broadcast %and3A_336 : i32 to vector<512x1xi32>
    %and3A_338 = arith.andi %broadcast_in_dim3A_335, %and3A_337 : vector<512x1xi32>
    %and3A_339 = arith.constant -2048 : i32
    %and3A_340 = vector.broadcast %and3A_339 : i32 to vector<512x1xi32>
    %and3A_341 = arith.andi %broadcast_in_dim3A_335, %and3A_340 : vector<512x1xi32>
    %bitcast_convert_type3A_342 = tpu.bitcast %and3A_341 : vector<512x1xi32> -> vector<512x1xf32>
    %eq3A_343 = arith.constant 11 : i32
    %eq3A_344 = vector.broadcast %eq3A_343 : i32 to vector<512x32xi32>
    %eq3A_345 = arith.cmpi eq, %iota3A_27, %eq3A_344 : vector<512x32xi32>
    %broadcast_in_dim3A_346 = vector.shape_cast %bitcast_convert_type3A_342 : vector<512x1xf32> to vector<512x1xf32>
    %broadcast_in_dim3A_347 = vector.broadcast %broadcast_in_dim3A_346 : vector<512x1xf32> to vector<512x32xf32>
    %select_n3A_348 = arith.select %eq3A_345, %broadcast_in_dim3A_347, %select_n3A_321 : vector<512x32xi1>, vector<512x32xf32>
    %eq3A_349 = arith.constant 11 : i32
    %eq3A_350 = vector.broadcast %eq3A_349 : i32 to vector<512x32xi32>
    %eq3A_351 = arith.cmpi eq, %iota3A_27, %eq3A_350 : vector<512x32xi32>
    %broadcast_in_dim3A_352 = vector.shape_cast %and3A_338 : vector<512x1xi32> to vector<512x1xi32>
    %broadcast_in_dim3A_353 = vector.broadcast %broadcast_in_dim3A_352 : vector<512x1xi32> to vector<512x32xi32>
    %select_n3A_354 = arith.select %eq3A_351, %broadcast_in_dim3A_353, %select_n3A_327 : vector<512x32xi1>, vector<512x32xi32>
    %gt3A_355 = vector.broadcast %broadcast_in_dim3A_335 : vector<512x1xi32> to vector<512x2048xi32>
    %gt3A_356 = arith.cmpi sgt, %or3A, %gt3A_355 : vector<512x2048xi32>
    %jit3A_357 = arith.constant 2147483647 : i32
    %broadcast_in_dim3A_358 = vector.broadcast %jit3A_357 : i32 to vector<512x2048xi32>
    %select_n3A_359 = arith.select %gt3A_356, %or3A, %broadcast_in_dim3A_358 : vector<512x2048xi1>, vector<512x2048xi32>
    %reduce_min3A_360 = arith.constant dense<2147483647> : vector<512xi32>
    %reduce_min3A_361 = vector.multi_reduction <minsi>, %select_n3A_359, %reduce_min3A_360 [1] : vector<512x2048xi32> to vector<512xi32>
    %broadcast_in_dim3A_362 = vector.shape_cast %reduce_min3A_361 : vector<512xi32> to vector<512x1xi32>
    %and3A_363 = arith.constant 2047 : i32
    %and3A_364 = vector.broadcast %and3A_363 : i32 to vector<512x1xi32>
    %and3A_365 = arith.andi %broadcast_in_dim3A_362, %and3A_364 : vector<512x1xi32>
    %and3A_366 = arith.constant -2048 : i32
    %and3A_367 = vector.broadcast %and3A_366 : i32 to vector<512x1xi32>
    %and3A_368 = arith.andi %broadcast_in_dim3A_362, %and3A_367 : vector<512x1xi32>
    %bitcast_convert_type3A_369 = tpu.bitcast %and3A_368 : vector<512x1xi32> -> vector<512x1xf32>
    %eq3A_370 = arith.constant 12 : i32
    %eq3A_371 = vector.broadcast %eq3A_370 : i32 to vector<512x32xi32>
    %eq3A_372 = arith.cmpi eq, %iota3A_27, %eq3A_371 : vector<512x32xi32>
    %broadcast_in_dim3A_373 = vector.shape_cast %bitcast_convert_type3A_369 : vector<512x1xf32> to vector<512x1xf32>
    %broadcast_in_dim3A_374 = vector.broadcast %broadcast_in_dim3A_373 : vector<512x1xf32> to vector<512x32xf32>
    %select_n3A_375 = arith.select %eq3A_372, %broadcast_in_dim3A_374, %select_n3A_348 : vector<512x32xi1>, vector<512x32xf32>
    %eq3A_376 = arith.constant 12 : i32
    %eq3A_377 = vector.broadcast %eq3A_376 : i32 to vector<512x32xi32>
    %eq3A_378 = arith.cmpi eq, %iota3A_27, %eq3A_377 : vector<512x32xi32>
    %broadcast_in_dim3A_379 = vector.shape_cast %and3A_365 : vector<512x1xi32> to vector<512x1xi32>
    %broadcast_in_dim3A_380 = vector.broadcast %broadcast_in_dim3A_379 : vector<512x1xi32> to vector<512x32xi32>
    %select_n3A_381 = arith.select %eq3A_378, %broadcast_in_dim3A_380, %select_n3A_354 : vector<512x32xi1>, vector<512x32xi32>
    %gt3A_382 = vector.broadcast %broadcast_in_dim3A_362 : vector<512x1xi32> to vector<512x2048xi32>
    %gt3A_383 = arith.cmpi sgt, %or3A, %gt3A_382 : vector<512x2048xi32>
    %jit3A_384 = arith.constant 2147483647 : i32
    %broadcast_in_dim3A_385 = vector.broadcast %jit3A_384 : i32 to vector<512x2048xi32>
    %select_n3A_386 = arith.select %gt3A_383, %or3A, %broadcast_in_dim3A_385 : vector<512x2048xi1>, vector<512x2048xi32>
    %reduce_min3A_387 = arith.constant dense<2147483647> : vector<512xi32>
    %reduce_min3A_388 = vector.multi_reduction <minsi>, %select_n3A_386, %reduce_min3A_387 [1] : vector<512x2048xi32> to vector<512xi32>
    %broadcast_in_dim3A_389 = vector.shape_cast %reduce_min3A_388 : vector<512xi32> to vector<512x1xi32>
    %and3A_390 = arith.constant 2047 : i32
    %and3A_391 = vector.broadcast %and3A_390 : i32 to vector<512x1xi32>
    %and3A_392 = arith.andi %broadcast_in_dim3A_389, %and3A_391 : vector<512x1xi32>
    %and3A_393 = arith.constant -2048 : i32
    %and3A_394 = vector.broadcast %and3A_393 : i32 to vector<512x1xi32>
    %and3A_395 = arith.andi %broadcast_in_dim3A_389, %and3A_394 : vector<512x1xi32>
    %bitcast_convert_type3A_396 = tpu.bitcast %and3A_395 : vector<512x1xi32> -> vector<512x1xf32>
    %eq3A_397 = arith.constant 13 : i32
    %eq3A_398 = vector.broadcast %eq3A_397 : i32 to vector<512x32xi32>
    %eq3A_399 = arith.cmpi eq, %iota3A_27, %eq3A_398 : vector<512x32xi32>
    %broadcast_in_dim3A_400 = vector.shape_cast %bitcast_convert_type3A_396 : vector<512x1xf32> to vector<512x1xf32>
    %broadcast_in_dim3A_401 = vector.broadcast %broadcast_in_dim3A_400 : vector<512x1xf32> to vector<512x32xf32>
    %select_n3A_402 = arith.select %eq3A_399, %broadcast_in_dim3A_401, %select_n3A_375 : vector<512x32xi1>, vector<512x32xf32>
    %eq3A_403 = arith.constant 13 : i32
    %eq3A_404 = vector.broadcast %eq3A_403 : i32 to vector<512x32xi32>
    %eq3A_405 = arith.cmpi eq, %iota3A_27, %eq3A_404 : vector<512x32xi32>
    %broadcast_in_dim3A_406 = vector.shape_cast %and3A_392 : vector<512x1xi32> to vector<512x1xi32>
    %broadcast_in_dim3A_407 = vector.broadcast %broadcast_in_dim3A_406 : vector<512x1xi32> to vector<512x32xi32>
    %select_n3A_408 = arith.select %eq3A_405, %broadcast_in_dim3A_407, %select_n3A_381 : vector<512x32xi1>, vector<512x32xi32>
    %gt3A_409 = vector.broadcast %broadcast_in_dim3A_389 : vector<512x1xi32> to vector<512x2048xi32>
    %gt3A_410 = arith.cmpi sgt, %or3A, %gt3A_409 : vector<512x2048xi32>
    %jit3A_411 = arith.constant 2147483647 : i32
    %broadcast_in_dim3A_412 = vector.broadcast %jit3A_411 : i32 to vector<512x2048xi32>
    %select_n3A_413 = arith.select %gt3A_410, %or3A, %broadcast_in_dim3A_412 : vector<512x2048xi1>, vector<512x2048xi32>
    %reduce_min3A_414 = arith.constant dense<2147483647> : vector<512xi32>
    %reduce_min3A_415 = vector.multi_reduction <minsi>, %select_n3A_413, %reduce_min3A_414 [1] : vector<512x2048xi32> to vector<512xi32>
    %broadcast_in_dim3A_416 = vector.shape_cast %reduce_min3A_415 : vector<512xi32> to vector<512x1xi32>
    %and3A_417 = arith.constant 2047 : i32
    %and3A_418 = vector.broadcast %and3A_417 : i32 to vector<512x1xi32>
    %and3A_419 = arith.andi %broadcast_in_dim3A_416, %and3A_418 : vector<512x1xi32>
    %and3A_420 = arith.constant -2048 : i32
    %and3A_421 = vector.broadcast %and3A_420 : i32 to vector<512x1xi32>
    %and3A_422 = arith.andi %broadcast_in_dim3A_416, %and3A_421 : vector<512x1xi32>
    %bitcast_convert_type3A_423 = tpu.bitcast %and3A_422 : vector<512x1xi32> -> vector<512x1xf32>
    %eq3A_424 = arith.constant 14 : i32
    %eq3A_425 = vector.broadcast %eq3A_424 : i32 to vector<512x32xi32>
    %eq3A_426 = arith.cmpi eq, %iota3A_27, %eq3A_425 : vector<512x32xi32>
    %broadcast_in_dim3A_427 = vector.shape_cast %bitcast_convert_type3A_423 : vector<512x1xf32> to vector<512x1xf32>
    %broadcast_in_dim3A_428 = vector.broadcast %broadcast_in_dim3A_427 : vector<512x1xf32> to vector<512x32xf32>
    %select_n3A_429 = arith.select %eq3A_426, %broadcast_in_dim3A_428, %select_n3A_402 : vector<512x32xi1>, vector<512x32xf32>
    %eq3A_430 = arith.constant 14 : i32
    %eq3A_431 = vector.broadcast %eq3A_430 : i32 to vector<512x32xi32>
    %eq3A_432 = arith.cmpi eq, %iota3A_27, %eq3A_431 : vector<512x32xi32>
    %broadcast_in_dim3A_433 = vector.shape_cast %and3A_419 : vector<512x1xi32> to vector<512x1xi32>
    %broadcast_in_dim3A_434 = vector.broadcast %broadcast_in_dim3A_433 : vector<512x1xi32> to vector<512x32xi32>
    %select_n3A_435 = arith.select %eq3A_432, %broadcast_in_dim3A_434, %select_n3A_408 : vector<512x32xi1>, vector<512x32xi32>
    %gt3A_436 = vector.broadcast %broadcast_in_dim3A_416 : vector<512x1xi32> to vector<512x2048xi32>
    %gt3A_437 = arith.cmpi sgt, %or3A, %gt3A_436 : vector<512x2048xi32>
    %jit3A_438 = arith.constant 2147483647 : i32
    %broadcast_in_dim3A_439 = vector.broadcast %jit3A_438 : i32 to vector<512x2048xi32>
    %select_n3A_440 = arith.select %gt3A_437, %or3A, %broadcast_in_dim3A_439 : vector<512x2048xi1>, vector<512x2048xi32>
    %reduce_min3A_441 = arith.constant dense<2147483647> : vector<512xi32>
    %reduce_min3A_442 = vector.multi_reduction <minsi>, %select_n3A_440, %reduce_min3A_441 [1] : vector<512x2048xi32> to vector<512xi32>
    %broadcast_in_dim3A_443 = vector.shape_cast %reduce_min3A_442 : vector<512xi32> to vector<512x1xi32>
    %and3A_444 = arith.constant 2047 : i32
    %and3A_445 = vector.broadcast %and3A_444 : i32 to vector<512x1xi32>
    %and3A_446 = arith.andi %broadcast_in_dim3A_443, %and3A_445 : vector<512x1xi32>
    %and3A_447 = arith.constant -2048 : i32
    %and3A_448 = vector.broadcast %and3A_447 : i32 to vector<512x1xi32>
    %and3A_449 = arith.andi %broadcast_in_dim3A_443, %and3A_448 : vector<512x1xi32>
    %bitcast_convert_type3A_450 = tpu.bitcast %and3A_449 : vector<512x1xi32> -> vector<512x1xf32>
    %eq3A_451 = arith.constant 15 : i32
    %eq3A_452 = vector.broadcast %eq3A_451 : i32 to vector<512x32xi32>
    %eq3A_453 = arith.cmpi eq, %iota3A_27, %eq3A_452 : vector<512x32xi32>
    %broadcast_in_dim3A_454 = vector.shape_cast %bitcast_convert_type3A_450 : vector<512x1xf32> to vector<512x1xf32>
    %broadcast_in_dim3A_455 = vector.broadcast %broadcast_in_dim3A_454 : vector<512x1xf32> to vector<512x32xf32>
    %select_n3A_456 = arith.select %eq3A_453, %broadcast_in_dim3A_455, %select_n3A_429 : vector<512x32xi1>, vector<512x32xf32>
    %eq3A_457 = arith.constant 15 : i32
    %eq3A_458 = vector.broadcast %eq3A_457 : i32 to vector<512x32xi32>
    %eq3A_459 = arith.cmpi eq, %iota3A_27, %eq3A_458 : vector<512x32xi32>
    %broadcast_in_dim3A_460 = vector.shape_cast %and3A_446 : vector<512x1xi32> to vector<512x1xi32>
    %broadcast_in_dim3A_461 = vector.broadcast %broadcast_in_dim3A_460 : vector<512x1xi32> to vector<512x32xi32>
    %select_n3A_462 = arith.select %eq3A_459, %broadcast_in_dim3A_461, %select_n3A_435 : vector<512x32xi1>, vector<512x32xi32>
    %gt3A_463 = vector.broadcast %broadcast_in_dim3A_443 : vector<512x1xi32> to vector<512x2048xi32>
    %gt3A_464 = arith.cmpi sgt, %or3A, %gt3A_463 : vector<512x2048xi32>
    %jit3A_465 = arith.constant 2147483647 : i32
    %broadcast_in_dim3A_466 = vector.broadcast %jit3A_465 : i32 to vector<512x2048xi32>
    %select_n3A_467 = arith.select %gt3A_464, %or3A, %broadcast_in_dim3A_466 : vector<512x2048xi1>, vector<512x2048xi32>
    %reduce_min3A_468 = arith.constant dense<2147483647> : vector<512xi32>
    %reduce_min3A_469 = vector.multi_reduction <minsi>, %select_n3A_467, %reduce_min3A_468 [1] : vector<512x2048xi32> to vector<512xi32>
    %broadcast_in_dim3A_470 = vector.shape_cast %reduce_min3A_469 : vector<512xi32> to vector<512x1xi32>
    %and3A_471 = arith.constant 2047 : i32
    %and3A_472 = vector.broadcast %and3A_471 : i32 to vector<512x1xi32>
    %and3A_473 = arith.andi %broadcast_in_dim3A_470, %and3A_472 : vector<512x1xi32>
    %and3A_474 = arith.constant -2048 : i32
    %and3A_475 = vector.broadcast %and3A_474 : i32 to vector<512x1xi32>
    %and3A_476 = arith.andi %broadcast_in_dim3A_470, %and3A_475 : vector<512x1xi32>
    %bitcast_convert_type3A_477 = tpu.bitcast %and3A_476 : vector<512x1xi32> -> vector<512x1xf32>
    %eq3A_478 = arith.constant 16 : i32
    %eq3A_479 = vector.broadcast %eq3A_478 : i32 to vector<512x32xi32>
    %eq3A_480 = arith.cmpi eq, %iota3A_27, %eq3A_479 : vector<512x32xi32>
    %broadcast_in_dim3A_481 = vector.shape_cast %bitcast_convert_type3A_477 : vector<512x1xf32> to vector<512x1xf32>
    %broadcast_in_dim3A_482 = vector.broadcast %broadcast_in_dim3A_481 : vector<512x1xf32> to vector<512x32xf32>
    %select_n3A_483 = arith.select %eq3A_480, %broadcast_in_dim3A_482, %select_n3A_456 : vector<512x32xi1>, vector<512x32xf32>
    %eq3A_484 = arith.constant 16 : i32
    %eq3A_485 = vector.broadcast %eq3A_484 : i32 to vector<512x32xi32>
    %eq3A_486 = arith.cmpi eq, %iota3A_27, %eq3A_485 : vector<512x32xi32>
    %broadcast_in_dim3A_487 = vector.shape_cast %and3A_473 : vector<512x1xi32> to vector<512x1xi32>
    %broadcast_in_dim3A_488 = vector.broadcast %broadcast_in_dim3A_487 : vector<512x1xi32> to vector<512x32xi32>
    %select_n3A_489 = arith.select %eq3A_486, %broadcast_in_dim3A_488, %select_n3A_462 : vector<512x32xi1>, vector<512x32xi32>
    %gt3A_490 = vector.broadcast %broadcast_in_dim3A_470 : vector<512x1xi32> to vector<512x2048xi32>
    %gt3A_491 = arith.cmpi sgt, %or3A, %gt3A_490 : vector<512x2048xi32>
    %jit3A_492 = arith.constant 2147483647 : i32
    %broadcast_in_dim3A_493 = vector.broadcast %jit3A_492 : i32 to vector<512x2048xi32>
    %select_n3A_494 = arith.select %gt3A_491, %or3A, %broadcast_in_dim3A_493 : vector<512x2048xi1>, vector<512x2048xi32>
    %reduce_min3A_495 = arith.constant dense<2147483647> : vector<512xi32>
    %reduce_min3A_496 = vector.multi_reduction <minsi>, %select_n3A_494, %reduce_min3A_495 [1] : vector<512x2048xi32> to vector<512xi32>
    %broadcast_in_dim3A_497 = vector.shape_cast %reduce_min3A_496 : vector<512xi32> to vector<512x1xi32>
    %and3A_498 = arith.constant 2047 : i32
    %and3A_499 = vector.broadcast %and3A_498 : i32 to vector<512x1xi32>
    %and3A_500 = arith.andi %broadcast_in_dim3A_497, %and3A_499 : vector<512x1xi32>
    %and3A_501 = arith.constant -2048 : i32
    %and3A_502 = vector.broadcast %and3A_501 : i32 to vector<512x1xi32>
    %and3A_503 = arith.andi %broadcast_in_dim3A_497, %and3A_502 : vector<512x1xi32>
    %bitcast_convert_type3A_504 = tpu.bitcast %and3A_503 : vector<512x1xi32> -> vector<512x1xf32>
    %eq3A_505 = arith.constant 17 : i32
    %eq3A_506 = vector.broadcast %eq3A_505 : i32 to vector<512x32xi32>
    %eq3A_507 = arith.cmpi eq, %iota3A_27, %eq3A_506 : vector<512x32xi32>
    %broadcast_in_dim3A_508 = vector.shape_cast %bitcast_convert_type3A_504 : vector<512x1xf32> to vector<512x1xf32>
    %broadcast_in_dim3A_509 = vector.broadcast %broadcast_in_dim3A_508 : vector<512x1xf32> to vector<512x32xf32>
    %select_n3A_510 = arith.select %eq3A_507, %broadcast_in_dim3A_509, %select_n3A_483 : vector<512x32xi1>, vector<512x32xf32>
    %eq3A_511 = arith.constant 17 : i32
    %eq3A_512 = vector.broadcast %eq3A_511 : i32 to vector<512x32xi32>
    %eq3A_513 = arith.cmpi eq, %iota3A_27, %eq3A_512 : vector<512x32xi32>
    %broadcast_in_dim3A_514 = vector.shape_cast %and3A_500 : vector<512x1xi32> to vector<512x1xi32>
    %broadcast_in_dim3A_515 = vector.broadcast %broadcast_in_dim3A_514 : vector<512x1xi32> to vector<512x32xi32>
    %select_n3A_516 = arith.select %eq3A_513, %broadcast_in_dim3A_515, %select_n3A_489 : vector<512x32xi1>, vector<512x32xi32>
    %gt3A_517 = vector.broadcast %broadcast_in_dim3A_497 : vector<512x1xi32> to vector<512x2048xi32>
    %gt3A_518 = arith.cmpi sgt, %or3A, %gt3A_517 : vector<512x2048xi32>
    %jit3A_519 = arith.constant 2147483647 : i32
    %broadcast_in_dim3A_520 = vector.broadcast %jit3A_519 : i32 to vector<512x2048xi32>
    %select_n3A_521 = arith.select %gt3A_518, %or3A, %broadcast_in_dim3A_520 : vector<512x2048xi1>, vector<512x2048xi32>
    %reduce_min3A_522 = arith.constant dense<2147483647> : vector<512xi32>
    %reduce_min3A_523 = vector.multi_reduction <minsi>, %select_n3A_521, %reduce_min3A_522 [1] : vector<512x2048xi32> to vector<512xi32>
    %broadcast_in_dim3A_524 = vector.shape_cast %reduce_min3A_523 : vector<512xi32> to vector<512x1xi32>
    %and3A_525 = arith.constant 2047 : i32
    %and3A_526 = vector.broadcast %and3A_525 : i32 to vector<512x1xi32>
    %and3A_527 = arith.andi %broadcast_in_dim3A_524, %and3A_526 : vector<512x1xi32>
    %and3A_528 = arith.constant -2048 : i32
    %and3A_529 = vector.broadcast %and3A_528 : i32 to vector<512x1xi32>
    %and3A_530 = arith.andi %broadcast_in_dim3A_524, %and3A_529 : vector<512x1xi32>
    %bitcast_convert_type3A_531 = tpu.bitcast %and3A_530 : vector<512x1xi32> -> vector<512x1xf32>
    %eq3A_532 = arith.constant 18 : i32
    %eq3A_533 = vector.broadcast %eq3A_532 : i32 to vector<512x32xi32>
    %eq3A_534 = arith.cmpi eq, %iota3A_27, %eq3A_533 : vector<512x32xi32>
    %broadcast_in_dim3A_535 = vector.shape_cast %bitcast_convert_type3A_531 : vector<512x1xf32> to vector<512x1xf32>
    %broadcast_in_dim3A_536 = vector.broadcast %broadcast_in_dim3A_535 : vector<512x1xf32> to vector<512x32xf32>
    %select_n3A_537 = arith.select %eq3A_534, %broadcast_in_dim3A_536, %select_n3A_510 : vector<512x32xi1>, vector<512x32xf32>
    %eq3A_538 = arith.constant 18 : i32
    %eq3A_539 = vector.broadcast %eq3A_538 : i32 to vector<512x32xi32>
    %eq3A_540 = arith.cmpi eq, %iota3A_27, %eq3A_539 : vector<512x32xi32>
    %broadcast_in_dim3A_541 = vector.shape_cast %and3A_527 : vector<512x1xi32> to vector<512x1xi32>
    %broadcast_in_dim3A_542 = vector.broadcast %broadcast_in_dim3A_541 : vector<512x1xi32> to vector<512x32xi32>
    %select_n3A_543 = arith.select %eq3A_540, %broadcast_in_dim3A_542, %select_n3A_516 : vector<512x32xi1>, vector<512x32xi32>
    %gt3A_544 = vector.broadcast %broadcast_in_dim3A_524 : vector<512x1xi32> to vector<512x2048xi32>
    %gt3A_545 = arith.cmpi sgt, %or3A, %gt3A_544 : vector<512x2048xi32>
    %jit3A_546 = arith.constant 2147483647 : i32
    %broadcast_in_dim3A_547 = vector.broadcast %jit3A_546 : i32 to vector<512x2048xi32>
    %select_n3A_548 = arith.select %gt3A_545, %or3A, %broadcast_in_dim3A_547 : vector<512x2048xi1>, vector<512x2048xi32>
    %reduce_min3A_549 = arith.constant dense<2147483647> : vector<512xi32>
    %reduce_min3A_550 = vector.multi_reduction <minsi>, %select_n3A_548, %reduce_min3A_549 [1] : vector<512x2048xi32> to vector<512xi32>
    %broadcast_in_dim3A_551 = vector.shape_cast %reduce_min3A_550 : vector<512xi32> to vector<512x1xi32>
    %and3A_552 = arith.constant 2047 : i32
    %and3A_553 = vector.broadcast %and3A_552 : i32 to vector<512x1xi32>
    %and3A_554 = arith.andi %broadcast_in_dim3A_551, %and3A_553 : vector<512x1xi32>
    %and3A_555 = arith.constant -2048 : i32
    %and3A_556 = vector.broadcast %and3A_555 : i32 to vector<512x1xi32>
    %and3A_557 = arith.andi %broadcast_in_dim3A_551, %and3A_556 : vector<512x1xi32>
    %bitcast_convert_type3A_558 = tpu.bitcast %and3A_557 : vector<512x1xi32> -> vector<512x1xf32>
    %eq3A_559 = arith.constant 19 : i32
    %eq3A_560 = vector.broadcast %eq3A_559 : i32 to vector<512x32xi32>
    %eq3A_561 = arith.cmpi eq, %iota3A_27, %eq3A_560 : vector<512x32xi32>
    %broadcast_in_dim3A_562 = vector.shape_cast %bitcast_convert_type3A_558 : vector<512x1xf32> to vector<512x1xf32>
    %broadcast_in_dim3A_563 = vector.broadcast %broadcast_in_dim3A_562 : vector<512x1xf32> to vector<512x32xf32>
    %select_n3A_564 = arith.select %eq3A_561, %broadcast_in_dim3A_563, %select_n3A_537 : vector<512x32xi1>, vector<512x32xf32>
    %eq3A_565 = arith.constant 19 : i32
    %eq3A_566 = vector.broadcast %eq3A_565 : i32 to vector<512x32xi32>
    %eq3A_567 = arith.cmpi eq, %iota3A_27, %eq3A_566 : vector<512x32xi32>
    %broadcast_in_dim3A_568 = vector.shape_cast %and3A_554 : vector<512x1xi32> to vector<512x1xi32>
    %broadcast_in_dim3A_569 = vector.broadcast %broadcast_in_dim3A_568 : vector<512x1xi32> to vector<512x32xi32>
    %select_n3A_570 = arith.select %eq3A_567, %broadcast_in_dim3A_569, %select_n3A_543 : vector<512x32xi1>, vector<512x32xi32>
    %gt3A_571 = vector.broadcast %broadcast_in_dim3A_551 : vector<512x1xi32> to vector<512x2048xi32>
    %gt3A_572 = arith.cmpi sgt, %or3A, %gt3A_571 : vector<512x2048xi32>
    %jit3A_573 = arith.constant 2147483647 : i32
    %broadcast_in_dim3A_574 = vector.broadcast %jit3A_573 : i32 to vector<512x2048xi32>
    %select_n3A_575 = arith.select %gt3A_572, %or3A, %broadcast_in_dim3A_574 : vector<512x2048xi1>, vector<512x2048xi32>
    %reduce_min3A_576 = arith.constant dense<2147483647> : vector<512xi32>
    %reduce_min3A_577 = vector.multi_reduction <minsi>, %select_n3A_575, %reduce_min3A_576 [1] : vector<512x2048xi32> to vector<512xi32>
    %broadcast_in_dim3A_578 = vector.shape_cast %reduce_min3A_577 : vector<512xi32> to vector<512x1xi32>
    %and3A_579 = arith.constant 2047 : i32
    %and3A_580 = vector.broadcast %and3A_579 : i32 to vector<512x1xi32>
    %and3A_581 = arith.andi %broadcast_in_dim3A_578, %and3A_580 : vector<512x1xi32>
    %and3A_582 = arith.constant -2048 : i32
    %and3A_583 = vector.broadcast %and3A_582 : i32 to vector<512x1xi32>
    %and3A_584 = arith.andi %broadcast_in_dim3A_578, %and3A_583 : vector<512x1xi32>
    %bitcast_convert_type3A_585 = tpu.bitcast %and3A_584 : vector<512x1xi32> -> vector<512x1xf32>
    %eq3A_586 = arith.constant 20 : i32
    %eq3A_587 = vector.broadcast %eq3A_586 : i32 to vector<512x32xi32>
    %eq3A_588 = arith.cmpi eq, %iota3A_27, %eq3A_587 : vector<512x32xi32>
    %broadcast_in_dim3A_589 = vector.shape_cast %bitcast_convert_type3A_585 : vector<512x1xf32> to vector<512x1xf32>
    %broadcast_in_dim3A_590 = vector.broadcast %broadcast_in_dim3A_589 : vector<512x1xf32> to vector<512x32xf32>
    %select_n3A_591 = arith.select %eq3A_588, %broadcast_in_dim3A_590, %select_n3A_564 : vector<512x32xi1>, vector<512x32xf32>
    %eq3A_592 = arith.constant 20 : i32
    %eq3A_593 = vector.broadcast %eq3A_592 : i32 to vector<512x32xi32>
    %eq3A_594 = arith.cmpi eq, %iota3A_27, %eq3A_593 : vector<512x32xi32>
    %broadcast_in_dim3A_595 = vector.shape_cast %and3A_581 : vector<512x1xi32> to vector<512x1xi32>
    %broadcast_in_dim3A_596 = vector.broadcast %broadcast_in_dim3A_595 : vector<512x1xi32> to vector<512x32xi32>
    %select_n3A_597 = arith.select %eq3A_594, %broadcast_in_dim3A_596, %select_n3A_570 : vector<512x32xi1>, vector<512x32xi32>
    %gt3A_598 = vector.broadcast %broadcast_in_dim3A_578 : vector<512x1xi32> to vector<512x2048xi32>
    %gt3A_599 = arith.cmpi sgt, %or3A, %gt3A_598 : vector<512x2048xi32>
    %jit3A_600 = arith.constant 2147483647 : i32
    %broadcast_in_dim3A_601 = vector.broadcast %jit3A_600 : i32 to vector<512x2048xi32>
    %select_n3A_602 = arith.select %gt3A_599, %or3A, %broadcast_in_dim3A_601 : vector<512x2048xi1>, vector<512x2048xi32>
    %reduce_min3A_603 = arith.constant dense<2147483647> : vector<512xi32>
    %reduce_min3A_604 = vector.multi_reduction <minsi>, %select_n3A_602, %reduce_min3A_603 [1] : vector<512x2048xi32> to vector<512xi32>
    %broadcast_in_dim3A_605 = vector.shape_cast %reduce_min3A_604 : vector<512xi32> to vector<512x1xi32>
    %and3A_606 = arith.constant 2047 : i32
    %and3A_607 = vector.broadcast %and3A_606 : i32 to vector<512x1xi32>
    %and3A_608 = arith.andi %broadcast_in_dim3A_605, %and3A_607 : vector<512x1xi32>
    %and3A_609 = arith.constant -2048 : i32
    %and3A_610 = vector.broadcast %and3A_609 : i32 to vector<512x1xi32>
    %and3A_611 = arith.andi %broadcast_in_dim3A_605, %and3A_610 : vector<512x1xi32>
    %bitcast_convert_type3A_612 = tpu.bitcast %and3A_611 : vector<512x1xi32> -> vector<512x1xf32>
    %eq3A_613 = arith.constant 21 : i32
    %eq3A_614 = vector.broadcast %eq3A_613 : i32 to vector<512x32xi32>
    %eq3A_615 = arith.cmpi eq, %iota3A_27, %eq3A_614 : vector<512x32xi32>
    %broadcast_in_dim3A_616 = vector.shape_cast %bitcast_convert_type3A_612 : vector<512x1xf32> to vector<512x1xf32>
    %broadcast_in_dim3A_617 = vector.broadcast %broadcast_in_dim3A_616 : vector<512x1xf32> to vector<512x32xf32>
    %select_n3A_618 = arith.select %eq3A_615, %broadcast_in_dim3A_617, %select_n3A_591 : vector<512x32xi1>, vector<512x32xf32>
    %eq3A_619 = arith.constant 21 : i32
    %eq3A_620 = vector.broadcast %eq3A_619 : i32 to vector<512x32xi32>
    %eq3A_621 = arith.cmpi eq, %iota3A_27, %eq3A_620 : vector<512x32xi32>
    %broadcast_in_dim3A_622 = vector.shape_cast %and3A_608 : vector<512x1xi32> to vector<512x1xi32>
    %broadcast_in_dim3A_623 = vector.broadcast %broadcast_in_dim3A_622 : vector<512x1xi32> to vector<512x32xi32>
    %select_n3A_624 = arith.select %eq3A_621, %broadcast_in_dim3A_623, %select_n3A_597 : vector<512x32xi1>, vector<512x32xi32>
    %gt3A_625 = vector.broadcast %broadcast_in_dim3A_605 : vector<512x1xi32> to vector<512x2048xi32>
    %gt3A_626 = arith.cmpi sgt, %or3A, %gt3A_625 : vector<512x2048xi32>
    %jit3A_627 = arith.constant 2147483647 : i32
    %broadcast_in_dim3A_628 = vector.broadcast %jit3A_627 : i32 to vector<512x2048xi32>
    %select_n3A_629 = arith.select %gt3A_626, %or3A, %broadcast_in_dim3A_628 : vector<512x2048xi1>, vector<512x2048xi32>
    %reduce_min3A_630 = arith.constant dense<2147483647> : vector<512xi32>
    %reduce_min3A_631 = vector.multi_reduction <minsi>, %select_n3A_629, %reduce_min3A_630 [1] : vector<512x2048xi32> to vector<512xi32>
    %broadcast_in_dim3A_632 = vector.shape_cast %reduce_min3A_631 : vector<512xi32> to vector<512x1xi32>
    %and3A_633 = arith.constant 2047 : i32
    %and3A_634 = vector.broadcast %and3A_633 : i32 to vector<512x1xi32>
    %and3A_635 = arith.andi %broadcast_in_dim3A_632, %and3A_634 : vector<512x1xi32>
    %and3A_636 = arith.constant -2048 : i32
    %and3A_637 = vector.broadcast %and3A_636 : i32 to vector<512x1xi32>
    %and3A_638 = arith.andi %broadcast_in_dim3A_632, %and3A_637 : vector<512x1xi32>
    %bitcast_convert_type3A_639 = tpu.bitcast %and3A_638 : vector<512x1xi32> -> vector<512x1xf32>
    %eq3A_640 = arith.constant 22 : i32
    %eq3A_641 = vector.broadcast %eq3A_640 : i32 to vector<512x32xi32>
    %eq3A_642 = arith.cmpi eq, %iota3A_27, %eq3A_641 : vector<512x32xi32>
    %broadcast_in_dim3A_643 = vector.shape_cast %bitcast_convert_type3A_639 : vector<512x1xf32> to vector<512x1xf32>
    %broadcast_in_dim3A_644 = vector.broadcast %broadcast_in_dim3A_643 : vector<512x1xf32> to vector<512x32xf32>
    %select_n3A_645 = arith.select %eq3A_642, %broadcast_in_dim3A_644, %select_n3A_618 : vector<512x32xi1>, vector<512x32xf32>
    %eq3A_646 = arith.constant 22 : i32
    %eq3A_647 = vector.broadcast %eq3A_646 : i32 to vector<512x32xi32>
    %eq3A_648 = arith.cmpi eq, %iota3A_27, %eq3A_647 : vector<512x32xi32>
    %broadcast_in_dim3A_649 = vector.shape_cast %and3A_635 : vector<512x1xi32> to vector<512x1xi32>
    %broadcast_in_dim3A_650 = vector.broadcast %broadcast_in_dim3A_649 : vector<512x1xi32> to vector<512x32xi32>
    %select_n3A_651 = arith.select %eq3A_648, %broadcast_in_dim3A_650, %select_n3A_624 : vector<512x32xi1>, vector<512x32xi32>
    %gt3A_652 = vector.broadcast %broadcast_in_dim3A_632 : vector<512x1xi32> to vector<512x2048xi32>
    %gt3A_653 = arith.cmpi sgt, %or3A, %gt3A_652 : vector<512x2048xi32>
    %jit3A_654 = arith.constant 2147483647 : i32
    %broadcast_in_dim3A_655 = vector.broadcast %jit3A_654 : i32 to vector<512x2048xi32>
    %select_n3A_656 = arith.select %gt3A_653, %or3A, %broadcast_in_dim3A_655 : vector<512x2048xi1>, vector<512x2048xi32>
    %reduce_min3A_657 = arith.constant dense<2147483647> : vector<512xi32>
    %reduce_min3A_658 = vector.multi_reduction <minsi>, %select_n3A_656, %reduce_min3A_657 [1] : vector<512x2048xi32> to vector<512xi32>
    %broadcast_in_dim3A_659 = vector.shape_cast %reduce_min3A_658 : vector<512xi32> to vector<512x1xi32>
    %and3A_660 = arith.constant 2047 : i32
    %and3A_661 = vector.broadcast %and3A_660 : i32 to vector<512x1xi32>
    %and3A_662 = arith.andi %broadcast_in_dim3A_659, %and3A_661 : vector<512x1xi32>
    %and3A_663 = arith.constant -2048 : i32
    %and3A_664 = vector.broadcast %and3A_663 : i32 to vector<512x1xi32>
    %and3A_665 = arith.andi %broadcast_in_dim3A_659, %and3A_664 : vector<512x1xi32>
    %bitcast_convert_type3A_666 = tpu.bitcast %and3A_665 : vector<512x1xi32> -> vector<512x1xf32>
    %eq3A_667 = arith.constant 23 : i32
    %eq3A_668 = vector.broadcast %eq3A_667 : i32 to vector<512x32xi32>
    %eq3A_669 = arith.cmpi eq, %iota3A_27, %eq3A_668 : vector<512x32xi32>
    %broadcast_in_dim3A_670 = vector.shape_cast %bitcast_convert_type3A_666 : vector<512x1xf32> to vector<512x1xf32>
    %broadcast_in_dim3A_671 = vector.broadcast %broadcast_in_dim3A_670 : vector<512x1xf32> to vector<512x32xf32>
    %select_n3A_672 = arith.select %eq3A_669, %broadcast_in_dim3A_671, %select_n3A_645 : vector<512x32xi1>, vector<512x32xf32>
    %eq3A_673 = arith.constant 23 : i32
    %eq3A_674 = vector.broadcast %eq3A_673 : i32 to vector<512x32xi32>
    %eq3A_675 = arith.cmpi eq, %iota3A_27, %eq3A_674 : vector<512x32xi32>
    %broadcast_in_dim3A_676 = vector.shape_cast %and3A_662 : vector<512x1xi32> to vector<512x1xi32>
    %broadcast_in_dim3A_677 = vector.broadcast %broadcast_in_dim3A_676 : vector<512x1xi32> to vector<512x32xi32>
    %select_n3A_678 = arith.select %eq3A_675, %broadcast_in_dim3A_677, %select_n3A_651 : vector<512x32xi1>, vector<512x32xi32>
    %gt3A_679 = vector.broadcast %broadcast_in_dim3A_659 : vector<512x1xi32> to vector<512x2048xi32>
    %gt3A_680 = arith.cmpi sgt, %or3A, %gt3A_679 : vector<512x2048xi32>
    %jit3A_681 = arith.constant 2147483647 : i32
    %broadcast_in_dim3A_682 = vector.broadcast %jit3A_681 : i32 to vector<512x2048xi32>
    %select_n3A_683 = arith.select %gt3A_680, %or3A, %broadcast_in_dim3A_682 : vector<512x2048xi1>, vector<512x2048xi32>
    %reduce_min3A_684 = arith.constant dense<2147483647> : vector<512xi32>
    %reduce_min3A_685 = vector.multi_reduction <minsi>, %select_n3A_683, %reduce_min3A_684 [1] : vector<512x2048xi32> to vector<512xi32>
    %broadcast_in_dim3A_686 = vector.shape_cast %reduce_min3A_685 : vector<512xi32> to vector<512x1xi32>
    %and3A_687 = arith.constant 2047 : i32
    %and3A_688 = vector.broadcast %and3A_687 : i32 to vector<512x1xi32>
    %and3A_689 = arith.andi %broadcast_in_dim3A_686, %and3A_688 : vector<512x1xi32>
    %and3A_690 = arith.constant -2048 : i32
    %and3A_691 = vector.broadcast %and3A_690 : i32 to vector<512x1xi32>
    %and3A_692 = arith.andi %broadcast_in_dim3A_686, %and3A_691 : vector<512x1xi32>
    %bitcast_convert_type3A_693 = tpu.bitcast %and3A_692 : vector<512x1xi32> -> vector<512x1xf32>
    %eq3A_694 = arith.constant 24 : i32
    %eq3A_695 = vector.broadcast %eq3A_694 : i32 to vector<512x32xi32>
    %eq3A_696 = arith.cmpi eq, %iota3A_27, %eq3A_695 : vector<512x32xi32>
    %broadcast_in_dim3A_697 = vector.shape_cast %bitcast_convert_type3A_693 : vector<512x1xf32> to vector<512x1xf32>
    %broadcast_in_dim3A_698 = vector.broadcast %broadcast_in_dim3A_697 : vector<512x1xf32> to vector<512x32xf32>
    %select_n3A_699 = arith.select %eq3A_696, %broadcast_in_dim3A_698, %select_n3A_672 : vector<512x32xi1>, vector<512x32xf32>
    %eq3A_700 = arith.constant 24 : i32
    %eq3A_701 = vector.broadcast %eq3A_700 : i32 to vector<512x32xi32>
    %eq3A_702 = arith.cmpi eq, %iota3A_27, %eq3A_701 : vector<512x32xi32>
    %broadcast_in_dim3A_703 = vector.shape_cast %and3A_689 : vector<512x1xi32> to vector<512x1xi32>
    %broadcast_in_dim3A_704 = vector.broadcast %broadcast_in_dim3A_703 : vector<512x1xi32> to vector<512x32xi32>
    %select_n3A_705 = arith.select %eq3A_702, %broadcast_in_dim3A_704, %select_n3A_678 : vector<512x32xi1>, vector<512x32xi32>
    %gt3A_706 = vector.broadcast %broadcast_in_dim3A_686 : vector<512x1xi32> to vector<512x2048xi32>
    %gt3A_707 = arith.cmpi sgt, %or3A, %gt3A_706 : vector<512x2048xi32>
    %jit3A_708 = arith.constant 2147483647 : i32
    %broadcast_in_dim3A_709 = vector.broadcast %jit3A_708 : i32 to vector<512x2048xi32>
    %select_n3A_710 = arith.select %gt3A_707, %or3A, %broadcast_in_dim3A_709 : vector<512x2048xi1>, vector<512x2048xi32>
    %reduce_min3A_711 = arith.constant dense<2147483647> : vector<512xi32>
    %reduce_min3A_712 = vector.multi_reduction <minsi>, %select_n3A_710, %reduce_min3A_711 [1] : vector<512x2048xi32> to vector<512xi32>
    %broadcast_in_dim3A_713 = vector.shape_cast %reduce_min3A_712 : vector<512xi32> to vector<512x1xi32>
    %and3A_714 = arith.constant 2047 : i32
    %and3A_715 = vector.broadcast %and3A_714 : i32 to vector<512x1xi32>
    %and3A_716 = arith.andi %broadcast_in_dim3A_713, %and3A_715 : vector<512x1xi32>
    %and3A_717 = arith.constant -2048 : i32
    %and3A_718 = vector.broadcast %and3A_717 : i32 to vector<512x1xi32>
    %and3A_719 = arith.andi %broadcast_in_dim3A_713, %and3A_718 : vector<512x1xi32>
    %bitcast_convert_type3A_720 = tpu.bitcast %and3A_719 : vector<512x1xi32> -> vector<512x1xf32>
    %eq3A_721 = arith.constant 25 : i32
    %eq3A_722 = vector.broadcast %eq3A_721 : i32 to vector<512x32xi32>
    %eq3A_723 = arith.cmpi eq, %iota3A_27, %eq3A_722 : vector<512x32xi32>
    %broadcast_in_dim3A_724 = vector.shape_cast %bitcast_convert_type3A_720 : vector<512x1xf32> to vector<512x1xf32>
    %broadcast_in_dim3A_725 = vector.broadcast %broadcast_in_dim3A_724 : vector<512x1xf32> to vector<512x32xf32>
    %select_n3A_726 = arith.select %eq3A_723, %broadcast_in_dim3A_725, %select_n3A_699 : vector<512x32xi1>, vector<512x32xf32>
    %eq3A_727 = arith.constant 25 : i32
    %eq3A_728 = vector.broadcast %eq3A_727 : i32 to vector<512x32xi32>
    %eq3A_729 = arith.cmpi eq, %iota3A_27, %eq3A_728 : vector<512x32xi32>
    %broadcast_in_dim3A_730 = vector.shape_cast %and3A_716 : vector<512x1xi32> to vector<512x1xi32>
    %broadcast_in_dim3A_731 = vector.broadcast %broadcast_in_dim3A_730 : vector<512x1xi32> to vector<512x32xi32>
    %select_n3A_732 = arith.select %eq3A_729, %broadcast_in_dim3A_731, %select_n3A_705 : vector<512x32xi1>, vector<512x32xi32>
    %gt3A_733 = vector.broadcast %broadcast_in_dim3A_713 : vector<512x1xi32> to vector<512x2048xi32>
    %gt3A_734 = arith.cmpi sgt, %or3A, %gt3A_733 : vector<512x2048xi32>
    %jit3A_735 = arith.constant 2147483647 : i32
    %broadcast_in_dim3A_736 = vector.broadcast %jit3A_735 : i32 to vector<512x2048xi32>
    %select_n3A_737 = arith.select %gt3A_734, %or3A, %broadcast_in_dim3A_736 : vector<512x2048xi1>, vector<512x2048xi32>
    %reduce_min3A_738 = arith.constant dense<2147483647> : vector<512xi32>
    %reduce_min3A_739 = vector.multi_reduction <minsi>, %select_n3A_737, %reduce_min3A_738 [1] : vector<512x2048xi32> to vector<512xi32>
    %broadcast_in_dim3A_740 = vector.shape_cast %reduce_min3A_739 : vector<512xi32> to vector<512x1xi32>
    %and3A_741 = arith.constant 2047 : i32
    %and3A_742 = vector.broadcast %and3A_741 : i32 to vector<512x1xi32>
    %and3A_743 = arith.andi %broadcast_in_dim3A_740, %and3A_742 : vector<512x1xi32>
    %and3A_744 = arith.constant -2048 : i32
    %and3A_745 = vector.broadcast %and3A_744 : i32 to vector<512x1xi32>
    %and3A_746 = arith.andi %broadcast_in_dim3A_740, %and3A_745 : vector<512x1xi32>
    %bitcast_convert_type3A_747 = tpu.bitcast %and3A_746 : vector<512x1xi32> -> vector<512x1xf32>
    %eq3A_748 = arith.constant 26 : i32
    %eq3A_749 = vector.broadcast %eq3A_748 : i32 to vector<512x32xi32>
    %eq3A_750 = arith.cmpi eq, %iota3A_27, %eq3A_749 : vector<512x32xi32>
    %broadcast_in_dim3A_751 = vector.shape_cast %bitcast_convert_type3A_747 : vector<512x1xf32> to vector<512x1xf32>
    %broadcast_in_dim3A_752 = vector.broadcast %broadcast_in_dim3A_751 : vector<512x1xf32> to vector<512x32xf32>
    %select_n3A_753 = arith.select %eq3A_750, %broadcast_in_dim3A_752, %select_n3A_726 : vector<512x32xi1>, vector<512x32xf32>
    %eq3A_754 = arith.constant 26 : i32
    %eq3A_755 = vector.broadcast %eq3A_754 : i32 to vector<512x32xi32>
    %eq3A_756 = arith.cmpi eq, %iota3A_27, %eq3A_755 : vector<512x32xi32>
    %broadcast_in_dim3A_757 = vector.shape_cast %and3A_743 : vector<512x1xi32> to vector<512x1xi32>
    %broadcast_in_dim3A_758 = vector.broadcast %broadcast_in_dim3A_757 : vector<512x1xi32> to vector<512x32xi32>
    %select_n3A_759 = arith.select %eq3A_756, %broadcast_in_dim3A_758, %select_n3A_732 : vector<512x32xi1>, vector<512x32xi32>
    %gt3A_760 = vector.broadcast %broadcast_in_dim3A_740 : vector<512x1xi32> to vector<512x2048xi32>
    %gt3A_761 = arith.cmpi sgt, %or3A, %gt3A_760 : vector<512x2048xi32>
    %jit3A_762 = arith.constant 2147483647 : i32
    %broadcast_in_dim3A_763 = vector.broadcast %jit3A_762 : i32 to vector<512x2048xi32>
    %select_n3A_764 = arith.select %gt3A_761, %or3A, %broadcast_in_dim3A_763 : vector<512x2048xi1>, vector<512x2048xi32>
    %reduce_min3A_765 = arith.constant dense<2147483647> : vector<512xi32>
    %reduce_min3A_766 = vector.multi_reduction <minsi>, %select_n3A_764, %reduce_min3A_765 [1] : vector<512x2048xi32> to vector<512xi32>
    %broadcast_in_dim3A_767 = vector.shape_cast %reduce_min3A_766 : vector<512xi32> to vector<512x1xi32>
    %and3A_768 = arith.constant 2047 : i32
    %and3A_769 = vector.broadcast %and3A_768 : i32 to vector<512x1xi32>
    %and3A_770 = arith.andi %broadcast_in_dim3A_767, %and3A_769 : vector<512x1xi32>
    %and3A_771 = arith.constant -2048 : i32
    %and3A_772 = vector.broadcast %and3A_771 : i32 to vector<512x1xi32>
    %and3A_773 = arith.andi %broadcast_in_dim3A_767, %and3A_772 : vector<512x1xi32>
    %bitcast_convert_type3A_774 = tpu.bitcast %and3A_773 : vector<512x1xi32> -> vector<512x1xf32>
    %eq3A_775 = arith.constant 27 : i32
    %eq3A_776 = vector.broadcast %eq3A_775 : i32 to vector<512x32xi32>
    %eq3A_777 = arith.cmpi eq, %iota3A_27, %eq3A_776 : vector<512x32xi32>
    %broadcast_in_dim3A_778 = vector.shape_cast %bitcast_convert_type3A_774 : vector<512x1xf32> to vector<512x1xf32>
    %broadcast_in_dim3A_779 = vector.broadcast %broadcast_in_dim3A_778 : vector<512x1xf32> to vector<512x32xf32>
    %select_n3A_780 = arith.select %eq3A_777, %broadcast_in_dim3A_779, %select_n3A_753 : vector<512x32xi1>, vector<512x32xf32>
    %eq3A_781 = arith.constant 27 : i32
    %eq3A_782 = vector.broadcast %eq3A_781 : i32 to vector<512x32xi32>
    %eq3A_783 = arith.cmpi eq, %iota3A_27, %eq3A_782 : vector<512x32xi32>
    %broadcast_in_dim3A_784 = vector.shape_cast %and3A_770 : vector<512x1xi32> to vector<512x1xi32>
    %broadcast_in_dim3A_785 = vector.broadcast %broadcast_in_dim3A_784 : vector<512x1xi32> to vector<512x32xi32>
    %select_n3A_786 = arith.select %eq3A_783, %broadcast_in_dim3A_785, %select_n3A_759 : vector<512x32xi1>, vector<512x32xi32>
    %gt3A_787 = vector.broadcast %broadcast_in_dim3A_767 : vector<512x1xi32> to vector<512x2048xi32>
    %gt3A_788 = arith.cmpi sgt, %or3A, %gt3A_787 : vector<512x2048xi32>
    %jit3A_789 = arith.constant 2147483647 : i32
    %broadcast_in_dim3A_790 = vector.broadcast %jit3A_789 : i32 to vector<512x2048xi32>
    %select_n3A_791 = arith.select %gt3A_788, %or3A, %broadcast_in_dim3A_790 : vector<512x2048xi1>, vector<512x2048xi32>
    %reduce_min3A_792 = arith.constant dense<2147483647> : vector<512xi32>
    %reduce_min3A_793 = vector.multi_reduction <minsi>, %select_n3A_791, %reduce_min3A_792 [1] : vector<512x2048xi32> to vector<512xi32>
    %broadcast_in_dim3A_794 = vector.shape_cast %reduce_min3A_793 : vector<512xi32> to vector<512x1xi32>
    %and3A_795 = arith.constant 2047 : i32
    %and3A_796 = vector.broadcast %and3A_795 : i32 to vector<512x1xi32>
    %and3A_797 = arith.andi %broadcast_in_dim3A_794, %and3A_796 : vector<512x1xi32>
    %and3A_798 = arith.constant -2048 : i32
    %and3A_799 = vector.broadcast %and3A_798 : i32 to vector<512x1xi32>
    %and3A_800 = arith.andi %broadcast_in_dim3A_794, %and3A_799 : vector<512x1xi32>
    %bitcast_convert_type3A_801 = tpu.bitcast %and3A_800 : vector<512x1xi32> -> vector<512x1xf32>
    %eq3A_802 = arith.constant 28 : i32
    %eq3A_803 = vector.broadcast %eq3A_802 : i32 to vector<512x32xi32>
    %eq3A_804 = arith.cmpi eq, %iota3A_27, %eq3A_803 : vector<512x32xi32>
    %broadcast_in_dim3A_805 = vector.shape_cast %bitcast_convert_type3A_801 : vector<512x1xf32> to vector<512x1xf32>
    %broadcast_in_dim3A_806 = vector.broadcast %broadcast_in_dim3A_805 : vector<512x1xf32> to vector<512x32xf32>
    %select_n3A_807 = arith.select %eq3A_804, %broadcast_in_dim3A_806, %select_n3A_780 : vector<512x32xi1>, vector<512x32xf32>
    %eq3A_808 = arith.constant 28 : i32
    %eq3A_809 = vector.broadcast %eq3A_808 : i32 to vector<512x32xi32>
    %eq3A_810 = arith.cmpi eq, %iota3A_27, %eq3A_809 : vector<512x32xi32>
    %broadcast_in_dim3A_811 = vector.shape_cast %and3A_797 : vector<512x1xi32> to vector<512x1xi32>
    %broadcast_in_dim3A_812 = vector.broadcast %broadcast_in_dim3A_811 : vector<512x1xi32> to vector<512x32xi32>
    %select_n3A_813 = arith.select %eq3A_810, %broadcast_in_dim3A_812, %select_n3A_786 : vector<512x32xi1>, vector<512x32xi32>
    %gt3A_814 = vector.broadcast %broadcast_in_dim3A_794 : vector<512x1xi32> to vector<512x2048xi32>
    %gt3A_815 = arith.cmpi sgt, %or3A, %gt3A_814 : vector<512x2048xi32>
    %jit3A_816 = arith.constant 2147483647 : i32
    %broadcast_in_dim3A_817 = vector.broadcast %jit3A_816 : i32 to vector<512x2048xi32>
    %select_n3A_818 = arith.select %gt3A_815, %or3A, %broadcast_in_dim3A_817 : vector<512x2048xi1>, vector<512x2048xi32>
    %reduce_min3A_819 = arith.constant dense<2147483647> : vector<512xi32>
    %reduce_min3A_820 = vector.multi_reduction <minsi>, %select_n3A_818, %reduce_min3A_819 [1] : vector<512x2048xi32> to vector<512xi32>
    %broadcast_in_dim3A_821 = vector.shape_cast %reduce_min3A_820 : vector<512xi32> to vector<512x1xi32>
    %and3A_822 = arith.constant 2047 : i32
    %and3A_823 = vector.broadcast %and3A_822 : i32 to vector<512x1xi32>
    %and3A_824 = arith.andi %broadcast_in_dim3A_821, %and3A_823 : vector<512x1xi32>
    %and3A_825 = arith.constant -2048 : i32
    %and3A_826 = vector.broadcast %and3A_825 : i32 to vector<512x1xi32>
    %and3A_827 = arith.andi %broadcast_in_dim3A_821, %and3A_826 : vector<512x1xi32>
    %bitcast_convert_type3A_828 = tpu.bitcast %and3A_827 : vector<512x1xi32> -> vector<512x1xf32>
    %eq3A_829 = arith.constant 29 : i32
    %eq3A_830 = vector.broadcast %eq3A_829 : i32 to vector<512x32xi32>
    %eq3A_831 = arith.cmpi eq, %iota3A_27, %eq3A_830 : vector<512x32xi32>
    %broadcast_in_dim3A_832 = vector.shape_cast %bitcast_convert_type3A_828 : vector<512x1xf32> to vector<512x1xf32>
    %broadcast_in_dim3A_833 = vector.broadcast %broadcast_in_dim3A_832 : vector<512x1xf32> to vector<512x32xf32>
    %select_n3A_834 = arith.select %eq3A_831, %broadcast_in_dim3A_833, %select_n3A_807 : vector<512x32xi1>, vector<512x32xf32>
    %eq3A_835 = arith.constant 29 : i32
    %eq3A_836 = vector.broadcast %eq3A_835 : i32 to vector<512x32xi32>
    %eq3A_837 = arith.cmpi eq, %iota3A_27, %eq3A_836 : vector<512x32xi32>
    %broadcast_in_dim3A_838 = vector.shape_cast %and3A_824 : vector<512x1xi32> to vector<512x1xi32>
    %broadcast_in_dim3A_839 = vector.broadcast %broadcast_in_dim3A_838 : vector<512x1xi32> to vector<512x32xi32>
    %select_n3A_840 = arith.select %eq3A_837, %broadcast_in_dim3A_839, %select_n3A_813 : vector<512x32xi1>, vector<512x32xi32>
    %gt3A_841 = vector.broadcast %broadcast_in_dim3A_821 : vector<512x1xi32> to vector<512x2048xi32>
    %gt3A_842 = arith.cmpi sgt, %or3A, %gt3A_841 : vector<512x2048xi32>
    %jit3A_843 = arith.constant 2147483647 : i32
    %broadcast_in_dim3A_844 = vector.broadcast %jit3A_843 : i32 to vector<512x2048xi32>
    %select_n3A_845 = arith.select %gt3A_842, %or3A, %broadcast_in_dim3A_844 : vector<512x2048xi1>, vector<512x2048xi32>
    %reduce_min3A_846 = arith.constant dense<2147483647> : vector<512xi32>
    %reduce_min3A_847 = vector.multi_reduction <minsi>, %select_n3A_845, %reduce_min3A_846 [1] : vector<512x2048xi32> to vector<512xi32>
    %broadcast_in_dim3A_848 = vector.shape_cast %reduce_min3A_847 : vector<512xi32> to vector<512x1xi32>
    %and3A_849 = arith.constant 2047 : i32
    %and3A_850 = vector.broadcast %and3A_849 : i32 to vector<512x1xi32>
    %and3A_851 = arith.andi %broadcast_in_dim3A_848, %and3A_850 : vector<512x1xi32>
    %and3A_852 = arith.constant -2048 : i32
    %and3A_853 = vector.broadcast %and3A_852 : i32 to vector<512x1xi32>
    %and3A_854 = arith.andi %broadcast_in_dim3A_848, %and3A_853 : vector<512x1xi32>
    %bitcast_convert_type3A_855 = tpu.bitcast %and3A_854 : vector<512x1xi32> -> vector<512x1xf32>
    %eq3A_856 = arith.constant 30 : i32
    %eq3A_857 = vector.broadcast %eq3A_856 : i32 to vector<512x32xi32>
    %eq3A_858 = arith.cmpi eq, %iota3A_27, %eq3A_857 : vector<512x32xi32>
    %broadcast_in_dim3A_859 = vector.shape_cast %bitcast_convert_type3A_855 : vector<512x1xf32> to vector<512x1xf32>
    %broadcast_in_dim3A_860 = vector.broadcast %broadcast_in_dim3A_859 : vector<512x1xf32> to vector<512x32xf32>
    %select_n3A_861 = arith.select %eq3A_858, %broadcast_in_dim3A_860, %select_n3A_834 : vector<512x32xi1>, vector<512x32xf32>
    %eq3A_862 = arith.constant 30 : i32
    %eq3A_863 = vector.broadcast %eq3A_862 : i32 to vector<512x32xi32>
    %eq3A_864 = arith.cmpi eq, %iota3A_27, %eq3A_863 : vector<512x32xi32>
    %broadcast_in_dim3A_865 = vector.shape_cast %and3A_851 : vector<512x1xi32> to vector<512x1xi32>
    %broadcast_in_dim3A_866 = vector.broadcast %broadcast_in_dim3A_865 : vector<512x1xi32> to vector<512x32xi32>
    %select_n3A_867 = arith.select %eq3A_864, %broadcast_in_dim3A_866, %select_n3A_840 : vector<512x32xi1>, vector<512x32xi32>
    %gt3A_868 = vector.broadcast %broadcast_in_dim3A_848 : vector<512x1xi32> to vector<512x2048xi32>
    %gt3A_869 = arith.cmpi sgt, %or3A, %gt3A_868 : vector<512x2048xi32>
    %jit3A_870 = arith.constant 2147483647 : i32
    %broadcast_in_dim3A_871 = vector.broadcast %jit3A_870 : i32 to vector<512x2048xi32>
    %select_n3A_872 = arith.select %gt3A_869, %or3A, %broadcast_in_dim3A_871 : vector<512x2048xi1>, vector<512x2048xi32>
    %reduce_min3A_873 = arith.constant dense<2147483647> : vector<512xi32>
    %reduce_min3A_874 = vector.multi_reduction <minsi>, %select_n3A_872, %reduce_min3A_873 [1] : vector<512x2048xi32> to vector<512xi32>
    %broadcast_in_dim3A_875 = vector.shape_cast %reduce_min3A_874 : vector<512xi32> to vector<512x1xi32>
    %and3A_876 = arith.constant 2047 : i32
    %and3A_877 = vector.broadcast %and3A_876 : i32 to vector<512x1xi32>
    %and3A_878 = arith.andi %broadcast_in_dim3A_875, %and3A_877 : vector<512x1xi32>
    %and3A_879 = arith.constant -2048 : i32
    %and3A_880 = vector.broadcast %and3A_879 : i32 to vector<512x1xi32>
    %and3A_881 = arith.andi %broadcast_in_dim3A_875, %and3A_880 : vector<512x1xi32>
    %bitcast_convert_type3A_882 = tpu.bitcast %and3A_881 : vector<512x1xi32> -> vector<512x1xf32>
    %eq3A_883 = arith.constant 31 : i32
    %eq3A_884 = vector.broadcast %eq3A_883 : i32 to vector<512x32xi32>
    %eq3A_885 = arith.cmpi eq, %iota3A_27, %eq3A_884 : vector<512x32xi32>
    %broadcast_in_dim3A_886 = vector.shape_cast %bitcast_convert_type3A_882 : vector<512x1xf32> to vector<512x1xf32>
    %broadcast_in_dim3A_887 = vector.broadcast %broadcast_in_dim3A_886 : vector<512x1xf32> to vector<512x32xf32>
    %select_n3A_888 = arith.select %eq3A_885, %broadcast_in_dim3A_887, %select_n3A_861 : vector<512x32xi1>, vector<512x32xf32>
    %eq3A_889 = arith.constant 31 : i32
    %eq3A_890 = vector.broadcast %eq3A_889 : i32 to vector<512x32xi32>
    %eq3A_891 = arith.cmpi eq, %iota3A_27, %eq3A_890 : vector<512x32xi32>
    %broadcast_in_dim3A_892 = vector.shape_cast %and3A_878 : vector<512x1xi32> to vector<512x1xi32>
    %broadcast_in_dim3A_893 = vector.broadcast %broadcast_in_dim3A_892 : vector<512x1xi32> to vector<512x32xi32>
    %select_n3A_894 = arith.select %eq3A_891, %broadcast_in_dim3A_893, %select_n3A_867 : vector<512x32xi1>, vector<512x32xi32>
    %mul3A_895 = arith.constant 512 : i32
    %mul3A_896 = arith.muli %arg1, %mul3A_895 : i32
    %iota3A_897 = tpu.iota {dimensions = array<i32: 0>} : vector<512x32xi32>
    %add3A_898 = vector.broadcast %mul3A_896 : i32 to vector<512x32xi32>
    %add3A_899 = arith.addi %add3A_898, %iota3A_897 : vector<512x32xi32>
    %sub3A_900 = arith.subi %select_n3A_894, %add3A_899 : vector<512x32xi32>
    %jit3A_901 = arith.constant -32 : i32
    %jit3A_902 = arith.constant 32 : i32
    %max3A = vector.broadcast %jit3A_901 : i32 to vector<512x32xi32>
    %max3A_903 = arith.maxsi %max3A, %sub3A_900 : vector<512x32xi32>
    %min3A = vector.broadcast %jit3A_902 : i32 to vector<512x32xi32>
    %min3A_904 = arith.minsi %min3A, %max3A_903 : vector<512x32xi32>
    %add3A_905 = arith.constant 32 : i32
    %add3A_906 = vector.broadcast %add3A_905 : i32 to vector<512x32xi32>
    %add3A_907 = arith.addi %min3A_904, %add3A_906 : vector<512x32xi32>
    %swap3A = arith.constant 0 : index
    %swap3A_908 = arith.constant 0 : index
    %swap3A_909 = arith.constant 0 : index
    %swap3A_910 = vector.load %arg4[%swap3A, %swap3A_908, %swap3A_909] : memref<1x512x32xi32, #tpu.memory_space<vmem>>, vector<1x512x32xi32>
    %swap3A_911 = vector.shape_cast %swap3A_910 : vector<1x512x32xi32> to vector<512x32xi32>
    %swap3A_912 = vector.shape_cast %select_n3A_894 : vector<512x32xi32> to vector<1x512x32xi32>
    tpu.vector_store %arg4[%swap3A, %swap3A_908, %swap3A_909], %swap3A_912 {strides = array<i32>} : memref<1x512x32xi32, #tpu.memory_space<vmem>>, vector<1x512x32xi32>,
    %mul3A_913 = arith.constant 2048 : i32
    %mul3A_914 = arith.muli %arg0, %mul3A_913 : i32
    %add3A_915 = vector.broadcast %mul3A_914 : i32 to vector<512x32xi32>
    %add3A_916 = arith.addi %select_n3A_894, %add3A_915 : vector<512x32xi32>
    %swap3A_917 = arith.constant 0 : index
    %swap3A_918 = arith.constant 0 : index
    %swap3A_919 = arith.constant 0 : index
    %swap3A_920 = vector.load %arg5[%swap3A_917, %swap3A_918, %swap3A_919] : memref<1x512x32xi32, #tpu.memory_space<vmem>>, vector<1x512x32xi32>
    %swap3A_921 = vector.shape_cast %swap3A_920 : vector<1x512x32xi32> to vector<512x32xi32>
    %swap3A_922 = vector.shape_cast %add3A_916 : vector<512x32xi32> to vector<1x512x32xi32>
    tpu.vector_store %arg5[%swap3A_917, %swap3A_918, %swap3A_919], %swap3A_922 {strides = array<i32>} : memref<1x512x32xi32, #tpu.memory_space<vmem>>, vector<1x512x32xi32>,
    %swap3A_923 = arith.constant 0 : index
    %swap3A_924 = arith.constant 0 : index
    %swap3A_925 = arith.constant 0 : index
    %swap3A_926 = vector.load %arg6[%swap3A_923, %swap3A_924, %swap3A_925] : memref<1x512x32xi32, #tpu.memory_space<vmem>>, vector<1x512x32xi32>
    %swap3A_927 = vector.shape_cast %swap3A_926 : vector<1x512x32xi32> to vector<512x32xi32>
    %swap3A_928 = vector.shape_cast %add3A_907 : vector<512x32xi32> to vector<1x512x32xi32>
    tpu.vector_store %arg6[%swap3A_923, %swap3A_924, %swap3A_925], %swap3A_928 {strides = array<i32>} : memref<1x512x32xi32, #tpu.memory_space<vmem>>, vector<1x512x32xi32>,
    %add3A_929 = arith.constant 9.99999993E-9 : f32
    %add3A_930 = vector.broadcast %add3A_929 : f32 to vector<512x32xf32>
    %add3A_931 = arith.addf %select_n3A_888, %add3A_930 : vector<512x32xf32>
    %sqrt3A = math.sqrt %add3A_931 : vector<512x32xf32>
    %swap3A_932 = arith.constant 0 : index
    %swap3A_933 = arith.constant 0 : index
    %swap3A_934 = arith.constant 0 : index
    %swap3A_935 = vector.load %arg7[%swap3A_932, %swap3A_933, %swap3A_934] : memref<1x512x32xf32, #tpu.memory_space<vmem>>, vector<1x512x32xf32>
    %swap3A_936 = vector.shape_cast %swap3A_935 : vector<1x512x32xf32> to vector<512x32xf32>
    %swap3A_937 = vector.shape_cast %sqrt3A : vector<512x32xf32> to vector<1x512x32xf32>
    tpu.vector_store %arg7[%swap3A_932, %swap3A_933, %swap3A_934], %swap3A_937 {strides = array<i32>} : memref<1x512x32xf32, #tpu.memory_space<vmem>>, vector<1x512x32xf32>,
    return
  }
  func.func @transform_0(%arg0: i32, %arg1: i32) -> (i32, i32, i32) {
    %c0_i32 = arith.constant 0 : i32
    %c0_i32_0 = arith.constant 0 : i32
    return %arg0, %arg1, %c0_i32 : i32, i32, i32
  }
  func.func @transform_1(%arg0: i32, %arg1: i32) -> (i32, i32, i32) {
    %c0_i32 = arith.constant 0 : i32
    %c0_i32_0 = arith.constant 0 : i32
    %c0_i32_1 = arith.constant 0 : i32
    return %arg0, %c0_i32, %c0_i32_0 : i32, i32, i32
  }
  func.func @transform_2(%arg0: i32, %arg1: i32) -> (i32, i32, i32) {
    %c0_i32 = arith.constant 0 : i32
    %c0_i32_0 = arith.constant 0 : i32
    return %arg0, %arg1, %c0_i32 : i32, i32, i32
  }
  func.func @transform_3(%arg0: i32, %arg1: i32) -> (i32, i32, i32) {
    %c0_i32 = arith.constant 0 : i32
    %c0_i32_0 = arith.constant 0 : i32
    return %arg0, %arg1, %c0_i32 : i32, i32, i32
  }
  func.func @transform_4(%arg0: i32, %arg1: i32) -> (i32, i32, i32) {
    %c0_i32 = arith.constant 0 : i32
    %c0_i32_0 = arith.constant 0 : i32
    return %arg0, %arg1, %c0_i32 : i32, i32, i32
  }
  func.func @transform_5(%arg0: i32, %arg1: i32) -> (i32, i32, i32) {
    %c0_i32 = arith.constant 0 : i32
    %c0_i32_0 = arith.constant 0 : i32
    return %arg0, %arg1, %c0_i32 : i32, i32, i32
  }
}

module attributes {stable_mosaic.version = 14 : i64} {
  func.func @_main0_body(%arg0: i32, %arg1: i32, %arg2: memref<1x1x128xf32, #tpu.memory_space<vmem>>, %arg3: memref<1x1x128xf32, #tpu.memory_space<vmem>>, %arg4: memref<1x4096x1xf32, #tpu.memory_space<vmem>>, %arg5: memref<1x4096x1xi32, #tpu.memory_space<vmem>>, %arg6: memref<81x128xf32, #tpu.memory_space<vmem>>, %arg7: memref<128x128xf32, #tpu.memory_space<vmem>>, %arg8: memref<1x128xf32, #tpu.memory_space<vmem>>, %arg9: memref<128x128xf32, #tpu.memory_space<vmem>>, %arg10: memref<1x128xf32, #tpu.memory_space<vmem>>, %arg11: memref<128x512xf32, #tpu.memory_space<vmem>>, %arg12: memref<1x512xf32, #tpu.memory_space<vmem>>, %arg13: memref<512x128xf32, #tpu.memory_space<vmem>>, %arg14: memref<1x128xf32, #tpu.memory_space<vmem>>, %arg15: memref<1x128x128xf32, #tpu.memory_space<vmem>>) attributes {dimension_semantics = [#tpu.dimension_semantics<arbitrary>, #tpu.dimension_semantics<arbitrary>], iteration_bounds = array<i64: 2, 16>, scalar_prefetch = 0 : i64, scratch_operands = 0 : i64, tpu.core_type = #tpu.core_type<tc>, window_params = [{transform_indices = @transform_0, window_bounds = array<i64: 1, 1, 128>}, {transform_indices = @transform_1, window_bounds = array<i64: 1, 1, 128>}, {transform_indices = @transform_2, window_bounds = array<i64: 1, 4096, 1>}, {transform_indices = @transform_3, window_bounds = array<i64: 1, 4096, 1>}, {pipeline_mode = #tpu.pipeline_mode<synchronous>, transform_indices = @transform_4, window_bounds = array<i64: 81, 128>}, {pipeline_mode = #tpu.pipeline_mode<synchronous>, transform_indices = @transform_5, window_bounds = array<i64: 128, 128>}, {pipeline_mode = #tpu.pipeline_mode<synchronous>, transform_indices = @transform_6, window_bounds = array<i64: 1, 128>}, {pipeline_mode = #tpu.pipeline_mode<synchronous>, transform_indices = @transform_7, window_bounds = array<i64: 128, 128>}, {pipeline_mode = #tpu.pipeline_mode<synchronous>, transform_indices = @transform_8, window_bounds = array<i64: 1, 128>}, {pipeline_mode = #tpu.pipeline_mode<synchronous>, transform_indices = @transform_9, window_bounds = array<i64: 128, 512>}, {pipeline_mode = #tpu.pipeline_mode<synchronous>, transform_indices = @transform_10, window_bounds = array<i64: 1, 512>}, {pipeline_mode = #tpu.pipeline_mode<synchronous>, transform_indices = @transform_11, window_bounds = array<i64: 512, 128>}, {pipeline_mode = #tpu.pipeline_mode<synchronous>, transform_indices = @transform_12, window_bounds = array<i64: 1, 128>}, {transform_indices = @transform_13, window_bounds = array<i64: 1, 128, 128>}]} {
    %get3A = arith.constant 0 : index
    %get3A_0 = arith.constant 0 : index
    %get3A_1 = arith.constant 0 : index
    %get3A_2 = vector.load %arg4[%get3A, %get3A_0, %get3A_1] : memref<1x4096x1xf32, #tpu.memory_space<vmem>>, vector<1x4096x1xf32>
    %get3A_3 = vector.shape_cast %get3A_2 : vector<1x4096x1xf32> to vector<4096x1xf32>
    %iota3A = tpu.iota {dimensions = array<i32: 1>} : vector<1x16xi32>
    %convert_element_type3A = arith.sitofp %iota3A : vector<1x16xi32> to vector<1x16xf32>
    %mul3A = arith.constant 1.33333337 : f32
    %mul3A_4 = vector.broadcast %mul3A : f32 to vector<1x16xf32>
    %mul3A_5 = arith.mulf %convert_element_type3A, %mul3A_4 : vector<1x16xf32>
    %add3A = arith.constant 2.000000e+00 : f32
    %add3A_6 = vector.broadcast %add3A : f32 to vector<1x16xf32>
    %add3A_7 = arith.addf %add3A_6, %mul3A_5 : vector<1x16xf32>
    %sub3A = vector.broadcast %get3A_3 : vector<4096x1xf32> to vector<4096x16xf32>
    %sub3A_8 = vector.broadcast %add3A_7 : vector<1x16xf32> to vector<4096x16xf32>
    %sub3A_9 = arith.subf %sub3A, %sub3A_8 : vector<4096x16xf32>
    %div3A = arith.constant 1.250000e+00 : f32
    %div3A_10 = vector.broadcast %div3A : f32 to vector<4096x16xf32>
    %div3A_11 = arith.divf %sub3A_9, %div3A_10 : vector<4096x16xf32>
    %mul3A_12 = arith.mulf %div3A_11, %div3A_11 : vector<4096x16xf32>
    %neg3A = arith.constant 0.000000e+00 : f32
    %neg3A_13 = vector.broadcast %neg3A : f32 to vector<4096x16xf32>
    %neg3A_14 = arith.subf %neg3A_13, %mul3A_12 : vector<4096x16xf32>
    %exp3A = math.exp %neg3A_14 : vector<4096x16xf32>
    %iota3A_15 = tpu.iota {dimensions = array<i32: 1>} : vector<1x65xi32>
    %get3A_16 = arith.constant 0 : index
    %get3A_17 = arith.constant 0 : index
    %get3A_18 = arith.constant 0 : index
    %get3A_19 = vector.load %arg5[%get3A_16, %get3A_17, %get3A_18] : memref<1x4096x1xi32, #tpu.memory_space<vmem>>, vector<1x4096x1xi32>
    %get3A_20 = vector.shape_cast %get3A_19 : vector<1x4096x1xi32> to vector<4096x1xi32>
    %eq3A = vector.broadcast %get3A_20 : vector<4096x1xi32> to vector<4096x65xi32>
    %eq3A_21 = vector.broadcast %iota3A_15 : vector<1x65xi32> to vector<4096x65xi32>
    %eq3A_22 = arith.cmpi eq, %eq3A, %eq3A_21 : vector<4096x65xi32>
    %convert_element_type3A_23 = arith.extui %eq3A_22 : vector<4096x65xi1> to vector<4096x65xi32>
    %convert_element_type3A_24 = arith.sitofp %convert_element_type3A_23 : vector<4096x65xi32> to vector<4096x65xf32>
    %concatenate3A = tpu.concatenate %exp3A, %convert_element_type3A_24 in 1 : vector<4096x16xf32>, vector<4096x65xf32> -> vector<4096x81xf32>
    %get3A_25 = arith.constant 0 : index
    %get3A_26 = arith.constant 0 : index
    %get3A_27 = vector.load %arg6[%get3A_25, %get3A_26] : memref<81x128xf32, #tpu.memory_space<vmem>>, vector<81x128xf32>
    %dot_general3A = arith.constant dense<0.000000e+00> : vector<4096x128xf32>
    %dot_general3A_28 = tpu.matmul %concatenate3A, %get3A_27, %dot_general3A {dimension_numbers = #tpu.dot_dimension_numbers<[1], [0], [0], [1], [0, 0, 1, 1], [], []>, transpose_lhs_hint = false} : vector<4096x81xf32>, vector<81x128xf32>, vector<4096x128xf32> -> vector<4096x128xf32>
    %get3A_29 = arith.constant 0 : index
    %get3A_30 = arith.constant 0 : index
    %get3A_31 = arith.constant 0 : index
    %get3A_32 = vector.load %arg3[%get3A_29, %get3A_30, %get3A_31] : memref<1x1x128xf32, #tpu.memory_space<vmem>>, vector<1x1x128xf32>
    %get3A_33 = vector.shape_cast %get3A_32 : vector<1x1x128xf32> to vector<1x128xf32>
    %add3A_34 = vector.broadcast %get3A_33 : vector<1x128xf32> to vector<4096x128xf32>
    %add3A_35 = arith.addf %add3A_34, %dot_general3A_28 : vector<4096x128xf32>
    %integer_pow3A = arith.mulf %add3A_35, %add3A_35 : vector<4096x128xf32>
    %integer_pow3A_36 = arith.mulf %add3A_35, %integer_pow3A : vector<4096x128xf32>
    %mul3A_37 = arith.constant 4.471500e-02 : f32
    %mul3A_38 = vector.broadcast %mul3A_37 : f32 to vector<4096x128xf32>
    %mul3A_39 = arith.mulf %mul3A_38, %integer_pow3A_36 : vector<4096x128xf32>
    %add3A_40 = arith.addf %add3A_35, %mul3A_39 : vector<4096x128xf32>
    %mul3A_41 = arith.constant 0.797884583 : f32
    %mul3A_42 = vector.broadcast %mul3A_41 : f32 to vector<4096x128xf32>
    %mul3A_43 = arith.mulf %mul3A_42, %add3A_40 : vector<4096x128xf32>
    %tanh3A = math.tanh %mul3A_43 : vector<4096x128xf32>
    %add3A_44 = arith.constant 1.000000e+00 : f32
    %add3A_45 = vector.broadcast %add3A_44 : f32 to vector<4096x128xf32>
    %add3A_46 = arith.addf %add3A_45, %tanh3A : vector<4096x128xf32>
    %mul3A_47 = arith.constant 5.000000e-01 : f32
    %mul3A_48 = vector.broadcast %mul3A_47 : f32 to vector<4096x128xf32>
    %mul3A_49 = arith.mulf %mul3A_48, %add3A_46 : vector<4096x128xf32>
    %mul3A_50 = arith.mulf %add3A_35, %mul3A_49 : vector<4096x128xf32>
    %get3A_51 = arith.constant 0 : index
    %get3A_52 = arith.constant 0 : index
    %get3A_53 = vector.load %arg7[%get3A_51, %get3A_52] : memref<128x128xf32, #tpu.memory_space<vmem>>, vector<128x128xf32>
    %dot_general3A_54 = arith.constant dense<0.000000e+00> : vector<4096x128xf32>
    %dot_general3A_55 = tpu.matmul %mul3A_50, %get3A_53, %dot_general3A_54 {dimension_numbers = #tpu.dot_dimension_numbers<[1], [0], [0], [1], [0, 0, 1, 1], [], []>, transpose_lhs_hint = false} : vector<4096x128xf32>, vector<128x128xf32>, vector<4096x128xf32> -> vector<4096x128xf32>
    %get3A_56 = arith.constant 0 : index
    %get3A_57 = arith.constant 0 : index
    %get3A_58 = vector.load %arg8[%get3A_56, %get3A_57] : memref<1x128xf32, #tpu.memory_space<vmem>>, vector<1x128xf32>
    %add3A_59 = vector.broadcast %get3A_58 : vector<1x128xf32> to vector<4096x128xf32>
    %add3A_60 = arith.addf %dot_general3A_55, %add3A_59 : vector<4096x128xf32>
    %integer_pow3A_61 = arith.mulf %add3A_60, %add3A_60 : vector<4096x128xf32>
    %integer_pow3A_62 = arith.mulf %add3A_60, %integer_pow3A_61 : vector<4096x128xf32>
    %mul3A_63 = arith.constant 4.471500e-02 : f32
    %mul3A_64 = vector.broadcast %mul3A_63 : f32 to vector<4096x128xf32>
    %mul3A_65 = arith.mulf %mul3A_64, %integer_pow3A_62 : vector<4096x128xf32>
    %add3A_66 = arith.addf %add3A_60, %mul3A_65 : vector<4096x128xf32>
    %mul3A_67 = arith.constant 0.797884583 : f32
    %mul3A_68 = vector.broadcast %mul3A_67 : f32 to vector<4096x128xf32>
    %mul3A_69 = arith.mulf %mul3A_68, %add3A_66 : vector<4096x128xf32>
    %tanh3A_70 = math.tanh %mul3A_69 : vector<4096x128xf32>
    %add3A_71 = arith.constant 1.000000e+00 : f32
    %add3A_72 = vector.broadcast %add3A_71 : f32 to vector<4096x128xf32>
    %add3A_73 = arith.addf %add3A_72, %tanh3A_70 : vector<4096x128xf32>
    %mul3A_74 = arith.constant 5.000000e-01 : f32
    %mul3A_75 = vector.broadcast %mul3A_74 : f32 to vector<4096x128xf32>
    %mul3A_76 = arith.mulf %mul3A_75, %add3A_73 : vector<4096x128xf32>
    %mul3A_77 = arith.mulf %add3A_60, %mul3A_76 : vector<4096x128xf32>
    %reshape3A = vector.shape_cast %mul3A_77 : vector<4096x128xf32> to vector<128x32x128xf32>
    %reduce_sum3A = arith.constant dense<0.000000e+00> : vector<128x128xf32>
    %reduce_sum3A_78 = vector.multi_reduction <add>, %reshape3A, %reduce_sum3A [1] : vector<128x32x128xf32> to vector<128x128xf32>
    %mul3A_79 = arith.constant 3.125000e-02 : f32
    %mul3A_80 = vector.broadcast %mul3A_79 : f32 to vector<128x128xf32>
    %mul3A_81 = arith.mulf %reduce_sum3A_78, %mul3A_80 : vector<128x128xf32>
    %get3A_82 = arith.constant 0 : index
    %get3A_83 = arith.constant 0 : index
    %get3A_84 = vector.load %arg9[%get3A_82, %get3A_83] : memref<128x128xf32, #tpu.memory_space<vmem>>, vector<128x128xf32>
    %dot_general3A_85 = arith.constant dense<0.000000e+00> : vector<128x128xf32>
    %dot_general3A_86 = tpu.matmul %mul3A_81, %get3A_84, %dot_general3A_85 {dimension_numbers = #tpu.dot_dimension_numbers<[1], [0], [0], [1], [0, 0, 1, 1], [], []>, transpose_lhs_hint = false} : vector<128x128xf32>, vector<128x128xf32>, vector<128x128xf32> -> vector<128x128xf32>
    %get3A_87 = arith.constant 0 : index
    %get3A_88 = arith.constant 0 : index
    %get3A_89 = vector.load %arg10[%get3A_87, %get3A_88] : memref<1x128xf32, #tpu.memory_space<vmem>>, vector<1x128xf32>
    %add3A_90 = vector.broadcast %get3A_89 : vector<1x128xf32> to vector<128x128xf32>
    %add3A_91 = arith.addf %dot_general3A_86, %add3A_90 : vector<128x128xf32>
    %get3A_92 = arith.constant 0 : index
    %get3A_93 = arith.constant 0 : index
    %get3A_94 = arith.constant 0 : index
    %get3A_95 = vector.load %arg2[%get3A_92, %get3A_93, %get3A_94] : memref<1x1x128xf32, #tpu.memory_space<vmem>>, vector<1x1x128xf32>
    %get3A_96 = vector.shape_cast %get3A_95 : vector<1x1x128xf32> to vector<1x128xf32>
    %add3A_97 = vector.broadcast %get3A_96 : vector<1x128xf32> to vector<128x128xf32>
    %add3A_98 = arith.addf %add3A_97, %add3A_91 : vector<128x128xf32>
    %reduce_sum3A_99 = arith.constant dense<0.000000e+00> : vector<128xf32>
    %reduce_sum3A_100 = vector.multi_reduction <add>, %add3A_98, %reduce_sum3A_99 [1] : vector<128x128xf32> to vector<128xf32>
    %broadcast_in_dim3A = vector.shape_cast %reduce_sum3A_100 : vector<128xf32> to vector<128x1xf32>
    %div3A_101 = arith.constant 1.280000e+02 : f32
    %div3A_102 = vector.broadcast %div3A_101 : f32 to vector<128x1xf32>
    %div3A_103 = arith.divf %broadcast_in_dim3A, %div3A_102 : vector<128x1xf32>
    %sub3A_104 = vector.broadcast %div3A_103 : vector<128x1xf32> to vector<128x128xf32>
    %sub3A_105 = arith.subf %add3A_98, %sub3A_104 : vector<128x128xf32>
    %mul3A_106 = arith.mulf %sub3A_105, %sub3A_105 : vector<128x128xf32>
    %reduce_sum3A_107 = arith.constant dense<0.000000e+00> : vector<128xf32>
    %reduce_sum3A_108 = vector.multi_reduction <add>, %mul3A_106, %reduce_sum3A_107 [1] : vector<128x128xf32> to vector<128xf32>
    %broadcast_in_dim3A_109 = vector.shape_cast %reduce_sum3A_108 : vector<128xf32> to vector<128x1xf32>
    %div3A_110 = arith.constant 1.280000e+02 : f32
    %div3A_111 = vector.broadcast %div3A_110 : f32 to vector<128x1xf32>
    %div3A_112 = arith.divf %broadcast_in_dim3A_109, %div3A_111 : vector<128x1xf32>
    %add3A_113 = arith.constant 9.99999974E-6 : f32
    %add3A_114 = vector.broadcast %add3A_113 : f32 to vector<128x1xf32>
    %add3A_115 = arith.addf %div3A_112, %add3A_114 : vector<128x1xf32>
    %sqrt3A = math.sqrt %add3A_115 : vector<128x1xf32>
    %div3A_116 = vector.broadcast %sqrt3A : vector<128x1xf32> to vector<128x128xf32>
    %div3A_117 = arith.divf %sub3A_105, %div3A_116 : vector<128x128xf32>
    %get3A_118 = arith.constant 0 : index
    %get3A_119 = arith.constant 0 : index
    %get3A_120 = vector.load %arg11[%get3A_118, %get3A_119] : memref<128x512xf32, #tpu.memory_space<vmem>>, vector<128x512xf32>
    %dot_general3A_121 = arith.constant dense<0.000000e+00> : vector<128x512xf32>
    %dot_general3A_122 = tpu.matmul %div3A_117, %get3A_120, %dot_general3A_121 {dimension_numbers = #tpu.dot_dimension_numbers<[1], [0], [0], [1], [0, 0, 1, 1], [], []>, transpose_lhs_hint = false} : vector<128x128xf32>, vector<128x512xf32>, vector<128x512xf32> -> vector<128x512xf32>
    %get3A_123 = arith.constant 0 : index
    %get3A_124 = arith.constant 0 : index
    %get3A_125 = vector.load %arg12[%get3A_123, %get3A_124] : memref<1x512xf32, #tpu.memory_space<vmem>>, vector<1x512xf32>
    %add3A_126 = vector.broadcast %get3A_125 : vector<1x512xf32> to vector<128x512xf32>
    %add3A_127 = arith.addf %dot_general3A_122, %add3A_126 : vector<128x512xf32>
    %integer_pow3A_128 = arith.mulf %add3A_127, %add3A_127 : vector<128x512xf32>
    %integer_pow3A_129 = arith.mulf %add3A_127, %integer_pow3A_128 : vector<128x512xf32>
    %mul3A_130 = arith.constant 4.471500e-02 : f32
    %mul3A_131 = vector.broadcast %mul3A_130 : f32 to vector<128x512xf32>
    %mul3A_132 = arith.mulf %mul3A_131, %integer_pow3A_129 : vector<128x512xf32>
    %add3A_133 = arith.addf %add3A_127, %mul3A_132 : vector<128x512xf32>
    %mul3A_134 = arith.constant 0.797884583 : f32
    %mul3A_135 = vector.broadcast %mul3A_134 : f32 to vector<128x512xf32>
    %mul3A_136 = arith.mulf %mul3A_135, %add3A_133 : vector<128x512xf32>
    %tanh3A_137 = math.tanh %mul3A_136 : vector<128x512xf32>
    %add3A_138 = arith.constant 1.000000e+00 : f32
    %add3A_139 = vector.broadcast %add3A_138 : f32 to vector<128x512xf32>
    %add3A_140 = arith.addf %add3A_139, %tanh3A_137 : vector<128x512xf32>
    %mul3A_141 = arith.constant 5.000000e-01 : f32
    %mul3A_142 = vector.broadcast %mul3A_141 : f32 to vector<128x512xf32>
    %mul3A_143 = arith.mulf %mul3A_142, %add3A_140 : vector<128x512xf32>
    %mul3A_144 = arith.mulf %add3A_127, %mul3A_143 : vector<128x512xf32>
    %get3A_145 = arith.constant 0 : index
    %get3A_146 = arith.constant 0 : index
    %get3A_147 = vector.load %arg13[%get3A_145, %get3A_146] : memref<512x128xf32, #tpu.memory_space<vmem>>, vector<512x128xf32>
    %dot_general3A_148 = arith.constant dense<0.000000e+00> : vector<128x128xf32>
    %dot_general3A_149 = tpu.matmul %mul3A_144, %get3A_147, %dot_general3A_148 {dimension_numbers = #tpu.dot_dimension_numbers<[1], [0], [0], [1], [0, 0, 1, 1], [], []>, transpose_lhs_hint = false} : vector<128x512xf32>, vector<512x128xf32>, vector<128x128xf32> -> vector<128x128xf32>
    %get3A_150 = arith.constant 0 : index
    %get3A_151 = arith.constant 0 : index
    %get3A_152 = vector.load %arg14[%get3A_150, %get3A_151] : memref<1x128xf32, #tpu.memory_space<vmem>>, vector<1x128xf32>
    %add3A_153 = vector.broadcast %get3A_152 : vector<1x128xf32> to vector<128x128xf32>
    %add3A_154 = arith.addf %dot_general3A_149, %add3A_153 : vector<128x128xf32>
    %add3A_155 = arith.addf %div3A_117, %add3A_154 : vector<128x128xf32>
    %reduce_sum3A_156 = arith.constant dense<0.000000e+00> : vector<128xf32>
    %reduce_sum3A_157 = vector.multi_reduction <add>, %add3A_155, %reduce_sum3A_156 [1] : vector<128x128xf32> to vector<128xf32>
    %broadcast_in_dim3A_158 = vector.shape_cast %reduce_sum3A_157 : vector<128xf32> to vector<128x1xf32>
    %div3A_159 = arith.constant 1.280000e+02 : f32
    %div3A_160 = vector.broadcast %div3A_159 : f32 to vector<128x1xf32>
    %div3A_161 = arith.divf %broadcast_in_dim3A_158, %div3A_160 : vector<128x1xf32>
    %sub3A_162 = vector.broadcast %div3A_161 : vector<128x1xf32> to vector<128x128xf32>
    %sub3A_163 = arith.subf %add3A_155, %sub3A_162 : vector<128x128xf32>
    %mul3A_164 = arith.mulf %sub3A_163, %sub3A_163 : vector<128x128xf32>
    %reduce_sum3A_165 = arith.constant dense<0.000000e+00> : vector<128xf32>
    %reduce_sum3A_166 = vector.multi_reduction <add>, %mul3A_164, %reduce_sum3A_165 [1] : vector<128x128xf32> to vector<128xf32>
    %broadcast_in_dim3A_167 = vector.shape_cast %reduce_sum3A_166 : vector<128xf32> to vector<128x1xf32>
    %div3A_168 = arith.constant 1.280000e+02 : f32
    %div3A_169 = vector.broadcast %div3A_168 : f32 to vector<128x1xf32>
    %div3A_170 = arith.divf %broadcast_in_dim3A_167, %div3A_169 : vector<128x1xf32>
    %add3A_171 = arith.constant 9.99999974E-6 : f32
    %add3A_172 = vector.broadcast %add3A_171 : f32 to vector<128x1xf32>
    %add3A_173 = arith.addf %div3A_170, %add3A_172 : vector<128x1xf32>
    %sqrt3A_174 = math.sqrt %add3A_173 : vector<128x1xf32>
    %div3A_175 = vector.broadcast %sqrt3A_174 : vector<128x1xf32> to vector<128x128xf32>
    %div3A_176 = arith.divf %sub3A_163, %div3A_175 : vector<128x128xf32>
    %swap3A = arith.constant 0 : index
    %swap3A_177 = arith.constant 0 : index
    %swap3A_178 = arith.constant 0 : index
    %swap3A_179 = vector.load %arg15[%swap3A, %swap3A_177, %swap3A_178] : memref<1x128x128xf32, #tpu.memory_space<vmem>>, vector<1x128x128xf32>
    %swap3A_180 = vector.shape_cast %swap3A_179 : vector<1x128x128xf32> to vector<128x128xf32>
    %swap3A_181 = vector.shape_cast %div3A_176 : vector<128x128xf32> to vector<1x128x128xf32>
    tpu.vector_store %arg15[%swap3A, %swap3A_177, %swap3A_178], %swap3A_181 {strides = array<i32>} : memref<1x128x128xf32, #tpu.memory_space<vmem>>, vector<1x128x128xf32>,
    return
  }
  func.func @transform_0(%arg0: i32, %arg1: i32) -> (i32, i32, i32) {
    %c0_i32 = arith.constant 0 : i32
    %c0_i32_0 = arith.constant 0 : i32
    %c0_i32_1 = arith.constant 0 : i32
    return %arg0, %c0_i32, %c0_i32_0 : i32, i32, i32
  }
  func.func @transform_1(%arg0: i32, %arg1: i32) -> (i32, i32, i32) {
    %c0_i32 = arith.constant 0 : i32
    %c0_i32_0 = arith.constant 0 : i32
    %c0_i32_1 = arith.constant 0 : i32
    return %arg0, %c0_i32, %c0_i32_0 : i32, i32, i32
  }
  func.func @transform_2(%arg0: i32, %arg1: i32) -> (i32, i32, i32) {
    %c0_i32 = arith.constant 0 : i32
    %c0_i32_0 = arith.constant 0 : i32
    return %arg0, %arg1, %c0_i32 : i32, i32, i32
  }
  func.func @transform_3(%arg0: i32, %arg1: i32) -> (i32, i32, i32) {
    %c0_i32 = arith.constant 0 : i32
    %c0_i32_0 = arith.constant 0 : i32
    return %arg0, %arg1, %c0_i32 : i32, i32, i32
  }
  func.func @transform_4(%arg0: i32, %arg1: i32) -> (i32, i32) {
    %c0_i32 = arith.constant 0 : i32
    %c0_i32_0 = arith.constant 0 : i32
    %c0_i32_1 = arith.constant 0 : i32
    return %c0_i32, %c0_i32_0 : i32, i32
  }
  func.func @transform_5(%arg0: i32, %arg1: i32) -> (i32, i32) {
    %c0_i32 = arith.constant 0 : i32
    %c0_i32_0 = arith.constant 0 : i32
    %c0_i32_1 = arith.constant 0 : i32
    return %c0_i32, %c0_i32_0 : i32, i32
  }
  func.func @transform_6(%arg0: i32, %arg1: i32) -> (i32, i32) {
    %c0_i32 = arith.constant 0 : i32
    %c0_i32_0 = arith.constant 0 : i32
    %c0_i32_1 = arith.constant 0 : i32
    return %c0_i32, %c0_i32_0 : i32, i32
  }
  func.func @transform_7(%arg0: i32, %arg1: i32) -> (i32, i32) {
    %c0_i32 = arith.constant 0 : i32
    %c0_i32_0 = arith.constant 0 : i32
    %c0_i32_1 = arith.constant 0 : i32
    return %c0_i32, %c0_i32_0 : i32, i32
  }
  func.func @transform_8(%arg0: i32, %arg1: i32) -> (i32, i32) {
    %c0_i32 = arith.constant 0 : i32
    %c0_i32_0 = arith.constant 0 : i32
    %c0_i32_1 = arith.constant 0 : i32
    return %c0_i32, %c0_i32_0 : i32, i32
  }
  func.func @transform_9(%arg0: i32, %arg1: i32) -> (i32, i32) {
    %c0_i32 = arith.constant 0 : i32
    %c0_i32_0 = arith.constant 0 : i32
    %c0_i32_1 = arith.constant 0 : i32
    return %c0_i32, %c0_i32_0 : i32, i32
  }
  func.func @transform_10(%arg0: i32, %arg1: i32) -> (i32, i32) {
    %c0_i32 = arith.constant 0 : i32
    %c0_i32_0 = arith.constant 0 : i32
    %c0_i32_1 = arith.constant 0 : i32
    return %c0_i32, %c0_i32_0 : i32, i32
  }
  func.func @transform_11(%arg0: i32, %arg1: i32) -> (i32, i32) {
    %c0_i32 = arith.constant 0 : i32
    %c0_i32_0 = arith.constant 0 : i32
    %c0_i32_1 = arith.constant 0 : i32
    return %c0_i32, %c0_i32_0 : i32, i32
  }
  func.func @transform_12(%arg0: i32, %arg1: i32) -> (i32, i32) {
    %c0_i32 = arith.constant 0 : i32
    %c0_i32_0 = arith.constant 0 : i32
    %c0_i32_1 = arith.constant 0 : i32
    return %c0_i32, %c0_i32_0 : i32, i32
  }
  func.func @transform_13(%arg0: i32, %arg1: i32) -> (i32, i32, i32) {
    %c0_i32 = arith.constant 0 : i32
    %c0_i32_0 = arith.constant 0 : i32
    return %arg0, %arg1, %c0_i32 : i32, i32, i32
  }
}

module attributes {stable_mosaic.version = 14 : i64} {
  func.func @_pre_body(%arg0: i32, %arg1: i32, %arg2: memref<1x512x128xf32, #tpu.memory_space<vmem>>, %arg3: memref<1x1x128xf32, #tpu.memory_space<vmem>>, %arg4: memref<1x1x128xf32, #tpu.memory_space<vmem>>, %arg5: memref<128x128xf32, #tpu.memory_space<vmem>>, %arg6: memref<128x128xf32, #tpu.memory_space<vmem>>, %arg7: memref<1x128xf32, #tpu.memory_space<vmem>>, %arg8: memref<1x512x128xf32, #tpu.memory_space<vmem>>, %arg9: memref<1x512x128xf32, #tpu.memory_space<vmem>>, %arg10: memref<1x512x128xf32, #tpu.memory_space<vmem>>) attributes {dimension_semantics = [#tpu.dimension_semantics<arbitrary>, #tpu.dimension_semantics<arbitrary>], iteration_bounds = array<i64: 2, 4>, scalar_prefetch = 0 : i64, scratch_operands = 0 : i64, tpu.core_type = #tpu.core_type<tc>, window_params = [{transform_indices = @transform_0, window_bounds = array<i64: 1, 512, 128>}, {transform_indices = @transform_1, window_bounds = array<i64: 1, 1, 128>}, {transform_indices = @transform_2, window_bounds = array<i64: 1, 1, 128>}, {pipeline_mode = #tpu.pipeline_mode<synchronous>, transform_indices = @transform_3, window_bounds = array<i64: 128, 128>}, {pipeline_mode = #tpu.pipeline_mode<synchronous>, transform_indices = @transform_4, window_bounds = array<i64: 128, 128>}, {pipeline_mode = #tpu.pipeline_mode<synchronous>, transform_indices = @transform_5, window_bounds = array<i64: 1, 128>}, {transform_indices = @transform_6, window_bounds = array<i64: 1, 512, 128>}, {transform_indices = @transform_7, window_bounds = array<i64: 1, 512, 128>}, {transform_indices = @transform_8, window_bounds = array<i64: 1, 512, 128>}]} {
    %get3A = arith.constant 0 : index
    %get3A_0 = arith.constant 0 : index
    %get3A_1 = arith.constant 0 : index
    %get3A_2 = vector.load %arg2[%get3A, %get3A_0, %get3A_1] : memref<1x512x128xf32, #tpu.memory_space<vmem>>, vector<1x512x128xf32>
    %get3A_3 = vector.shape_cast %get3A_2 : vector<1x512x128xf32> to vector<512x128xf32>
    %get3A_4 = arith.constant 0 : index
    %get3A_5 = arith.constant 0 : index
    %get3A_6 = arith.constant 0 : index
    %get3A_7 = vector.load %arg3[%get3A_4, %get3A_5, %get3A_6] : memref<1x1x128xf32, #tpu.memory_space<vmem>>, vector<1x1x128xf32>
    %get3A_8 = vector.shape_cast %get3A_7 : vector<1x1x128xf32> to vector<1x128xf32>
    %add3A = arith.constant 1.000000e+00 : f32
    %add3A_9 = vector.broadcast %add3A : f32 to vector<1x128xf32>
    %add3A_10 = arith.addf %add3A_9, %get3A_8 : vector<1x128xf32>
    %mul3A = vector.broadcast %add3A_10 : vector<1x128xf32> to vector<512x128xf32>
    %mul3A_11 = arith.mulf %get3A_3, %mul3A : vector<512x128xf32>
    %get3A_12 = arith.constant 0 : index
    %get3A_13 = arith.constant 0 : index
    %get3A_14 = arith.constant 0 : index
    %get3A_15 = vector.load %arg4[%get3A_12, %get3A_13, %get3A_14] : memref<1x1x128xf32, #tpu.memory_space<vmem>>, vector<1x1x128xf32>
    %get3A_16 = vector.shape_cast %get3A_15 : vector<1x1x128xf32> to vector<1x128xf32>
    %add3A_17 = vector.broadcast %get3A_16 : vector<1x128xf32> to vector<512x128xf32>
    %add3A_18 = arith.addf %mul3A_11, %add3A_17 : vector<512x128xf32>
    %swap3A = arith.constant 0 : index
    %swap3A_19 = arith.constant 0 : index
    %swap3A_20 = arith.constant 0 : index
    %swap3A_21 = vector.load %arg8[%swap3A, %swap3A_19, %swap3A_20] : memref<1x512x128xf32, #tpu.memory_space<vmem>>, vector<1x512x128xf32>
    %swap3A_22 = vector.shape_cast %swap3A_21 : vector<1x512x128xf32> to vector<512x128xf32>
    %swap3A_23 = vector.shape_cast %add3A_18 : vector<512x128xf32> to vector<1x512x128xf32>
    tpu.vector_store %arg8[%swap3A, %swap3A_19, %swap3A_20], %swap3A_23 {strides = array<i32>} : memref<1x512x128xf32, #tpu.memory_space<vmem>>, vector<1x512x128xf32>,
    %get3A_24 = arith.constant 0 : index
    %get3A_25 = arith.constant 0 : index
    %get3A_26 = vector.load %arg5[%get3A_24, %get3A_25] : memref<128x128xf32, #tpu.memory_space<vmem>>, vector<128x128xf32>
    %dot_general3A = arith.constant dense<0.000000e+00> : vector<512x128xf32>
    %dot_general3A_27 = tpu.matmul %add3A_18, %get3A_26, %dot_general3A {dimension_numbers = #tpu.dot_dimension_numbers<[1], [0], [0], [1], [0, 0, 1, 1], [], []>, transpose_lhs_hint = false} : vector<512x128xf32>, vector<128x128xf32>, vector<512x128xf32> -> vector<512x128xf32>
    %get3A_28 = arith.constant 0 : index
    %get3A_29 = arith.constant 0 : index
    %get3A_30 = vector.load %arg7[%get3A_28, %get3A_29] : memref<1x128xf32, #tpu.memory_space<vmem>>, vector<1x128xf32>
    %add3A_31 = vector.broadcast %get3A_30 : vector<1x128xf32> to vector<512x128xf32>
    %add3A_32 = arith.addf %dot_general3A_27, %add3A_31 : vector<512x128xf32>
    %swap3A_33 = arith.constant 0 : index
    %swap3A_34 = arith.constant 0 : index
    %swap3A_35 = arith.constant 0 : index
    %swap3A_36 = vector.load %arg9[%swap3A_33, %swap3A_34, %swap3A_35] : memref<1x512x128xf32, #tpu.memory_space<vmem>>, vector<1x512x128xf32>
    %swap3A_37 = vector.shape_cast %swap3A_36 : vector<1x512x128xf32> to vector<512x128xf32>
    %swap3A_38 = vector.shape_cast %add3A_32 : vector<512x128xf32> to vector<1x512x128xf32>
    tpu.vector_store %arg9[%swap3A_33, %swap3A_34, %swap3A_35], %swap3A_38 {strides = array<i32>} : memref<1x512x128xf32, #tpu.memory_space<vmem>>, vector<1x512x128xf32>,
    %get3A_39 = arith.constant 0 : index
    %get3A_40 = arith.constant 0 : index
    %get3A_41 = vector.load %arg6[%get3A_39, %get3A_40] : memref<128x128xf32, #tpu.memory_space<vmem>>, vector<128x128xf32>
    %dot_general3A_42 = arith.constant dense<0.000000e+00> : vector<512x128xf32>
    %dot_general3A_43 = tpu.matmul %add3A_18, %get3A_41, %dot_general3A_42 {dimension_numbers = #tpu.dot_dimension_numbers<[1], [0], [0], [1], [0, 0, 1, 1], [], []>, transpose_lhs_hint = false} : vector<512x128xf32>, vector<128x128xf32>, vector<512x128xf32> -> vector<512x128xf32>
    %swap3A_44 = arith.constant 0 : index
    %swap3A_45 = arith.constant 0 : index
    %swap3A_46 = arith.constant 0 : index
    %swap3A_47 = vector.load %arg10[%swap3A_44, %swap3A_45, %swap3A_46] : memref<1x512x128xf32, #tpu.memory_space<vmem>>, vector<1x512x128xf32>
    %swap3A_48 = vector.shape_cast %swap3A_47 : vector<1x512x128xf32> to vector<512x128xf32>
    %swap3A_49 = vector.shape_cast %dot_general3A_43 : vector<512x128xf32> to vector<1x512x128xf32>
    tpu.vector_store %arg10[%swap3A_44, %swap3A_45, %swap3A_46], %swap3A_49 {strides = array<i32>} : memref<1x512x128xf32, #tpu.memory_space<vmem>>, vector<1x512x128xf32>,
    return
  }
  func.func @transform_0(%arg0: i32, %arg1: i32) -> (i32, i32, i32) {
    %c0_i32 = arith.constant 0 : i32
    %c0_i32_0 = arith.constant 0 : i32
    return %arg0, %arg1, %c0_i32 : i32, i32, i32
  }
  func.func @transform_1(%arg0: i32, %arg1: i32) -> (i32, i32, i32) {
    %c0_i32 = arith.constant 0 : i32
    %c0_i32_0 = arith.constant 0 : i32
    %c0_i32_1 = arith.constant 0 : i32
    return %arg0, %c0_i32, %c0_i32_0 : i32, i32, i32
  }
  func.func @transform_2(%arg0: i32, %arg1: i32) -> (i32, i32, i32) {
    %c0_i32 = arith.constant 0 : i32
    %c0_i32_0 = arith.constant 0 : i32
    %c0_i32_1 = arith.constant 0 : i32
    return %arg0, %c0_i32, %c0_i32_0 : i32, i32, i32
  }
  func.func @transform_3(%arg0: i32, %arg1: i32) -> (i32, i32) {
    %c0_i32 = arith.constant 0 : i32
    %c0_i32_0 = arith.constant 0 : i32
    %c0_i32_1 = arith.constant 0 : i32
    return %c0_i32, %c0_i32_0 : i32, i32
  }
  func.func @transform_4(%arg0: i32, %arg1: i32) -> (i32, i32) {
    %c0_i32 = arith.constant 0 : i32
    %c0_i32_0 = arith.constant 0 : i32
    %c0_i32_1 = arith.constant 0 : i32
    return %c0_i32, %c0_i32_0 : i32, i32
  }
  func.func @transform_5(%arg0: i32, %arg1: i32) -> (i32, i32) {
    %c0_i32 = arith.constant 0 : i32
    %c0_i32_0 = arith.constant 0 : i32
    %c0_i32_1 = arith.constant 0 : i32
    return %c0_i32, %c0_i32_0 : i32, i32
  }
  func.func @transform_6(%arg0: i32, %arg1: i32) -> (i32, i32, i32) {
    %c0_i32 = arith.constant 0 : i32
    %c0_i32_0 = arith.constant 0 : i32
    return %arg0, %arg1, %c0_i32 : i32, i32, i32
  }
  func.func @transform_7(%arg0: i32, %arg1: i32) -> (i32, i32, i32) {
    %c0_i32 = arith.constant 0 : i32
    %c0_i32_0 = arith.constant 0 : i32
    return %arg0, %arg1, %c0_i32 : i32, i32, i32
  }
  func.func @transform_8(%arg0: i32, %arg1: i32) -> (i32, i32, i32) {
    %c0_i32 = arith.constant 0 : i32
    %c0_i32_0 = arith.constant 0 : i32
    return %arg0, %arg1, %c0_i32 : i32, i32, i32
  }
}

module attributes {stable_mosaic.version = 14 : i64} {
  func.func @_main_body(%arg0: i32, %arg1: i32, %arg2: memref<1x128x128xf32, #tpu.memory_space<vmem>>, %arg3: memref<1x128x128xf32, #tpu.memory_space<vmem>>, %arg4: memref<1x4096x128xf32, #tpu.memory_space<vmem>>, %arg5: memref<1x4096x1xf32, #tpu.memory_space<vmem>>, %arg6: memref<1x4096x1xi32, #tpu.memory_space<vmem>>, %arg7: memref<81x128xf32, #tpu.memory_space<vmem>>, %arg8: memref<128x128xf32, #tpu.memory_space<vmem>>, %arg9: memref<1x128xf32, #tpu.memory_space<vmem>>, %arg10: memref<128x128xf32, #tpu.memory_space<vmem>>, %arg11: memref<1x128xf32, #tpu.memory_space<vmem>>, %arg12: memref<128x512xf32, #tpu.memory_space<vmem>>, %arg13: memref<1x512xf32, #tpu.memory_space<vmem>>, %arg14: memref<512x128xf32, #tpu.memory_space<vmem>>, %arg15: memref<1x128xf32, #tpu.memory_space<vmem>>, %arg16: memref<1x128x128xf32, #tpu.memory_space<vmem>>) attributes {dimension_semantics = [#tpu.dimension_semantics<arbitrary>, #tpu.dimension_semantics<arbitrary>], iteration_bounds = array<i64: 2, 16>, scalar_prefetch = 0 : i64, scratch_operands = 0 : i64, tpu.core_type = #tpu.core_type<tc>, window_params = [{transform_indices = @transform_0, window_bounds = array<i64: 1, 128, 128>}, {transform_indices = @transform_1, window_bounds = array<i64: 1, 128, 128>}, {transform_indices = @transform_2, window_bounds = array<i64: 1, 4096, 128>}, {transform_indices = @transform_3, window_bounds = array<i64: 1, 4096, 1>}, {transform_indices = @transform_4, window_bounds = array<i64: 1, 4096, 1>}, {pipeline_mode = #tpu.pipeline_mode<synchronous>, transform_indices = @transform_5, window_bounds = array<i64: 81, 128>}, {pipeline_mode = #tpu.pipeline_mode<synchronous>, transform_indices = @transform_6, window_bounds = array<i64: 128, 128>}, {pipeline_mode = #tpu.pipeline_mode<synchronous>, transform_indices = @transform_7, window_bounds = array<i64: 1, 128>}, {pipeline_mode = #tpu.pipeline_mode<synchronous>, transform_indices = @transform_8, window_bounds = array<i64: 128, 128>}, {pipeline_mode = #tpu.pipeline_mode<synchronous>, transform_indices = @transform_9, window_bounds = array<i64: 1, 128>}, {pipeline_mode = #tpu.pipeline_mode<synchronous>, transform_indices = @transform_10, window_bounds = array<i64: 128, 512>}, {pipeline_mode = #tpu.pipeline_mode<synchronous>, transform_indices = @transform_11, window_bounds = array<i64: 1, 512>}, {pipeline_mode = #tpu.pipeline_mode<synchronous>, transform_indices = @transform_12, window_bounds = array<i64: 512, 128>}, {pipeline_mode = #tpu.pipeline_mode<synchronous>, transform_indices = @transform_13, window_bounds = array<i64: 1, 128>}, {transform_indices = @transform_14, window_bounds = array<i64: 1, 128, 128>}]} {
    %get3A = arith.constant 0 : index
    %get3A_0 = arith.constant 0 : index
    %get3A_1 = arith.constant 0 : index
    %get3A_2 = vector.load %arg5[%get3A, %get3A_0, %get3A_1] : memref<1x4096x1xf32, #tpu.memory_space<vmem>>, vector<1x4096x1xf32>
    %get3A_3 = vector.shape_cast %get3A_2 : vector<1x4096x1xf32> to vector<4096x1xf32>
    %iota3A = tpu.iota {dimensions = array<i32: 1>} : vector<1x16xi32>
    %convert_element_type3A = arith.sitofp %iota3A : vector<1x16xi32> to vector<1x16xf32>
    %mul3A = arith.constant 1.33333337 : f32
    %mul3A_4 = vector.broadcast %mul3A : f32 to vector<1x16xf32>
    %mul3A_5 = arith.mulf %convert_element_type3A, %mul3A_4 : vector<1x16xf32>
    %add3A = arith.constant 2.000000e+00 : f32
    %add3A_6 = vector.broadcast %add3A : f32 to vector<1x16xf32>
    %add3A_7 = arith.addf %add3A_6, %mul3A_5 : vector<1x16xf32>
    %sub3A = vector.broadcast %get3A_3 : vector<4096x1xf32> to vector<4096x16xf32>
    %sub3A_8 = vector.broadcast %add3A_7 : vector<1x16xf32> to vector<4096x16xf32>
    %sub3A_9 = arith.subf %sub3A, %sub3A_8 : vector<4096x16xf32>
    %div3A = arith.constant 1.250000e+00 : f32
    %div3A_10 = vector.broadcast %div3A : f32 to vector<4096x16xf32>
    %div3A_11 = arith.divf %sub3A_9, %div3A_10 : vector<4096x16xf32>
    %mul3A_12 = arith.mulf %div3A_11, %div3A_11 : vector<4096x16xf32>
    %neg3A = arith.constant 0.000000e+00 : f32
    %neg3A_13 = vector.broadcast %neg3A : f32 to vector<4096x16xf32>
    %neg3A_14 = arith.subf %neg3A_13, %mul3A_12 : vector<4096x16xf32>
    %exp3A = math.exp %neg3A_14 : vector<4096x16xf32>
    %iota3A_15 = tpu.iota {dimensions = array<i32: 1>} : vector<1x65xi32>
    %get3A_16 = arith.constant 0 : index
    %get3A_17 = arith.constant 0 : index
    %get3A_18 = arith.constant 0 : index
    %get3A_19 = vector.load %arg6[%get3A_16, %get3A_17, %get3A_18] : memref<1x4096x1xi32, #tpu.memory_space<vmem>>, vector<1x4096x1xi32>
    %get3A_20 = vector.shape_cast %get3A_19 : vector<1x4096x1xi32> to vector<4096x1xi32>
    %eq3A = vector.broadcast %get3A_20 : vector<4096x1xi32> to vector<4096x65xi32>
    %eq3A_21 = vector.broadcast %iota3A_15 : vector<1x65xi32> to vector<4096x65xi32>
    %eq3A_22 = arith.cmpi eq, %eq3A, %eq3A_21 : vector<4096x65xi32>
    %convert_element_type3A_23 = arith.extui %eq3A_22 : vector<4096x65xi1> to vector<4096x65xi32>
    %convert_element_type3A_24 = arith.sitofp %convert_element_type3A_23 : vector<4096x65xi32> to vector<4096x65xf32>
    %concatenate3A = tpu.concatenate %exp3A, %convert_element_type3A_24 in 1 : vector<4096x16xf32>, vector<4096x65xf32> -> vector<4096x81xf32>
    %get3A_25 = arith.constant 0 : index
    %get3A_26 = arith.constant 0 : index
    %get3A_27 = vector.load %arg7[%get3A_25, %get3A_26] : memref<81x128xf32, #tpu.memory_space<vmem>>, vector<81x128xf32>
    %dot_general3A = arith.constant dense<0.000000e+00> : vector<4096x128xf32>
    %dot_general3A_28 = tpu.matmul %concatenate3A, %get3A_27, %dot_general3A {dimension_numbers = #tpu.dot_dimension_numbers<[1], [0], [0], [1], [0, 0, 1, 1], [], []>, transpose_lhs_hint = false} : vector<4096x81xf32>, vector<81x128xf32>, vector<4096x128xf32> -> vector<4096x128xf32>
    %get3A_29 = arith.constant 0 : index
    %get3A_30 = arith.constant 0 : index
    %get3A_31 = arith.constant 0 : index
    %get3A_32 = vector.load %arg3[%get3A_29, %get3A_30, %get3A_31] : memref<1x128x128xf32, #tpu.memory_space<vmem>>, vector<1x128x128xf32>
    %get3A_33 = vector.shape_cast %get3A_32 : vector<1x128x128xf32> to vector<128x128xf32>
    %broadcast_in_dim3A = vector.shape_cast %get3A_33 : vector<128x128xf32> to vector<128x1x128xf32>
    %broadcast_in_dim3A_34 = vector.shape_cast %broadcast_in_dim3A : vector<128x1x128xf32> to vector<128x1x128xf32>
    %broadcast_in_dim3A_35 = vector.broadcast %broadcast_in_dim3A_34 : vector<128x1x128xf32> to vector<128x32x128xf32>
    %reshape3A = vector.shape_cast %broadcast_in_dim3A_35 : vector<128x32x128xf32> to vector<4096x128xf32>
    %get3A_36 = arith.constant 0 : index
    %get3A_37 = arith.constant 0 : index
    %get3A_38 = arith.constant 0 : index
    %get3A_39 = vector.load %arg4[%get3A_36, %get3A_37, %get3A_38] : memref<1x4096x128xf32, #tpu.memory_space<vmem>>, vector<1x4096x128xf32>
    %get3A_40 = vector.shape_cast %get3A_39 : vector<1x4096x128xf32> to vector<4096x128xf32>
    %add3A_41 = arith.addf %reshape3A, %get3A_40 : vector<4096x128xf32>
    %add3A_42 = arith.addf %add3A_41, %dot_general3A_28 : vector<4096x128xf32>
    %integer_pow3A = arith.mulf %add3A_42, %add3A_42 : vector<4096x128xf32>
    %integer_pow3A_43 = arith.mulf %add3A_42, %integer_pow3A : vector<4096x128xf32>
    %mul3A_44 = arith.constant 4.471500e-02 : f32
    %mul3A_45 = vector.broadcast %mul3A_44 : f32 to vector<4096x128xf32>
    %mul3A_46 = arith.mulf %mul3A_45, %integer_pow3A_43 : vector<4096x128xf32>
    %add3A_47 = arith.addf %add3A_42, %mul3A_46 : vector<4096x128xf32>
    %mul3A_48 = arith.constant 0.797884583 : f32
    %mul3A_49 = vector.broadcast %mul3A_48 : f32 to vector<4096x128xf32>
    %mul3A_50 = arith.mulf %mul3A_49, %add3A_47 : vector<4096x128xf32>
    %tanh3A = math.tanh %mul3A_50 : vector<4096x128xf32>
    %add3A_51 = arith.constant 1.000000e+00 : f32
    %add3A_52 = vector.broadcast %add3A_51 : f32 to vector<4096x128xf32>
    %add3A_53 = arith.addf %add3A_52, %tanh3A : vector<4096x128xf32>
    %mul3A_54 = arith.constant 5.000000e-01 : f32
    %mul3A_55 = vector.broadcast %mul3A_54 : f32 to vector<4096x128xf32>
    %mul3A_56 = arith.mulf %mul3A_55, %add3A_53 : vector<4096x128xf32>
    %mul3A_57 = arith.mulf %add3A_42, %mul3A_56 : vector<4096x128xf32>
    %get3A_58 = arith.constant 0 : index
    %get3A_59 = arith.constant 0 : index
    %get3A_60 = vector.load %arg8[%get3A_58, %get3A_59] : memref<128x128xf32, #tpu.memory_space<vmem>>, vector<128x128xf32>
    %dot_general3A_61 = arith.constant dense<0.000000e+00> : vector<4096x128xf32>
    %dot_general3A_62 = tpu.matmul %mul3A_57, %get3A_60, %dot_general3A_61 {dimension_numbers = #tpu.dot_dimension_numbers<[1], [0], [0], [1], [0, 0, 1, 1], [], []>, transpose_lhs_hint = false} : vector<4096x128xf32>, vector<128x128xf32>, vector<4096x128xf32> -> vector<4096x128xf32>
    %get3A_63 = arith.constant 0 : index
    %get3A_64 = arith.constant 0 : index
    %get3A_65 = vector.load %arg9[%get3A_63, %get3A_64] : memref<1x128xf32, #tpu.memory_space<vmem>>, vector<1x128xf32>
    %add3A_66 = vector.broadcast %get3A_65 : vector<1x128xf32> to vector<4096x128xf32>
    %add3A_67 = arith.addf %dot_general3A_62, %add3A_66 : vector<4096x128xf32>
    %integer_pow3A_68 = arith.mulf %add3A_67, %add3A_67 : vector<4096x128xf32>
    %integer_pow3A_69 = arith.mulf %add3A_67, %integer_pow3A_68 : vector<4096x128xf32>
    %mul3A_70 = arith.constant 4.471500e-02 : f32
    %mul3A_71 = vector.broadcast %mul3A_70 : f32 to vector<4096x128xf32>
    %mul3A_72 = arith.mulf %mul3A_71, %integer_pow3A_69 : vector<4096x128xf32>
    %add3A_73 = arith.addf %add3A_67, %mul3A_72 : vector<4096x128xf32>
    %mul3A_74 = arith.constant 0.797884583 : f32
    %mul3A_75 = vector.broadcast %mul3A_74 : f32 to vector<4096x128xf32>
    %mul3A_76 = arith.mulf %mul3A_75, %add3A_73 : vector<4096x128xf32>
    %tanh3A_77 = math.tanh %mul3A_76 : vector<4096x128xf32>
    %add3A_78 = arith.constant 1.000000e+00 : f32
    %add3A_79 = vector.broadcast %add3A_78 : f32 to vector<4096x128xf32>
    %add3A_80 = arith.addf %add3A_79, %tanh3A_77 : vector<4096x128xf32>
    %mul3A_81 = arith.constant 5.000000e-01 : f32
    %mul3A_82 = vector.broadcast %mul3A_81 : f32 to vector<4096x128xf32>
    %mul3A_83 = arith.mulf %mul3A_82, %add3A_80 : vector<4096x128xf32>
    %mul3A_84 = arith.mulf %add3A_67, %mul3A_83 : vector<4096x128xf32>
    %reshape3A_85 = vector.shape_cast %mul3A_84 : vector<4096x128xf32> to vector<128x32x128xf32>
    %reduce_sum3A = arith.constant dense<0.000000e+00> : vector<128x128xf32>
    %reduce_sum3A_86 = vector.multi_reduction <add>, %reshape3A_85, %reduce_sum3A [1] : vector<128x32x128xf32> to vector<128x128xf32>
    %mul3A_87 = arith.constant 3.125000e-02 : f32
    %mul3A_88 = vector.broadcast %mul3A_87 : f32 to vector<128x128xf32>
    %mul3A_89 = arith.mulf %reduce_sum3A_86, %mul3A_88 : vector<128x128xf32>
    %get3A_90 = arith.constant 0 : index
    %get3A_91 = arith.constant 0 : index
    %get3A_92 = vector.load %arg10[%get3A_90, %get3A_91] : memref<128x128xf32, #tpu.memory_space<vmem>>, vector<128x128xf32>
    %dot_general3A_93 = arith.constant dense<0.000000e+00> : vector<128x128xf32>
    %dot_general3A_94 = tpu.matmul %mul3A_89, %get3A_92, %dot_general3A_93 {dimension_numbers = #tpu.dot_dimension_numbers<[1], [0], [0], [1], [0, 0, 1, 1], [], []>, transpose_lhs_hint = false} : vector<128x128xf32>, vector<128x128xf32>, vector<128x128xf32> -> vector<128x128xf32>
    %get3A_95 = arith.constant 0 : index
    %get3A_96 = arith.constant 0 : index
    %get3A_97 = vector.load %arg11[%get3A_95, %get3A_96] : memref<1x128xf32, #tpu.memory_space<vmem>>, vector<1x128xf32>
    %add3A_98 = vector.broadcast %get3A_97 : vector<1x128xf32> to vector<128x128xf32>
    %add3A_99 = arith.addf %dot_general3A_94, %add3A_98 : vector<128x128xf32>
    %get3A_100 = arith.constant 0 : index
    %get3A_101 = arith.constant 0 : index
    %get3A_102 = arith.constant 0 : index
    %get3A_103 = vector.load %arg2[%get3A_100, %get3A_101, %get3A_102] : memref<1x128x128xf32, #tpu.memory_space<vmem>>, vector<1x128x128xf32>
    %get3A_104 = vector.shape_cast %get3A_103 : vector<1x128x128xf32> to vector<128x128xf32>
    %add3A_105 = arith.addf %get3A_104, %add3A_99 : vector<128x128xf32>
    %reduce_sum3A_106 = arith.constant dense<0.000000e+00> : vector<128xf32>
    %reduce_sum3A_107 = vector.multi_reduction <add>, %add3A_105, %reduce_sum3A_106 [1] : vector<128x128xf32> to vector<128xf32>
    %broadcast_in_dim3A_108 = vector.shape_cast %reduce_sum3A_107 : vector<128xf32> to vector<128x1xf32>
    %div3A_109 = arith.constant 1.280000e+02 : f32
    %div3A_110 = vector.broadcast %div3A_109 : f32 to vector<128x1xf32>
    %div3A_111 = arith.divf %broadcast_in_dim3A_108, %div3A_110 : vector<128x1xf32>
    %sub3A_112 = vector.broadcast %div3A_111 : vector<128x1xf32> to vector<128x128xf32>
    %sub3A_113 = arith.subf %add3A_105, %sub3A_112 : vector<128x128xf32>
    %mul3A_114 = arith.mulf %sub3A_113, %sub3A_113 : vector<128x128xf32>
    %reduce_sum3A_115 = arith.constant dense<0.000000e+00> : vector<128xf32>
    %reduce_sum3A_116 = vector.multi_reduction <add>, %mul3A_114, %reduce_sum3A_115 [1] : vector<128x128xf32> to vector<128xf32>
    %broadcast_in_dim3A_117 = vector.shape_cast %reduce_sum3A_116 : vector<128xf32> to vector<128x1xf32>
    %div3A_118 = arith.constant 1.280000e+02 : f32
    %div3A_119 = vector.broadcast %div3A_118 : f32 to vector<128x1xf32>
    %div3A_120 = arith.divf %broadcast_in_dim3A_117, %div3A_119 : vector<128x1xf32>
    %add3A_121 = arith.constant 9.99999974E-6 : f32
    %add3A_122 = vector.broadcast %add3A_121 : f32 to vector<128x1xf32>
    %add3A_123 = arith.addf %div3A_120, %add3A_122 : vector<128x1xf32>
    %sqrt3A = math.sqrt %add3A_123 : vector<128x1xf32>
    %div3A_124 = vector.broadcast %sqrt3A : vector<128x1xf32> to vector<128x128xf32>
    %div3A_125 = arith.divf %sub3A_113, %div3A_124 : vector<128x128xf32>
    %get3A_126 = arith.constant 0 : index
    %get3A_127 = arith.constant 0 : index
    %get3A_128 = vector.load %arg12[%get3A_126, %get3A_127] : memref<128x512xf32, #tpu.memory_space<vmem>>, vector<128x512xf32>
    %dot_general3A_129 = arith.constant dense<0.000000e+00> : vector<128x512xf32>
    %dot_general3A_130 = tpu.matmul %div3A_125, %get3A_128, %dot_general3A_129 {dimension_numbers = #tpu.dot_dimension_numbers<[1], [0], [0], [1], [0, 0, 1, 1], [], []>, transpose_lhs_hint = false} : vector<128x128xf32>, vector<128x512xf32>, vector<128x512xf32> -> vector<128x512xf32>
    %get3A_131 = arith.constant 0 : index
    %get3A_132 = arith.constant 0 : index
    %get3A_133 = vector.load %arg13[%get3A_131, %get3A_132] : memref<1x512xf32, #tpu.memory_space<vmem>>, vector<1x512xf32>
    %add3A_134 = vector.broadcast %get3A_133 : vector<1x512xf32> to vector<128x512xf32>
    %add3A_135 = arith.addf %dot_general3A_130, %add3A_134 : vector<128x512xf32>
    %integer_pow3A_136 = arith.mulf %add3A_135, %add3A_135 : vector<128x512xf32>
    %integer_pow3A_137 = arith.mulf %add3A_135, %integer_pow3A_136 : vector<128x512xf32>
    %mul3A_138 = arith.constant 4.471500e-02 : f32
    %mul3A_139 = vector.broadcast %mul3A_138 : f32 to vector<128x512xf32>
    %mul3A_140 = arith.mulf %mul3A_139, %integer_pow3A_137 : vector<128x512xf32>
    %add3A_141 = arith.addf %add3A_135, %mul3A_140 : vector<128x512xf32>
    %mul3A_142 = arith.constant 0.797884583 : f32
    %mul3A_143 = vector.broadcast %mul3A_142 : f32 to vector<128x512xf32>
    %mul3A_144 = arith.mulf %mul3A_143, %add3A_141 : vector<128x512xf32>
    %tanh3A_145 = math.tanh %mul3A_144 : vector<128x512xf32>
    %add3A_146 = arith.constant 1.000000e+00 : f32
    %add3A_147 = vector.broadcast %add3A_146 : f32 to vector<128x512xf32>
    %add3A_148 = arith.addf %add3A_147, %tanh3A_145 : vector<128x512xf32>
    %mul3A_149 = arith.constant 5.000000e-01 : f32
    %mul3A_150 = vector.broadcast %mul3A_149 : f32 to vector<128x512xf32>
    %mul3A_151 = arith.mulf %mul3A_150, %add3A_148 : vector<128x512xf32>
    %mul3A_152 = arith.mulf %add3A_135, %mul3A_151 : vector<128x512xf32>
    %get3A_153 = arith.constant 0 : index
    %get3A_154 = arith.constant 0 : index
    %get3A_155 = vector.load %arg14[%get3A_153, %get3A_154] : memref<512x128xf32, #tpu.memory_space<vmem>>, vector<512x128xf32>
    %dot_general3A_156 = arith.constant dense<0.000000e+00> : vector<128x128xf32>
    %dot_general3A_157 = tpu.matmul %mul3A_152, %get3A_155, %dot_general3A_156 {dimension_numbers = #tpu.dot_dimension_numbers<[1], [0], [0], [1], [0, 0, 1, 1], [], []>, transpose_lhs_hint = false} : vector<128x512xf32>, vector<512x128xf32>, vector<128x128xf32> -> vector<128x128xf32>
    %get3A_158 = arith.constant 0 : index
    %get3A_159 = arith.constant 0 : index
    %get3A_160 = vector.load %arg15[%get3A_158, %get3A_159] : memref<1x128xf32, #tpu.memory_space<vmem>>, vector<1x128xf32>
    %add3A_161 = vector.broadcast %get3A_160 : vector<1x128xf32> to vector<128x128xf32>
    %add3A_162 = arith.addf %dot_general3A_157, %add3A_161 : vector<128x128xf32>
    %add3A_163 = arith.addf %div3A_125, %add3A_162 : vector<128x128xf32>
    %reduce_sum3A_164 = arith.constant dense<0.000000e+00> : vector<128xf32>
    %reduce_sum3A_165 = vector.multi_reduction <add>, %add3A_163, %reduce_sum3A_164 [1] : vector<128x128xf32> to vector<128xf32>
    %broadcast_in_dim3A_166 = vector.shape_cast %reduce_sum3A_165 : vector<128xf32> to vector<128x1xf32>
    %div3A_167 = arith.constant 1.280000e+02 : f32
    %div3A_168 = vector.broadcast %div3A_167 : f32 to vector<128x1xf32>
    %div3A_169 = arith.divf %broadcast_in_dim3A_166, %div3A_168 : vector<128x1xf32>
    %sub3A_170 = vector.broadcast %div3A_169 : vector<128x1xf32> to vector<128x128xf32>
    %sub3A_171 = arith.subf %add3A_163, %sub3A_170 : vector<128x128xf32>
    %mul3A_172 = arith.mulf %sub3A_171, %sub3A_171 : vector<128x128xf32>
    %reduce_sum3A_173 = arith.constant dense<0.000000e+00> : vector<128xf32>
    %reduce_sum3A_174 = vector.multi_reduction <add>, %mul3A_172, %reduce_sum3A_173 [1] : vector<128x128xf32> to vector<128xf32>
    %broadcast_in_dim3A_175 = vector.shape_cast %reduce_sum3A_174 : vector<128xf32> to vector<128x1xf32>
    %div3A_176 = arith.constant 1.280000e+02 : f32
    %div3A_177 = vector.broadcast %div3A_176 : f32 to vector<128x1xf32>
    %div3A_178 = arith.divf %broadcast_in_dim3A_175, %div3A_177 : vector<128x1xf32>
    %add3A_179 = arith.constant 9.99999974E-6 : f32
    %add3A_180 = vector.broadcast %add3A_179 : f32 to vector<128x1xf32>
    %add3A_181 = arith.addf %div3A_178, %add3A_180 : vector<128x1xf32>
    %sqrt3A_182 = math.sqrt %add3A_181 : vector<128x1xf32>
    %div3A_183 = vector.broadcast %sqrt3A_182 : vector<128x1xf32> to vector<128x128xf32>
    %div3A_184 = arith.divf %sub3A_171, %div3A_183 : vector<128x128xf32>
    %swap3A = arith.constant 0 : index
    %swap3A_185 = arith.constant 0 : index
    %swap3A_186 = arith.constant 0 : index
    %swap3A_187 = vector.load %arg16[%swap3A, %swap3A_185, %swap3A_186] : memref<1x128x128xf32, #tpu.memory_space<vmem>>, vector<1x128x128xf32>
    %swap3A_188 = vector.shape_cast %swap3A_187 : vector<1x128x128xf32> to vector<128x128xf32>
    %swap3A_189 = vector.shape_cast %div3A_184 : vector<128x128xf32> to vector<1x128x128xf32>
    tpu.vector_store %arg16[%swap3A, %swap3A_185, %swap3A_186], %swap3A_189 {strides = array<i32>} : memref<1x128x128xf32, #tpu.memory_space<vmem>>, vector<1x128x128xf32>,
    return
  }
  func.func @transform_0(%arg0: i32, %arg1: i32) -> (i32, i32, i32) {
    %c0_i32 = arith.constant 0 : i32
    %c0_i32_0 = arith.constant 0 : i32
    return %arg0, %arg1, %c0_i32 : i32, i32, i32
  }
  func.func @transform_1(%arg0: i32, %arg1: i32) -> (i32, i32, i32) {
    %c0_i32 = arith.constant 0 : i32
    %c0_i32_0 = arith.constant 0 : i32
    return %arg0, %arg1, %c0_i32 : i32, i32, i32
  }
  func.func @transform_2(%arg0: i32, %arg1: i32) -> (i32, i32, i32) {
    %c0_i32 = arith.constant 0 : i32
    %c0_i32_0 = arith.constant 0 : i32
    return %arg0, %arg1, %c0_i32 : i32, i32, i32
  }
  func.func @transform_3(%arg0: i32, %arg1: i32) -> (i32, i32, i32) {
    %c0_i32 = arith.constant 0 : i32
    %c0_i32_0 = arith.constant 0 : i32
    return %arg0, %arg1, %c0_i32 : i32, i32, i32
  }
  func.func @transform_4(%arg0: i32, %arg1: i32) -> (i32, i32, i32) {
    %c0_i32 = arith.constant 0 : i32
    %c0_i32_0 = arith.constant 0 : i32
    return %arg0, %arg1, %c0_i32 : i32, i32, i32
  }
  func.func @transform_5(%arg0: i32, %arg1: i32) -> (i32, i32) {
    %c0_i32 = arith.constant 0 : i32
    %c0_i32_0 = arith.constant 0 : i32
    %c0_i32_1 = arith.constant 0 : i32
    return %c0_i32, %c0_i32_0 : i32, i32
  }
  func.func @transform_6(%arg0: i32, %arg1: i32) -> (i32, i32) {
    %c0_i32 = arith.constant 0 : i32
    %c0_i32_0 = arith.constant 0 : i32
    %c0_i32_1 = arith.constant 0 : i32
    return %c0_i32, %c0_i32_0 : i32, i32
  }
  func.func @transform_7(%arg0: i32, %arg1: i32) -> (i32, i32) {
    %c0_i32 = arith.constant 0 : i32
    %c0_i32_0 = arith.constant 0 : i32
    %c0_i32_1 = arith.constant 0 : i32
    return %c0_i32, %c0_i32_0 : i32, i32
  }
  func.func @transform_8(%arg0: i32, %arg1: i32) -> (i32, i32) {
    %c0_i32 = arith.constant 0 : i32
    %c0_i32_0 = arith.constant 0 : i32
    %c0_i32_1 = arith.constant 0 : i32
    return %c0_i32, %c0_i32_0 : i32, i32
  }
  func.func @transform_9(%arg0: i32, %arg1: i32) -> (i32, i32) {
    %c0_i32 = arith.constant 0 : i32
    %c0_i32_0 = arith.constant 0 : i32
    %c0_i32_1 = arith.constant 0 : i32
    return %c0_i32, %c0_i32_0 : i32, i32
  }
  func.func @transform_10(%arg0: i32, %arg1: i32) -> (i32, i32) {
    %c0_i32 = arith.constant 0 : i32
    %c0_i32_0 = arith.constant 0 : i32
    %c0_i32_1 = arith.constant 0 : i32
    return %c0_i32, %c0_i32_0 : i32, i32
  }
  func.func @transform_11(%arg0: i32, %arg1: i32) -> (i32, i32) {
    %c0_i32 = arith.constant 0 : i32
    %c0_i32_0 = arith.constant 0 : i32
    %c0_i32_1 = arith.constant 0 : i32
    return %c0_i32, %c0_i32_0 : i32, i32
  }
  func.func @transform_12(%arg0: i32, %arg1: i32) -> (i32, i32) {
    %c0_i32 = arith.constant 0 : i32
    %c0_i32_0 = arith.constant 0 : i32
    %c0_i32_1 = arith.constant 0 : i32
    return %c0_i32, %c0_i32_0 : i32, i32
  }
  func.func @transform_13(%arg0: i32, %arg1: i32) -> (i32, i32) {
    %c0_i32 = arith.constant 0 : i32
    %c0_i32_0 = arith.constant 0 : i32
    %c0_i32_1 = arith.constant 0 : i32
    return %c0_i32, %c0_i32_0 : i32, i32
  }
  func.func @transform_14(%arg0: i32, %arg1: i32) -> (i32, i32, i32) {
    %c0_i32 = arith.constant 0 : i32
    %c0_i32_0 = arith.constant 0 : i32
    return %arg0, %arg1, %c0_i32 : i32, i32, i32
  }
}

module attributes {stable_mosaic.version = 14 : i64} {
  func.func @_proj_body(%arg0: i32, %arg1: i32, %arg2: memref<1x512x128xf32, #tpu.memory_space<vmem>>, %arg3: memref<128x21xf32, #tpu.memory_space<vmem>>, %arg4: memref<1x21xf32, #tpu.memory_space<vmem>>, %arg5: memref<1x512x21xf32, #tpu.memory_space<vmem>>) attributes {dimension_semantics = [#tpu.dimension_semantics<arbitrary>, #tpu.dimension_semantics<arbitrary>], iteration_bounds = array<i64: 2, 4>, scalar_prefetch = 0 : i64, scratch_operands = 0 : i64, tpu.core_type = #tpu.core_type<tc>, window_params = [{transform_indices = @transform_0, window_bounds = array<i64: 1, 512, 128>}, {pipeline_mode = #tpu.pipeline_mode<synchronous>, transform_indices = @transform_1, window_bounds = array<i64: 128, 21>}, {pipeline_mode = #tpu.pipeline_mode<synchronous>, transform_indices = @transform_2, window_bounds = array<i64: 1, 21>}, {transform_indices = @transform_3, window_bounds = array<i64: 1, 512, 21>}]} {
    %get3A = arith.constant 0 : index
    %get3A_0 = arith.constant 0 : index
    %get3A_1 = arith.constant 0 : index
    %get3A_2 = vector.load %arg2[%get3A, %get3A_0, %get3A_1] : memref<1x512x128xf32, #tpu.memory_space<vmem>>, vector<1x512x128xf32>
    %get3A_3 = vector.shape_cast %get3A_2 : vector<1x512x128xf32> to vector<512x128xf32>
    %get3A_4 = arith.constant 0 : index
    %get3A_5 = arith.constant 0 : index
    %get3A_6 = vector.load %arg3[%get3A_4, %get3A_5] : memref<128x21xf32, #tpu.memory_space<vmem>>, vector<128x21xf32>
    %dot_general3A = arith.constant dense<0.000000e+00> : vector<512x21xf32>
    %dot_general3A_7 = tpu.matmul %get3A_3, %get3A_6, %dot_general3A {dimension_numbers = #tpu.dot_dimension_numbers<[1], [0], [0], [1], [0, 0, 1, 1], [], []>, transpose_lhs_hint = false} : vector<512x128xf32>, vector<128x21xf32>, vector<512x21xf32> -> vector<512x21xf32>
    %get3A_8 = arith.constant 0 : index
    %get3A_9 = arith.constant 0 : index
    %get3A_10 = vector.load %arg4[%get3A_8, %get3A_9] : memref<1x21xf32, #tpu.memory_space<vmem>>, vector<1x21xf32>
    %add3A = vector.broadcast %get3A_10 : vector<1x21xf32> to vector<512x21xf32>
    %add3A_11 = arith.addf %dot_general3A_7, %add3A : vector<512x21xf32>
    %reduce_max3A = arith.constant dense<0xFF800000> : vector<512xf32>
    %reduce_max3A_12 = vector.multi_reduction <maximumf>, %add3A_11, %reduce_max3A [1] : vector<512x21xf32> to vector<512xf32>
    %broadcast_in_dim3A = vector.shape_cast %reduce_max3A_12 : vector<512xf32> to vector<512x1xf32>
    %sub3A = vector.broadcast %broadcast_in_dim3A : vector<512x1xf32> to vector<512x21xf32>
    %sub3A_13 = arith.subf %add3A_11, %sub3A : vector<512x21xf32>
    %exp3A = math.exp %sub3A_13 : vector<512x21xf32>
    %reduce_sum3A = arith.constant dense<0.000000e+00> : vector<512xf32>
    %reduce_sum3A_14 = vector.multi_reduction <add>, %exp3A, %reduce_sum3A [1] : vector<512x21xf32> to vector<512xf32>
    %broadcast_in_dim3A_15 = vector.shape_cast %reduce_sum3A_14 : vector<512xf32> to vector<512x1xf32>
    %log3A = math.log %broadcast_in_dim3A_15 : vector<512x1xf32>
    %add3A_16 = arith.addf %log3A, %broadcast_in_dim3A : vector<512x1xf32>
    %sub3A_17 = vector.broadcast %add3A_16 : vector<512x1xf32> to vector<512x21xf32>
    %sub3A_18 = arith.subf %add3A_11, %sub3A_17 : vector<512x21xf32>
    %swap3A = arith.constant 0 : index
    %swap3A_19 = arith.constant 0 : index
    %swap3A_20 = arith.constant 0 : index
    %swap3A_21 = vector.load %arg5[%swap3A, %swap3A_19, %swap3A_20] : memref<1x512x21xf32, #tpu.memory_space<vmem>>, vector<1x512x21xf32>
    %swap3A_22 = vector.shape_cast %swap3A_21 : vector<1x512x21xf32> to vector<512x21xf32>
    %swap3A_23 = vector.shape_cast %sub3A_18 : vector<512x21xf32> to vector<1x512x21xf32>
    tpu.vector_store %arg5[%swap3A, %swap3A_19, %swap3A_20], %swap3A_23 {strides = array<i32>} : memref<1x512x21xf32, #tpu.memory_space<vmem>>, vector<1x512x21xf32>,
    return
  }
  func.func @transform_0(%arg0: i32, %arg1: i32) -> (i32, i32, i32) {
    %c0_i32 = arith.constant 0 : i32
    %c0_i32_0 = arith.constant 0 : i32
    return %arg0, %arg1, %c0_i32 : i32, i32, i32
  }
  func.func @transform_1(%arg0: i32, %arg1: i32) -> (i32, i32) {
    %c0_i32 = arith.constant 0 : i32
    %c0_i32_0 = arith.constant 0 : i32
    %c0_i32_1 = arith.constant 0 : i32
    return %c0_i32, %c0_i32_0 : i32, i32
  }
  func.func @transform_2(%arg0: i32, %arg1: i32) -> (i32, i32) {
    %c0_i32 = arith.constant 0 : i32
    %c0_i32_0 = arith.constant 0 : i32
    %c0_i32_1 = arith.constant 0 : i32
    return %c0_i32, %c0_i32_0 : i32, i32
  }
  func.func @transform_3(%arg0: i32, %arg1: i32) -> (i32, i32, i32) {
    %c0_i32 = arith.constant 0 : i32
    %c0_i32_0 = arith.constant 0 : i32
    return %arg0, %arg1, %c0_i32 : i32, i32, i32
  }
}

</mosaic_0001>

<sc_bundles>
// kernel: kernel.12.cloned.1.call-start
scs
__scs_entry_jumppad:
0x0: {  	(pc) =	sbr.rel $0x88, $3  }
0x1: {  	(tag) =	ssettag $0x0;
	lr =	simm.s32 $0x1  }
0x2: {  	[smem:$0x3F8B] =	sst lr;
	_ =	strace $0xD0000000  }
0x3: {  	_ = 	snop  }
0x4: {  	_ = 	snop  }
0x5: {  	_ = 	snop  }
0x6: {  	_ = 	snop  }
0x7: {  	_ = 	snop  }
__scs_overlays_trampoline_lowered:
0x8: {  	[smem:$0x3F9A] =	sst s0  }
0x9: {  	[smem:$0x3F9B] =	sst s1  }
0xa: {  	[smem:$0x3F9C] =	sst s2  }
0xb: {  	[smem:$0x3F9D] =	sst s3  }
0xc: {  	[smem:$0x3F9E] =	sst s4  }
0xd: {  	[smem:$0x3F9F] =	sst s5  }
0xe: {  	[smem:$0x3FA0] =	sst s6  }
0xf: {  	[smem:$0x3FA1] =	sst s7  }
0x10: {  	[smem:$0x3FA2] =	sst s8  }
0x11: {  	[smem:$0x3FA3] =	sst s9;
	s0 =	simm.s32 @!p0 $0x0  }
0x12: {  	s1 =	sld [smem:$0x3F89];
	s0 =	simm.s32 @p0 $0x1  }
0x13: {  	[smem:$0x3FA4] =	sst s0;
	s0 =	simm.s32 @!p1 $0x0  }
0x14: {  	s2 =	sld [smem:$0x3F88];
	s0 =	simm.s32 @p1 $0x1  }
0x15: {  	[smem:$0x3FA5] =	sst s0;
	s0 =	simm.s32 @!p2 $0x0  }
0x16: {  	s3 =	sld [smem:$0x3FDB];
	s0 =	simm.s32 @p2 $0x1  }
0x17: {  	s4 =	simm.s32 $0x1BF5;
	[smem:$0x3FA7] =	sst s0  }
0x18: {  	s0 =	sld [smem:$0x3F8A];
	_ =	swait.ge [sflag:s4], $0x0  }
0x19: {  	s7 =	sld [smem:$0x3F8B]  }
0x1a: {  	s8 =	sadd.s32 $0xFFFFE003, lr  }
0x1b: {  	s9 =	sadd.s32 $0xFFFFFEF7, lr;
	s5 =	simm.s32 $0xFFFFFFFF;
	p2 =	slt.u32 s8, $0xFFFFF086  }
0x1c: {  	p1 =	slt.u32 s9, $0xF7A;
	s5 =	simm.s32 @!p2 $0x0  }
0x1d: {  	s5 =	simm.s32 @p1 $0x1;
	p0 =	seq.s32 s7, s2  }
0x1e: {  	s7 =	smul.u32 @!p0 $0xF7A, s2;
	p2 =	seq.s32 @!p0 s5, $0x0  }
0x1f: {  	s9 =	smul.u32 $0xF7A, s1;
	s8 =	simm.s32 @!p0 $0x1BF5;
	p2 =	por !p2, p0  }
0x20: {  	[sflag:s8] =	ssyncset.s32 @!p0 $0xFFFFF086;
	s6 =	sadd.s32 @!p0 s3, s7;
	s7 =	simm.s32 @!p0 $0x108  }
0x21: {  	s3 =	sadd.s32 s3, s9;
	s6 =	sadd.s32 @!p0 $0x88, s6;
	s7 =	simm.s32 @p2 $0x1082  }
0x22: {  	[simem:s7], [sflag:s8] =	dma.local @!p0 [hbm:s6], $0xF7A  }
0x23: {  	s9 =	sor.u32 $0xD0000000, s2;
	s6 =	simm.s32 $0x108;
	_ =	swait.ge @!p0 [sflag:s8], $0x0  }
0x24: {  	s3 =	sadd.s32 $0x88, s3;
	s6 =	simm.s32 @!p1 $0x1082;
	[sflag:s4] =	ssyncset.s32 $0xFFFFF086  }
0x25: {  	[simem:s6], [sflag:s4] =	dma.local [hbm:s3], $0xF7A  }
0x26: {  	[smem:$0x3F8B] =	sst s1;
	(tag) =	ssettag s2;
	_ =	strace s9  }
0x27: {  	s1 =	sld [smem:$0x3F9B]  }
0x28: {  	s2 =	sld [smem:$0x3F9C]  }
0x29: {  	s4 =	sld [smem:$0x3F9E]  }
0x2a: {  	p0 =	seq.s32 s5, $0x0;
	s5 =	sld [smem:$0x3F9F]  }
0x2b: {  	s6 =	sld [smem:$0x3FA0]  }
0x2c: {  	s7 =	sld [smem:$0x3FA1]  }
0x2d: {  	s3 =	simm.s32 $0x108;
	s8 =	sld [smem:$0x3FA2]  }
0x2e: {  	s3 =	simm.s32 @!p0 $0x1082;
	s9 =	sld [smem:$0x3FA3]  }
0x2f: {  	lr =	sadd.s32 s0, s3;
	s0 =	sld [smem:$0x3F9A]  }
0x30: {  	s3 =	sld [smem:$0x3F9D]  }
0x31: {  	[smem:$0x3FA6] =	sst s10  }
0x32: {  	s10 =	sld [smem:$0x3FA4];
	_ =	sdelay $0x3  }
0x33: {  	p0 =	seq.s32 s10, $0x1;
	s10 =	sld [smem:$0x3FA6];
	_ =	sdelay $0x3  }
0x34: {  	[smem:$0x3FA6] =	sst s10  }
0x35: {  	s10 =	sld [smem:$0x3FA5];
	_ =	sdelay $0x3  }
0x36: {  	p1 =	seq.s32 s10, $0x1;
	s10 =	sld [smem:$0x3FA6];
	_ =	sdelay $0x3  }
0x37: {  	[smem:$0x3FA6] =	sst s10  }
0x38: {  	s10 =	sld [smem:$0x3FA7]  }
0x39: {  	_ = 	snop;
	(pc) =	sbr.ind lr, $3  }
0x3a: {  	_ = 	snop  }
0x3b: {  	_ = 	snop  }
0x3c: {  	p2 =	seq.s32 s10, $0x1;
	s10 =	sld [smem:$0x3FA6]  }
0x3d: {  	_ =	shalt  }
0x3e: {  	_ =	shalt  }
0x3f: {  	_ =	shalt  }
0x40: {  	_ =	shalt  }
0x41: {  	_ =	shalt  }
0x42: {  	_ =	shalt  }
0x43: {  	_ =	shalt  }
0x44: {  	_ =	shalt  }
0x45: {  	_ =	shalt  }
0x46: {  	_ =	shalt  }
0x47: {  	_ =	shalt  }
0x48: {  	_ =	shalt  }
0x49: {  	_ =	shalt  }
0x4a: {  	_ =	shalt  }
0x4b: {  	_ =	shalt  }
0x4c: {  	_ =	shalt  }
0x4d: {  	_ =	shalt  }
0x4e: {  	_ =	shalt  }
0x4f: {  	_ =	shalt  }
0x50: {  	_ =	shalt  }
0x51: {  	_ =	shalt  }
0x52: {  	_ =	shalt  }
0x53: {  	_ =	shalt  }
0x54: {  	_ =	shalt  }
0x55: {  	_ =	shalt  }
0x56: {  	_ =	shalt  }
0x57: {  	_ =	shalt  }
0x58: {  	_ =	shalt  }
0x59: {  	_ =	shalt  }
0x5a: {  	_ =	shalt  }
0x5b: {  	_ =	shalt  }
0x5c: {  	_ =	shalt  }
0x5d: {  	_ =	shalt  }
0x5e: {  	_ =	shalt  }
0x5f: {  	_ =	shalt  }
0x60: {  	_ =	shalt  }
0x61: {  	_ =	shalt  }
0x62: {  	_ =	shalt  }
0x63: {  	_ =	shalt  }
0x64: {  	_ =	shalt  }
0x65: {  	_ =	shalt  }
0x66: {  	_ =	shalt  }
0x67: {  	_ =	shalt  }
0x68: {  	_ =	shalt  }
0x69: {  	_ =	shalt  }
0x6a: {  	_ =	shalt  }
0x6b: {  	_ =	shalt  }
0x6c: {  	_ =	shalt  }
0x6d: {  	_ =	shalt  }
0x6e: {  	_ =	shalt  }
0x6f: {  	_ =	shalt  }
0x70: {  	_ =	shalt  }
0x71: {  	_ =	shalt  }
0x72: {  	_ =	shalt  }
0x73: {  	_ =	shalt  }
0x74: {  	_ =	shalt  }
0x75: {  	_ =	shalt  }
0x76: {  	_ =	shalt  }
0x77: {  	_ =	shalt  }
0x78: {  	_ =	shalt  }
0x79: {  	_ =	shalt  }
0x7a: {  	_ =	shalt  }
0x7b: {  	_ =	shalt  }
0x7c: {  	_ =	shalt  }
0x7d: {  	_ =	shalt  }
0x7e: {  	_ =	shalt  }
0x7f: {  	_ =	shalt  }
0x80: {  	_ =	shalt  }
0x81: {  	_ =	shalt  }
0x82: {  	_ =	shalt  }
0x83: {  	_ =	shalt  }
0x84: {  	_ =	shalt  }
0x85: {  	_ =	shalt  }
0x86: {  	_ =	shalt  }
0x87: {  	_ =	shalt  }
.Lfunc_end0:
.L_simem_size_0:
called_computation_lowered:
.L_overlay_start_0:
0x88: {  	s2 =	sld [smem:$0x3FD9]  }
0x89: {  	s3 =	sld [smem:$0x3FFE];
	_ =	sdelay $0x1  }
0x8a: {  	s1 =	srdreg.scid  }
0x8b: {  	s0 =	sand.u32 $0x1, s1  }
0x8c: {  	s16 =	sshll.u32 s0, $0xA;
	s2 =	sadd.s32 s3, s2  }
0x8d: {  	s2 =	sadd.s32 s2, s16  }
0x8e: {  	[smem:$0x3FB2] =	sst s2  }
0x8f: {  	_ = 	snop  }
0x90: {  	(tm) =	ssettm $0x1  }
0x91: {  	s17 =	sld [smem:$0x3FFB];
	_ =	sdelay $0x3  }
0x92: {  	_ =	strace s17  }
0x93: {  	s2 =	sld [smem:$0x3FFC];
	_ =	sdelay $0x3  }
0x94: {  	_ =	strace s2  }
0x95: {  	s2 =	sld [smem:$0x3FFD];
	_ =	sdelay $0x3  }
0x96: {  	_ =	strace s2  }
0x97: {  	_ =	strace $0x8FFFFFFF  }
0x98: {  	s18 =	sld [smem:$0x3FDB];
	_ =	sdelay $0x1  }
0x99: {  	s19 =	simm.s32 $_scs_section_size  }
0x9a: {  	s4 =	simm.s32 $_size__tile_overlayer_lowered;
	s5 =	simm.s32 $_tile_overlayer_lowered  }
0x9b: {  	s22 =	simm.s32 $0x1BFF;
	s21 =	sshll.u32 s5, $0x1;
	s2 =	sadd.s32 s19, s18  }
0x9c: {  	s6 =	simm.s32 $0x0;
	s20 =	sshll.u32 s4, $0x1;
	s4 =	sadd.s32 s21, s2  }
0x9d: {  	[timem:s6], [sflag:s22] =	dma.local [hbm:s4], s20  }
0x9e: {  	_ =	swait.ge [sflag:s22], s20  }
0x9f: {  	s3 =	ssub.s32 $0x0, s20;
	[sflag:s22] =	ssyncset.done $0x0  }
0xa0: {  	[sflag:s22] =	ssyncadd.s32 s3;
	_ =	sdelay $0x1  }
0xa1: {  	s23 =	simm.s32 $0x1B8B  }
0xa2: {  	_ =	swait.ge [sflag:s23], $0x1  }
0xa3: {  	[sflag:s23] =	ssyncset.done $0x0  }
0xa4: {  	s25 =	simm.s32 $0x1B8E;
	s24 =	sld [smem:$0x3FFE];
	[sflag:s23] =	ssyncadd.s32 $0xFFFFFFFF  }
0xa5: {  	s26 =	simm.s32 $execute0_lowered;
	[smem:$0x3FD2] =	sst s25  }
0xa6: {  	s4 =	sshll.u32 s26, $0x1;
	_ =	strace $0x80000046;
	[dreg:$0x1] =	wrdreg $0xFFFFFFFF  }
0xa7: {  	s28 =	simm.s32 $_size_execute0_lowered;
	s2 =	sadd.s32 s2, s4;
	[dreg:$0x0] =	wrdreg $0x0  }
0xa8: {  	s4 =	sshll.u32 s28, $0x1;
	[dreg:$0x2] =	wrdreg s2  }
0xa9: {  	[dreg:$0x3] =	wrdreg s4  }
0xaa: {  	[dreg:$0x4] =	wrdreg $0xC0  }
0xab: {  	_ =	task [dreg:s6], $0x5FFFF  }
0xac: {  	[dreg:$0x1] =	wrdreg $0xFFFFFFFF  }
0xad: {  	[dreg:$0x0] =	wrdreg $0x60  }
0xae: {  	[dreg:$0x2] =	wrdreg s24  }
0xaf: {  	[dreg:$0x3] =	wrdreg $0x9  }
0xb0: {  	_ =	task.clear_ibuf [dreg:s6], $0x4FFFF;
	_ =	strace $0x90000046  }
0xb1: {  	s29 =	simm.s32 $0x9;
	_ =	strace $0x80000048  }
0xb2: {  	_ =	swait.ge [sflag:s29], $0x1  }
0xb3: {  	[sflag:s29] =	ssyncadd.s32 $0xFFFFFFFF  }
0xb4: {  	_ =	strace $0x90000048  }
0xb5: {  	_ =	sfence  }
0xb6: {  	s30 =	sld [smem:$0x0];
	_ =	sdelay $0x2  }
0xb7: {  	s31 =	sshll.u32 s1, $0xD;
	s1 =	sshrl.u32 s1, $0x2  }
0xb8: {  	s3 =	sand.u32 $0x4000, s31;
	s1 =	sadd.s32 s1, s30  }
0xb9: {  	s0 =	sor.u32 s3, s0;
	s1 =	sshll.u32 s1, $0x11  }
0xba: {  	s0 =	sor.u32 s1, s0  }
0xbb: {  	s0 =	sadd.s32 $0x8F2B, s0  }
0xbc: {  	[sflag:s0] =	ssyncadd.remote.s32 $0x1  }
0xbd: {  	_ =	sfence.sel $0xFFFF  }
0xbe: {  	[dreg:$0x0] =	wrdreg $0xFFFFFFFF;
	(pc) =	sbr.abs _section_cstart, $3  }
0xbf: {  	[dreg:$0x1] =	wrdreg $0xFFFFFFFF  }
0xc0: {  	_ =	task.clear_ibuf [dreg:s6], $0x2FFFF;
	_ =	strace $0x9FFFFFFF  }
0xc1: {  	(tm) =	ssettm $0x7FFFFFFF  }
tec
execute0_lowered:
.L_overlay_start_1:
0x0: {  	(tag) =	ssettag $0x1  }
0x1: {  	s4 =	rddreg [dreg:$0x0];
	s0 =	srdreg.scid  }
0x2: {  	s2 =	simm.s32 $0x0;
	s1 =	stileid.u32;
	s0 =	sand.u32 $0x1, s0  }
0x3: {  	[smem:$0x7FF] =	sst s2;
	s3 =	sshll.u32 s1, $0xD;
	s5 =	sshll.u32 s0, $0xC  }
0x4: {  	s29 =	sadd.s32 $0x40A400, s4;
	[dreg:$0xf] =	wrdreg s0;
	s30 =	sor.u32 s5, s3  }
0x5: {  	s31 =	sadd.s32 $0x41F800, s4;
	_ =	strace $0x80000047;
	s3 =	sshrl.u32 s30, $0x3  }
0x6: {  	s5 =	sor.u32 $0x100, s30;
	s16 =	sshll.u32 s30, $0x4;
	s18 =	sor.u32 $0x200, s30  }
0x7: {  	s7 =	sor.u32 $0x300, s30;
	s1 =	sor.u32 $0x500, s30;
	s3 =	sadd.s32 s29, s3  }
0x8: {  	s6 =	sshrl.u32 s5, $0x3;
	s17 =	sadd.s32 s31, s16;
	[dreg:$0x2] =	wrdreg s3  }
0x9: {  	s19 =	sshrl.u32 s18, $0x3;
	s15 =	sadd.s32 s29, s6;
	[dreg:$0x4] =	wrdreg s17  }
0xa: {  	s5 =	sshll.u32 s5, $0x4;
	s3 =	sadd.s32 s29, s19;
	[dreg:$0x3] =	wrdreg s15  }
0xb: {  	s21 =	sshrl.u32 s7, $0x3;
	s20 =	sadd.s32 s31, s5;
	[dreg:$0x5] =	wrdreg s3  }
0xc: {  	s23 =	sshll.u32 s18, $0x4;
	s22 =	sadd.s32 s29, s21;
	[dreg:$0x6] =	wrdreg s20  }
0xd: {  	s0 =	sshll.u32 s7, $0x4;
	s24 =	sadd.s32 s31, s23;
	[dreg:$0x7] =	wrdreg s22  }
0xe: {  	s9 =	sshrl.u32 s1, $0x3;
	s8 =	sadd.s32 s31, s0;
	[dreg:$0x8] =	wrdreg s24  }
0xf: {  	s25 =	sor.u32 $0x400, s30;
	s10 =	sadd.s32 s29, s9;
	[dreg:$0xa] =	wrdreg s8  }
0x10: {  	s13 =	sor.u32 $0x600, s30;
	s14 =	sshll.u32 s1, $0x4;
	[dreg:$0xb] =	wrdreg s10  }
0x11: {  	s26 =	sshrl.u32 s25, $0x3;
	s16 =	sadd.s32 s31, s14;
	s15 =	rddreg [dreg:$0x2]  }
0x12: {  	s5 =	sshll.u32 s25, $0x4;
	s3 =	sadd.s32 s29, s26;
	[dreg:$0xe] =	wrdreg s16  }
0x13: {  	s12 =	sshrl.u32 s13, $0x3;
	s11 =	sadd.s32 s31, s5;
	[dreg:$0x9] =	wrdreg s3  }
0x14: {  	[dreg:$0xc] =	wrdreg s11;
	s3 =	sadd.s32 s29, s12  }
0x15: {  	[tilespmem:s2], [sflag:$0x5] =	stream.linear.gather [hbm4b:s15+s2], $0x100, $0x38;
	[tilespmem:$0x10200] =	vst v63  }
0x16: {  	[dreg:$0xd] =	wrdreg s3;
	s3 =	simm.s32 $0x5  }
0x17: {  	_ =	swait.ge [sflag:s3], $0x100  }
0x18: {  	s4 =	sadd.s32 $0x40F800, s4;
	[sflag:s3] =	ssyncset.done $0x0  }
0x19: {  	s6 =	simm.s32 $0x200;
	s5 =	simm.s32 $0x100;
	[sflag:s3] =	ssyncadd.s32 $0xFFFFFF00  }
0x1a: {  	[tilespmem:s6], [sflag:$0x1] =	stream.indirect.gather [hbm4b:s4+s5], $0x80, s2, s5, $0xb8;
	[tilespmem:$0x10200] =	vst v63  }
0x1b: {  	s17 =	rddreg [dreg:$0x3]  }
0x1c: {  	[tilespmem:s5], [sflag:$0x5] =	stream.linear.gather [hbm4b:s17+s2], $0x100, $0x38;
	[tilespmem:$0x10200] =	vst v63  }
0x1d: {  	_ =	swait.ge [sflag:s3], $0x100  }
0x1e: {  	[sflag:s3] =	ssyncset.done $0x0  }
0x1f: {  	s7 =	simm.s32 $0x8200;
	s8 =	simm.s32 $0x1;
	[sflag:s3] =	ssyncadd.s32 $0xFFFFFF00  }
0x20: {  	[tilespmem:s7], [sflag:$0x2] =	stream.indirect.gather [hbm4b:s4+s5], $0x80, s5, s5, $0xb8;
	[tilespmem:$0x10200] =	vst v63  }
0x21: {  	_ =	swait.ge [sflag:s8], $0x8000  }
0x22: {  	[sflag:s8] =	ssyncset.done $0x0  }
0x23: {  	s9 =	simm.s32 $0x3;
	s10 =	rddreg [dreg:$0x4];
	[sflag:s8] =	ssyncadd.s32 $0xFFFF8000  }
0x24: {  	[hbm4b:s10+s2] =	stream.linear.scatter [tilespmem:s6], [sflag:$0x3], $0x8000, $0x38;
	[tilespmem:$0x10200] =	vst v63  }
0x25: {  	_ =	swait.ge [sflag:s9], $0x8000  }
0x26: {  	[sflag:s9] =	ssyncset.done $0x0  }
0x27: {  	s18 =	rddreg [dreg:$0x5];
	[sflag:s9] =	ssyncadd.s32 $0xFFFF8000  }
0x28: {  	[tilespmem:s2], [sflag:$0x5] =	stream.linear.gather [hbm4b:s18+s2], $0x100, $0x38;
	[tilespmem:$0x10200] =	vst v63  }
0x29: {  	_ =	swait.ge [sflag:s3], $0x100  }
0x2a: {  	[sflag:s3] =	ssyncset.done $0x0  }
0x2b: {  	s10 =	simm.s32 $0x2;
	[sflag:s3] =	ssyncadd.s32 $0xFFFFFF00  }
0x2c: {  	[tilespmem:s6], [sflag:$0x1] =	stream.indirect.gather [hbm4b:s4+s5], $0x80, s2, s5, $0xb8;
	[tilespmem:$0x10200] =	vst v63  }
0x2d: {  	_ =	swait.ge [sflag:s10], $0x8000  }
0x2e: {  	[sflag:s10] =	ssyncset.done $0x0  }
0x2f: {  	s11 =	simm.s32 $0x4;
	s12 =	rddreg [dreg:$0x6];
	[sflag:s10] =	ssyncadd.s32 $0xFFFF8000  }
0x30: {  	[hbm4b:s12+s2] =	stream.linear.scatter [tilespmem:s7], [sflag:$0x4], $0x8000, $0x38;
	[tilespmem:$0x10200] =	vst v63  }
0x31: {  	_ =	swait.ge [sflag:s11], $0x8000  }
0x32: {  	[sflag:s11] =	ssyncset.done $0x0  }
0x33: {  	s19 =	rddreg [dreg:$0x7];
	[sflag:s11] =	ssyncadd.s32 $0xFFFF8000  }
0x34: {  	[tilespmem:s5], [sflag:$0x5] =	stream.linear.gather [hbm4b:s19+s2], $0x100, $0x38;
	[tilespmem:$0x10200] =	vst v63  }
0x35: {  	_ =	swait.ge [sflag:s3], $0x100  }
0x36: {  	[sflag:s3] =	ssyncset.done $0x0  }
0x37: {  	[sflag:s3] =	ssyncadd.s32 $0xFFFFFF00  }
0x38: {  	[tilespmem:s7], [sflag:$0x2] =	stream.indirect.gather [hbm4b:s4+s5], $0x80, s5, s5, $0xb8;
	[tilespmem:$0x10200] =	vst v63  }
0x39: {  	_ =	swait.ge [sflag:s8], $0x8000  }
0x3a: {  	[sflag:s8] =	ssyncset.done $0x0  }
0x3b: {  	s20 =	rddreg [dreg:$0x8];
	[sflag:s8] =	ssyncadd.s32 $0xFFFF8000  }
0x3c: {  	[hbm4b:s20+s2] =	stream.linear.scatter [tilespmem:s6], [sflag:$0x3], $0x8000, $0x38;
	[tilespmem:$0x10200] =	vst v63  }
0x3d: {  	_ =	swait.ge [sflag:s9], $0x8000  }
0x3e: {  	[sflag:s9] =	ssyncset.done $0x0  }
0x3f: {  	s21 =	rddreg [dreg:$0x9];
	[sflag:s9] =	ssyncadd.s32 $0xFFFF8000  }
0x40: {  	[tilespmem:s2], [sflag:$0x5] =	stream.linear.gather [hbm4b:s21+s2], $0x100, $0x38;
	[tilespmem:$0x10200] =	vst v63  }
0x41: {  	_ =	swait.ge [sflag:s3], $0x100  }
0x42: {  	[sflag:s3] =	ssyncset.done $0x0  }
0x43: {  	[sflag:s3] =	ssyncadd.s32 $0xFFFFFF00  }
0x44: {  	[tilespmem:s6], [sflag:$0x1] =	stream.indirect.gather [hbm4b:s4+s5], $0x80, s2, s5, $0xb8;
	[tilespmem:$0x10200] =	vst v63  }
0x45: {  	_ =	swait.ge [sflag:s10], $0x8000  }
0x46: {  	[sflag:s10] =	ssyncset.done $0x0  }
0x47: {  	s22 =	rddreg [dreg:$0xa];
	[sflag:s10] =	ssyncadd.s32 $0xFFFF8000  }
0x48: {  	[hbm4b:s22+s2] =	stream.linear.scatter [tilespmem:s7], [sflag:$0x4], $0x8000, $0x38;
	[tilespmem:$0x10200] =	vst v63  }
0x49: {  	_ =	swait.ge [sflag:s11], $0x8000  }
0x4a: {  	[sflag:s11] =	ssyncset.done $0x0  }
0x4b: {  	s23 =	rddreg [dreg:$0xb];
	[sflag:s11] =	ssyncadd.s32 $0xFFFF8000  }
0x4c: {  	[tilespmem:s5], [sflag:$0x5] =	stream.linear.gather [hbm4b:s23+s2], $0x100, $0x38;
	[tilespmem:$0x10200] =	vst v63  }
0x4d: {  	_ =	swait.ge [sflag:s3], $0x100  }
0x4e: {  	[sflag:s3] =	ssyncset.done $0x0  }
0x4f: {  	[sflag:s3] =	ssyncadd.s32 $0xFFFFFF00  }
0x50: {  	[tilespmem:s7], [sflag:$0x2] =	stream.indirect.gather [hbm4b:s4+s5], $0x80, s5, s5, $0xb8;
	[tilespmem:$0x10200] =	vst v63  }
0x51: {  	_ =	swait.ge [sflag:s8], $0x8000  }
0x52: {  	[sflag:s8] =	ssyncset.done $0x0  }
0x53: {  	s24 =	rddreg [dreg:$0xc];
	[sflag:s8] =	ssyncadd.s32 $0xFFFF8000  }
0x54: {  	[hbm4b:s24+s2] =	stream.linear.scatter [tilespmem:s6], [sflag:$0x3], $0x8000, $0x38;
	[tilespmem:$0x10200] =	vst v63  }
0x55: {  	_ =	swait.ge [sflag:s9], $0x8000  }
0x56: {  	[sflag:s9] =	ssyncset.done $0x0  }
0x57: {  	s25 =	rddreg [dreg:$0xd];
	[sflag:s9] =	ssyncadd.s32 $0xFFFF8000  }
0x58: {  	[tilespmem:s2], [sflag:$0x5] =	stream.linear.gather [hbm4b:s25+s2], $0x100, $0x38;
	[tilespmem:$0x10200] =	vst v63  }
0x59: {  	_ =	swait.ge [sflag:s3], $0x100  }
0x5a: {  	[sflag:s3] =	ssyncset.done $0x0  }
0x5b: {  	[sflag:s3] =	ssyncadd.s32 $0xFFFFFF00  }
0x5c: {  	[tilespmem:s6], [sflag:$0x1] =	stream.indirect.gather [hbm4b:s4+s5], $0x80, s2, s5, $0xb8;
	[tilespmem:$0x10200] =	vst v63  }
0x5d: {  	_ =	swait.ge [sflag:s10], $0x8000  }
0x5e: {  	[sflag:s10] =	ssyncset.done $0x0  }
0x5f: {  	s26 =	rddreg [dreg:$0xe];
	[sflag:s10] =	ssyncadd.s32 $0xFFFF8000  }
0x60: {  	[hbm4b:s26+s2] =	stream.linear.scatter [tilespmem:s7], [sflag:$0x4], $0x8000, $0x38;
	[tilespmem:$0x10200] =	vst v63  }
0x61: {  	s15 =	sor.u32 $0x700, s30;
	_ =	swait.ge [sflag:s11], $0x8000  }
0x62: {  	s0 =	sshrl.u32 s15, $0x3;
	[sflag:s11] =	ssyncset.done $0x0  }
0x63: {  	s12 =	sadd.s32 s29, s0;
	[sflag:s11] =	ssyncadd.s32 $0xFFFF8000  }
0x64: {  	[tilespmem:s5], [sflag:$0x5] =	stream.linear.gather [hbm4b:s12+s2], $0x100, $0x38;
	[tilespmem:$0x10200] =	vst v63  }
0x65: {  	_ =	swait.ge [sflag:s3], $0x100  }
0x66: {  	[sflag:s3] =	ssyncset.done $0x0  }
0x67: {  	[sflag:s3] =	ssyncadd.s32 $0xFFFFFF00  }
0x68: {  	[tilespmem:s7], [sflag:$0x2] =	stream.indirect.gather [hbm4b:s4+s5], $0x80, s5, s5, $0xb8;
	[tilespmem:$0x10200] =	vst v63  }
0x69: {  	_ =	swait.ge [sflag:s8], $0x8000  }
0x6a: {  	s13 =	sshll.u32 s13, $0x4;
	[sflag:s8] =	ssyncset.done $0x0  }
0x6b: {  	s13 =	sadd.s32 s31, s13;
	[sflag:s8] =	ssyncadd.s32 $0xFFFF8000  }
0x6c: {  	[hbm4b:s13+s2] =	stream.linear.scatter [tilespmem:s6], [sflag:$0x3], $0x8000, $0x38;
	[tilespmem:$0x10200] =	vst v63  }
0x6d: {  	s17 =	sor.u32 $0x800, s30;
	_ =	swait.ge [sflag:s9], $0x8000  }
0x6e: {  	s14 =	sshrl.u32 s17, $0x3;
	[sflag:s9] =	ssyncset.done $0x0  }
0x6f: {  	s14 =	sadd.s32 s29, s14;
	[sflag:s9] =	ssyncadd.s32 $0xFFFF8000  }
0x70: {  	[tilespmem:s2], [sflag:$0x5] =	stream.linear.gather [hbm4b:s14+s2], $0x100, $0x38;
	[tilespmem:$0x10200] =	vst v63  }
0x71: {  	_ =	swait.ge [sflag:s3], $0x100  }
0x72: {  	[sflag:s3] =	ssyncset.done $0x0  }
0x73: {  	[sflag:s3] =	ssyncadd.s32 $0xFFFFFF00  }
0x74: {  	[tilespmem:s6], [sflag:$0x1] =	stream.indirect.gather [hbm4b:s4+s5], $0x80, s2, s5, $0xb8;
	[tilespmem:$0x10200] =	vst v63  }
0x75: {  	_ =	swait.ge [sflag:s10], $0x8000  }
0x76: {  	s15 =	sshll.u32 s15, $0x4;
	[sflag:s10] =	ssyncset.done $0x0  }
0x77: {  	s15 =	sadd.s32 s31, s15;
	[sflag:s10] =	ssyncadd.s32 $0xFFFF8000  }
0x78: {  	[hbm4b:s15+s2] =	stream.linear.scatter [tilespmem:s7], [sflag:$0x4], $0x8000, $0x38;
	[tilespmem:$0x10200] =	vst v63  }
0x79: {  	s19 =	sor.u32 $0x900, s30;
	_ =	swait.ge [sflag:s11], $0x8000  }
0x7a: {  	s16 =	sshrl.u32 s19, $0x3;
	[sflag:s11] =	ssyncset.done $0x0  }
0x7b: {  	s16 =	sadd.s32 s29, s16;
	[sflag:s11] =	ssyncadd.s32 $0xFFFF8000  }
0x7c: {  	[tilespmem:s5], [sflag:$0x5] =	stream.linear.gather [hbm4b:s16+s2], $0x100, $0x38;
	[tilespmem:$0x10200] =	vst v63  }
0x7d: {  	_ =	swait.ge [sflag:s3], $0x100  }
0x7e: {  	[sflag:s3] =	ssyncset.done $0x0  }
0x7f: {  	[sflag:s3] =	ssyncadd.s32 $0xFFFFFF00  }
0x80: {  	[tilespmem:s7], [sflag:$0x2] =	stream.indirect.gather [hbm4b:s4+s5], $0x80, s5, s5, $0xb8;
	[tilespmem:$0x10200] =	vst v63  }
0x81: {  	_ =	swait.ge [sflag:s8], $0x8000  }
0x82: {  	s17 =	sshll.u32 s17, $0x4;
	[sflag:s8] =	ssyncset.done $0x0  }
0x83: {  	s17 =	sadd.s32 s31, s17;
	[sflag:s8] =	ssyncadd.s32 $0xFFFF8000  }
0x84: {  	[hbm4b:s17+s2] =	stream.linear.scatter [tilespmem:s6], [sflag:$0x3], $0x8000, $0x38;
	[tilespmem:$0x10200] =	vst v63  }
0x85: {  	s21 =	sor.u32 $0xA00, s30;
	_ =	swait.ge [sflag:s9], $0x8000  }
0x86: {  	s18 =	sshrl.u32 s21, $0x3;
	[sflag:s9] =	ssyncset.done $0x0  }
0x87: {  	s18 =	sadd.s32 s29, s18;
	[sflag:s9] =	ssyncadd.s32 $0xFFFF8000  }
0x88: {  	[tilespmem:s2], [sflag:$0x5] =	stream.linear.gather [hbm4b:s18+s2], $0x100, $0x38;
	[tilespmem:$0x10200] =	vst v63  }
0x89: {  	_ =	swait.ge [sflag:s3], $0x100  }
0x8a: {  	[sflag:s3] =	ssyncset.done $0x0  }
0x8b: {  	[sflag:s3] =	ssyncadd.s32 $0xFFFFFF00  }
0x8c: {  	[tilespmem:s6], [sflag:$0x1] =	stream.indirect.gather [hbm4b:s4+s5], $0x80, s2, s5, $0xb8;
	[tilespmem:$0x10200] =	vst v63  }
0x8d: {  	_ =	swait.ge [sflag:s10], $0x8000  }
0x8e: {  	s19 =	sshll.u32 s19, $0x4;
	[sflag:s10] =	ssyncset.done $0x0  }
0x8f: {  	s19 =	sadd.s32 s31, s19;
	[sflag:s10] =	ssyncadd.s32 $0xFFFF8000  }
0x90: {  	[hbm4b:s19+s2] =	stream.linear.scatter [tilespmem:s7], [sflag:$0x4], $0x8000, $0x38;
	[tilespmem:$0x10200] =	vst v63  }
0x91: {  	s23 =	sor.u32 $0xB00, s30;
	_ =	swait.ge [sflag:s11], $0x8000  }
0x92: {  	s20 =	sshrl.u32 s23, $0x3;
	[sflag:s11] =	ssyncset.done $0x0  }
0x93: {  	s20 =	sadd.s32 s29, s20;
	[sflag:s11] =	ssyncadd.s32 $0xFFFF8000  }
0x94: {  	[tilespmem:s5], [sflag:$0x5] =	stream.linear.gather [hbm4b:s20+s2], $0x100, $0x38;
	[tilespmem:$0x10200] =	vst v63  }
0x95: {  	_ =	swait.ge [sflag:s3], $0x100  }
0x96: {  	[sflag:s3] =	ssyncset.done $0x0  }
0x97: {  	[sflag:s3] =	ssyncadd.s32 $0xFFFFFF00  }
0x98: {  	[tilespmem:s7], [sflag:$0x2] =	stream.indirect.gather [hbm4b:s4+s5], $0x80, s5, s5, $0xb8;
	[tilespmem:$0x10200] =	vst v63  }
0x99: {  	_ =	swait.ge [sflag:s8], $0x8000  }
0x9a: {  	s21 =	sshll.u32 s21, $0x4;
	[sflag:s8] =	ssyncset.done $0x0  }
0x9b: {  	s21 =	sadd.s32 s31, s21;
	[sflag:s8] =	ssyncadd.s32 $0xFFFF8000  }
0x9c: {  	[hbm4b:s21+s2] =	stream.linear.scatter [tilespmem:s6], [sflag:$0x3], $0x8000, $0x38;
	[tilespmem:$0x10200] =	vst v63  }
0x9d: {  	s25 =	sor.u32 $0xC00, s30;
	_ =	swait.ge [sflag:s9], $0x8000  }
0x9e: {  	s22 =	sshrl.u32 s25, $0x3;
	[sflag:s9] =	ssyncset.done $0x0  }
0x9f: {  	s22 =	sadd.s32 s29, s22;
	[sflag:s9] =	ssyncadd.s32 $0xFFFF8000  }
0xa0: {  	[tilespmem:s2], [sflag:$0x5] =	stream.linear.gather [hbm4b:s22+s2], $0x100, $0x38;
	[tilespmem:$0x10200] =	vst v63  }
0xa1: {  	_ =	swait.ge [sflag:s3], $0x100  }
0xa2: {  	[sflag:s3] =	ssyncset.done $0x0  }
0xa3: {  	[sflag:s3] =	ssyncadd.s32 $0xFFFFFF00  }
0xa4: {  	[tilespmem:s6], [sflag:$0x1] =	stream.indirect.gather [hbm4b:s4+s5], $0x80, s2, s5, $0xb8;
	[tilespmem:$0x10200] =	vst v63  }
0xa5: {  	_ =	swait.ge [sflag:s10], $0x8000  }
0xa6: {  	s23 =	sshll.u32 s23, $0x4;
	[sflag:s10] =	ssyncset.done $0x0  }
0xa7: {  	s23 =	sadd.s32 s31, s23;
	[sflag:s10] =	ssyncadd.s32 $0xFFFF8000  }
0xa8: {  	[hbm4b:s23+s2] =	stream.linear.scatter [tilespmem:s7], [sflag:$0x4], $0x8000, $0x38;
	[tilespmem:$0x10200] =	vst v63  }
0xa9: {  	s28 =	sor.u32 $0xD00, s30;
	_ =	swait.ge [sflag:s11], $0x8000  }
0xaa: {  	s24 =	sshrl.u32 s28, $0x3;
	[sflag:s11] =	ssyncset.done $0x0  }
0xab: {  	s24 =	sadd.s32 s29, s24;
	[sflag:s11] =	ssyncadd.s32 $0xFFFF8000  }
0xac: {  	[tilespmem:s5], [sflag:$0x5] =	stream.linear.gather [hbm4b:s24+s2], $0x100, $0x38;
	[tilespmem:$0x10200] =	vst v63  }
0xad: {  	_ =	swait.ge [sflag:s3], $0x100  }
0xae: {  	[sflag:s3] =	ssyncset.done $0x0  }
0xaf: {  	[sflag:s3] =	ssyncadd.s32 $0xFFFFFF00  }
0xb0: {  	[tilespmem:s7], [sflag:$0x2] =	stream.indirect.gather [hbm4b:s4+s5], $0x80, s5, s5, $0xb8;
	[tilespmem:$0x10200] =	vst v63  }
0xb1: {  	_ =	swait.ge [sflag:s8], $0x8000  }
0xb2: {  	s25 =	sshll.u32 s25, $0x4;
	[sflag:s8] =	ssyncset.done $0x0  }
0xb3: {  	s25 =	sadd.s32 s31, s25;
	[sflag:s8] =	ssyncadd.s32 $0xFFFF8000  }
0xb4: {  	[hbm4b:s25+s2] =	stream.linear.scatter [tilespmem:s6], [sflag:$0x3], $0x8000, $0x38;
	[tilespmem:$0x10200] =	vst v63  }
0xb5: {  	s1 =	sor.u32 $0xE00, s30;
	_ =	swait.ge [sflag:s9], $0x8000  }
0xb6: {  	s26 =	sshrl.u32 s1, $0x3;
	[sflag:s9] =	ssyncset.done $0x0  }
0xb7: {  	s26 =	sadd.s32 s29, s26;
	[sflag:s9] =	ssyncadd.s32 $0xFFFF8000  }
0xb8: {  	[tilespmem:s2], [sflag:$0x5] =	stream.linear.gather [hbm4b:s26+s2], $0x100, $0x38;
	[tilespmem:$0x10200] =	vst v63  }
0xb9: {  	_ =	swait.ge [sflag:s3], $0x100  }
0xba: {  	[sflag:s3] =	ssyncset.done $0x0  }
0xbb: {  	[sflag:s3] =	ssyncadd.s32 $0xFFFFFF00  }
0xbc: {  	[tilespmem:s6], [sflag:$0x1] =	stream.indirect.gather [hbm4b:s4+s5], $0x80, s2, s5, $0xb8;
	[tilespmem:$0x10200] =	vst v63  }
0xbd: {  	_ =	swait.ge [sflag:s10], $0x8000  }
0xbe: {  	s28 =	sshll.u32 s28, $0x4;
	[sflag:s10] =	ssyncset.done $0x0  }
0xbf: {  	s28 =	sadd.s32 s31, s28;
	[sflag:s10] =	ssyncadd.s32 $0xFFFF8000  }
0xc0: {  	[hbm4b:s28+s2] =	stream.linear.scatter [tilespmem:s7], [sflag:$0x4], $0x8000, $0x38;
	[tilespmem:$0x10200] =	vst v63  }
0xc1: {  	s0 =	sor.u32 $0xF00, s30;
	_ =	swait.ge [sflag:s11], $0x8000  }
0xc2: {  	s30 =	sshrl.u32 s0, $0x3;
	[sflag:s11] =	ssyncset.done $0x0  }
0xc3: {  	s29 =	sadd.s32 s29, s30;
	[sflag:s11] =	ssyncadd.s32 $0xFFFF8000  }
0xc4: {  	[tilespmem:s5], [sflag:$0x5] =	stream.linear.gather [hbm4b:s29+s2], $0x100, $0x38;
	[tilespmem:$0x10200] =	vst v63  }
0xc5: {  	_ =	swait.ge [sflag:s3], $0x100  }
0xc6: {  	[sflag:s3] =	ssyncset.done $0x0  }
0xc7: {  	[sflag:s3] =	ssyncadd.s32 $0xFFFFFF00  }
0xc8: {  	[tilespmem:s7], [sflag:$0x2] =	stream.indirect.gather [hbm4b:s4+s5], $0x80, s5, s5, $0xb8;
	[tilespmem:$0x10200] =	vst v63  }
0xc9: {  	_ =	swait.ge [sflag:s8], $0x8000  }
0xca: {  	s1 =	sshll.u32 s1, $0x4;
	[sflag:s8] =	ssyncset.done $0x0  }
0xcb: {  	s30 =	sadd.s32 s31, s1;
	[sflag:s8] =	ssyncadd.s32 $0xFFFF8000  }
0xcc: {  	[hbm4b:s30+s2] =	stream.linear.scatter [tilespmem:s6], [sflag:$0x3], $0x8000, $0x38;
	[tilespmem:$0x10200] =	vst v63  }
0xcd: {  	_ =	swait.ge [sflag:s10], $0x8000  }
0xce: {  	s0 =	sshll.u32 s0, $0x4;
	[sflag:s10] =	ssyncset.done $0x0;
	s1 =	rddreg [dreg:$0xf]  }
0xcf: {  	s31 =	sadd.s32 s31, s0;
	s0 =	ssub.s32 $0x2, s1;
	[sflag:s10] =	ssyncadd.s32 $0xFFFF8000  }
0xd0: {  	[hbm4b:s31+s2] =	stream.linear.scatter [tilespmem:s7], [sflag:$0x4], $0x8000, $0x38;
	[tilespmem:$0x10200] =	vst v63  }
0xd1: {  	s1 =	sshrl.u32 s0, $0x1  }
0xd2: {  	s0 =	ssub.s32 s0, s1  }
0xd3: {  	s0 =	smax.u32 s0, $0x1  }
0xd4: {  	p0 =	sne.s32 s0, $0x1  }
.Ltmp0:
0xd5: {  	_ =	swait.ge [sflag:s9], $0x8000;
	(pc) =	sbr.rel @!p0 .LBB2_2-.Ltmp0, $4  }
0xd6: {  	[sflag:s9] =	ssyncset.done $0x0  }
0xd7: {  	[sflag:s9] =	ssyncadd.s32 $0xFFFF8000  }
0xd8: {  	_ =	swait.ge [sflag:s11], $0x8000  }
0xd9: {  	s0 =	sadd.s32 $0xFFFFFFFF, s0;
	[sflag:s11] =	ssyncset.done $0x0  }
.LBB2_1:
0xda: {  	s1 =	rddreg [dreg:$0x2];
	[sflag:s11] =	ssyncadd.s32 $0xFFFF8000  }
0xdb: {  	[tilespmem:s2], [sflag:$0x5] =	stream.linear.gather [hbm4b:s1+s2], $0x100, $0x38;
	[tilespmem:$0x10200] =	vst v63  }
0xdc: {  	_ =	swait.ge [sflag:s3], $0x100  }
0xdd: {  	[sflag:s3] =	ssyncset.done $0x0  }
0xde: {  	[sflag:s3] =	ssyncadd.s32 $0xFFFFFF00  }
0xdf: {  	[tilespmem:s6], [sflag:$0x1] =	stream.indirect.gather [hbm4b:s4+s5], $0x80, s2, s5, $0xb8;
	[tilespmem:$0x10200] =	vst v63  }
0xe0: {  	s1 =	rddreg [dreg:$0x3]  }
0xe1: {  	[tilespmem:s5], [sflag:$0x5] =	stream.linear.gather [hbm4b:s1+s2], $0x100, $0x38;
	[tilespmem:$0x10200] =	vst v63  }
0xe2: {  	_ =	swait.ge [sflag:s3], $0x100  }
0xe3: {  	[sflag:s3] =	ssyncset.done $0x0  }
0xe4: {  	[sflag:s3] =	ssyncadd.s32 $0xFFFFFF00  }
0xe5: {  	[tilespmem:s7], [sflag:$0x2] =	stream.indirect.gather [hbm4b:s4+s5], $0x80, s5, s5, $0xb8;
	[tilespmem:$0x10200] =	vst v63  }
0xe6: {  	_ =	swait.ge [sflag:s8], $0x8000  }
0xe7: {  	[sflag:s8] =	ssyncset.done $0x0  }
0xe8: {  	s1 =	rddreg [dreg:$0x4];
	[sflag:s8] =	ssyncadd.s32 $0xFFFF8000  }
0xe9: {  	[hbm4b:s1+s2] =	stream.linear.scatter [tilespmem:s6], [sflag:$0x3], $0x8000, $0x38;
	[tilespmem:$0x10200] =	vst v63  }
0xea: {  	_ =	swait.ge [sflag:s9], $0x8000  }
0xeb: {  	[sflag:s9] =	ssyncset.done $0x0  }
0xec: {  	s1 =	rddreg [dreg:$0x5];
	[sflag:s9] =	ssyncadd.s32 $0xFFFF8000  }
0xed: {  	[tilespmem:s2], [sflag:$0x5] =	stream.linear.gather [hbm4b:s1+s2], $0x100, $0x38;
	[tilespmem:$0x10200] =	vst v63  }
0xee: {  	_ =	swait.ge [sflag:s3], $0x100  }
0xef: {  	[sflag:s3] =	ssyncset.done $0x0  }
0xf0: {  	[sflag:s3] =	ssyncadd.s32 $0xFFFFFF00  }
0xf1: {  	[tilespmem:s6], [sflag:$0x1] =	stream.indirect.gather [hbm4b:s4+s5], $0x80, s2, s5, $0xb8;
	[tilespmem:$0x10200] =	vst v63  }
0xf2: {  	_ =	swait.ge [sflag:s10], $0x8000  }
0xf3: {  	[sflag:s10] =	ssyncset.done $0x0  }
0xf4: {  	s1 =	rddreg [dreg:$0x6];
	[sflag:s10] =	ssyncadd.s32 $0xFFFF8000  }
0xf5: {  	[hbm4b:s1+s2] =	stream.linear.scatter [tilespmem:s7], [sflag:$0x4], $0x8000, $0x38;
	[tilespmem:$0x10200] =	vst v63  }
0xf6: {  	_ =	swait.ge [sflag:s11], $0x8000  }
0xf7: {  	[sflag:s11] =	ssyncset.done $0x0  }
0xf8: {  	s1 =	rddreg [dreg:$0x7];
	[sflag:s11] =	ssyncadd.s32 $0xFFFF8000  }
0xf9: {  	[tilespmem:s5], [sflag:$0x5] =	stream.linear.gather [hbm4b:s1+s2], $0x100, $0x38;
	[tilespmem:$0x10200] =	vst v63  }
0xfa: {  	_ =	swait.ge [sflag:s3], $0x100  }
0xfb: {  	[sflag:s3] =	ssyncset.done $0x0  }
0xfc: {  	[sflag:s3] =	ssyncadd.s32 $0xFFFFFF00  }
0xfd: {  	[tilespmem:s7], [sflag:$0x2] =	stream.indirect.gather [hbm4b:s4+s5], $0x80, s5, s5, $0xb8;
	[tilespmem:$0x10200] =	vst v63  }
0xfe: {  	_ =	swait.ge [sflag:s8], $0x8000  }
0xff: {  	[sflag:s8] =	ssyncset.done $0x0  }
0x100: {  	s1 =	rddreg [dreg:$0x8];
	[sflag:s8] =	ssyncadd.s32 $0xFFFF8000  }
0x101: {  	[hbm4b:s1+s2] =	stream.linear.scatter [tilespmem:s6], [sflag:$0x3], $0x8000, $0x38;
	[tilespmem:$0x10200] =	vst v63  }
0x102: {  	_ =	swait.ge [sflag:s9], $0x8000  }
0x103: {  	[sflag:s9] =	ssyncset.done $0x0  }
0x104: {  	s1 =	rddreg [dreg:$0x9];
	[sflag:s9] =	ssyncadd.s32 $0xFFFF8000  }
0x105: {  	[tilespmem:s2], [sflag:$0x5] =	stream.linear.gather [hbm4b:s1+s2], $0x100, $0x38;
	[tilespmem:$0x10200] =	vst v63  }
0x106: {  	_ =	swait.ge [sflag:s3], $0x100  }
0x107: {  	[sflag:s3] =	ssyncset.done $0x0  }
0x108: {  	[sflag:s3] =	ssyncadd.s32 $0xFFFFFF00  }
0x109: {  	[tilespmem:s6], [sflag:$0x1] =	stream.indirect.gather [hbm4b:s4+s5], $0x80, s2, s5, $0xb8;
	[tilespmem:$0x10200] =	vst v63  }
0x10a: {  	_ =	swait.ge [sflag:s10], $0x8000  }
0x10b: {  	[sflag:s10] =	ssyncset.done $0x0  }
0x10c: {  	s1 =	rddreg [dreg:$0xa];
	[sflag:s10] =	ssyncadd.s32 $0xFFFF8000  }
0x10d: {  	[hbm4b:s1+s2] =	stream.linear.scatter [tilespmem:s7], [sflag:$0x4], $0x8000, $0x38;
	[tilespmem:$0x10200] =	vst v63  }
0x10e: {  	_ =	swait.ge [sflag:s11], $0x8000  }
0x10f: {  	[sflag:s11] =	ssyncset.done $0x0  }
0x110: {  	s1 =	rddreg [dreg:$0xb];
	[sflag:s11] =	ssyncadd.s32 $0xFFFF8000  }
0x111: {  	[tilespmem:s5], [sflag:$0x5] =	stream.linear.gather [hbm4b:s1+s2], $0x100, $0x38;
	[tilespmem:$0x10200] =	vst v63  }
0x112: {  	_ =	swait.ge [sflag:s3], $0x100  }
0x113: {  	[sflag:s3] =	ssyncset.done $0x0  }
0x114: {  	[sflag:s3] =	ssyncadd.s32 $0xFFFFFF00  }
0x115: {  	[tilespmem:s7], [sflag:$0x2] =	stream.indirect.gather [hbm4b:s4+s5], $0x80, s5, s5, $0xb8;
	[tilespmem:$0x10200] =	vst v63  }
0x116: {  	_ =	swait.ge [sflag:s8], $0x8000  }
0x117: {  	[sflag:s8] =	ssyncset.done $0x0  }
0x118: {  	s1 =	rddreg [dreg:$0xc];
	[sflag:s8] =	ssyncadd.s32 $0xFFFF8000  }
0x119: {  	[hbm4b:s1+s2] =	stream.linear.scatter [tilespmem:s6], [sflag:$0x3], $0x8000, $0x38;
	[tilespmem:$0x10200] =	vst v63  }
0x11a: {  	_ =	swait.ge [sflag:s9], $0x8000  }
0x11b: {  	[sflag:s9] =	ssyncset.done $0x0  }
0x11c: {  	s1 =	rddreg [dreg:$0xd];
	[sflag:s9] =	ssyncadd.s32 $0xFFFF8000  }
0x11d: {  	[tilespmem:s2], [sflag:$0x5] =	stream.linear.gather [hbm4b:s1+s2], $0x100, $0x38;
	[tilespmem:$0x10200] =	vst v63  }
0x11e: {  	_ =	swait.ge [sflag:s3], $0x100  }
0x11f: {  	[sflag:s3] =	ssyncset.done $0x0  }
0x120: {  	[sflag:s3] =	ssyncadd.s32 $0xFFFFFF00  }
0x121: {  	[tilespmem:s6], [sflag:$0x1] =	stream.indirect.gather [hbm4b:s4+s5], $0x80, s2, s5, $0xb8;
	[tilespmem:$0x10200] =	vst v63  }
0x122: {  	_ =	swait.ge [sflag:s10], $0x8000  }
0x123: {  	[sflag:s10] =	ssyncset.done $0x0  }
0x124: {  	s1 =	rddreg [dreg:$0xe];
	[sflag:s10] =	ssyncadd.s32 $0xFFFF8000  }
0x125: {  	[hbm4b:s1+s2] =	stream.linear.scatter [tilespmem:s7], [sflag:$0x4], $0x8000, $0x38;
	[tilespmem:$0x10200] =	vst v63  }
0x126: {  	_ =	swait.ge [sflag:s11], $0x8000  }
0x127: {  	[sflag:s11] =	ssyncset.done $0x0  }
0x128: {  	[sflag:s11] =	ssyncadd.s32 $0xFFFF8000  }
0x129: {  	[tilespmem:s5], [sflag:$0x5] =	stream.linear.gather [hbm4b:s12+s2], $0x100, $0x38;
	[tilespmem:$0x10200] =	vst v63  }
0x12a: {  	_ =	swait.ge [sflag:s3], $0x100  }
0x12b: {  	[sflag:s3] =	ssyncset.done $0x0  }
0x12c: {  	[sflag:s3] =	ssyncadd.s32 $0xFFFFFF00  }
0x12d: {  	[tilespmem:s7], [sflag:$0x2] =	stream.indirect.gather [hbm4b:s4+s5], $0x80, s5, s5, $0xb8;
	[tilespmem:$0x10200] =	vst v63  }
0x12e: {  	_ =	swait.ge [sflag:s8], $0x8000  }
0x12f: {  	[sflag:s8] =	ssyncset.done $0x0  }
0x130: {  	[sflag:s8] =	ssyncadd.s32 $0xFFFF8000  }
0x131: {  	[hbm4b:s13+s2] =	stream.linear.scatter [tilespmem:s6], [sflag:$0x3], $0x8000, $0x38;
	[tilespmem:$0x10200] =	vst v63  }
0x132: {  	_ =	swait.ge [sflag:s9], $0x8000  }
0x133: {  	[sflag:s9] =	ssyncset.done $0x0  }
0x134: {  	[sflag:s9] =	ssyncadd.s32 $0xFFFF8000  }
0x135: {  	[tilespmem:s2], [sflag:$0x5] =	stream.linear.gather [hbm4b:s14+s2], $0x100, $0x38;
	[tilespmem:$0x10200] =	vst v63  }
0x136: {  	_ =	swait.ge [sflag:s3], $0x100  }
0x137: {  	[sflag:s3] =	ssyncset.done $0x0  }
0x138: {  	[sflag:s3] =	ssyncadd.s32 $0xFFFFFF00  }
0x139: {  	[tilespmem:s6], [sflag:$0x1] =	stream.indirect.gather [hbm4b:s4+s5], $0x80, s2, s5, $0xb8;
	[tilespmem:$0x10200] =	vst v63  }
0x13a: {  	_ =	swait.ge [sflag:s10], $0x8000  }
0x13b: {  	[sflag:s10] =	ssyncset.done $0x0  }
0x13c: {  	[sflag:s10] =	ssyncadd.s32 $0xFFFF8000  }
0x13d: {  	[hbm4b:s15+s2] =	stream.linear.scatter [tilespmem:s7], [sflag:$0x4], $0x8000, $0x38;
	[tilespmem:$0x10200] =	vst v63  }
0x13e: {  	_ =	swait.ge [sflag:s11], $0x8000  }
0x13f: {  	[sflag:s11] =	ssyncset.done $0x0  }
0x140: {  	[sflag:s11] =	ssyncadd.s32 $0xFFFF8000  }
0x141: {  	[tilespmem:s5], [sflag:$0x5] =	stream.linear.gather [hbm4b:s16+s2], $0x100, $0x38;
	[tilespmem:$0x10200] =	vst v63  }
0x142: {  	_ =	swait.ge [sflag:s3], $0x100  }
0x143: {  	[sflag:s3] =	ssyncset.done $0x0  }
0x144: {  	[sflag:s3] =	ssyncadd.s32 $0xFFFFFF00  }
0x145: {  	[tilespmem:s7], [sflag:$0x2] =	stream.indirect.gather [hbm4b:s4+s5], $0x80, s5, s5, $0xb8;
	[tilespmem:$0x10200] =	vst v63  }
0x146: {  	_ =	swait.ge [sflag:s8], $0x8000  }
0x147: {  	[sflag:s8] =	ssyncset.done $0x0  }
0x148: {  	[sflag:s8] =	ssyncadd.s32 $0xFFFF8000  }
0x149: {  	[hbm4b:s17+s2] =	stream.linear.scatter [tilespmem:s6], [sflag:$0x3], $0x8000, $0x38;
	[tilespmem:$0x10200] =	vst v63  }
0x14a: {  	_ =	swait.ge [sflag:s9], $0x8000  }
0x14b: {  	[sflag:s9] =	ssyncset.done $0x0  }
0x14c: {  	[sflag:s9] =	ssyncadd.s32 $0xFFFF8000  }
0x14d: {  	[tilespmem:s2], [sflag:$0x5] =	stream.linear.gather [hbm4b:s18+s2], $0x100, $0x38;
	[tilespmem:$0x10200] =	vst v63  }
0x14e: {  	_ =	swait.ge [sflag:s3], $0x100  }
0x14f: {  	[sflag:s3] =	ssyncset.done $0x0  }
0x150: {  	[sflag:s3] =	ssyncadd.s32 $0xFFFFFF00  }
0x151: {  	[tilespmem:s6], [sflag:$0x1] =	stream.indirect.gather [hbm4b:s4+s5], $0x80, s2, s5, $0xb8;
	[tilespmem:$0x10200] =	vst v63  }
0x152: {  	_ =	swait.ge [sflag:s10], $0x8000  }
0x153: {  	[sflag:s10] =	ssyncset.done $0x0  }
0x154: {  	[sflag:s10] =	ssyncadd.s32 $0xFFFF8000  }
0x155: {  	[hbm4b:s19+s2] =	stream.linear.scatter [tilespmem:s7], [sflag:$0x4], $0x8000, $0x38;
	[tilespmem:$0x10200] =	vst v63  }
0x156: {  	_ =	swait.ge [sflag:s11], $0x8000  }
0x157: {  	[sflag:s11] =	ssyncset.done $0x0  }
0x158: {  	[sflag:s11] =	ssyncadd.s32 $0xFFFF8000  }
0x159: {  	[tilespmem:s5], [sflag:$0x5] =	stream.linear.gather [hbm4b:s20+s2], $0x100, $0x38;
	[tilespmem:$0x10200] =	vst v63  }
0x15a: {  	_ =	swait.ge [sflag:s3], $0x100  }
0x15b: {  	[sflag:s3] =	ssyncset.done $0x0  }
0x15c: {  	[sflag:s3] =	ssyncadd.s32 $0xFFFFFF00  }
0x15d: {  	[tilespmem:s7], [sflag:$0x2] =	stream.indirect.gather [hbm4b:s4+s5], $0x80, s5, s5, $0xb8;
	[tilespmem:$0x10200] =	vst v63  }
0x15e: {  	_ =	swait.ge [sflag:s8], $0x8000  }
0x15f: {  	[sflag:s8] =	ssyncset.done $0x0  }
0x160: {  	[sflag:s8] =	ssyncadd.s32 $0xFFFF8000  }
0x161: {  	[hbm4b:s21+s2] =	stream.linear.scatter [tilespmem:s6], [sflag:$0x3], $0x8000, $0x38;
	[tilespmem:$0x10200] =	vst v63  }
0x162: {  	_ =	swait.ge [sflag:s9], $0x8000  }
0x163: {  	[sflag:s9] =	ssyncset.done $0x0  }
0x164: {  	[sflag:s9] =	ssyncadd.s32 $0xFFFF8000  }
0x165: {  	[tilespmem:s2], [sflag:$0x5] =	stream.linear.gather [hbm4b:s22+s2], $0x100, $0x38;
	[tilespmem:$0x10200] =	vst v63  }
0x166: {  	_ =	swait.ge [sflag:s3], $0x100  }
0x167: {  	[sflag:s3] =	ssyncset.done $0x0  }
0x168: {  	[sflag:s3] =	ssyncadd.s32 $0xFFFFFF00  }
0x169: {  	[tilespmem:s6], [sflag:$0x1] =	stream.indirect.gather [hbm4b:s4+s5], $0x80, s2, s5, $0xb8;
	[tilespmem:$0x10200] =	vst v63  }
0x16a: {  	_ =	swait.ge [sflag:s10], $0x8000  }
0x16b: {  	[sflag:s10] =	ssyncset.done $0x0  }
0x16c: {  	[sflag:s10] =	ssyncadd.s32 $0xFFFF8000  }
0x16d: {  	[hbm4b:s23+s2] =	stream.linear.scatter [tilespmem:s7], [sflag:$0x4], $0x8000, $0x38;
	[tilespmem:$0x10200] =	vst v63  }
0x16e: {  	_ =	swait.ge [sflag:s11], $0x8000  }
0x16f: {  	[sflag:s11] =	ssyncset.done $0x0  }
0x170: {  	[sflag:s11] =	ssyncadd.s32 $0xFFFF8000  }
0x171: {  	[tilespmem:s5], [sflag:$0x5] =	stream.linear.gather [hbm4b:s24+s2], $0x100, $0x38;
	[tilespmem:$0x10200] =	vst v63  }
0x172: {  	_ =	swait.ge [sflag:s3], $0x100  }
0x173: {  	[sflag:s3] =	ssyncset.done $0x0  }
0x174: {  	[sflag:s3] =	ssyncadd.s32 $0xFFFFFF00  }
0x175: {  	[tilespmem:s7], [sflag:$0x2] =	stream.indirect.gather [hbm4b:s4+s5], $0x80, s5, s5, $0xb8;
	[tilespmem:$0x10200] =	vst v63  }
0x176: {  	_ =	swait.ge [sflag:s8], $0x8000  }
0x177: {  	[sflag:s8] =	ssyncset.done $0x0  }
0x178: {  	[sflag:s8] =	ssyncadd.s32 $0xFFFF8000  }
0x179: {  	[hbm4b:s25+s2] =	stream.linear.scatter [tilespmem:s6], [sflag:$0x3], $0x8000, $0x38;
	[tilespmem:$0x10200] =	vst v63  }
0x17a: {  	_ =	swait.ge [sflag:s9], $0x8000  }
0x17b: {  	[sflag:s9] =	ssyncset.done $0x0  }
0x17c: {  	[sflag:s9] =	ssyncadd.s32 $0xFFFF8000  }
0x17d: {  	[tilespmem:s2], [sflag:$0x5] =	stream.linear.gather [hbm4b:s26+s2], $0x100, $0x38;
	[tilespmem:$0x10200] =	vst v63  }
0x17e: {  	_ =	swait.ge [sflag:s3], $0x100  }
0x17f: {  	[sflag:s3] =	ssyncset.done $0x0  }
0x180: {  	[sflag:s3] =	ssyncadd.s32 $0xFFFFFF00  }
0x181: {  	[tilespmem:s6], [sflag:$0x1] =	stream.indirect.gather [hbm4b:s4+s5], $0x80, s2, s5, $0xb8;
	[tilespmem:$0x10200] =	vst v63  }
0x182: {  	_ =	swait.ge [sflag:s10], $0x8000  }
0x183: {  	[sflag:s10] =	ssyncset.done $0x0  }
0x184: {  	[sflag:s10] =	ssyncadd.s32 $0xFFFF8000  }
0x185: {  	[hbm4b:s28+s2] =	stream.linear.scatter [tilespmem:s7], [sflag:$0x4], $0x8000, $0x38;
	[tilespmem:$0x10200] =	vst v63  }
0x186: {  	_ =	swait.ge [sflag:s11], $0x8000  }
0x187: {  	[sflag:s11] =	ssyncset.done $0x0  }
0x188: {  	[sflag:s11] =	ssyncadd.s32 $0xFFFF8000  }
0x189: {  	[tilespmem:s5], [sflag:$0x5] =	stream.linear.gather [hbm4b:s29+s2], $0x100, $0x38;
	[tilespmem:$0x10200] =	vst v63  }
0x18a: {  	_ =	swait.ge [sflag:s3], $0x100  }
0x18b: {  	[sflag:s3] =	ssyncset.done $0x0  }
0x18c: {  	[sflag:s3] =	ssyncadd.s32 $0xFFFFFF00  }
0x18d: {  	[tilespmem:s7], [sflag:$0x2] =	stream.indirect.gather [hbm4b:s4+s5], $0x80, s5, s5, $0xb8;
	[tilespmem:$0x10200] =	vst v63  }
0x18e: {  	_ =	swait.ge [sflag:s8], $0x8000  }
0x18f: {  	[sflag:s8] =	ssyncset.done $0x0  }
0x190: {  	[sflag:s8] =	ssyncadd.s32 $0xFFFF8000  }
0x191: {  	[hbm4b:s30+s2] =	stream.linear.scatter [tilespmem:s6], [sflag:$0x3], $0x8000, $0x38;
	[tilespmem:$0x10200] =	vst v63  }
0x192: {  	_ =	swait.ge [sflag:s10], $0x8000  }
0x193: {  	[sflag:s10] =	ssyncset.done $0x0  }
0x194: {  	p0 =	sne.s32 s0, $0x1;
	[sflag:s10] =	ssyncadd.s32 $0xFFFF8000  }
0x195: {  	[hbm4b:s31+s2] =	stream.linear.scatter [tilespmem:s7], [sflag:$0x4], $0x8000, $0x38;
	[tilespmem:$0x10200] =	vst v63  }
.Ltmp1:
0x196: {  	_ =	swait.ge [sflag:s9], $0x8000;
	(pc) =	sbr.rel @p0 .LBB2_1-.Ltmp1, $4  }
0x197: {  	[sflag:s9] =	ssyncset.done $0x0  }
0x198: {  	[sflag:s9] =	ssyncadd.s32 $0xFFFF8000  }
0x199: {  	_ =	swait.ge [sflag:s11], $0x8000  }
0x19a: {  	s0 =	sadd.s32 $0xFFFFFFFF, s0;
	[sflag:s11] =	ssyncset.done $0x0  }
.LBB2_2:
0x19b: {  	[sflag:s11] =	ssyncadd.s32 $0xFFFF8000  }
0x19c: {  	_ =	sfence.sel $0x180000  }
0x19d: {  	[bflag:$0x0] =	sbarrier.arrive $0xFFFF  }
0x19e: {  	_ =	strace $0x90000047  }
0x19f: {  	s0 =	stileid.u32;
	[bflag:$0x2] =	sbarrier.arrive $0xFFFF  }
0x1a0: {  	p0 =	sne.s32 s0, $0x0;
	s0 =	rddreg [dreg:$0x1]  }
0x1a1: {  	s0 =	sadd.s32 @!p0 $0x100000, s0  }
0x1a2: {  	[sflag:s0] =	ssyncadd.tile.s32 @!p0 $0x1;
	_ =	shalt  }
.Lfunc_end2:
_tile_overlayer_lowered:
.L_overlay_start_2:
0x1a3: {  	(tag) =	ssettag $0x2  }
0x1a4: {  	s0 =	rddreg [dreg:$0x0];
	s2 =	stileid.u32  }
0x1a5: {  	s1 =	rddreg [dreg:$0x1];
	p0 =	sne.s32 s2, $0x0  }
0x1a6: {  	s3 =	rddreg [dreg:$0x2];
	[bflag:$0x3] =	sbarrier.arrive $0xFFFF;
	s2 =	simm.s32 @!p0 $0x1C05  }
0x1a7: {  	[timem:s3], [sflag:s2] =	dma.local @!p0 [hbm:s0], s1  }
0x1a8: {  	s0 =	simm.s32 @!p0 $0x5  }
0x1a9: {  	_ =	swait.ge @!p0 [sflag:s0], s1  }
0x1aa: {  	s1 =	ssub.s32 @!p0 $0x0, s1;
	[sflag:s0] =	ssyncset.done @!p0 $0x0  }
0x1ab: {  	[sflag:s0] =	ssyncadd.s32 @!p0 s1  }
0x1ac: {  	[bflag:$0x3] =	sbarrier.arrive $0xFFFF  }
0x1ad: {  	_ =	shalt  }

// kernel: kernel.15.cloned.1.call-start
scs
__scs_entry_jumppad:
0x0: {  	(pc) =	sbr.rel $0x88, $3  }
0x1: {  	(tag) =	ssettag $0x0;
	lr =	simm.s32 $0x1  }
0x2: {  	[smem:$0x3F8B] =	sst lr;
	_ =	strace $0xD0000000  }
0x3: {  	_ = 	snop  }
0x4: {  	_ = 	snop  }
0x5: {  	_ = 	snop  }
0x6: {  	_ = 	snop  }
0x7: {  	_ = 	snop  }
__scs_overlays_trampoline_lowered:
0x8: {  	[smem:$0x3F9A] =	sst s0  }
0x9: {  	[smem:$0x3F9B] =	sst s1  }
0xa: {  	[smem:$0x3F9C] =	sst s2  }
0xb: {  	[smem:$0x3F9D] =	sst s3  }
0xc: {  	[smem:$0x3F9E] =	sst s4  }
0xd: {  	[smem:$0x3F9F] =	sst s5  }
0xe: {  	[smem:$0x3FA0] =	sst s6  }
0xf: {  	[smem:$0x3FA1] =	sst s7  }
0x10: {  	[smem:$0x3FA2] =	sst s8  }
0x11: {  	[smem:$0x3FA3] =	sst s9;
	s0 =	simm.s32 @!p0 $0x0  }
0x12: {  	s1 =	sld [smem:$0x3F89];
	s0 =	simm.s32 @p0 $0x1  }
0x13: {  	[smem:$0x3FA4] =	sst s0;
	s0 =	simm.s32 @!p1 $0x0  }
0x14: {  	s2 =	sld [smem:$0x3F88];
	s0 =	simm.s32 @p1 $0x1  }
0x15: {  	[smem:$0x3FA5] =	sst s0;
	s0 =	simm.s32 @!p2 $0x0  }
0x16: {  	s3 =	sld [smem:$0x3FDB];
	s0 =	simm.s32 @p2 $0x1  }
0x17: {  	s4 =	simm.s32 $0x1BF5;
	[smem:$0x3FA7] =	sst s0  }
0x18: {  	s0 =	sld [smem:$0x3F8A];
	_ =	swait.ge [sflag:s4], $0x0  }
0x19: {  	s7 =	sld [smem:$0x3F8B]  }
0x1a: {  	s8 =	sadd.s32 $0xFFFFE003, lr  }
0x1b: {  	s9 =	sadd.s32 $0xFFFFFEF7, lr;
	s5 =	simm.s32 $0xFFFFFFFF;
	p2 =	slt.u32 s8, $0xFFFFF086  }
0x1c: {  	p1 =	slt.u32 s9, $0xF7A;
	s5 =	simm.s32 @!p2 $0x0  }
0x1d: {  	s5 =	simm.s32 @p1 $0x1;
	p0 =	seq.s32 s7, s2  }
0x1e: {  	s7 =	smul.u32 @!p0 $0xF7A, s2;
	p2 =	seq.s32 @!p0 s5, $0x0  }
0x1f: {  	s9 =	smul.u32 $0xF7A, s1;
	s8 =	simm.s32 @!p0 $0x1BF5;
	p2 =	por !p2, p0  }
0x20: {  	[sflag:s8] =	ssyncset.s32 @!p0 $0xFFFFF086;
	s6 =	sadd.s32 @!p0 s3, s7;
	s7 =	simm.s32 @!p0 $0x108  }
0x21: {  	s3 =	sadd.s32 s3, s9;
	s6 =	sadd.s32 @!p0 $0x88, s6;
	s7 =	simm.s32 @p2 $0x1082  }
0x22: {  	[simem:s7], [sflag:s8] =	dma.local @!p0 [hbm:s6], $0xF7A  }
0x23: {  	s9 =	sor.u32 $0xD0000000, s2;
	s6 =	simm.s32 $0x108;
	_ =	swait.ge @!p0 [sflag:s8], $0x0  }
0x24: {  	s3 =	sadd.s32 $0x88, s3;
	s6 =	simm.s32 @!p1 $0x1082;
	[sflag:s4] =	ssyncset.s32 $0xFFFFF086  }
0x25: {  	[simem:s6], [sflag:s4] =	dma.local [hbm:s3], $0xF7A  }
0x26: {  	[smem:$0x3F8B] =	sst s1;
	(tag) =	ssettag s2;
	_ =	strace s9  }
0x27: {  	s1 =	sld [smem:$0x3F9B]  }
0x28: {  	s2 =	sld [smem:$0x3F9C]  }
0x29: {  	s4 =	sld [smem:$0x3F9E]  }
0x2a: {  	p0 =	seq.s32 s5, $0x0;
	s5 =	sld [smem:$0x3F9F]  }
0x2b: {  	s6 =	sld [smem:$0x3FA0]  }
0x2c: {  	s7 =	sld [smem:$0x3FA1]  }
0x2d: {  	s3 =	simm.s32 $0x108;
	s8 =	sld [smem:$0x3FA2]  }
0x2e: {  	s3 =	simm.s32 @!p0 $0x1082;
	s9 =	sld [smem:$0x3FA3]  }
0x2f: {  	lr =	sadd.s32 s0, s3;
	s0 =	sld [smem:$0x3F9A]  }
0x30: {  	s3 =	sld [smem:$0x3F9D]  }
0x31: {  	[smem:$0x3FA6] =	sst s10  }
0x32: {  	s10 =	sld [smem:$0x3FA4];
	_ =	sdelay $0x3  }
0x33: {  	p0 =	seq.s32 s10, $0x1;
	s10 =	sld [smem:$0x3FA6];
	_ =	sdelay $0x3  }
0x34: {  	[smem:$0x3FA6] =	sst s10  }
0x35: {  	s10 =	sld [smem:$0x3FA5];
	_ =	sdelay $0x3  }
0x36: {  	p1 =	seq.s32 s10, $0x1;
	s10 =	sld [smem:$0x3FA6];
	_ =	sdelay $0x3  }
0x37: {  	[smem:$0x3FA6] =	sst s10  }
0x38: {  	s10 =	sld [smem:$0x3FA7]  }
0x39: {  	_ = 	snop;
	(pc) =	sbr.ind lr, $3  }
0x3a: {  	_ = 	snop  }
0x3b: {  	_ = 	snop  }
0x3c: {  	p2 =	seq.s32 s10, $0x1;
	s10 =	sld [smem:$0x3FA6]  }
0x3d: {  	_ =	shalt  }
0x3e: {  	_ =	shalt  }
0x3f: {  	_ =	shalt  }
0x40: {  	_ =	shalt  }
0x41: {  	_ =	shalt  }
0x42: {  	_ =	shalt  }
0x43: {  	_ =	shalt  }
0x44: {  	_ =	shalt  }
0x45: {  	_ =	shalt  }
0x46: {  	_ =	shalt  }
0x47: {  	_ =	shalt  }
0x48: {  	_ =	shalt  }
0x49: {  	_ =	shalt  }
0x4a: {  	_ =	shalt  }
0x4b: {  	_ =	shalt  }
0x4c: {  	_ =	shalt  }
0x4d: {  	_ =	shalt  }
0x4e: {  	_ =	shalt  }
0x4f: {  	_ =	shalt  }
0x50: {  	_ =	shalt  }
0x51: {  	_ =	shalt  }
0x52: {  	_ =	shalt  }
0x53: {  	_ =	shalt  }
0x54: {  	_ =	shalt  }
0x55: {  	_ =	shalt  }
0x56: {  	_ =	shalt  }
0x57: {  	_ =	shalt  }
0x58: {  	_ =	shalt  }
0x59: {  	_ =	shalt  }
0x5a: {  	_ =	shalt  }
0x5b: {  	_ =	shalt  }
0x5c: {  	_ =	shalt  }
0x5d: {  	_ =	shalt  }
0x5e: {  	_ =	shalt  }
0x5f: {  	_ =	shalt  }
0x60: {  	_ =	shalt  }
0x61: {  	_ =	shalt  }
0x62: {  	_ =	shalt  }
0x63: {  	_ =	shalt  }
0x64: {  	_ =	shalt  }
0x65: {  	_ =	shalt  }
0x66: {  	_ =	shalt  }
0x67: {  	_ =	shalt  }
0x68: {  	_ =	shalt  }
0x69: {  	_ =	shalt  }
0x6a: {  	_ =	shalt  }
0x6b: {  	_ =	shalt  }
0x6c: {  	_ =	shalt  }
0x6d: {  	_ =	shalt  }
0x6e: {  	_ =	shalt  }
0x6f: {  	_ =	shalt  }
0x70: {  	_ =	shalt  }
0x71: {  	_ =	shalt  }
0x72: {  	_ =	shalt  }
0x73: {  	_ =	shalt  }
0x74: {  	_ =	shalt  }
0x75: {  	_ =	shalt  }
0x76: {  	_ =	shalt  }
0x77: {  	_ =	shalt  }
0x78: {  	_ =	shalt  }
0x79: {  	_ =	shalt  }
0x7a: {  	_ =	shalt  }
0x7b: {  	_ =	shalt  }
0x7c: {  	_ =	shalt  }
0x7d: {  	_ =	shalt  }
0x7e: {  	_ =	shalt  }
0x7f: {  	_ =	shalt  }
0x80: {  	_ =	shalt  }
0x81: {  	_ =	shalt  }
0x82: {  	_ =	shalt  }
0x83: {  	_ =	shalt  }
0x84: {  	_ =	shalt  }
0x85: {  	_ =	shalt  }
0x86: {  	_ =	shalt  }
0x87: {  	_ =	shalt  }
.Lfunc_end0:
.L_simem_size_0:
called_computation.1_lowered:
.L_overlay_start_0:
0x88: {  	s2 =	sld [smem:$0x3FD9]  }
0x89: {  	s3 =	sld [smem:$0x3FFE];
	_ =	sdelay $0x1  }
0x8a: {  	s1 =	srdreg.scid  }
0x8b: {  	s0 =	sand.u32 $0x1, s1  }
0x8c: {  	s16 =	sshll.u32 s0, $0xA;
	s2 =	sadd.s32 s3, s2  }
0x8d: {  	s2 =	sadd.s32 s2, s16  }
0x8e: {  	[smem:$0x3FB2] =	sst s2  }
0x8f: {  	_ = 	snop  }
0x90: {  	(tm) =	ssettm $0x1  }
0x91: {  	s17 =	sld [smem:$0x3FFB];
	_ =	sdelay $0x3  }
0x92: {  	_ =	strace s17  }
0x93: {  	s2 =	sld [smem:$0x3FFC];
	_ =	sdelay $0x3  }
0x94: {  	_ =	strace s2  }
0x95: {  	s2 =	sld [smem:$0x3FFD];
	_ =	sdelay $0x3  }
0x96: {  	_ =	strace s2  }
0x97: {  	_ =	strace $0x8FFFFFFF  }
0x98: {  	s18 =	sld [smem:$0x3FDB];
	_ =	sdelay $0x1  }
0x99: {  	s19 =	simm.s32 $_scs_section_size  }
0x9a: {  	s4 =	simm.s32 $_size__tile_overlayer_lowered;
	s5 =	simm.s32 $_tile_overlayer_lowered  }
0x9b: {  	s22 =	simm.s32 $0x1BFF;
	s21 =	sshll.u32 s5, $0x1;
	s2 =	sadd.s32 s19, s18  }
0x9c: {  	s6 =	simm.s32 $0x0;
	s20 =	sshll.u32 s4, $0x1;
	s4 =	sadd.s32 s21, s2  }
0x9d: {  	[timem:s6], [sflag:s22] =	dma.local [hbm:s4], s20  }
0x9e: {  	_ =	swait.ge [sflag:s22], s20  }
0x9f: {  	s3 =	ssub.s32 $0x0, s20;
	[sflag:s22] =	ssyncset.done $0x0  }
0xa0: {  	[sflag:s22] =	ssyncadd.s32 s3;
	_ =	sdelay $0x1  }
0xa1: {  	s23 =	simm.s32 $0x1B8B  }
0xa2: {  	_ =	swait.ge [sflag:s23], $0x1  }
0xa3: {  	[sflag:s23] =	ssyncset.done $0x0  }
0xa4: {  	s25 =	simm.s32 $0x1B8E;
	s24 =	sld [smem:$0x3FFE];
	[sflag:s23] =	ssyncadd.s32 $0xFFFFFFFF  }
0xa5: {  	s26 =	simm.s32 $execute0_lowered;
	[smem:$0x3FD2] =	sst s25  }
0xa6: {  	s4 =	sshll.u32 s26, $0x1;
	_ =	strace $0x80000049;
	[dreg:$0x1] =	wrdreg $0xFFFFFFFF  }
0xa7: {  	s28 =	simm.s32 $_size_execute0_lowered;
	s2 =	sadd.s32 s2, s4;
	[dreg:$0x0] =	wrdreg $0x0  }
0xa8: {  	s4 =	sshll.u32 s28, $0x1;
	[dreg:$0x2] =	wrdreg s2  }
0xa9: {  	[dreg:$0x3] =	wrdreg s4  }
0xaa: {  	[dreg:$0x4] =	wrdreg $0xC0  }
0xab: {  	_ =	task [dreg:s6], $0x5FFFF  }
0xac: {  	[dreg:$0x1] =	wrdreg $0xFFFFFFFF  }
0xad: {  	[dreg:$0x0] =	wrdreg $0x60  }
0xae: {  	[dreg:$0x2] =	wrdreg s24  }
0xaf: {  	[dreg:$0x3] =	wrdreg $0x9  }
0xb0: {  	_ =	task.clear_ibuf [dreg:s6], $0x4FFFF;
	_ =	strace $0x90000049  }
0xb1: {  	s29 =	simm.s32 $0x9;
	_ =	strace $0x8000004B  }
0xb2: {  	_ =	swait.ge [sflag:s29], $0x1  }
0xb3: {  	[sflag:s29] =	ssyncadd.s32 $0xFFFFFFFF  }
0xb4: {  	_ =	strace $0x9000004B  }
0xb5: {  	_ =	sfence  }
0xb6: {  	s30 =	sld [smem:$0x0];
	_ =	sdelay $0x2  }
0xb7: {  	s31 =	sshll.u32 s1, $0xD;
	s1 =	sshrl.u32 s1, $0x2  }
0xb8: {  	s3 =	sand.u32 $0x4000, s31;
	s1 =	sadd.s32 s1, s30  }
0xb9: {  	s0 =	sor.u32 s3, s0;
	s1 =	sshll.u32 s1, $0x11  }
0xba: {  	s0 =	sor.u32 s1, s0  }
0xbb: {  	s0 =	sadd.s32 $0x8F2B, s0  }
0xbc: {  	[sflag:s0] =	ssyncadd.remote.s32 $0x1  }
0xbd: {  	_ =	sfence.sel $0xFFFF  }
0xbe: {  	[dreg:$0x0] =	wrdreg $0xFFFFFFFF;
	(pc) =	sbr.abs _section_cstart, $3  }
0xbf: {  	[dreg:$0x1] =	wrdreg $0xFFFFFFFF  }
0xc0: {  	_ =	task.clear_ibuf [dreg:s6], $0x2FFFF;
	_ =	strace $0x9FFFFFFF  }
0xc1: {  	(tm) =	ssettm $0x7FFFFFFF  }
tec
execute0_lowered:
.L_overlay_start_1:
0x0: {  	(tag) =	ssettag $0x1  }
0x1: {  	s4 =	rddreg [dreg:$0x0];
	s0 =	srdreg.scid  }
0x2: {  	s2 =	simm.s32 $0x0;
	s1 =	stileid.u32;
	s0 =	sand.u32 $0x1, s0  }
0x3: {  	[smem:$0x7FF] =	sst s2;
	s3 =	sshll.u32 s1, $0xD;
	s5 =	sshll.u32 s0, $0xC  }
0x4: {  	s29 =	sadd.s32 $0x40A400, s4;
	[dreg:$0xf] =	wrdreg s0;
	s30 =	sor.u32 s5, s3  }
0x5: {  	s31 =	sadd.s32 $0x41F800, s4;
	_ =	strace $0x8000004A;
	s3 =	sshrl.u32 s30, $0x3  }
0x6: {  	s5 =	sor.u32 $0x100, s30;
	s16 =	sshll.u32 s30, $0x4;
	s18 =	sor.u32 $0x200, s30  }
0x7: {  	s7 =	sor.u32 $0x300, s30;
	s1 =	sor.u32 $0x500, s30;
	s3 =	sadd.s32 s29, s3  }
0x8: {  	s6 =	sshrl.u32 s5, $0x3;
	s17 =	sadd.s32 s31, s16;
	[dreg:$0x2] =	wrdreg s3  }
0x9: {  	s19 =	sshrl.u32 s18, $0x3;
	s15 =	sadd.s32 s29, s6;
	[dreg:$0x4] =	wrdreg s17  }
0xa: {  	s5 =	sshll.u32 s5, $0x4;
	s3 =	sadd.s32 s29, s19;
	[dreg:$0x3] =	wrdreg s15  }
0xb: {  	s21 =	sshrl.u32 s7, $0x3;
	s20 =	sadd.s32 s31, s5;
	[dreg:$0x5] =	wrdreg s3  }
0xc: {  	s23 =	sshll.u32 s18, $0x4;
	s22 =	sadd.s32 s29, s21;
	[dreg:$0x6] =	wrdreg s20  }
0xd: {  	s0 =	sshll.u32 s7, $0x4;
	s24 =	sadd.s32 s31, s23;
	[dreg:$0x7] =	wrdreg s22  }
0xe: {  	s9 =	sshrl.u32 s1, $0x3;
	s8 =	sadd.s32 s31, s0;
	[dreg:$0x8] =	wrdreg s24  }
0xf: {  	s25 =	sor.u32 $0x400, s30;
	s10 =	sadd.s32 s29, s9;
	[dreg:$0xa] =	wrdreg s8  }
0x10: {  	s13 =	sor.u32 $0x600, s30;
	s14 =	sshll.u32 s1, $0x4;
	[dreg:$0xb] =	wrdreg s10  }
0x11: {  	s26 =	sshrl.u32 s25, $0x3;
	s16 =	sadd.s32 s31, s14;
	s15 =	rddreg [dreg:$0x2]  }
0x12: {  	s5 =	sshll.u32 s25, $0x4;
	s3 =	sadd.s32 s29, s26;
	[dreg:$0xe] =	wrdreg s16  }
0x13: {  	s12 =	sshrl.u32 s13, $0x3;
	s11 =	sadd.s32 s31, s5;
	[dreg:$0x9] =	wrdreg s3  }
0x14: {  	[dreg:$0xc] =	wrdreg s11;
	s3 =	sadd.s32 s29, s12  }
0x15: {  	[tilespmem:s2], [sflag:$0x5] =	stream.linear.gather [hbm4b:s15+s2], $0x100, $0x38;
	[tilespmem:$0x10200] =	vst v63  }
0x16: {  	[dreg:$0xd] =	wrdreg s3;
	s3 =	simm.s32 $0x5  }
0x17: {  	_ =	swait.ge [sflag:s3], $0x100  }
0x18: {  	s4 =	sadd.s32 $0x40F800, s4;
	[sflag:s3] =	ssyncset.done $0x0  }
0x19: {  	s6 =	simm.s32 $0x200;
	s5 =	simm.s32 $0x100;
	[sflag:s3] =	ssyncadd.s32 $0xFFFFFF00  }
0x1a: {  	[tilespmem:s6], [sflag:$0x1] =	stream.indirect.gather [hbm4b:s4+s5], $0x80, s2, s5, $0xb8;
	[tilespmem:$0x10200] =	vst v63  }
0x1b: {  	s17 =	rddreg [dreg:$0x3]  }
0x1c: {  	[tilespmem:s5], [sflag:$0x5] =	stream.linear.gather [hbm4b:s17+s2], $0x100, $0x38;
	[tilespmem:$0x10200] =	vst v63  }
0x1d: {  	_ =	swait.ge [sflag:s3], $0x100  }
0x1e: {  	[sflag:s3] =	ssyncset.done $0x0  }
0x1f: {  	s7 =	simm.s32 $0x8200;
	s8 =	simm.s32 $0x1;
	[sflag:s3] =	ssyncadd.s32 $0xFFFFFF00  }
0x20: {  	[tilespmem:s7], [sflag:$0x2] =	stream.indirect.gather [hbm4b:s4+s5], $0x80, s5, s5, $0xb8;
	[tilespmem:$0x10200] =	vst v63  }
0x21: {  	_ =	swait.ge [sflag:s8], $0x8000  }
0x22: {  	[sflag:s8] =	ssyncset.done $0x0  }
0x23: {  	s9 =	simm.s32 $0x3;
	s10 =	rddreg [dreg:$0x4];
	[sflag:s8] =	ssyncadd.s32 $0xFFFF8000  }
0x24: {  	[hbm4b:s10+s2] =	stream.linear.scatter [tilespmem:s6], [sflag:$0x3], $0x8000, $0x38;
	[tilespmem:$0x10200] =	vst v63  }
0x25: {  	_ =	swait.ge [sflag:s9], $0x8000  }
0x26: {  	[sflag:s9] =	ssyncset.done $0x0  }
0x27: {  	s18 =	rddreg [dreg:$0x5];
	[sflag:s9] =	ssyncadd.s32 $0xFFFF8000  }
0x28: {  	[tilespmem:s2], [sflag:$0x5] =	stream.linear.gather [hbm4b:s18+s2], $0x100, $0x38;
	[tilespmem:$0x10200] =	vst v63  }
0x29: {  	_ =	swait.ge [sflag:s3], $0x100  }
0x2a: {  	[sflag:s3] =	ssyncset.done $0x0  }
0x2b: {  	s10 =	simm.s32 $0x2;
	[sflag:s3] =	ssyncadd.s32 $0xFFFFFF00  }
0x2c: {  	[tilespmem:s6], [sflag:$0x1] =	stream.indirect.gather [hbm4b:s4+s5], $0x80, s2, s5, $0xb8;
	[tilespmem:$0x10200] =	vst v63  }
0x2d: {  	_ =	swait.ge [sflag:s10], $0x8000  }
0x2e: {  	[sflag:s10] =	ssyncset.done $0x0  }
0x2f: {  	s11 =	simm.s32 $0x4;
	s12 =	rddreg [dreg:$0x6];
	[sflag:s10] =	ssyncadd.s32 $0xFFFF8000  }
0x30: {  	[hbm4b:s12+s2] =	stream.linear.scatter [tilespmem:s7], [sflag:$0x4], $0x8000, $0x38;
	[tilespmem:$0x10200] =	vst v63  }
0x31: {  	_ =	swait.ge [sflag:s11], $0x8000  }
0x32: {  	[sflag:s11] =	ssyncset.done $0x0  }
0x33: {  	s19 =	rddreg [dreg:$0x7];
	[sflag:s11] =	ssyncadd.s32 $0xFFFF8000  }
0x34: {  	[tilespmem:s5], [sflag:$0x5] =	stream.linear.gather [hbm4b:s19+s2], $0x100, $0x38;
	[tilespmem:$0x10200] =	vst v63  }
0x35: {  	_ =	swait.ge [sflag:s3], $0x100  }
0x36: {  	[sflag:s3] =	ssyncset.done $0x0  }
0x37: {  	[sflag:s3] =	ssyncadd.s32 $0xFFFFFF00  }
0x38: {  	[tilespmem:s7], [sflag:$0x2] =	stream.indirect.gather [hbm4b:s4+s5], $0x80, s5, s5, $0xb8;
	[tilespmem:$0x10200] =	vst v63  }
0x39: {  	_ =	swait.ge [sflag:s8], $0x8000  }
0x3a: {  	[sflag:s8] =	ssyncset.done $0x0  }
0x3b: {  	s20 =	rddreg [dreg:$0x8];
	[sflag:s8] =	ssyncadd.s32 $0xFFFF8000  }
0x3c: {  	[hbm4b:s20+s2] =	stream.linear.scatter [tilespmem:s6], [sflag:$0x3], $0x8000, $0x38;
	[tilespmem:$0x10200] =	vst v63  }
0x3d: {  	_ =	swait.ge [sflag:s9], $0x8000  }
0x3e: {  	[sflag:s9] =	ssyncset.done $0x0  }
0x3f: {  	s21 =	rddreg [dreg:$0x9];
	[sflag:s9] =	ssyncadd.s32 $0xFFFF8000  }
0x40: {  	[tilespmem:s2], [sflag:$0x5] =	stream.linear.gather [hbm4b:s21+s2], $0x100, $0x38;
	[tilespmem:$0x10200] =	vst v63  }
0x41: {  	_ =	swait.ge [sflag:s3], $0x100  }
0x42: {  	[sflag:s3] =	ssyncset.done $0x0  }
0x43: {  	[sflag:s3] =	ssyncadd.s32 $0xFFFFFF00  }
0x44: {  	[tilespmem:s6], [sflag:$0x1] =	stream.indirect.gather [hbm4b:s4+s5], $0x80, s2, s5, $0xb8;
	[tilespmem:$0x10200] =	vst v63  }
0x45: {  	_ =	swait.ge [sflag:s10], $0x8000  }
0x46: {  	[sflag:s10] =	ssyncset.done $0x0  }
0x47: {  	s22 =	rddreg [dreg:$0xa];
	[sflag:s10] =	ssyncadd.s32 $0xFFFF8000  }
0x48: {  	[hbm4b:s22+s2] =	stream.linear.scatter [tilespmem:s7], [sflag:$0x4], $0x8000, $0x38;
	[tilespmem:$0x10200] =	vst v63  }
0x49: {  	_ =	swait.ge [sflag:s11], $0x8000  }
0x4a: {  	[sflag:s11] =	ssyncset.done $0x0  }
0x4b: {  	s23 =	rddreg [dreg:$0xb];
	[sflag:s11] =	ssyncadd.s32 $0xFFFF8000  }
0x4c: {  	[tilespmem:s5], [sflag:$0x5] =	stream.linear.gather [hbm4b:s23+s2], $0x100, $0x38;
	[tilespmem:$0x10200] =	vst v63  }
0x4d: {  	_ =	swait.ge [sflag:s3], $0x100  }
0x4e: {  	[sflag:s3] =	ssyncset.done $0x0  }
0x4f: {  	[sflag:s3] =	ssyncadd.s32 $0xFFFFFF00  }
0x50: {  	[tilespmem:s7], [sflag:$0x2] =	stream.indirect.gather [hbm4b:s4+s5], $0x80, s5, s5, $0xb8;
	[tilespmem:$0x10200] =	vst v63  }
0x51: {  	_ =	swait.ge [sflag:s8], $0x8000  }
0x52: {  	[sflag:s8] =	ssyncset.done $0x0  }
0x53: {  	s24 =	rddreg [dreg:$0xc];
	[sflag:s8] =	ssyncadd.s32 $0xFFFF8000  }
0x54: {  	[hbm4b:s24+s2] =	stream.linear.scatter [tilespmem:s6], [sflag:$0x3], $0x8000, $0x38;
	[tilespmem:$0x10200] =	vst v63  }
0x55: {  	_ =	swait.ge [sflag:s9], $0x8000  }
0x56: {  	[sflag:s9] =	ssyncset.done $0x0  }
0x57: {  	s25 =	rddreg [dreg:$0xd];
	[sflag:s9] =	ssyncadd.s32 $0xFFFF8000  }
0x58: {  	[tilespmem:s2], [sflag:$0x5] =	stream.linear.gather [hbm4b:s25+s2], $0x100, $0x38;
	[tilespmem:$0x10200] =	vst v63  }
0x59: {  	_ =	swait.ge [sflag:s3], $0x100  }
0x5a: {  	[sflag:s3] =	ssyncset.done $0x0  }
0x5b: {  	[sflag:s3] =	ssyncadd.s32 $0xFFFFFF00  }
0x5c: {  	[tilespmem:s6], [sflag:$0x1] =	stream.indirect.gather [hbm4b:s4+s5], $0x80, s2, s5, $0xb8;
	[tilespmem:$0x10200] =	vst v63  }
0x5d: {  	_ =	swait.ge [sflag:s10], $0x8000  }
0x5e: {  	[sflag:s10] =	ssyncset.done $0x0  }
0x5f: {  	s26 =	rddreg [dreg:$0xe];
	[sflag:s10] =	ssyncadd.s32 $0xFFFF8000  }
0x60: {  	[hbm4b:s26+s2] =	stream.linear.scatter [tilespmem:s7], [sflag:$0x4], $0x8000, $0x38;
	[tilespmem:$0x10200] =	vst v63  }
0x61: {  	s15 =	sor.u32 $0x700, s30;
	_ =	swait.ge [sflag:s11], $0x8000  }
0x62: {  	s0 =	sshrl.u32 s15, $0x3;
	[sflag:s11] =	ssyncset.done $0x0  }
0x63: {  	s12 =	sadd.s32 s29, s0;
	[sflag:s11] =	ssyncadd.s32 $0xFFFF8000  }
0x64: {  	[tilespmem:s5], [sflag:$0x5] =	stream.linear.gather [hbm4b:s12+s2], $0x100, $0x38;
	[tilespmem:$0x10200] =	vst v63  }
0x65: {  	_ =	swait.ge [sflag:s3], $0x100  }
0x66: {  	[sflag:s3] =	ssyncset.done $0x0  }
0x67: {  	[sflag:s3] =	ssyncadd.s32 $0xFFFFFF00  }
0x68: {  	[tilespmem:s7], [sflag:$0x2] =	stream.indirect.gather [hbm4b:s4+s5], $0x80, s5, s5, $0xb8;
	[tilespmem:$0x10200] =	vst v63  }
0x69: {  	_ =	swait.ge [sflag:s8], $0x8000  }
0x6a: {  	s13 =	sshll.u32 s13, $0x4;
	[sflag:s8] =	ssyncset.done $0x0  }
0x6b: {  	s13 =	sadd.s32 s31, s13;
	[sflag:s8] =	ssyncadd.s32 $0xFFFF8000  }
0x6c: {  	[hbm4b:s13+s2] =	stream.linear.scatter [tilespmem:s6], [sflag:$0x3], $0x8000, $0x38;
	[tilespmem:$0x10200] =	vst v63  }
0x6d: {  	s17 =	sor.u32 $0x800, s30;
	_ =	swait.ge [sflag:s9], $0x8000  }
0x6e: {  	s14 =	sshrl.u32 s17, $0x3;
	[sflag:s9] =	ssyncset.done $0x0  }
0x6f: {  	s14 =	sadd.s32 s29, s14;
	[sflag:s9] =	ssyncadd.s32 $0xFFFF8000  }
0x70: {  	[tilespmem:s2], [sflag:$0x5] =	stream.linear.gather [hbm4b:s14+s2], $0x100, $0x38;
	[tilespmem:$0x10200] =	vst v63  }
0x71: {  	_ =	swait.ge [sflag:s3], $0x100  }
0x72: {  	[sflag:s3] =	ssyncset.done $0x0  }
0x73: {  	[sflag:s3] =	ssyncadd.s32 $0xFFFFFF00  }
0x74: {  	[tilespmem:s6], [sflag:$0x1] =	stream.indirect.gather [hbm4b:s4+s5], $0x80, s2, s5, $0xb8;
	[tilespmem:$0x10200] =	vst v63  }
0x75: {  	_ =	swait.ge [sflag:s10], $0x8000  }
0x76: {  	s15 =	sshll.u32 s15, $0x4;
	[sflag:s10] =	ssyncset.done $0x0  }
0x77: {  	s15 =	sadd.s32 s31, s15;
	[sflag:s10] =	ssyncadd.s32 $0xFFFF8000  }
0x78: {  	[hbm4b:s15+s2] =	stream.linear.scatter [tilespmem:s7], [sflag:$0x4], $0x8000, $0x38;
	[tilespmem:$0x10200] =	vst v63  }
0x79: {  	s19 =	sor.u32 $0x900, s30;
	_ =	swait.ge [sflag:s11], $0x8000  }
0x7a: {  	s16 =	sshrl.u32 s19, $0x3;
	[sflag:s11] =	ssyncset.done $0x0  }
0x7b: {  	s16 =	sadd.s32 s29, s16;
	[sflag:s11] =	ssyncadd.s32 $0xFFFF8000  }
0x7c: {  	[tilespmem:s5], [sflag:$0x5] =	stream.linear.gather [hbm4b:s16+s2], $0x100, $0x38;
	[tilespmem:$0x10200] =	vst v63  }
0x7d: {  	_ =	swait.ge [sflag:s3], $0x100  }
0x7e: {  	[sflag:s3] =	ssyncset.done $0x0  }
0x7f: {  	[sflag:s3] =	ssyncadd.s32 $0xFFFFFF00  }
0x80: {  	[tilespmem:s7], [sflag:$0x2] =	stream.indirect.gather [hbm4b:s4+s5], $0x80, s5, s5, $0xb8;
	[tilespmem:$0x10200] =	vst v63  }
0x81: {  	_ =	swait.ge [sflag:s8], $0x8000  }
0x82: {  	s17 =	sshll.u32 s17, $0x4;
	[sflag:s8] =	ssyncset.done $0x0  }
0x83: {  	s17 =	sadd.s32 s31, s17;
	[sflag:s8] =	ssyncadd.s32 $0xFFFF8000  }
0x84: {  	[hbm4b:s17+s2] =	stream.linear.scatter [tilespmem:s6], [sflag:$0x3], $0x8000, $0x38;
	[tilespmem:$0x10200] =	vst v63  }
0x85: {  	s21 =	sor.u32 $0xA00, s30;
	_ =	swait.ge [sflag:s9], $0x8000  }
0x86: {  	s18 =	sshrl.u32 s21, $0x3;
	[sflag:s9] =	ssyncset.done $0x0  }
0x87: {  	s18 =	sadd.s32 s29, s18;
	[sflag:s9] =	ssyncadd.s32 $0xFFFF8000  }
0x88: {  	[tilespmem:s2], [sflag:$0x5] =	stream.linear.gather [hbm4b:s18+s2], $0x100, $0x38;
	[tilespmem:$0x10200] =	vst v63  }
0x89: {  	_ =	swait.ge [sflag:s3], $0x100  }
0x8a: {  	[sflag:s3] =	ssyncset.done $0x0  }
0x8b: {  	[sflag:s3] =	ssyncadd.s32 $0xFFFFFF00  }
0x8c: {  	[tilespmem:s6], [sflag:$0x1] =	stream.indirect.gather [hbm4b:s4+s5], $0x80, s2, s5, $0xb8;
	[tilespmem:$0x10200] =	vst v63  }
0x8d: {  	_ =	swait.ge [sflag:s10], $0x8000  }
0x8e: {  	s19 =	sshll.u32 s19, $0x4;
	[sflag:s10] =	ssyncset.done $0x0  }
0x8f: {  	s19 =	sadd.s32 s31, s19;
	[sflag:s10] =	ssyncadd.s32 $0xFFFF8000  }
0x90: {  	[hbm4b:s19+s2] =	stream.linear.scatter [tilespmem:s7], [sflag:$0x4], $0x8000, $0x38;
	[tilespmem:$0x10200] =	vst v63  }
0x91: {  	s23 =	sor.u32 $0xB00, s30;
	_ =	swait.ge [sflag:s11], $0x8000  }
0x92: {  	s20 =	sshrl.u32 s23, $0x3;
	[sflag:s11] =	ssyncset.done $0x0  }
0x93: {  	s20 =	sadd.s32 s29, s20;
	[sflag:s11] =	ssyncadd.s32 $0xFFFF8000  }
0x94: {  	[tilespmem:s5], [sflag:$0x5] =	stream.linear.gather [hbm4b:s20+s2], $0x100, $0x38;
	[tilespmem:$0x10200] =	vst v63  }
0x95: {  	_ =	swait.ge [sflag:s3], $0x100  }
0x96: {  	[sflag:s3] =	ssyncset.done $0x0  }
0x97: {  	[sflag:s3] =	ssyncadd.s32 $0xFFFFFF00  }
0x98: {  	[tilespmem:s7], [sflag:$0x2] =	stream.indirect.gather [hbm4b:s4+s5], $0x80, s5, s5, $0xb8;
	[tilespmem:$0x10200] =	vst v63  }
0x99: {  	_ =	swait.ge [sflag:s8], $0x8000  }
0x9a: {  	s21 =	sshll.u32 s21, $0x4;
	[sflag:s8] =	ssyncset.done $0x0  }
0x9b: {  	s21 =	sadd.s32 s31, s21;
	[sflag:s8] =	ssyncadd.s32 $0xFFFF8000  }
0x9c: {  	[hbm4b:s21+s2] =	stream.linear.scatter [tilespmem:s6], [sflag:$0x3], $0x8000, $0x38;
	[tilespmem:$0x10200] =	vst v63  }
0x9d: {  	s25 =	sor.u32 $0xC00, s30;
	_ =	swait.ge [sflag:s9], $0x8000  }
0x9e: {  	s22 =	sshrl.u32 s25, $0x3;
	[sflag:s9] =	ssyncset.done $0x0  }
0x9f: {  	s22 =	sadd.s32 s29, s22;
	[sflag:s9] =	ssyncadd.s32 $0xFFFF8000  }
0xa0: {  	[tilespmem:s2], [sflag:$0x5] =	stream.linear.gather [hbm4b:s22+s2], $0x100, $0x38;
	[tilespmem:$0x10200] =	vst v63  }
0xa1: {  	_ =	swait.ge [sflag:s3], $0x100  }
0xa2: {  	[sflag:s3] =	ssyncset.done $0x0  }
0xa3: {  	[sflag:s3] =	ssyncadd.s32 $0xFFFFFF00  }
0xa4: {  	[tilespmem:s6], [sflag:$0x1] =	stream.indirect.gather [hbm4b:s4+s5], $0x80, s2, s5, $0xb8;
	[tilespmem:$0x10200] =	vst v63  }
0xa5: {  	_ =	swait.ge [sflag:s10], $0x8000  }
0xa6: {  	s23 =	sshll.u32 s23, $0x4;
	[sflag:s10] =	ssyncset.done $0x0  }
0xa7: {  	s23 =	sadd.s32 s31, s23;
	[sflag:s10] =	ssyncadd.s32 $0xFFFF8000  }
0xa8: {  	[hbm4b:s23+s2] =	stream.linear.scatter [tilespmem:s7], [sflag:$0x4], $0x8000, $0x38;
	[tilespmem:$0x10200] =	vst v63  }
0xa9: {  	s28 =	sor.u32 $0xD00, s30;
	_ =	swait.ge [sflag:s11], $0x8000  }
0xaa: {  	s24 =	sshrl.u32 s28, $0x3;
	[sflag:s11] =	ssyncset.done $0x0  }
0xab: {  	s24 =	sadd.s32 s29, s24;
	[sflag:s11] =	ssyncadd.s32 $0xFFFF8000  }
0xac: {  	[tilespmem:s5], [sflag:$0x5] =	stream.linear.gather [hbm4b:s24+s2], $0x100, $0x38;
	[tilespmem:$0x10200] =	vst v63  }
0xad: {  	_ =	swait.ge [sflag:s3], $0x100  }
0xae: {  	[sflag:s3] =	ssyncset.done $0x0  }
0xaf: {  	[sflag:s3] =	ssyncadd.s32 $0xFFFFFF00  }
0xb0: {  	[tilespmem:s7], [sflag:$0x2] =	stream.indirect.gather [hbm4b:s4+s5], $0x80, s5, s5, $0xb8;
	[tilespmem:$0x10200] =	vst v63  }
0xb1: {  	_ =	swait.ge [sflag:s8], $0x8000  }
0xb2: {  	s25 =	sshll.u32 s25, $0x4;
	[sflag:s8] =	ssyncset.done $0x0  }
0xb3: {  	s25 =	sadd.s32 s31, s25;
	[sflag:s8] =	ssyncadd.s32 $0xFFFF8000  }
0xb4: {  	[hbm4b:s25+s2] =	stream.linear.scatter [tilespmem:s6], [sflag:$0x3], $0x8000, $0x38;
	[tilespmem:$0x10200] =	vst v63  }
0xb5: {  	s1 =	sor.u32 $0xE00, s30;
	_ =	swait.ge [sflag:s9], $0x8000  }
0xb6: {  	s26 =	sshrl.u32 s1, $0x3;
	[sflag:s9] =	ssyncset.done $0x0  }
0xb7: {  	s26 =	sadd.s32 s29, s26;
	[sflag:s9] =	ssyncadd.s32 $0xFFFF8000  }
0xb8: {  	[tilespmem:s2], [sflag:$0x5] =	stream.linear.gather [hbm4b:s26+s2], $0x100, $0x38;
	[tilespmem:$0x10200] =	vst v63  }
0xb9: {  	_ =	swait.ge [sflag:s3], $0x100  }
0xba: {  	[sflag:s3] =	ssyncset.done $0x0  }
0xbb: {  	[sflag:s3] =	ssyncadd.s32 $0xFFFFFF00  }
0xbc: {  	[tilespmem:s6], [sflag:$0x1] =	stream.indirect.gather [hbm4b:s4+s5], $0x80, s2, s5, $0xb8;
	[tilespmem:$0x10200] =	vst v63  }
0xbd: {  	_ =	swait.ge [sflag:s10], $0x8000  }
0xbe: {  	s28 =	sshll.u32 s28, $0x4;
	[sflag:s10] =	ssyncset.done $0x0  }
0xbf: {  	s28 =	sadd.s32 s31, s28;
	[sflag:s10] =	ssyncadd.s32 $0xFFFF8000  }
0xc0: {  	[hbm4b:s28+s2] =	stream.linear.scatter [tilespmem:s7], [sflag:$0x4], $0x8000, $0x38;
	[tilespmem:$0x10200] =	vst v63  }
0xc1: {  	s0 =	sor.u32 $0xF00, s30;
	_ =	swait.ge [sflag:s11], $0x8000  }
0xc2: {  	s30 =	sshrl.u32 s0, $0x3;
	[sflag:s11] =	ssyncset.done $0x0  }
0xc3: {  	s29 =	sadd.s32 s29, s30;
	[sflag:s11] =	ssyncadd.s32 $0xFFFF8000  }
0xc4: {  	[tilespmem:s5], [sflag:$0x5] =	stream.linear.gather [hbm4b:s29+s2], $0x100, $0x38;
	[tilespmem:$0x10200] =	vst v63  }
0xc5: {  	_ =	swait.ge [sflag:s3], $0x100  }
0xc6: {  	[sflag:s3] =	ssyncset.done $0x0  }
0xc7: {  	[sflag:s3] =	ssyncadd.s32 $0xFFFFFF00  }
0xc8: {  	[tilespmem:s7], [sflag:$0x2] =	stream.indirect.gather [hbm4b:s4+s5], $0x80, s5, s5, $0xb8;
	[tilespmem:$0x10200] =	vst v63  }
0xc9: {  	_ =	swait.ge [sflag:s8], $0x8000  }
0xca: {  	s1 =	sshll.u32 s1, $0x4;
	[sflag:s8] =	ssyncset.done $0x0  }
0xcb: {  	s30 =	sadd.s32 s31, s1;
	[sflag:s8] =	ssyncadd.s32 $0xFFFF8000  }
0xcc: {  	[hbm4b:s30+s2] =	stream.linear.scatter [tilespmem:s6], [sflag:$0x3], $0x8000, $0x38;
	[tilespmem:$0x10200] =	vst v63  }
0xcd: {  	_ =	swait.ge [sflag:s10], $0x8000  }
0xce: {  	s0 =	sshll.u32 s0, $0x4;
	[sflag:s10] =	ssyncset.done $0x0;
	s1 =	rddreg [dreg:$0xf]  }
0xcf: {  	s31 =	sadd.s32 s31, s0;
	s0 =	ssub.s32 $0x2, s1;
	[sflag:s10] =	ssyncadd.s32 $0xFFFF8000  }
0xd0: {  	[hbm4b:s31+s2] =	stream.linear.scatter [tilespmem:s7], [sflag:$0x4], $0x8000, $0x38;
	[tilespmem:$0x10200] =	vst v63  }
0xd1: {  	s1 =	sshrl.u32 s0, $0x1  }
0xd2: {  	s0 =	ssub.s32 s0, s1  }
0xd3: {  	s0 =	smax.u32 s0, $0x1  }
0xd4: {  	p0 =	sne.s32 s0, $0x1  }
.Ltmp0:
0xd5: {  	_ =	swait.ge [sflag:s9], $0x8000;
	(pc) =	sbr.rel @!p0 .LBB2_2-.Ltmp0, $4  }
0xd6: {  	[sflag:s9] =	ssyncset.done $0x0  }
0xd7: {  	[sflag:s9] =	ssyncadd.s32 $0xFFFF8000  }
0xd8: {  	_ =	swait.ge [sflag:s11], $0x8000  }
0xd9: {  	s0 =	sadd.s32 $0xFFFFFFFF, s0;
	[sflag:s11] =	ssyncset.done $0x0  }
.LBB2_1:
0xda: {  	s1 =	rddreg [dreg:$0x2];
	[sflag:s11] =	ssyncadd.s32 $0xFFFF8000  }
0xdb: {  	[tilespmem:s2], [sflag:$0x5] =	stream.linear.gather [hbm4b:s1+s2], $0x100, $0x38;
	[tilespmem:$0x10200] =	vst v63  }
0xdc: {  	_ =	swait.ge [sflag:s3], $0x100  }
0xdd: {  	[sflag:s3] =	ssyncset.done $0x0  }
0xde: {  	[sflag:s3] =	ssyncadd.s32 $0xFFFFFF00  }
0xdf: {  	[tilespmem:s6], [sflag:$0x1] =	stream.indirect.gather [hbm4b:s4+s5], $0x80, s2, s5, $0xb8;
	[tilespmem:$0x10200] =	vst v63  }
0xe0: {  	s1 =	rddreg [dreg:$0x3]  }
0xe1: {  	[tilespmem:s5], [sflag:$0x5] =	stream.linear.gather [hbm4b:s1+s2], $0x100, $0x38;
	[tilespmem:$0x10200] =	vst v63  }
0xe2: {  	_ =	swait.ge [sflag:s3], $0x100  }
0xe3: {  	[sflag:s3] =	ssyncset.done $0x0  }
0xe4: {  	[sflag:s3] =	ssyncadd.s32 $0xFFFFFF00  }
0xe5: {  	[tilespmem:s7], [sflag:$0x2] =	stream.indirect.gather [hbm4b:s4+s5], $0x80, s5, s5, $0xb8;
	[tilespmem:$0x10200] =	vst v63  }
0xe6: {  	_ =	swait.ge [sflag:s8], $0x8000  }
0xe7: {  	[sflag:s8] =	ssyncset.done $0x0  }
0xe8: {  	s1 =	rddreg [dreg:$0x4];
	[sflag:s8] =	ssyncadd.s32 $0xFFFF8000  }
0xe9: {  	[hbm4b:s1+s2] =	stream.linear.scatter [tilespmem:s6], [sflag:$0x3], $0x8000, $0x38;
	[tilespmem:$0x10200] =	vst v63  }
0xea: {  	_ =	swait.ge [sflag:s9], $0x8000  }
0xeb: {  	[sflag:s9] =	ssyncset.done $0x0  }
0xec: {  	s1 =	rddreg [dreg:$0x5];
	[sflag:s9] =	ssyncadd.s32 $0xFFFF8000  }
0xed: {  	[tilespmem:s2], [sflag:$0x5] =	stream.linear.gather [hbm4b:s1+s2], $0x100, $0x38;
	[tilespmem:$0x10200] =	vst v63  }
0xee: {  	_ =	swait.ge [sflag:s3], $0x100  }
0xef: {  	[sflag:s3] =	ssyncset.done $0x0  }
0xf0: {  	[sflag:s3] =	ssyncadd.s32 $0xFFFFFF00  }
0xf1: {  	[tilespmem:s6], [sflag:$0x1] =	stream.indirect.gather [hbm4b:s4+s5], $0x80, s2, s5, $0xb8;
	[tilespmem:$0x10200] =	vst v63  }
0xf2: {  	_ =	swait.ge [sflag:s10], $0x8000  }
0xf3: {  	[sflag:s10] =	ssyncset.done $0x0  }
0xf4: {  	s1 =	rddreg [dreg:$0x6];
	[sflag:s10] =	ssyncadd.s32 $0xFFFF8000  }
0xf5: {  	[hbm4b:s1+s2] =	stream.linear.scatter [tilespmem:s7], [sflag:$0x4], $0x8000, $0x38;
	[tilespmem:$0x10200] =	vst v63  }
0xf6: {  	_ =	swait.ge [sflag:s11], $0x8000  }
0xf7: {  	[sflag:s11] =	ssyncset.done $0x0  }
0xf8: {  	s1 =	rddreg [dreg:$0x7];
	[sflag:s11] =	ssyncadd.s32 $0xFFFF8000  }
0xf9: {  	[tilespmem:s5], [sflag:$0x5] =	stream.linear.gather [hbm4b:s1+s2], $0x100, $0x38;
	[tilespmem:$0x10200] =	vst v63  }
0xfa: {  	_ =	swait.ge [sflag:s3], $0x100  }
0xfb: {  	[sflag:s3] =	ssyncset.done $0x0  }
0xfc: {  	[sflag:s3] =	ssyncadd.s32 $0xFFFFFF00  }
0xfd: {  	[tilespmem:s7], [sflag:$0x2] =	stream.indirect.gather [hbm4b:s4+s5], $0x80, s5, s5, $0xb8;
	[tilespmem:$0x10200] =	vst v63  }
0xfe: {  	_ =	swait.ge [sflag:s8], $0x8000  }
0xff: {  	[sflag:s8] =	ssyncset.done $0x0  }
0x100: {  	s1 =	rddreg [dreg:$0x8];
	[sflag:s8] =	ssyncadd.s32 $0xFFFF8000  }
0x101: {  	[hbm4b:s1+s2] =	stream.linear.scatter [tilespmem:s6], [sflag:$0x3], $0x8000, $0x38;
	[tilespmem:$0x10200] =	vst v63  }
0x102: {  	_ =	swait.ge [sflag:s9], $0x8000  }
0x103: {  	[sflag:s9] =	ssyncset.done $0x0  }
0x104: {  	s1 =	rddreg [dreg:$0x9];
	[sflag:s9] =	ssyncadd.s32 $0xFFFF8000  }
0x105: {  	[tilespmem:s2], [sflag:$0x5] =	stream.linear.gather [hbm4b:s1+s2], $0x100, $0x38;
	[tilespmem:$0x10200] =	vst v63  }
0x106: {  	_ =	swait.ge [sflag:s3], $0x100  }
0x107: {  	[sflag:s3] =	ssyncset.done $0x0  }
0x108: {  	[sflag:s3] =	ssyncadd.s32 $0xFFFFFF00  }
0x109: {  	[tilespmem:s6], [sflag:$0x1] =	stream.indirect.gather [hbm4b:s4+s5], $0x80, s2, s5, $0xb8;
	[tilespmem:$0x10200] =	vst v63  }
0x10a: {  	_ =	swait.ge [sflag:s10], $0x8000  }
0x10b: {  	[sflag:s10] =	ssyncset.done $0x0  }
0x10c: {  	s1 =	rddreg [dreg:$0xa];
	[sflag:s10] =	ssyncadd.s32 $0xFFFF8000  }
0x10d: {  	[hbm4b:s1+s2] =	stream.linear.scatter [tilespmem:s7], [sflag:$0x4], $0x8000, $0x38;
	[tilespmem:$0x10200] =	vst v63  }
0x10e: {  	_ =	swait.ge [sflag:s11], $0x8000  }
0x10f: {  	[sflag:s11] =	ssyncset.done $0x0  }
0x110: {  	s1 =	rddreg [dreg:$0xb];
	[sflag:s11] =	ssyncadd.s32 $0xFFFF8000  }
0x111: {  	[tilespmem:s5], [sflag:$0x5] =	stream.linear.gather [hbm4b:s1+s2], $0x100, $0x38;
	[tilespmem:$0x10200] =	vst v63  }
0x112: {  	_ =	swait.ge [sflag:s3], $0x100  }
0x113: {  	[sflag:s3] =	ssyncset.done $0x0  }
0x114: {  	[sflag:s3] =	ssyncadd.s32 $0xFFFFFF00  }
0x115: {  	[tilespmem:s7], [sflag:$0x2] =	stream.indirect.gather [hbm4b:s4+s5], $0x80, s5, s5, $0xb8;
	[tilespmem:$0x10200] =	vst v63  }
0x116: {  	_ =	swait.ge [sflag:s8], $0x8000  }
0x117: {  	[sflag:s8] =	ssyncset.done $0x0  }
0x118: {  	s1 =	rddreg [dreg:$0xc];
	[sflag:s8] =	ssyncadd.s32 $0xFFFF8000  }
0x119: {  	[hbm4b:s1+s2] =	stream.linear.scatter [tilespmem:s6], [sflag:$0x3], $0x8000, $0x38;
	[tilespmem:$0x10200] =	vst v63  }
0x11a: {  	_ =	swait.ge [sflag:s9], $0x8000  }
0x11b: {  	[sflag:s9] =	ssyncset.done $0x0  }
0x11c: {  	s1 =	rddreg [dreg:$0xd];
	[sflag:s9] =	ssyncadd.s32 $0xFFFF8000  }
0x11d: {  	[tilespmem:s2], [sflag:$0x5] =	stream.linear.gather [hbm4b:s1+s2], $0x100, $0x38;
	[tilespmem:$0x10200] =	vst v63  }
0x11e: {  	_ =	swait.ge [sflag:s3], $0x100  }
0x11f: {  	[sflag:s3] =	ssyncset.done $0x0  }
0x120: {  	[sflag:s3] =	ssyncadd.s32 $0xFFFFFF00  }
0x121: {  	[tilespmem:s6], [sflag:$0x1] =	stream.indirect.gather [hbm4b:s4+s5], $0x80, s2, s5, $0xb8;
	[tilespmem:$0x10200] =	vst v63  }
0x122: {  	_ =	swait.ge [sflag:s10], $0x8000  }
0x123: {  	[sflag:s10] =	ssyncset.done $0x0  }
0x124: {  	s1 =	rddreg [dreg:$0xe];
	[sflag:s10] =	ssyncadd.s32 $0xFFFF8000  }
0x125: {  	[hbm4b:s1+s2] =	stream.linear.scatter [tilespmem:s7], [sflag:$0x4], $0x8000, $0x38;
	[tilespmem:$0x10200] =	vst v63  }
0x126: {  	_ =	swait.ge [sflag:s11], $0x8000  }
0x127: {  	[sflag:s11] =	ssyncset.done $0x0  }
0x128: {  	[sflag:s11] =	ssyncadd.s32 $0xFFFF8000  }
0x129: {  	[tilespmem:s5], [sflag:$0x5] =	stream.linear.gather [hbm4b:s12+s2], $0x100, $0x38;
	[tilespmem:$0x10200] =	vst v63  }
0x12a: {  	_ =	swait.ge [sflag:s3], $0x100  }
0x12b: {  	[sflag:s3] =	ssyncset.done $0x0  }
0x12c: {  	[sflag:s3] =	ssyncadd.s32 $0xFFFFFF00  }
0x12d: {  	[tilespmem:s7], [sflag:$0x2] =	stream.indirect.gather [hbm4b:s4+s5], $0x80, s5, s5, $0xb8;
	[tilespmem:$0x10200] =	vst v63  }
0x12e: {  	_ =	swait.ge [sflag:s8], $0x8000  }
0x12f: {  	[sflag:s8] =	ssyncset.done $0x0  }
0x130: {  	[sflag:s8] =	ssyncadd.s32 $0xFFFF8000  }
0x131: {  	[hbm4b:s13+s2] =	stream.linear.scatter [tilespmem:s6], [sflag:$0x3], $0x8000, $0x38;
	[tilespmem:$0x10200] =	vst v63  }
0x132: {  	_ =	swait.ge [sflag:s9], $0x8000  }
0x133: {  	[sflag:s9] =	ssyncset.done $0x0  }
0x134: {  	[sflag:s9] =	ssyncadd.s32 $0xFFFF8000  }
0x135: {  	[tilespmem:s2], [sflag:$0x5] =	stream.linear.gather [hbm4b:s14+s2], $0x100, $0x38;
	[tilespmem:$0x10200] =	vst v63  }
0x136: {  	_ =	swait.ge [sflag:s3], $0x100  }
0x137: {  	[sflag:s3] =	ssyncset.done $0x0  }
0x138: {  	[sflag:s3] =	ssyncadd.s32 $0xFFFFFF00  }
0x139: {  	[tilespmem:s6], [sflag:$0x1] =	stream.indirect.gather [hbm4b:s4+s5], $0x80, s2, s5, $0xb8;
	[tilespmem:$0x10200] =	vst v63  }
0x13a: {  	_ =	swait.ge [sflag:s10], $0x8000  }
0x13b: {  	[sflag:s10] =	ssyncset.done $0x0  }
0x13c: {  	[sflag:s10] =	ssyncadd.s32 $0xFFFF8000  }
0x13d: {  	[hbm4b:s15+s2] =	stream.linear.scatter [tilespmem:s7], [sflag:$0x4], $0x8000, $0x38;
	[tilespmem:$0x10200] =	vst v63  }
0x13e: {  	_ =	swait.ge [sflag:s11], $0x8000  }
0x13f: {  	[sflag:s11] =	ssyncset.done $0x0  }
0x140: {  	[sflag:s11] =	ssyncadd.s32 $0xFFFF8000  }
0x141: {  	[tilespmem:s5], [sflag:$0x5] =	stream.linear.gather [hbm4b:s16+s2], $0x100, $0x38;
	[tilespmem:$0x10200] =	vst v63  }
0x142: {  	_ =	swait.ge [sflag:s3], $0x100  }
0x143: {  	[sflag:s3] =	ssyncset.done $0x0  }
0x144: {  	[sflag:s3] =	ssyncadd.s32 $0xFFFFFF00  }
0x145: {  	[tilespmem:s7], [sflag:$0x2] =	stream.indirect.gather [hbm4b:s4+s5], $0x80, s5, s5, $0xb8;
	[tilespmem:$0x10200] =	vst v63  }
0x146: {  	_ =	swait.ge [sflag:s8], $0x8000  }
0x147: {  	[sflag:s8] =	ssyncset.done $0x0  }
0x148: {  	[sflag:s8] =	ssyncadd.s32 $0xFFFF8000  }
0x149: {  	[hbm4b:s17+s2] =	stream.linear.scatter [tilespmem:s6], [sflag:$0x3], $0x8000, $0x38;
	[tilespmem:$0x10200] =	vst v63  }
0x14a: {  	_ =	swait.ge [sflag:s9], $0x8000  }
0x14b: {  	[sflag:s9] =	ssyncset.done $0x0  }
0x14c: {  	[sflag:s9] =	ssyncadd.s32 $0xFFFF8000  }
0x14d: {  	[tilespmem:s2], [sflag:$0x5] =	stream.linear.gather [hbm4b:s18+s2], $0x100, $0x38;
	[tilespmem:$0x10200] =	vst v63  }
0x14e: {  	_ =	swait.ge [sflag:s3], $0x100  }
0x14f: {  	[sflag:s3] =	ssyncset.done $0x0  }
0x150: {  	[sflag:s3] =	ssyncadd.s32 $0xFFFFFF00  }
0x151: {  	[tilespmem:s6], [sflag:$0x1] =	stream.indirect.gather [hbm4b:s4+s5], $0x80, s2, s5, $0xb8;
	[tilespmem:$0x10200] =	vst v63  }
0x152: {  	_ =	swait.ge [sflag:s10], $0x8000  }
0x153: {  	[sflag:s10] =	ssyncset.done $0x0  }
0x154: {  	[sflag:s10] =	ssyncadd.s32 $0xFFFF8000  }
0x155: {  	[hbm4b:s19+s2] =	stream.linear.scatter [tilespmem:s7], [sflag:$0x4], $0x8000, $0x38;
	[tilespmem:$0x10200] =	vst v63  }
0x156: {  	_ =	swait.ge [sflag:s11], $0x8000  }
0x157: {  	[sflag:s11] =	ssyncset.done $0x0  }
0x158: {  	[sflag:s11] =	ssyncadd.s32 $0xFFFF8000  }
0x159: {  	[tilespmem:s5], [sflag:$0x5] =	stream.linear.gather [hbm4b:s20+s2], $0x100, $0x38;
	[tilespmem:$0x10200] =	vst v63  }
0x15a: {  	_ =	swait.ge [sflag:s3], $0x100  }
0x15b: {  	[sflag:s3] =	ssyncset.done $0x0  }
0x15c: {  	[sflag:s3] =	ssyncadd.s32 $0xFFFFFF00  }
0x15d: {  	[tilespmem:s7], [sflag:$0x2] =	stream.indirect.gather [hbm4b:s4+s5], $0x80, s5, s5, $0xb8;
	[tilespmem:$0x10200] =	vst v63  }
0x15e: {  	_ =	swait.ge [sflag:s8], $0x8000  }
0x15f: {  	[sflag:s8] =	ssyncset.done $0x0  }
0x160: {  	[sflag:s8] =	ssyncadd.s32 $0xFFFF8000  }
0x161: {  	[hbm4b:s21+s2] =	stream.linear.scatter [tilespmem:s6], [sflag:$0x3], $0x8000, $0x38;
	[tilespmem:$0x10200] =	vst v63  }
0x162: {  	_ =	swait.ge [sflag:s9], $0x8000  }
0x163: {  	[sflag:s9] =	ssyncset.done $0x0  }
0x164: {  	[sflag:s9] =	ssyncadd.s32 $0xFFFF8000  }
0x165: {  	[tilespmem:s2], [sflag:$0x5] =	stream.linear.gather [hbm4b:s22+s2], $0x100, $0x38;
	[tilespmem:$0x10200] =	vst v63  }
0x166: {  	_ =	swait.ge [sflag:s3], $0x100  }
0x167: {  	[sflag:s3] =	ssyncset.done $0x0  }
0x168: {  	[sflag:s3] =	ssyncadd.s32 $0xFFFFFF00  }
0x169: {  	[tilespmem:s6], [sflag:$0x1] =	stream.indirect.gather [hbm4b:s4+s5], $0x80, s2, s5, $0xb8;
	[tilespmem:$0x10200] =	vst v63  }
0x16a: {  	_ =	swait.ge [sflag:s10], $0x8000  }
0x16b: {  	[sflag:s10] =	ssyncset.done $0x0  }
0x16c: {  	[sflag:s10] =	ssyncadd.s32 $0xFFFF8000  }
0x16d: {  	[hbm4b:s23+s2] =	stream.linear.scatter [tilespmem:s7], [sflag:$0x4], $0x8000, $0x38;
	[tilespmem:$0x10200] =	vst v63  }
0x16e: {  	_ =	swait.ge [sflag:s11], $0x8000  }
0x16f: {  	[sflag:s11] =	ssyncset.done $0x0  }
0x170: {  	[sflag:s11] =	ssyncadd.s32 $0xFFFF8000  }
0x171: {  	[tilespmem:s5], [sflag:$0x5] =	stream.linear.gather [hbm4b:s24+s2], $0x100, $0x38;
	[tilespmem:$0x10200] =	vst v63  }
0x172: {  	_ =	swait.ge [sflag:s3], $0x100  }
0x173: {  	[sflag:s3] =	ssyncset.done $0x0  }
0x174: {  	[sflag:s3] =	ssyncadd.s32 $0xFFFFFF00  }
0x175: {  	[tilespmem:s7], [sflag:$0x2] =	stream.indirect.gather [hbm4b:s4+s5], $0x80, s5, s5, $0xb8;
	[tilespmem:$0x10200] =	vst v63  }
0x176: {  	_ =	swait.ge [sflag:s8], $0x8000  }
0x177: {  	[sflag:s8] =	ssyncset.done $0x0  }
0x178: {  	[sflag:s8] =	ssyncadd.s32 $0xFFFF8000  }
0x179: {  	[hbm4b:s25+s2] =	stream.linear.scatter [tilespmem:s6], [sflag:$0x3], $0x8000, $0x38;
	[tilespmem:$0x10200] =	vst v63  }
0x17a: {  	_ =	swait.ge [sflag:s9], $0x8000  }
0x17b: {  	[sflag:s9] =	ssyncset.done $0x0  }
0x17c: {  	[sflag:s9] =	ssyncadd.s32 $0xFFFF8000  }
0x17d: {  	[tilespmem:s2], [sflag:$0x5] =	stream.linear.gather [hbm4b:s26+s2], $0x100, $0x38;
	[tilespmem:$0x10200] =	vst v63  }
0x17e: {  	_ =	swait.ge [sflag:s3], $0x100  }
0x17f: {  	[sflag:s3] =	ssyncset.done $0x0  }
0x180: {  	[sflag:s3] =	ssyncadd.s32 $0xFFFFFF00  }
0x181: {  	[tilespmem:s6], [sflag:$0x1] =	stream.indirect.gather [hbm4b:s4+s5], $0x80, s2, s5, $0xb8;
	[tilespmem:$0x10200] =	vst v63  }
0x182: {  	_ =	swait.ge [sflag:s10], $0x8000  }
0x183: {  	[sflag:s10] =	ssyncset.done $0x0  }
0x184: {  	[sflag:s10] =	ssyncadd.s32 $0xFFFF8000  }
0x185: {  	[hbm4b:s28+s2] =	stream.linear.scatter [tilespmem:s7], [sflag:$0x4], $0x8000, $0x38;
	[tilespmem:$0x10200] =	vst v63  }
0x186: {  	_ =	swait.ge [sflag:s11], $0x8000  }
0x187: {  	[sflag:s11] =	ssyncset.done $0x0  }
0x188: {  	[sflag:s11] =	ssyncadd.s32 $0xFFFF8000  }
0x189: {  	[tilespmem:s5], [sflag:$0x5] =	stream.linear.gather [hbm4b:s29+s2], $0x100, $0x38;
	[tilespmem:$0x10200] =	vst v63  }
0x18a: {  	_ =	swait.ge [sflag:s3], $0x100  }
0x18b: {  	[sflag:s3] =	ssyncset.done $0x0  }
0x18c: {  	[sflag:s3] =	ssyncadd.s32 $0xFFFFFF00  }
0x18d: {  	[tilespmem:s7], [sflag:$0x2] =	stream.indirect.gather [hbm4b:s4+s5], $0x80, s5, s5, $0xb8;
	[tilespmem:$0x10200] =	vst v63  }
0x18e: {  	_ =	swait.ge [sflag:s8], $0x8000  }
0x18f: {  	[sflag:s8] =	ssyncset.done $0x0  }
0x190: {  	[sflag:s8] =	ssyncadd.s32 $0xFFFF8000  }
0x191: {  	[hbm4b:s30+s2] =	stream.linear.scatter [tilespmem:s6], [sflag:$0x3], $0x8000, $0x38;
	[tilespmem:$0x10200] =	vst v63  }
0x192: {  	_ =	swait.ge [sflag:s10], $0x8000  }
0x193: {  	[sflag:s10] =	ssyncset.done $0x0  }
0x194: {  	p0 =	sne.s32 s0, $0x1;
	[sflag:s10] =	ssyncadd.s32 $0xFFFF8000  }
0x195: {  	[hbm4b:s31+s2] =	stream.linear.scatter [tilespmem:s7], [sflag:$0x4], $0x8000, $0x38;
	[tilespmem:$0x10200] =	vst v63  }
.Ltmp1:
0x196: {  	_ =	swait.ge [sflag:s9], $0x8000;
	(pc) =	sbr.rel @p0 .LBB2_1-.Ltmp1, $4  }
0x197: {  	[sflag:s9] =	ssyncset.done $0x0  }
0x198: {  	[sflag:s9] =	ssyncadd.s32 $0xFFFF8000  }
0x199: {  	_ =	swait.ge [sflag:s11], $0x8000  }
0x19a: {  	s0 =	sadd.s32 $0xFFFFFFFF, s0;
	[sflag:s11] =	ssyncset.done $0x0  }
.LBB2_2:
0x19b: {  	[sflag:s11] =	ssyncadd.s32 $0xFFFF8000  }
0x19c: {  	_ =	sfence.sel $0x180000  }
0x19d: {  	[bflag:$0x0] =	sbarrier.arrive $0xFFFF  }
0x19e: {  	_ =	strace $0x9000004A  }
0x19f: {  	s0 =	stileid.u32;
	[bflag:$0x2] =	sbarrier.arrive $0xFFFF  }
0x1a0: {  	p0 =	sne.s32 s0, $0x0;
	s0 =	rddreg [dreg:$0x1]  }
0x1a1: {  	s0 =	sadd.s32 @!p0 $0x100000, s0  }
0x1a2: {  	[sflag:s0] =	ssyncadd.tile.s32 @!p0 $0x1;
	_ =	shalt  }
.Lfunc_end2:
_tile_overlayer_lowered:
.L_overlay_start_2:
0x1a3: {  	(tag) =	ssettag $0x2  }
0x1a4: {  	s0 =	rddreg [dreg:$0x0];
	s2 =	stileid.u32  }
0x1a5: {  	s1 =	rddreg [dreg:$0x1];
	p0 =	sne.s32 s2, $0x0  }
0x1a6: {  	s3 =	rddreg [dreg:$0x2];
	[bflag:$0x3] =	sbarrier.arrive $0xFFFF;
	s2 =	simm.s32 @!p0 $0x1C05  }
0x1a7: {  	[timem:s3], [sflag:s2] =	dma.local @!p0 [hbm:s0], s1  }
0x1a8: {  	s0 =	simm.s32 @!p0 $0x5  }
0x1a9: {  	_ =	swait.ge @!p0 [sflag:s0], s1  }
0x1aa: {  	s1 =	ssub.s32 @!p0 $0x0, s1;
	[sflag:s0] =	ssyncset.done @!p0 $0x0  }
0x1ab: {  	[sflag:s0] =	ssyncadd.s32 @!p0 s1  }
0x1ac: {  	[bflag:$0x3] =	sbarrier.arrive $0xFFFF  }
0x1ad: {  	_ =	shalt  }

</sc_bundles>
